<compile_context>
chip_gen: v7x
topology: tpu7x:2x2x1
jax: 0.10.2.dev20260603
libtpu: 0.0.44.dev20260713+nightly
codegen_flags: <defaults>
</compile_context>

<pallas_src>
import functools

import jax
import jax.numpy as jnp
from jax import lax
from jax.experimental import pallas as pl
from jax.experimental.pallas import tpu as pltpu
from jax.experimental.pallas import tpu_sc as plsc

N = 50000
D = 256
G = 256
L = 16
NW = 32
RB = 80
NBLK = N // RB
NC = D // L
_EXTRA = NBLK % NW
_BASE_BLKS = NBLK // NW

_mesh = plsc.VectorSubcoreMesh(core_axis_name="c", subcore_axis_name="s")

_NEG = float("-inf")


@functools.partial(
    pl.kernel,
    out_type=(
        jax.ShapeDtypeStruct((2, 16, G, D), jnp.float32),
        jax.ShapeDtypeStruct((2, G, D), jnp.float32),
    ),
    mesh=_mesh,
    compiler_params=pltpu.CompilerParams(needs_layout_passes=False),
    scratch_types=[
        pltpu.VMEM((RB, D), jnp.float32),
        pltpu.VMEM((RB, D), jnp.float32),
        pltpu.VMEM((RB, D), jnp.float32),
        pltpu.VMEM((G, D), jnp.float32),
        pltpu.VMEM((128,), jnp.int32),
        pltpu.VMEM((128,), jnp.int32),
        pltpu.VMEM((128,), jnp.int32),
        pltpu.SemaphoreType.DMA,
        pltpu.SemaphoreType.DMA,
        pltpu.SemaphoreType.DMA,
        pltpu.SemaphoreType.DMA,
        pltpu.SemaphoreType.DMA,
        pltpu.SemaphoreType.DMA,
    ],
)
def _seg_max_partial(
    feat_hbm, aug_hbm, stage_hbm, psc_hbm, rowb0, rowb1, rowb2, accf,
    augb0, augb1, augb2, semf0, semf1, semf2, sema0, sema1, sema2,
):
    sid = lax.axis_index("s")
    cid = lax.axis_index("c")
    w = sid * 2 + cid
    iota = lax.broadcasted_iota(jnp.int32, (L,), 0)
    neg = jnp.full((L,), _NEG, jnp.float32)
    rowbufs = (rowb0, rowb1, rowb2)
    augbufs = (augb0, augb1, augb2)
    semfs = (semf0, semf1, semf2)
    semas = (sema0, sema1, sema2)

    def init_body(r, carry):
        for c in range(NC):
            accf[r, pl.ds(c * L, L)] = neg
        return carry

    lax.fori_loop(0, G, init_body, 0)

    pad = jnp.full((L,), -1, jnp.int32)
    for sb in augbufs:
        for i in range(RB // L, 128 // L):
            sb[pl.ds(i * L, L)] = pad

    nb = jnp.where(w < _EXTRA, _BASE_BLKS + 1, _BASE_BLKS)

    def start(k, par):
        b = w + NW * k
        pltpu.async_copy(feat_hbm.at[pl.ds(b * RB, RB), :], rowbufs[par], semfs[par])
        pltpu.async_copy(
            aug_hbm.at[pl.ds(b * RB, RB)], augbufs[par].at[pl.ds(0, RB)], semas[par]
        )

    def wait(k, par):
        b = w + NW * k
        pltpu.make_async_copy(
            feat_hbm.at[pl.ds(b * RB, RB), :], rowbufs[par], semfs[par]
        ).wait()
        pltpu.make_async_copy(
            aug_hbm.at[pl.ds(b * RB, RB)], augbufs[par].at[pl.ds(0, RB)], semas[par]
        ).wait()

    def compute(k, par):
        rowbuf = rowbufs[par]
        augbuf = augbufs[par]

        def run_cond(r):
            return r < RB

        def run_body(r):
            sv = plsc.load_gather(augbuf, [lax.broadcast(r, (L,))])
            row = jnp.minimum(sv, G - 1)

            def w_cond(c):
                pos, ew = c
                return (ew == L) & (pos < RB)

            def w_body(c):
                pos, _ = c
                wv = augbuf[pl.ds(pos, L)]
                ew = jnp.max(jnp.where(wv == sv, iota + 1, jnp.int32(0)))
                return (jnp.minimum(pos + ew, RB), ew)

            e, _ = lax.while_loop(w_cond, w_body, (r, jnp.int32(L)))
            accs = []
            for c in range(NC):
                old = plsc.load_gather(accf, [row, iota + (c * L)])
                accs.append(jnp.maximum(old, rowbuf[r, pl.ds(c * L, L)]))

            def row_body(rr, accs):
                return tuple(
                    jnp.maximum(accs[c], rowbuf[rr, pl.ds(c * L, L)])
                    for c in range(NC)
                )

            accs = lax.fori_loop(r + 1, e, row_body, tuple(accs))
            for c in range(NC):
                plsc.store_scatter(accf, [row, iota + (c * L)], accs[c])
            return e

        lax.while_loop(run_cond, run_body, jnp.int32(0))

    start(0, 0)

    @pl.when(nb > 1)
    def _():
        start(1, 1)

    @pl.when(nb > 2)
    def _():
        start(2, 2)

    def trio_body(j, carry):
        for par in range(3):
            k = 3 * j + par

            @pl.when(k < nb)
            def _():
                wait(k, par)
                compute(k, par)

                @pl.when(k + 3 < nb)
                def _():
                    start(k + 3, par)

        return carry

    lax.fori_loop(0, (_BASE_BLKS + 3) // 3, trio_body, 0)

    SR = G // 16
    for r in range(16):
        pltpu.async_copy(
            accf.at[pl.ds(r * SR, SR), :],
            stage_hbm.at[cid, r, pl.ds(sid * SR, SR), :],
            semf0,
        )
    for r in range(16):
        pltpu.make_async_copy(
            accf.at[pl.ds(r * SR, SR), :],
            stage_hbm.at[cid, r, pl.ds(sid * SR, SR), :],
            semf0,
        ).wait()
    plsc.subcore_barrier()

    def rd_copy(j):
        return pltpu.make_async_copy(
            stage_hbm.at[cid, sid, pl.ds(j * 4 * SR, 4 * SR), :],
            rowbufs[j % 2].at[pl.ds(0, 4 * SR), :],
            semfs[1 + (j % 2)],
        )

    rd_copy(0).start()
    rd_copy(1).start()
    for j in range(4):
        rd_copy(j).wait()
        buf = rowbufs[j % 2]

        def red_body(rr, carry):
            for c in range(NC):
                sl = pl.ds(c * L, L)
                m = jnp.maximum(buf[rr, sl], buf[SR + rr, sl])
                m = jnp.maximum(m, buf[2 * SR + rr, sl])
                m = jnp.maximum(m, buf[3 * SR + rr, sl])
                if j > 0:
                    m = jnp.maximum(m, rowb2[rr, sl])
                rowb2[rr, sl] = m
            return carry

        lax.fori_loop(0, SR, red_body, 0)
        if j + 2 < 4:
            rd_copy(j + 2).start()
    pltpu.sync_copy(
        rowb2.at[pl.ds(0, SR), :], psc_hbm.at[cid, pl.ds(sid * SR, SR), :]
    )


def kernel(feat, segment_ids, num_graphs):
    _, psc = _seg_max_partial(feat, segment_ids.astype(jnp.int32))
    return jnp.maximum(psc[0], psc[1])

# --- scband reference (transcript-rebuilt; emitter-appended) ---
"""Pipeline reference for scband-max-pooling-33457795236064 (READ-ONLY COPY).

The authoritative reference and input builder live on the scoring server;
editing this copy changes nothing except your own understanding.
"""

import jax, jax.numpy as jnp
import numpy as np

N_NODES = 50000
D_FEAT = 256
NUM_GRAPHS = 256


def setup_inputs(seed: int = 0) -> dict:
    key = jax.random.key(seed)
    k_feat, k_seg = jax.random.split(key, 2)
    feat = jax.random.normal(k_feat, (N_NODES, D_FEAT), dtype=jnp.float32)
    segment_ids = jnp.sort(jax.random.randint(k_seg, (N_NODES,), 0, NUM_GRAPHS, dtype=jnp.int64))
    return {"feat": feat, "segment_ids": segment_ids, "num_graphs": NUM_GRAPHS}


def reference(feat, segment_ids, num_graphs):
    # DGL max_nodes readout: per-graph max over node features of a batched graph.
    # segment_ids[i] = graph id of node i (sorted, as in dgl.batch).
    segment_ids = jnp.minimum(segment_ids, num_graphs - 1)
    readout = jax.ops.segment_max(feat, segment_ids, num_segments=NUM_GRAPHS)
    return readout

if __name__ == "__main__":
    import jax
    _d = setup_inputs()
    print(jax.jit(kernel)(*tuple(_d.values())))

</pallas_src>

<mosaic_0001>
#map = affine_map<(d0, d1) -> (0, 0)>
#map1 = affine_map<(d0, d1) -> (0)>
#map2 = affine_map<(d0, d1) -> (0, 0, 0, 0)>
#map3 = affine_map<(d0, d1) -> (0, 0, 0)>
module attributes {stable_mosaic.version = 14 : i64} {
  func.func @_seg_max_partial(%arg0: i32, %arg1: i32, %arg2: memref<50000x256xf32, #tpu.memory_space<hbm>>, %arg3: memref<50000xi32, #tpu.memory_space<hbm>>, %arg4: memref<2x16x256x256xf32, #tpu.memory_space<hbm>>, %arg5: memref<2x256x256xf32, #tpu.memory_space<hbm>>, %arg6: memref<80x256xf32, #tpu.memory_space<vmem>>, %arg7: memref<80x256xf32, #tpu.memory_space<vmem>>, %arg8: memref<80x256xf32, #tpu.memory_space<vmem>>, %arg9: memref<256x256xf32, #tpu.memory_space<vmem>>, %arg10: memref<128xi32, #tpu.memory_space<vmem>>, %arg11: memref<128xi32, #tpu.memory_space<vmem>>, %arg12: memref<128xi32, #tpu.memory_space<vmem>>, %arg13: memref<!tpu.dma_semaphore, #tpu.memory_space<semaphore_mem>>, %arg14: memref<!tpu.dma_semaphore, #tpu.memory_space<semaphore_mem>>, %arg15: memref<!tpu.dma_semaphore, #tpu.memory_space<semaphore_mem>>, %arg16: memref<!tpu.dma_semaphore, #tpu.memory_space<semaphore_mem>>, %arg17: memref<!tpu.dma_semaphore, #tpu.memory_space<semaphore_mem>>, %arg18: memref<!tpu.dma_semaphore, #tpu.memory_space<semaphore_mem>>) attributes {dimension_semantics = [#tpu.dimension_semantics<core_parallel>, #tpu.dimension_semantics<subcore_parallel>], iteration_bounds = array<i64: 2, 16>, scalar_prefetch = 0 : i64, scratch_operands = 13 : i64, tpu.core_type = #tpu.core_type<sc_vector_subcore>, window_params = [{transform_indices = #map}, {transform_indices = #map1}, {transform_indices = #map2}, {transform_indices = #map3}]} {
    %mul3A = arith.constant 2 : i32
    %mul3A_0 = arith.muli %arg1, %mul3A : i32
    %add3A = arith.addi %mul3A_0, %arg0 : i32
    %iota3A = tpu.iota {dimensions = array<i32: 0>} : vector<16xi32>
    %broadcast_in_dim3A = arith.constant 0xFF800000 : f32
    %broadcast_in_dim3A_1 = vector.broadcast %broadcast_in_dim3A : f32 to vector<16xf32>
    %scan3A = arith.constant 0 : i32
    %scan3A_2 = arith.constant 0 : i32
    %scan3A_3 = arith.constant 256 : i32
    %scan3A_4 = arith.addi %scan3A_2, %scan3A_3 : i32
    %scan3A_5 = arith.constant 1 : i32
    scf.for %scan3A_673 = %scan3A_2 to %scan3A_4 step %scan3A_5  : i32 {
      %swap3A_674 = arith.index_cast %scan3A_673 : i32 to index
      %swap3A_675 = arith.constant 0 : index
      %swap3A_676 = tpu.vector_load %arg9[%swap3A_674, %swap3A_675] {strides = array<i32>} : memref<256x256xf32, #tpu.memory_space<vmem>>, vector<16xf32>,
      tpu.vector_store %arg9[%swap3A_674, %swap3A_675], %broadcast_in_dim3A_1 {strides = array<i32>} : memref<256x256xf32, #tpu.memory_space<vmem>>, vector<16xf32>,
      %swap3A_677 = arith.index_cast %scan3A_673 : i32 to index
      %swap3A_678 = arith.constant 16 : index
      %swap3A_679 = tpu.vector_load %arg9[%swap3A_677, %swap3A_678] {strides = array<i32>} : memref<256x256xf32, #tpu.memory_space<vmem>>, vector<16xf32>,
      tpu.vector_store %arg9[%swap3A_677, %swap3A_678], %broadcast_in_dim3A_1 {strides = array<i32>} : memref<256x256xf32, #tpu.memory_space<vmem>>, vector<16xf32>,
      %swap3A_680 = arith.index_cast %scan3A_673 : i32 to index
      %swap3A_681 = arith.constant 32 : index
      %swap3A_682 = tpu.vector_load %arg9[%swap3A_680, %swap3A_681] {strides = array<i32>} : memref<256x256xf32, #tpu.memory_space<vmem>>, vector<16xf32>,
      tpu.vector_store %arg9[%swap3A_680, %swap3A_681], %broadcast_in_dim3A_1 {strides = array<i32>} : memref<256x256xf32, #tpu.memory_space<vmem>>, vector<16xf32>,
      %swap3A_683 = arith.index_cast %scan3A_673 : i32 to index
      %swap3A_684 = arith.constant 48 : index
      %swap3A_685 = tpu.vector_load %arg9[%swap3A_683, %swap3A_684] {strides = array<i32>} : memref<256x256xf32, #tpu.memory_space<vmem>>, vector<16xf32>,
      tpu.vector_store %arg9[%swap3A_683, %swap3A_684], %broadcast_in_dim3A_1 {strides = array<i32>} : memref<256x256xf32, #tpu.memory_space<vmem>>, vector<16xf32>,
      %swap3A_686 = arith.index_cast %scan3A_673 : i32 to index
      %swap3A_687 = arith.constant 64 : index
      %swap3A_688 = tpu.vector_load %arg9[%swap3A_686, %swap3A_687] {strides = array<i32>} : memref<256x256xf32, #tpu.memory_space<vmem>>, vector<16xf32>,
      tpu.vector_store %arg9[%swap3A_686, %swap3A_687], %broadcast_in_dim3A_1 {strides = array<i32>} : memref<256x256xf32, #tpu.memory_space<vmem>>, vector<16xf32>,
      %swap3A_689 = arith.index_cast %scan3A_673 : i32 to index
      %swap3A_690 = arith.constant 80 : index
      %swap3A_691 = tpu.vector_load %arg9[%swap3A_689, %swap3A_690] {strides = array<i32>} : memref<256x256xf32, #tpu.memory_space<vmem>>, vector<16xf32>,
      tpu.vector_store %arg9[%swap3A_689, %swap3A_690], %broadcast_in_dim3A_1 {strides = array<i32>} : memref<256x256xf32, #tpu.memory_space<vmem>>, vector<16xf32>,
      %swap3A_692 = arith.index_cast %scan3A_673 : i32 to index
      %swap3A_693 = arith.constant 96 : index
      %swap3A_694 = tpu.vector_load %arg9[%swap3A_692, %swap3A_693] {strides = array<i32>} : memref<256x256xf32, #tpu.memory_space<vmem>>, vector<16xf32>,
      tpu.vector_store %arg9[%swap3A_692, %swap3A_693], %broadcast_in_dim3A_1 {strides = array<i32>} : memref<256x256xf32, #tpu.memory_space<vmem>>, vector<16xf32>,
      %swap3A_695 = arith.index_cast %scan3A_673 : i32 to index
      %swap3A_696 = arith.constant 112 : index
      %swap3A_697 = tpu.vector_load %arg9[%swap3A_695, %swap3A_696] {strides = array<i32>} : memref<256x256xf32, #tpu.memory_space<vmem>>, vector<16xf32>,
      tpu.vector_store %arg9[%swap3A_695, %swap3A_696], %broadcast_in_dim3A_1 {strides = array<i32>} : memref<256x256xf32, #tpu.memory_space<vmem>>, vector<16xf32>,
      %swap3A_698 = arith.index_cast %scan3A_673 : i32 to index
      %swap3A_699 = arith.constant 128 : index
      %swap3A_700 = tpu.vector_load %arg9[%swap3A_698, %swap3A_699] {strides = array<i32>} : memref<256x256xf32, #tpu.memory_space<vmem>>, vector<16xf32>,
      tpu.vector_store %arg9[%swap3A_698, %swap3A_699], %broadcast_in_dim3A_1 {strides = array<i32>} : memref<256x256xf32, #tpu.memory_space<vmem>>, vector<16xf32>,
      %swap3A_701 = arith.index_cast %scan3A_673 : i32 to index
      %swap3A_702 = arith.constant 144 : index
      %swap3A_703 = tpu.vector_load %arg9[%swap3A_701, %swap3A_702] {strides = array<i32>} : memref<256x256xf32, #tpu.memory_space<vmem>>, vector<16xf32>,
      tpu.vector_store %arg9[%swap3A_701, %swap3A_702], %broadcast_in_dim3A_1 {strides = array<i32>} : memref<256x256xf32, #tpu.memory_space<vmem>>, vector<16xf32>,
      %swap3A_704 = arith.index_cast %scan3A_673 : i32 to index
      %swap3A_705 = arith.constant 160 : index
      %swap3A_706 = tpu.vector_load %arg9[%swap3A_704, %swap3A_705] {strides = array<i32>} : memref<256x256xf32, #tpu.memory_space<vmem>>, vector<16xf32>,
      tpu.vector_store %arg9[%swap3A_704, %swap3A_705], %broadcast_in_dim3A_1 {strides = array<i32>} : memref<256x256xf32, #tpu.memory_space<vmem>>, vector<16xf32>,
      %swap3A_707 = arith.index_cast %scan3A_673 : i32 to index
      %swap3A_708 = arith.constant 176 : index
      %swap3A_709 = tpu.vector_load %arg9[%swap3A_707, %swap3A_708] {strides = array<i32>} : memref<256x256xf32, #tpu.memory_space<vmem>>, vector<16xf32>,
      tpu.vector_store %arg9[%swap3A_707, %swap3A_708], %broadcast_in_dim3A_1 {strides = array<i32>} : memref<256x256xf32, #tpu.memory_space<vmem>>, vector<16xf32>,
      %swap3A_710 = arith.index_cast %scan3A_673 : i32 to index
      %swap3A_711 = arith.constant 192 : index
      %swap3A_712 = tpu.vector_load %arg9[%swap3A_710, %swap3A_711] {strides = array<i32>} : memref<256x256xf32, #tpu.memory_space<vmem>>, vector<16xf32>,
      tpu.vector_store %arg9[%swap3A_710, %swap3A_711], %broadcast_in_dim3A_1 {strides = array<i32>} : memref<256x256xf32, #tpu.memory_space<vmem>>, vector<16xf32>,
      %swap3A_713 = arith.index_cast %scan3A_673 : i32 to index
      %swap3A_714 = arith.constant 208 : index
      %swap3A_715 = tpu.vector_load %arg9[%swap3A_713, %swap3A_714] {strides = array<i32>} : memref<256x256xf32, #tpu.memory_space<vmem>>, vector<16xf32>,
      tpu.vector_store %arg9[%swap3A_713, %swap3A_714], %broadcast_in_dim3A_1 {strides = array<i32>} : memref<256x256xf32, #tpu.memory_space<vmem>>, vector<16xf32>,
      %swap3A_716 = arith.index_cast %scan3A_673 : i32 to index
      %swap3A_717 = arith.constant 224 : index
      %swap3A_718 = tpu.vector_load %arg9[%swap3A_716, %swap3A_717] {strides = array<i32>} : memref<256x256xf32, #tpu.memory_space<vmem>>, vector<16xf32>,
      tpu.vector_store %arg9[%swap3A_716, %swap3A_717], %broadcast_in_dim3A_1 {strides = array<i32>} : memref<256x256xf32, #tpu.memory_space<vmem>>, vector<16xf32>,
      %swap3A_719 = arith.index_cast %scan3A_673 : i32 to index
      %swap3A_720 = arith.constant 240 : index
      %swap3A_721 = tpu.vector_load %arg9[%swap3A_719, %swap3A_720] {strides = array<i32>} : memref<256x256xf32, #tpu.memory_space<vmem>>, vector<16xf32>,
      tpu.vector_store %arg9[%swap3A_719, %swap3A_720], %broadcast_in_dim3A_1 {strides = array<i32>} : memref<256x256xf32, #tpu.memory_space<vmem>>, vector<16xf32>,
    }
    %scan3A_6 = arith.constant 256 : i32
    %broadcast_in_dim3A_7 = arith.constant -1 : i32
    %broadcast_in_dim3A_8 = vector.broadcast %broadcast_in_dim3A_7 : i32 to vector<16xi32>
    %swap3A = arith.constant 80 : index
    %swap3A_9 = tpu.vector_load %arg10[%swap3A] {strides = array<i32>} : memref<128xi32, #tpu.memory_space<vmem>>, vector<16xi32>,
    tpu.vector_store %arg10[%swap3A], %broadcast_in_dim3A_8 {strides = array<i32>} : memref<128xi32, #tpu.memory_space<vmem>>, vector<16xi32>,
    %swap3A_10 = arith.constant 96 : index
    %swap3A_11 = tpu.vector_load %arg10[%swap3A_10] {strides = array<i32>} : memref<128xi32, #tpu.memory_space<vmem>>, vector<16xi32>,
    tpu.vector_store %arg10[%swap3A_10], %broadcast_in_dim3A_8 {strides = array<i32>} : memref<128xi32, #tpu.memory_space<vmem>>, vector<16xi32>,
    %swap3A_12 = arith.constant 112 : index
    %swap3A_13 = tpu.vector_load %arg10[%swap3A_12] {strides = array<i32>} : memref<128xi32, #tpu.memory_space<vmem>>, vector<16xi32>,
    tpu.vector_store %arg10[%swap3A_12], %broadcast_in_dim3A_8 {strides = array<i32>} : memref<128xi32, #tpu.memory_space<vmem>>, vector<16xi32>,
    %swap3A_14 = arith.constant 80 : index
    %swap3A_15 = tpu.vector_load %arg11[%swap3A_14] {strides = array<i32>} : memref<128xi32, #tpu.memory_space<vmem>>, vector<16xi32>,
    tpu.vector_store %arg11[%swap3A_14], %broadcast_in_dim3A_8 {strides = array<i32>} : memref<128xi32, #tpu.memory_space<vmem>>, vector<16xi32>,
    %swap3A_16 = arith.constant 96 : index
    %swap3A_17 = tpu.vector_load %arg11[%swap3A_16] {strides = array<i32>} : memref<128xi32, #tpu.memory_space<vmem>>, vector<16xi32>,
    tpu.vector_store %arg11[%swap3A_16], %broadcast_in_dim3A_8 {strides = array<i32>} : memref<128xi32, #tpu.memory_space<vmem>>, vector<16xi32>,
    %swap3A_18 = arith.constant 112 : index
    %swap3A_19 = tpu.vector_load %arg11[%swap3A_18] {strides = array<i32>} : memref<128xi32, #tpu.memory_space<vmem>>, vector<16xi32>,
    tpu.vector_store %arg11[%swap3A_18], %broadcast_in_dim3A_8 {strides = array<i32>} : memref<128xi32, #tpu.memory_space<vmem>>, vector<16xi32>,
    %swap3A_20 = arith.constant 80 : index
    %swap3A_21 = tpu.vector_load %arg12[%swap3A_20] {strides = array<i32>} : memref<128xi32, #tpu.memory_space<vmem>>, vector<16xi32>,
    tpu.vector_store %arg12[%swap3A_20], %broadcast_in_dim3A_8 {strides = array<i32>} : memref<128xi32, #tpu.memory_space<vmem>>, vector<16xi32>,
    %swap3A_22 = arith.constant 96 : index
    %swap3A_23 = tpu.vector_load %arg12[%swap3A_22] {strides = array<i32>} : memref<128xi32, #tpu.memory_space<vmem>>, vector<16xi32>,
    tpu.vector_store %arg12[%swap3A_22], %broadcast_in_dim3A_8 {strides = array<i32>} : memref<128xi32, #tpu.memory_space<vmem>>, vector<16xi32>,
    %swap3A_24 = arith.constant 112 : index
    %swap3A_25 = tpu.vector_load %arg12[%swap3A_24] {strides = array<i32>} : memref<128xi32, #tpu.memory_space<vmem>>, vector<16xi32>,
    tpu.vector_store %arg12[%swap3A_24], %broadcast_in_dim3A_8 {strides = array<i32>} : memref<128xi32, #tpu.memory_space<vmem>>, vector<16xi32>,
    %lt3A = arith.constant 17 : i32
    %lt3A_26 = arith.cmpi slt, %add3A, %lt3A : i32
    %jit3A = arith.constant 20 : i32
    %jit3A_27 = arith.constant 19 : i32
    %select_n3A = arith.select %lt3A_26, %jit3A, %jit3A_27 : i32
    %add3A_28 = arith.constant 0 : i32
    %add3A_29 = arith.addi %add3A, %add3A_28 : i32
    %mul3A_30 = arith.constant 80 : i32
    %mul3A_31 = arith.muli %add3A_29, %mul3A_30 : i32
    %dma_start3A = arith.constant 0 : i32
    %dma_start3A_32 = tpu.memref_slice %arg2[%mul3A_31, %dma_start3A] : memref<50000x256xf32, #tpu.memory_space<hbm>> -> memref<80x256xf32, #tpu.memory_space<hbm>>
    %dma_start3A_33 = arith.constant 0 : i32
    %dma_start3A_34 = tpu.memref_slice %arg2[%mul3A_31, %dma_start3A_33] : memref<50000x256xf32, #tpu.memory_space<hbm>> -> memref<80x256xf32, #tpu.memory_space<hbm>>
    tpu.enqueue_dma source(%dma_start3A_34 : memref<80x256xf32, #tpu.memory_space<hbm>>) target(%arg6 : memref<80x256xf32, #tpu.memory_space<vmem>>) target_semaphore(%arg13 : memref<!tpu.dma_semaphore, #tpu.memory_space<semaphore_mem>>)
    %mul3A_35 = arith.constant 80 : i32
    %mul3A_36 = arith.muli %add3A_29, %mul3A_35 : i32
    %dma_start3A_37 = arith.constant 0 : i32
    %dma_start3A_38 = tpu.memref_slice %arg10[%dma_start3A_37] : memref<128xi32, #tpu.memory_space<vmem>> -> memref<80xi32, #tpu.memory_space<vmem>>
    %dma_start3A_39 = tpu.memref_slice %arg3[%mul3A_36] : memref<50000xi32, #tpu.memory_space<hbm>> -> memref<80xi32, #tpu.memory_space<hbm>>
    %dma_start3A_40 = arith.constant 0 : i32
    %dma_start3A_41 = tpu.memref_slice %arg10[%dma_start3A_40] : memref<128xi32, #tpu.memory_space<vmem>> -> memref<80xi32, #tpu.memory_space<vmem>>
    %dma_start3A_42 = tpu.memref_slice %arg3[%mul3A_36] : memref<50000xi32, #tpu.memory_space<hbm>> -> memref<80xi32, #tpu.memory_space<hbm>>
    tpu.enqueue_dma source(%dma_start3A_42 : memref<80xi32, #tpu.memory_space<hbm>>) target(%dma_start3A_41 : memref<80xi32, #tpu.memory_space<vmem>>) target_semaphore(%arg16 : memref<!tpu.dma_semaphore, #tpu.memory_space<semaphore_mem>>)
    %gt3A = arith.constant 1 : i32
    %gt3A_43 = arith.cmpi sgt, %select_n3A, %gt3A : i32
    %convert_element_type3A = arith.extui %gt3A_43 : i1 to i32
    %cond3A = arith.constant 0 : i32
    %cond3A_44 = arith.cmpi ne, %convert_element_type3A, %cond3A : i32
    scf.if %cond3A_44 {
      %add3A_673 = arith.constant 32 : i32
      %add3A_674 = arith.addi %add3A, %add3A_673 : i32
      %mul3A_675 = arith.constant 80 : i32
      %mul3A_676 = arith.muli %add3A_674, %mul3A_675 : i32
      %dma_start3A_677 = arith.constant 0 : i32
      %dma_start3A_678 = tpu.memref_slice %arg2[%mul3A_676, %dma_start3A_677] : memref<50000x256xf32, #tpu.memory_space<hbm>> -> memref<80x256xf32, #tpu.memory_space<hbm>>
      %dma_start3A_679 = arith.constant 0 : i32
      %dma_start3A_680 = tpu.memref_slice %arg2[%mul3A_676, %dma_start3A_679] : memref<50000x256xf32, #tpu.memory_space<hbm>> -> memref<80x256xf32, #tpu.memory_space<hbm>>
      tpu.enqueue_dma source(%dma_start3A_680 : memref<80x256xf32, #tpu.memory_space<hbm>>) target(%arg7 : memref<80x256xf32, #tpu.memory_space<vmem>>) target_semaphore(%arg14 : memref<!tpu.dma_semaphore, #tpu.memory_space<semaphore_mem>>)
      %mul3A_681 = arith.constant 80 : i32
      %mul3A_682 = arith.muli %add3A_674, %mul3A_681 : i32
      %dma_start3A_683 = arith.constant 0 : i32
      %dma_start3A_684 = tpu.memref_slice %arg11[%dma_start3A_683] : memref<128xi32, #tpu.memory_space<vmem>> -> memref<80xi32, #tpu.memory_space<vmem>>
      %dma_start3A_685 = tpu.memref_slice %arg3[%mul3A_682] : memref<50000xi32, #tpu.memory_space<hbm>> -> memref<80xi32, #tpu.memory_space<hbm>>
      %dma_start3A_686 = arith.constant 0 : i32
      %dma_start3A_687 = tpu.memref_slice %arg11[%dma_start3A_686] : memref<128xi32, #tpu.memory_space<vmem>> -> memref<80xi32, #tpu.memory_space<vmem>>
      %dma_start3A_688 = tpu.memref_slice %arg3[%mul3A_682] : memref<50000xi32, #tpu.memory_space<hbm>> -> memref<80xi32, #tpu.memory_space<hbm>>
      tpu.enqueue_dma source(%dma_start3A_688 : memref<80xi32, #tpu.memory_space<hbm>>) target(%dma_start3A_687 : memref<80xi32, #tpu.memory_space<vmem>>) target_semaphore(%arg17 : memref<!tpu.dma_semaphore, #tpu.memory_space<semaphore_mem>>)
    } else {
    }
    %gt3A_45 = arith.constant 2 : i32
    %gt3A_46 = arith.cmpi sgt, %select_n3A, %gt3A_45 : i32
    %convert_element_type3A_47 = arith.extui %gt3A_46 : i1 to i32
    %cond3A_48 = arith.constant 0 : i32
    %cond3A_49 = arith.cmpi ne, %convert_element_type3A_47, %cond3A_48 : i32
    scf.if %cond3A_49 {
      %add3A_673 = arith.constant 64 : i32
      %add3A_674 = arith.addi %add3A, %add3A_673 : i32
      %mul3A_675 = arith.constant 80 : i32
      %mul3A_676 = arith.muli %add3A_674, %mul3A_675 : i32
      %dma_start3A_677 = arith.constant 0 : i32
      %dma_start3A_678 = tpu.memref_slice %arg2[%mul3A_676, %dma_start3A_677] : memref<50000x256xf32, #tpu.memory_space<hbm>> -> memref<80x256xf32, #tpu.memory_space<hbm>>
      %dma_start3A_679 = arith.constant 0 : i32
      %dma_start3A_680 = tpu.memref_slice %arg2[%mul3A_676, %dma_start3A_679] : memref<50000x256xf32, #tpu.memory_space<hbm>> -> memref<80x256xf32, #tpu.memory_space<hbm>>
      tpu.enqueue_dma source(%dma_start3A_680 : memref<80x256xf32, #tpu.memory_space<hbm>>) target(%arg8 : memref<80x256xf32, #tpu.memory_space<vmem>>) target_semaphore(%arg15 : memref<!tpu.dma_semaphore, #tpu.memory_space<semaphore_mem>>)
      %mul3A_681 = arith.constant 80 : i32
      %mul3A_682 = arith.muli %add3A_674, %mul3A_681 : i32
      %dma_start3A_683 = arith.constant 0 : i32
      %dma_start3A_684 = tpu.memref_slice %arg12[%dma_start3A_683] : memref<128xi32, #tpu.memory_space<vmem>> -> memref<80xi32, #tpu.memory_space<vmem>>
      %dma_start3A_685 = tpu.memref_slice %arg3[%mul3A_682] : memref<50000xi32, #tpu.memory_space<hbm>> -> memref<80xi32, #tpu.memory_space<hbm>>
      %dma_start3A_686 = arith.constant 0 : i32
      %dma_start3A_687 = tpu.memref_slice %arg12[%dma_start3A_686] : memref<128xi32, #tpu.memory_space<vmem>> -> memref<80xi32, #tpu.memory_space<vmem>>
      %dma_start3A_688 = tpu.memref_slice %arg3[%mul3A_682] : memref<50000xi32, #tpu.memory_space<hbm>> -> memref<80xi32, #tpu.memory_space<hbm>>
      tpu.enqueue_dma source(%dma_start3A_688 : memref<80xi32, #tpu.memory_space<hbm>>) target(%dma_start3A_687 : memref<80xi32, #tpu.memory_space<vmem>>) target_semaphore(%arg18 : memref<!tpu.dma_semaphore, #tpu.memory_space<semaphore_mem>>)
    } else {
    }
    %scan3A_50 = arith.constant 0 : i32
    %scan3A_51 = arith.constant 0 : i32
    %scan3A_52 = arith.constant 7 : i32
    %scan3A_53 = arith.addi %scan3A_51, %scan3A_52 : i32
    %scan3A_54 = arith.constant 1 : i32
    scf.for %scan3A_673 = %scan3A_51 to %scan3A_53 step %scan3A_54  : i32 {
      %mul3A_674 = arith.constant 3 : i32
      %mul3A_675 = arith.muli %mul3A_674, %scan3A_673 : i32
      %add3A_676 = arith.constant 0 : i32
      %add3A_677 = arith.addi %mul3A_675, %add3A_676 : i32
      %lt3A_678 = arith.cmpi slt, %add3A_677, %select_n3A : i32
      %convert_element_type3A_679 = arith.extui %lt3A_678 : i1 to i32
      %cond3A_680 = arith.constant 0 : i32
      %cond3A_681 = arith.cmpi ne, %convert_element_type3A_679, %cond3A_680 : i32
      scf.if %cond3A_681 {
        %mul3A_698 = arith.constant 32 : i32
        %mul3A_699 = arith.muli %mul3A_698, %add3A_677 : i32
        %add3A_700 = arith.addi %add3A, %mul3A_699 : i32
        %mul3A_701 = arith.constant 80 : i32
        %mul3A_702 = arith.muli %add3A_700, %mul3A_701 : i32
        %dma_wait3A_703 = arith.constant 0 : i32
        %dma_wait3A_704 = tpu.memref_slice %arg2[%mul3A_702, %dma_wait3A_703] : memref<50000x256xf32, #tpu.memory_space<hbm>> -> memref<80x256xf32, #tpu.memory_space<hbm>>
        %dma_wait3A_705 = arith.constant 0 : i32
        %dma_wait3A_706 = tpu.memref_slice %arg2[%mul3A_702, %dma_wait3A_705] : memref<50000x256xf32, #tpu.memory_space<hbm>> -> memref<80x256xf32, #tpu.memory_space<hbm>>
        tpu.wait_dma2 semaphore(%arg13 : memref<!tpu.dma_semaphore, #tpu.memory_space<semaphore_mem>>) src(%dma_wait3A_706 : memref<80x256xf32, #tpu.memory_space<hbm>>) dst(%arg6 : memref<80x256xf32, #tpu.memory_space<vmem>>)
        %mul3A_707 = arith.constant 80 : i32
        %mul3A_708 = arith.muli %add3A_700, %mul3A_707 : i32
        %dma_wait3A_709 = arith.constant 0 : i32
        %dma_wait3A_710 = tpu.memref_slice %arg10[%dma_wait3A_709] : memref<128xi32, #tpu.memory_space<vmem>> -> memref<80xi32, #tpu.memory_space<vmem>>
        %dma_wait3A_711 = tpu.memref_slice %arg3[%mul3A_708] : memref<50000xi32, #tpu.memory_space<hbm>> -> memref<80xi32, #tpu.memory_space<hbm>>
        %dma_wait3A_712 = arith.constant 0 : i32
        %dma_wait3A_713 = tpu.memref_slice %arg10[%dma_wait3A_712] : memref<128xi32, #tpu.memory_space<vmem>> -> memref<80xi32, #tpu.memory_space<vmem>>
        %dma_wait3A_714 = tpu.memref_slice %arg3[%mul3A_708] : memref<50000xi32, #tpu.memory_space<hbm>> -> memref<80xi32, #tpu.memory_space<hbm>>
        tpu.wait_dma2 semaphore(%arg16 : memref<!tpu.dma_semaphore, #tpu.memory_space<semaphore_mem>>) src(%dma_wait3A_714 : memref<80xi32, #tpu.memory_space<hbm>>) dst(%dma_wait3A_713 : memref<80xi32, #tpu.memory_space<vmem>>)
        %while3A = arith.constant 0 : i32
        %while3A_715 = scf.while (%while3A_722 = %while3A) : (i32) -> i32 {
          %lt3A_723 = arith.constant 80 : i32
          %lt3A_724 = arith.cmpi slt, %while3A_722, %lt3A_723 : i32
          scf.condition(%lt3A_724) %while3A_722 : i32
        } do {
        ^bb0(%while3A_722: i32):
          %broadcast_in_dim3A_723 = vector.broadcast %while3A_722 : i32 to vector<16xi32>
          %gather3A = tpu.vector_load_idx %arg10[%broadcast_in_dim3A_723] : memref<128xi32, #tpu.memory_space<vmem>>[vector<16xi32>], vector<16xi32>,
          %min3A = arith.constant 255 : i32
          %min3A_724 = vector.broadcast %min3A : i32 to vector<16xi32>
          %min3A_725 = arith.minsi %gather3A, %min3A_724 : vector<16xi32>
          %while3A_726 = arith.constant 16 : i32
          %while3A_727:2 = scf.while (%while3A_914 = %while3A_722, %while3A_915 = %while3A_726) : (i32, i32) -> (i32, i32) {
            %eq3A = arith.constant 16 : i32
            %eq3A_916 = arith.cmpi eq, %while3A_915, %eq3A : i32
            %lt3A_917 = arith.constant 80 : i32
            %lt3A_918 = arith.cmpi slt, %while3A_914, %lt3A_917 : i32
            %and3A = arith.andi %eq3A_916, %lt3A_918 : i1
            scf.condition(%and3A) %while3A_914, %while3A_915 : i32, i32
          } do {
          ^bb0(%while3A_914: i32, %while3A_915: i32):
            %get3A_916 = arith.index_cast %while3A_914 : i32 to index
            %get3A_917 = tpu.vector_load %arg10[%get3A_916] {strides = array<i32>} : memref<128xi32, #tpu.memory_space<vmem>>, vector<16xi32>,
            %eq3A = arith.cmpi eq, %get3A_917, %gather3A : vector<16xi32>
            %add3A_918 = arith.constant 1 : i32
            %add3A_919 = vector.broadcast %add3A_918 : i32 to vector<16xi32>
            %add3A_920 = arith.addi %iota3A, %add3A_919 : vector<16xi32>
            %jit3A_921 = arith.constant 0 : i32
            %broadcast_in_dim3A_922 = vector.broadcast %jit3A_921 : i32 to vector<16xi32>
            %select_n3A_923 = arith.select %eq3A, %add3A_920, %broadcast_in_dim3A_922 : vector<16xi1>, vector<16xi32>
            %reduce_max3A = arith.constant true
            %reduce_max3A_924 = vector.broadcast %reduce_max3A : i1 to vector<16xi1>
            %reduce_max3A_925 = arith.constant -2147483648 : i32
            %reduce_max3A_926 = vector.broadcast %reduce_max3A_925 : i32 to vector<16xi32>
            %reduce_max3A_927 = arith.xori %select_n3A_923, %reduce_max3A_926 : vector<16xi32>
            %reduce_max3A_928 = tpu.scan <max>, %reduce_max3A_927 masked %reduce_max3A_924 : vector<16xi32>, vector<16xi1> -> vector<16xi32>
            %reduce_max3A_929 = arith.xori %reduce_max3A_928, %reduce_max3A_926 : vector<16xi32>
            %reduce_max3A_930 = vector.extract %reduce_max3A_929[15] : i32 from vector<16xi32>
            %add3A_931 = arith.addi %while3A_914, %reduce_max3A_930 : i32
            %min3A_932 = arith.constant 80 : i32
            %min3A_933 = arith.minsi %add3A_931, %min3A_932 : i32
            scf.yield %min3A_933, %reduce_max3A_930 : i32, i32
          }
          %add3A_728 = arith.constant 0 : i32
          %add3A_729 = vector.broadcast %add3A_728 : i32 to vector<16xi32>
          %add3A_730 = arith.addi %iota3A, %add3A_729 : vector<16xi32>
          %gather3A_731 = tpu.vector_load_idx %arg9[%min3A_725, %add3A_730] : memref<256x256xf32, #tpu.memory_space<vmem>>[vector<16xi32>, vector<16xi32>], vector<16xf32>,
          %get3A = arith.index_cast %while3A_722 : i32 to index
          %get3A_732 = arith.constant 0 : index
          %get3A_733 = tpu.vector_load %arg6[%get3A, %get3A_732] {strides = array<i32>} : memref<80x256xf32, #tpu.memory_space<vmem>>, vector<16xf32>,
          %max3A = arith.maximumf %gather3A_731, %get3A_733 : vector<16xf32>
          %add3A_734 = arith.constant 16 : i32
          %add3A_735 = vector.broadcast %add3A_734 : i32 to vector<16xi32>
          %add3A_736 = arith.addi %iota3A, %add3A_735 : vector<16xi32>
          %gather3A_737 = tpu.vector_load_idx %arg9[%min3A_725, %add3A_736] : memref<256x256xf32, #tpu.memory_space<vmem>>[vector<16xi32>, vector<16xi32>], vector<16xf32>,
          %get3A_738 = arith.index_cast %while3A_722 : i32 to index
          %get3A_739 = arith.constant 16 : index
          %get3A_740 = tpu.vector_load %arg6[%get3A_738, %get3A_739] {strides = array<i32>} : memref<80x256xf32, #tpu.memory_space<vmem>>, vector<16xf32>,
          %max3A_741 = arith.maximumf %gather3A_737, %get3A_740 : vector<16xf32>
          %add3A_742 = arith.constant 32 : i32
          %add3A_743 = vector.broadcast %add3A_742 : i32 to vector<16xi32>
          %add3A_744 = arith.addi %iota3A, %add3A_743 : vector<16xi32>
          %gather3A_745 = tpu.vector_load_idx %arg9[%min3A_725, %add3A_744] : memref<256x256xf32, #tpu.memory_space<vmem>>[vector<16xi32>, vector<16xi32>], vector<16xf32>,
          %get3A_746 = arith.index_cast %while3A_722 : i32 to index
          %get3A_747 = arith.constant 32 : index
          %get3A_748 = tpu.vector_load %arg6[%get3A_746, %get3A_747] {strides = array<i32>} : memref<80x256xf32, #tpu.memory_space<vmem>>, vector<16xf32>,
          %max3A_749 = arith.maximumf %gather3A_745, %get3A_748 : vector<16xf32>
          %add3A_750 = arith.constant 48 : i32
          %add3A_751 = vector.broadcast %add3A_750 : i32 to vector<16xi32>
          %add3A_752 = arith.addi %iota3A, %add3A_751 : vector<16xi32>
          %gather3A_753 = tpu.vector_load_idx %arg9[%min3A_725, %add3A_752] : memref<256x256xf32, #tpu.memory_space<vmem>>[vector<16xi32>, vector<16xi32>], vector<16xf32>,
          %get3A_754 = arith.index_cast %while3A_722 : i32 to index
          %get3A_755 = arith.constant 48 : index
          %get3A_756 = tpu.vector_load %arg6[%get3A_754, %get3A_755] {strides = array<i32>} : memref<80x256xf32, #tpu.memory_space<vmem>>, vector<16xf32>,
          %max3A_757 = arith.maximumf %gather3A_753, %get3A_756 : vector<16xf32>
          %add3A_758 = arith.constant 64 : i32
          %add3A_759 = vector.broadcast %add3A_758 : i32 to vector<16xi32>
          %add3A_760 = arith.addi %iota3A, %add3A_759 : vector<16xi32>
          %gather3A_761 = tpu.vector_load_idx %arg9[%min3A_725, %add3A_760] : memref<256x256xf32, #tpu.memory_space<vmem>>[vector<16xi32>, vector<16xi32>], vector<16xf32>,
          %get3A_762 = arith.index_cast %while3A_722 : i32 to index
          %get3A_763 = arith.constant 64 : index
          %get3A_764 = tpu.vector_load %arg6[%get3A_762, %get3A_763] {strides = array<i32>} : memref<80x256xf32, #tpu.memory_space<vmem>>, vector<16xf32>,
          %max3A_765 = arith.maximumf %gather3A_761, %get3A_764 : vector<16xf32>
          %add3A_766 = arith.constant 80 : i32
          %add3A_767 = vector.broadcast %add3A_766 : i32 to vector<16xi32>
          %add3A_768 = arith.addi %iota3A, %add3A_767 : vector<16xi32>
          %gather3A_769 = tpu.vector_load_idx %arg9[%min3A_725, %add3A_768] : memref<256x256xf32, #tpu.memory_space<vmem>>[vector<16xi32>, vector<16xi32>], vector<16xf32>,
          %get3A_770 = arith.index_cast %while3A_722 : i32 to index
          %get3A_771 = arith.constant 80 : index
          %get3A_772 = tpu.vector_load %arg6[%get3A_770, %get3A_771] {strides = array<i32>} : memref<80x256xf32, #tpu.memory_space<vmem>>, vector<16xf32>,
          %max3A_773 = arith.maximumf %gather3A_769, %get3A_772 : vector<16xf32>
          %add3A_774 = arith.constant 96 : i32
          %add3A_775 = vector.broadcast %add3A_774 : i32 to vector<16xi32>
          %add3A_776 = arith.addi %iota3A, %add3A_775 : vector<16xi32>
          %gather3A_777 = tpu.vector_load_idx %arg9[%min3A_725, %add3A_776] : memref<256x256xf32, #tpu.memory_space<vmem>>[vector<16xi32>, vector<16xi32>], vector<16xf32>,
          %get3A_778 = arith.index_cast %while3A_722 : i32 to index
          %get3A_779 = arith.constant 96 : index
          %get3A_780 = tpu.vector_load %arg6[%get3A_778, %get3A_779] {strides = array<i32>} : memref<80x256xf32, #tpu.memory_space<vmem>>, vector<16xf32>,
          %max3A_781 = arith.maximumf %gather3A_777, %get3A_780 : vector<16xf32>
          %add3A_782 = arith.constant 112 : i32
          %add3A_783 = vector.broadcast %add3A_782 : i32 to vector<16xi32>
          %add3A_784 = arith.addi %iota3A, %add3A_783 : vector<16xi32>
          %gather3A_785 = tpu.vector_load_idx %arg9[%min3A_725, %add3A_784] : memref<256x256xf32, #tpu.memory_space<vmem>>[vector<16xi32>, vector<16xi32>], vector<16xf32>,
          %get3A_786 = arith.index_cast %while3A_722 : i32 to index
          %get3A_787 = arith.constant 112 : index
          %get3A_788 = tpu.vector_load %arg6[%get3A_786, %get3A_787] {strides = array<i32>} : memref<80x256xf32, #tpu.memory_space<vmem>>, vector<16xf32>,
          %max3A_789 = arith.maximumf %gather3A_785, %get3A_788 : vector<16xf32>
          %add3A_790 = arith.constant 128 : i32
          %add3A_791 = vector.broadcast %add3A_790 : i32 to vector<16xi32>
          %add3A_792 = arith.addi %iota3A, %add3A_791 : vector<16xi32>
          %gather3A_793 = tpu.vector_load_idx %arg9[%min3A_725, %add3A_792] : memref<256x256xf32, #tpu.memory_space<vmem>>[vector<16xi32>, vector<16xi32>], vector<16xf32>,
          %get3A_794 = arith.index_cast %while3A_722 : i32 to index
          %get3A_795 = arith.constant 128 : index
          %get3A_796 = tpu.vector_load %arg6[%get3A_794, %get3A_795] {strides = array<i32>} : memref<80x256xf32, #tpu.memory_space<vmem>>, vector<16xf32>,
          %max3A_797 = arith.maximumf %gather3A_793, %get3A_796 : vector<16xf32>
          %add3A_798 = arith.constant 144 : i32
          %add3A_799 = vector.broadcast %add3A_798 : i32 to vector<16xi32>
          %add3A_800 = arith.addi %iota3A, %add3A_799 : vector<16xi32>
          %gather3A_801 = tpu.vector_load_idx %arg9[%min3A_725, %add3A_800] : memref<256x256xf32, #tpu.memory_space<vmem>>[vector<16xi32>, vector<16xi32>], vector<16xf32>,
          %get3A_802 = arith.index_cast %while3A_722 : i32 to index
          %get3A_803 = arith.constant 144 : index
          %get3A_804 = tpu.vector_load %arg6[%get3A_802, %get3A_803] {strides = array<i32>} : memref<80x256xf32, #tpu.memory_space<vmem>>, vector<16xf32>,
          %max3A_805 = arith.maximumf %gather3A_801, %get3A_804 : vector<16xf32>
          %add3A_806 = arith.constant 160 : i32
          %add3A_807 = vector.broadcast %add3A_806 : i32 to vector<16xi32>
          %add3A_808 = arith.addi %iota3A, %add3A_807 : vector<16xi32>
          %gather3A_809 = tpu.vector_load_idx %arg9[%min3A_725, %add3A_808] : memref<256x256xf32, #tpu.memory_space<vmem>>[vector<16xi32>, vector<16xi32>], vector<16xf32>,
          %get3A_810 = arith.index_cast %while3A_722 : i32 to index
          %get3A_811 = arith.constant 160 : index
          %get3A_812 = tpu.vector_load %arg6[%get3A_810, %get3A_811] {strides = array<i32>} : memref<80x256xf32, #tpu.memory_space<vmem>>, vector<16xf32>,
          %max3A_813 = arith.maximumf %gather3A_809, %get3A_812 : vector<16xf32>
          %add3A_814 = arith.constant 176 : i32
          %add3A_815 = vector.broadcast %add3A_814 : i32 to vector<16xi32>
          %add3A_816 = arith.addi %iota3A, %add3A_815 : vector<16xi32>
          %gather3A_817 = tpu.vector_load_idx %arg9[%min3A_725, %add3A_816] : memref<256x256xf32, #tpu.memory_space<vmem>>[vector<16xi32>, vector<16xi32>], vector<16xf32>,
          %get3A_818 = arith.index_cast %while3A_722 : i32 to index
          %get3A_819 = arith.constant 176 : index
          %get3A_820 = tpu.vector_load %arg6[%get3A_818, %get3A_819] {strides = array<i32>} : memref<80x256xf32, #tpu.memory_space<vmem>>, vector<16xf32>,
          %max3A_821 = arith.maximumf %gather3A_817, %get3A_820 : vector<16xf32>
          %add3A_822 = arith.constant 192 : i32
          %add3A_823 = vector.broadcast %add3A_822 : i32 to vector<16xi32>
          %add3A_824 = arith.addi %iota3A, %add3A_823 : vector<16xi32>
          %gather3A_825 = tpu.vector_load_idx %arg9[%min3A_725, %add3A_824] : memref<256x256xf32, #tpu.memory_space<vmem>>[vector<16xi32>, vector<16xi32>], vector<16xf32>,
          %get3A_826 = arith.index_cast %while3A_722 : i32 to index
          %get3A_827 = arith.constant 192 : index
          %get3A_828 = tpu.vector_load %arg6[%get3A_826, %get3A_827] {strides = array<i32>} : memref<80x256xf32, #tpu.memory_space<vmem>>, vector<16xf32>,
          %max3A_829 = arith.maximumf %gather3A_825, %get3A_828 : vector<16xf32>
          %add3A_830 = arith.constant 208 : i32
          %add3A_831 = vector.broadcast %add3A_830 : i32 to vector<16xi32>
          %add3A_832 = arith.addi %iota3A, %add3A_831 : vector<16xi32>
          %gather3A_833 = tpu.vector_load_idx %arg9[%min3A_725, %add3A_832] : memref<256x256xf32, #tpu.memory_space<vmem>>[vector<16xi32>, vector<16xi32>], vector<16xf32>,
          %get3A_834 = arith.index_cast %while3A_722 : i32 to index
          %get3A_835 = arith.constant 208 : index
          %get3A_836 = tpu.vector_load %arg6[%get3A_834, %get3A_835] {strides = array<i32>} : memref<80x256xf32, #tpu.memory_space<vmem>>, vector<16xf32>,
          %max3A_837 = arith.maximumf %gather3A_833, %get3A_836 : vector<16xf32>
          %add3A_838 = arith.constant 224 : i32
          %add3A_839 = vector.broadcast %add3A_838 : i32 to vector<16xi32>
          %add3A_840 = arith.addi %iota3A, %add3A_839 : vector<16xi32>
          %gather3A_841 = tpu.vector_load_idx %arg9[%min3A_725, %add3A_840] : memref<256x256xf32, #tpu.memory_space<vmem>>[vector<16xi32>, vector<16xi32>], vector<16xf32>,
          %get3A_842 = arith.index_cast %while3A_722 : i32 to index
          %get3A_843 = arith.constant 224 : index
          %get3A_844 = tpu.vector_load %arg6[%get3A_842, %get3A_843] {strides = array<i32>} : memref<80x256xf32, #tpu.memory_space<vmem>>, vector<16xf32>,
          %max3A_845 = arith.maximumf %gather3A_841, %get3A_844 : vector<16xf32>
          %add3A_846 = arith.constant 240 : i32
          %add3A_847 = vector.broadcast %add3A_846 : i32 to vector<16xi32>
          %add3A_848 = arith.addi %iota3A, %add3A_847 : vector<16xi32>
          %gather3A_849 = tpu.vector_load_idx %arg9[%min3A_725, %add3A_848] : memref<256x256xf32, #tpu.memory_space<vmem>>[vector<16xi32>, vector<16xi32>], vector<16xf32>,
          %get3A_850 = arith.index_cast %while3A_722 : i32 to index
          %get3A_851 = arith.constant 240 : index
          %get3A_852 = tpu.vector_load %arg6[%get3A_850, %get3A_851] {strides = array<i32>} : memref<80x256xf32, #tpu.memory_space<vmem>>, vector<16xf32>,
          %max3A_853 = arith.maximumf %gather3A_849, %get3A_852 : vector<16xf32>
          %add3A_854 = arith.constant 1 : i32
          %add3A_855 = arith.addi %while3A_722, %add3A_854 : i32
          %while3A_856 = arith.subi %while3A_727#0, %add3A_855 : i32
          %while3A_857 = arith.addi %add3A_855, %while3A_856 : i32
          %while3A_858 = arith.constant 1 : i32
          %while3A_859 = arith.divsi %while3A_856, %while3A_858 : i32
          %while3A_860 = arith.muli %while3A_859, %while3A_858 : i32
          %while3A_861 = arith.addi %add3A_855, %while3A_860 : i32
          %while3A_862 = arith.constant 1 : i32
          %while3A_863:16 = scf.for %while3A_914 = %add3A_855 to %while3A_861 step %while3A_862 iter_args(%while3A_915 = %max3A, %while3A_916 = %max3A_741, %while3A_917 = %max3A_749, %while3A_918 = %max3A_757, %while3A_919 = %max3A_765, %while3A_920 = %max3A_773, %while3A_921 = %max3A_781, %while3A_922 = %max3A_789, %while3A_923 = %max3A_797, %while3A_924 = %max3A_805, %while3A_925 = %max3A_813, %while3A_926 = %max3A_821, %while3A_927 = %max3A_829, %while3A_928 = %max3A_837, %while3A_929 = %max3A_845, %while3A_930 = %max3A_853) -> (vector<16xf32>, vector<16xf32>, vector<16xf32>, vector<16xf32>, vector<16xf32>, vector<16xf32>, vector<16xf32>, vector<16xf32>, vector<16xf32>, vector<16xf32>, vector<16xf32>, vector<16xf32>, vector<16xf32>, vector<16xf32>, vector<16xf32>, vector<16xf32>)  : i32 {
            %get3A_931 = arith.index_cast %while3A_914 : i32 to index
            %get3A_932 = arith.constant 0 : index
            %get3A_933 = tpu.vector_load %arg6[%get3A_931, %get3A_932] {strides = array<i32>} : memref<80x256xf32, #tpu.memory_space<vmem>>, vector<16xf32>,
            %max3A_934 = arith.maximumf %while3A_915, %get3A_933 : vector<16xf32>
            %get3A_935 = arith.index_cast %while3A_914 : i32 to index
            %get3A_936 = arith.constant 16 : index
            %get3A_937 = tpu.vector_load %arg6[%get3A_935, %get3A_936] {strides = array<i32>} : memref<80x256xf32, #tpu.memory_space<vmem>>, vector<16xf32>,
            %max3A_938 = arith.maximumf %while3A_916, %get3A_937 : vector<16xf32>
            %get3A_939 = arith.index_cast %while3A_914 : i32 to index
            %get3A_940 = arith.constant 32 : index
            %get3A_941 = tpu.vector_load %arg6[%get3A_939, %get3A_940] {strides = array<i32>} : memref<80x256xf32, #tpu.memory_space<vmem>>, vector<16xf32>,
            %max3A_942 = arith.maximumf %while3A_917, %get3A_941 : vector<16xf32>
            %get3A_943 = arith.index_cast %while3A_914 : i32 to index
            %get3A_944 = arith.constant 48 : index
            %get3A_945 = tpu.vector_load %arg6[%get3A_943, %get3A_944] {strides = array<i32>} : memref<80x256xf32, #tpu.memory_space<vmem>>, vector<16xf32>,
            %max3A_946 = arith.maximumf %while3A_918, %get3A_945 : vector<16xf32>
            %get3A_947 = arith.index_cast %while3A_914 : i32 to index
            %get3A_948 = arith.constant 64 : index
            %get3A_949 = tpu.vector_load %arg6[%get3A_947, %get3A_948] {strides = array<i32>} : memref<80x256xf32, #tpu.memory_space<vmem>>, vector<16xf32>,
            %max3A_950 = arith.maximumf %while3A_919, %get3A_949 : vector<16xf32>
            %get3A_951 = arith.index_cast %while3A_914 : i32 to index
            %get3A_952 = arith.constant 80 : index
            %get3A_953 = tpu.vector_load %arg6[%get3A_951, %get3A_952] {strides = array<i32>} : memref<80x256xf32, #tpu.memory_space<vmem>>, vector<16xf32>,
            %max3A_954 = arith.maximumf %while3A_920, %get3A_953 : vector<16xf32>
            %get3A_955 = arith.index_cast %while3A_914 : i32 to index
            %get3A_956 = arith.constant 96 : index
            %get3A_957 = tpu.vector_load %arg6[%get3A_955, %get3A_956] {strides = array<i32>} : memref<80x256xf32, #tpu.memory_space<vmem>>, vector<16xf32>,
            %max3A_958 = arith.maximumf %while3A_921, %get3A_957 : vector<16xf32>
            %get3A_959 = arith.index_cast %while3A_914 : i32 to index
            %get3A_960 = arith.constant 112 : index
            %get3A_961 = tpu.vector_load %arg6[%get3A_959, %get3A_960] {strides = array<i32>} : memref<80x256xf32, #tpu.memory_space<vmem>>, vector<16xf32>,
            %max3A_962 = arith.maximumf %while3A_922, %get3A_961 : vector<16xf32>
            %get3A_963 = arith.index_cast %while3A_914 : i32 to index
            %get3A_964 = arith.constant 128 : index
            %get3A_965 = tpu.vector_load %arg6[%get3A_963, %get3A_964] {strides = array<i32>} : memref<80x256xf32, #tpu.memory_space<vmem>>, vector<16xf32>,
            %max3A_966 = arith.maximumf %while3A_923, %get3A_965 : vector<16xf32>
            %get3A_967 = arith.index_cast %while3A_914 : i32 to index
            %get3A_968 = arith.constant 144 : index
            %get3A_969 = tpu.vector_load %arg6[%get3A_967, %get3A_968] {strides = array<i32>} : memref<80x256xf32, #tpu.memory_space<vmem>>, vector<16xf32>,
            %max3A_970 = arith.maximumf %while3A_924, %get3A_969 : vector<16xf32>
            %get3A_971 = arith.index_cast %while3A_914 : i32 to index
            %get3A_972 = arith.constant 160 : index
            %get3A_973 = tpu.vector_load %arg6[%get3A_971, %get3A_972] {strides = array<i32>} : memref<80x256xf32, #tpu.memory_space<vmem>>, vector<16xf32>,
            %max3A_974 = arith.maximumf %while3A_925, %get3A_973 : vector<16xf32>
            %get3A_975 = arith.index_cast %while3A_914 : i32 to index
            %get3A_976 = arith.constant 176 : index
            %get3A_977 = tpu.vector_load %arg6[%get3A_975, %get3A_976] {strides = array<i32>} : memref<80x256xf32, #tpu.memory_space<vmem>>, vector<16xf32>,
            %max3A_978 = arith.maximumf %while3A_926, %get3A_977 : vector<16xf32>
            %get3A_979 = arith.index_cast %while3A_914 : i32 to index
            %get3A_980 = arith.constant 192 : index
            %get3A_981 = tpu.vector_load %arg6[%get3A_979, %get3A_980] {strides = array<i32>} : memref<80x256xf32, #tpu.memory_space<vmem>>, vector<16xf32>,
            %max3A_982 = arith.maximumf %while3A_927, %get3A_981 : vector<16xf32>
            %get3A_983 = arith.index_cast %while3A_914 : i32 to index
            %get3A_984 = arith.constant 208 : index
            %get3A_985 = tpu.vector_load %arg6[%get3A_983, %get3A_984] {strides = array<i32>} : memref<80x256xf32, #tpu.memory_space<vmem>>, vector<16xf32>,
            %max3A_986 = arith.maximumf %while3A_928, %get3A_985 : vector<16xf32>
            %get3A_987 = arith.index_cast %while3A_914 : i32 to index
            %get3A_988 = arith.constant 224 : index
            %get3A_989 = tpu.vector_load %arg6[%get3A_987, %get3A_988] {strides = array<i32>} : memref<80x256xf32, #tpu.memory_space<vmem>>, vector<16xf32>,
            %max3A_990 = arith.maximumf %while3A_929, %get3A_989 : vector<16xf32>
            %get3A_991 = arith.index_cast %while3A_914 : i32 to index
            %get3A_992 = arith.constant 240 : index
            %get3A_993 = tpu.vector_load %arg6[%get3A_991, %get3A_992] {strides = array<i32>} : memref<80x256xf32, #tpu.memory_space<vmem>>, vector<16xf32>,
            %max3A_994 = arith.maximumf %while3A_930, %get3A_993 : vector<16xf32>
            scf.yield %max3A_934, %max3A_938, %max3A_942, %max3A_946, %max3A_950, %max3A_954, %max3A_958, %max3A_962, %max3A_966, %max3A_970, %max3A_974, %max3A_978, %max3A_982, %max3A_986, %max3A_990, %max3A_994 : vector<16xf32>, vector<16xf32>, vector<16xf32>, vector<16xf32>, vector<16xf32>, vector<16xf32>, vector<16xf32>, vector<16xf32>, vector<16xf32>, vector<16xf32>, vector<16xf32>, vector<16xf32>, vector<16xf32>, vector<16xf32>, vector<16xf32>, vector<16xf32>
          }
          %while3A_864 = arith.constant 1 : i32
          %while3A_865:16 = scf.for %while3A_914 = %while3A_861 to %while3A_857 step %while3A_864 iter_args(%while3A_915 = %while3A_863#0, %while3A_916 = %while3A_863#1, %while3A_917 = %while3A_863#2, %while3A_918 = %while3A_863#3, %while3A_919 = %while3A_863#4, %while3A_920 = %while3A_863#5, %while3A_921 = %while3A_863#6, %while3A_922 = %while3A_863#7, %while3A_923 = %while3A_863#8, %while3A_924 = %while3A_863#9, %while3A_925 = %while3A_863#10, %while3A_926 = %while3A_863#11, %while3A_927 = %while3A_863#12, %while3A_928 = %while3A_863#13, %while3A_929 = %while3A_863#14, %while3A_930 = %while3A_863#15) -> (vector<16xf32>, vector<16xf32>, vector<16xf32>, vector<16xf32>, vector<16xf32>, vector<16xf32>, vector<16xf32>, vector<16xf32>, vector<16xf32>, vector<16xf32>, vector<16xf32>, vector<16xf32>, vector<16xf32>, vector<16xf32>, vector<16xf32>, vector<16xf32>)  : i32 {
            %get3A_931 = arith.index_cast %while3A_914 : i32 to index
            %get3A_932 = arith.constant 0 : index
            %get3A_933 = tpu.vector_load %arg6[%get3A_931, %get3A_932] {strides = array<i32>} : memref<80x256xf32, #tpu.memory_space<vmem>>, vector<16xf32>,
            %max3A_934 = arith.maximumf %while3A_915, %get3A_933 : vector<16xf32>
            %get3A_935 = arith.index_cast %while3A_914 : i32 to index
            %get3A_936 = arith.constant 16 : index
            %get3A_937 = tpu.vector_load %arg6[%get3A_935, %get3A_936] {strides = array<i32>} : memref<80x256xf32, #tpu.memory_space<vmem>>, vector<16xf32>,
            %max3A_938 = arith.maximumf %while3A_916, %get3A_937 : vector<16xf32>
            %get3A_939 = arith.index_cast %while3A_914 : i32 to index
            %get3A_940 = arith.constant 32 : index
            %get3A_941 = tpu.vector_load %arg6[%get3A_939, %get3A_940] {strides = array<i32>} : memref<80x256xf32, #tpu.memory_space<vmem>>, vector<16xf32>,
            %max3A_942 = arith.maximumf %while3A_917, %get3A_941 : vector<16xf32>
            %get3A_943 = arith.index_cast %while3A_914 : i32 to index
            %get3A_944 = arith.constant 48 : index
            %get3A_945 = tpu.vector_load %arg6[%get3A_943, %get3A_944] {strides = array<i32>} : memref<80x256xf32, #tpu.memory_space<vmem>>, vector<16xf32>,
            %max3A_946 = arith.maximumf %while3A_918, %get3A_945 : vector<16xf32>
            %get3A_947 = arith.index_cast %while3A_914 : i32 to index
            %get3A_948 = arith.constant 64 : index
            %get3A_949 = tpu.vector_load %arg6[%get3A_947, %get3A_948] {strides = array<i32>} : memref<80x256xf32, #tpu.memory_space<vmem>>, vector<16xf32>,
            %max3A_950 = arith.maximumf %while3A_919, %get3A_949 : vector<16xf32>
            %get3A_951 = arith.index_cast %while3A_914 : i32 to index
            %get3A_952 = arith.constant 80 : index
            %get3A_953 = tpu.vector_load %arg6[%get3A_951, %get3A_952] {strides = array<i32>} : memref<80x256xf32, #tpu.memory_space<vmem>>, vector<16xf32>,
            %max3A_954 = arith.maximumf %while3A_920, %get3A_953 : vector<16xf32>
            %get3A_955 = arith.index_cast %while3A_914 : i32 to index
            %get3A_956 = arith.constant 96 : index
            %get3A_957 = tpu.vector_load %arg6[%get3A_955, %get3A_956] {strides = array<i32>} : memref<80x256xf32, #tpu.memory_space<vmem>>, vector<16xf32>,
            %max3A_958 = arith.maximumf %while3A_921, %get3A_957 : vector<16xf32>
            %get3A_959 = arith.index_cast %while3A_914 : i32 to index
            %get3A_960 = arith.constant 112 : index
            %get3A_961 = tpu.vector_load %arg6[%get3A_959, %get3A_960] {strides = array<i32>} : memref<80x256xf32, #tpu.memory_space<vmem>>, vector<16xf32>,
            %max3A_962 = arith.maximumf %while3A_922, %get3A_961 : vector<16xf32>
            %get3A_963 = arith.index_cast %while3A_914 : i32 to index
            %get3A_964 = arith.constant 128 : index
            %get3A_965 = tpu.vector_load %arg6[%get3A_963, %get3A_964] {strides = array<i32>} : memref<80x256xf32, #tpu.memory_space<vmem>>, vector<16xf32>,
            %max3A_966 = arith.maximumf %while3A_923, %get3A_965 : vector<16xf32>
            %get3A_967 = arith.index_cast %while3A_914 : i32 to index
            %get3A_968 = arith.constant 144 : index
            %get3A_969 = tpu.vector_load %arg6[%get3A_967, %get3A_968] {strides = array<i32>} : memref<80x256xf32, #tpu.memory_space<vmem>>, vector<16xf32>,
            %max3A_970 = arith.maximumf %while3A_924, %get3A_969 : vector<16xf32>
            %get3A_971 = arith.index_cast %while3A_914 : i32 to index
            %get3A_972 = arith.constant 160 : index
            %get3A_973 = tpu.vector_load %arg6[%get3A_971, %get3A_972] {strides = array<i32>} : memref<80x256xf32, #tpu.memory_space<vmem>>, vector<16xf32>,
            %max3A_974 = arith.maximumf %while3A_925, %get3A_973 : vector<16xf32>
            %get3A_975 = arith.index_cast %while3A_914 : i32 to index
            %get3A_976 = arith.constant 176 : index
            %get3A_977 = tpu.vector_load %arg6[%get3A_975, %get3A_976] {strides = array<i32>} : memref<80x256xf32, #tpu.memory_space<vmem>>, vector<16xf32>,
            %max3A_978 = arith.maximumf %while3A_926, %get3A_977 : vector<16xf32>
            %get3A_979 = arith.index_cast %while3A_914 : i32 to index
            %get3A_980 = arith.constant 192 : index
            %get3A_981 = tpu.vector_load %arg6[%get3A_979, %get3A_980] {strides = array<i32>} : memref<80x256xf32, #tpu.memory_space<vmem>>, vector<16xf32>,
            %max3A_982 = arith.maximumf %while3A_927, %get3A_981 : vector<16xf32>
            %get3A_983 = arith.index_cast %while3A_914 : i32 to index
            %get3A_984 = arith.constant 208 : index
            %get3A_985 = tpu.vector_load %arg6[%get3A_983, %get3A_984] {strides = array<i32>} : memref<80x256xf32, #tpu.memory_space<vmem>>, vector<16xf32>,
            %max3A_986 = arith.maximumf %while3A_928, %get3A_985 : vector<16xf32>
            %get3A_987 = arith.index_cast %while3A_914 : i32 to index
            %get3A_988 = arith.constant 224 : index
            %get3A_989 = tpu.vector_load %arg6[%get3A_987, %get3A_988] {strides = array<i32>} : memref<80x256xf32, #tpu.memory_space<vmem>>, vector<16xf32>,
            %max3A_990 = arith.maximumf %while3A_929, %get3A_989 : vector<16xf32>
            %get3A_991 = arith.index_cast %while3A_914 : i32 to index
            %get3A_992 = arith.constant 240 : index
            %get3A_993 = tpu.vector_load %arg6[%get3A_991, %get3A_992] {strides = array<i32>} : memref<80x256xf32, #tpu.memory_space<vmem>>, vector<16xf32>,
            %max3A_994 = arith.maximumf %while3A_930, %get3A_993 : vector<16xf32>
            scf.yield %max3A_934, %max3A_938, %max3A_942, %max3A_946, %max3A_950, %max3A_954, %max3A_958, %max3A_962, %max3A_966, %max3A_970, %max3A_974, %max3A_978, %max3A_982, %max3A_986, %max3A_990, %max3A_994 : vector<16xf32>, vector<16xf32>, vector<16xf32>, vector<16xf32>, vector<16xf32>, vector<16xf32>, vector<16xf32>, vector<16xf32>, vector<16xf32>, vector<16xf32>, vector<16xf32>, vector<16xf32>, vector<16xf32>, vector<16xf32>, vector<16xf32>, vector<16xf32>
          }
          %add3A_866 = arith.constant 0 : i32
          %add3A_867 = vector.broadcast %add3A_866 : i32 to vector<16xi32>
          %add3A_868 = arith.addi %iota3A, %add3A_867 : vector<16xi32>
          tpu.vector_store_idx %arg9[%min3A_725, %add3A_868], %while3A_865#0 : memref<256x256xf32, #tpu.memory_space<vmem>>[vector<16xi32>, vector<16xi32>], vector<16xf32>,
          %add3A_869 = arith.constant 16 : i32
          %add3A_870 = vector.broadcast %add3A_869 : i32 to vector<16xi32>
          %add3A_871 = arith.addi %iota3A, %add3A_870 : vector<16xi32>
          tpu.vector_store_idx %arg9[%min3A_725, %add3A_871], %while3A_865#1 : memref<256x256xf32, #tpu.memory_space<vmem>>[vector<16xi32>, vector<16xi32>], vector<16xf32>,
          %add3A_872 = arith.constant 32 : i32
          %add3A_873 = vector.broadcast %add3A_872 : i32 to vector<16xi32>
          %add3A_874 = arith.addi %iota3A, %add3A_873 : vector<16xi32>
          tpu.vector_store_idx %arg9[%min3A_725, %add3A_874], %while3A_865#2 : memref<256x256xf32, #tpu.memory_space<vmem>>[vector<16xi32>, vector<16xi32>], vector<16xf32>,
          %add3A_875 = arith.constant 48 : i32
          %add3A_876 = vector.broadcast %add3A_875 : i32 to vector<16xi32>
          %add3A_877 = arith.addi %iota3A, %add3A_876 : vector<16xi32>
          tpu.vector_store_idx %arg9[%min3A_725, %add3A_877], %while3A_865#3 : memref<256x256xf32, #tpu.memory_space<vmem>>[vector<16xi32>, vector<16xi32>], vector<16xf32>,
          %add3A_878 = arith.constant 64 : i32
          %add3A_879 = vector.broadcast %add3A_878 : i32 to vector<16xi32>
          %add3A_880 = arith.addi %iota3A, %add3A_879 : vector<16xi32>
          tpu.vector_store_idx %arg9[%min3A_725, %add3A_880], %while3A_865#4 : memref<256x256xf32, #tpu.memory_space<vmem>>[vector<16xi32>, vector<16xi32>], vector<16xf32>,
          %add3A_881 = arith.constant 80 : i32
          %add3A_882 = vector.broadcast %add3A_881 : i32 to vector<16xi32>
          %add3A_883 = arith.addi %iota3A, %add3A_882 : vector<16xi32>
          tpu.vector_store_idx %arg9[%min3A_725, %add3A_883], %while3A_865#5 : memref<256x256xf32, #tpu.memory_space<vmem>>[vector<16xi32>, vector<16xi32>], vector<16xf32>,
          %add3A_884 = arith.constant 96 : i32
          %add3A_885 = vector.broadcast %add3A_884 : i32 to vector<16xi32>
          %add3A_886 = arith.addi %iota3A, %add3A_885 : vector<16xi32>
          tpu.vector_store_idx %arg9[%min3A_725, %add3A_886], %while3A_865#6 : memref<256x256xf32, #tpu.memory_space<vmem>>[vector<16xi32>, vector<16xi32>], vector<16xf32>,
          %add3A_887 = arith.constant 112 : i32
          %add3A_888 = vector.broadcast %add3A_887 : i32 to vector<16xi32>
          %add3A_889 = arith.addi %iota3A, %add3A_888 : vector<16xi32>
          tpu.vector_store_idx %arg9[%min3A_725, %add3A_889], %while3A_865#7 : memref<256x256xf32, #tpu.memory_space<vmem>>[vector<16xi32>, vector<16xi32>], vector<16xf32>,
          %add3A_890 = arith.constant 128 : i32
          %add3A_891 = vector.broadcast %add3A_890 : i32 to vector<16xi32>
          %add3A_892 = arith.addi %iota3A, %add3A_891 : vector<16xi32>
          tpu.vector_store_idx %arg9[%min3A_725, %add3A_892], %while3A_865#8 : memref<256x256xf32, #tpu.memory_space<vmem>>[vector<16xi32>, vector<16xi32>], vector<16xf32>,
          %add3A_893 = arith.constant 144 : i32
          %add3A_894 = vector.broadcast %add3A_893 : i32 to vector<16xi32>
          %add3A_895 = arith.addi %iota3A, %add3A_894 : vector<16xi32>
          tpu.vector_store_idx %arg9[%min3A_725, %add3A_895], %while3A_865#9 : memref<256x256xf32, #tpu.memory_space<vmem>>[vector<16xi32>, vector<16xi32>], vector<16xf32>,
          %add3A_896 = arith.constant 160 : i32
          %add3A_897 = vector.broadcast %add3A_896 : i32 to vector<16xi32>
          %add3A_898 = arith.addi %iota3A, %add3A_897 : vector<16xi32>
          tpu.vector_store_idx %arg9[%min3A_725, %add3A_898], %while3A_865#10 : memref<256x256xf32, #tpu.memory_space<vmem>>[vector<16xi32>, vector<16xi32>], vector<16xf32>,
          %add3A_899 = arith.constant 176 : i32
          %add3A_900 = vector.broadcast %add3A_899 : i32 to vector<16xi32>
          %add3A_901 = arith.addi %iota3A, %add3A_900 : vector<16xi32>
          tpu.vector_store_idx %arg9[%min3A_725, %add3A_901], %while3A_865#11 : memref<256x256xf32, #tpu.memory_space<vmem>>[vector<16xi32>, vector<16xi32>], vector<16xf32>,
          %add3A_902 = arith.constant 192 : i32
          %add3A_903 = vector.broadcast %add3A_902 : i32 to vector<16xi32>
          %add3A_904 = arith.addi %iota3A, %add3A_903 : vector<16xi32>
          tpu.vector_store_idx %arg9[%min3A_725, %add3A_904], %while3A_865#12 : memref<256x256xf32, #tpu.memory_space<vmem>>[vector<16xi32>, vector<16xi32>], vector<16xf32>,
          %add3A_905 = arith.constant 208 : i32
          %add3A_906 = vector.broadcast %add3A_905 : i32 to vector<16xi32>
          %add3A_907 = arith.addi %iota3A, %add3A_906 : vector<16xi32>
          tpu.vector_store_idx %arg9[%min3A_725, %add3A_907], %while3A_865#13 : memref<256x256xf32, #tpu.memory_space<vmem>>[vector<16xi32>, vector<16xi32>], vector<16xf32>,
          %add3A_908 = arith.constant 224 : i32
          %add3A_909 = vector.broadcast %add3A_908 : i32 to vector<16xi32>
          %add3A_910 = arith.addi %iota3A, %add3A_909 : vector<16xi32>
          tpu.vector_store_idx %arg9[%min3A_725, %add3A_910], %while3A_865#14 : memref<256x256xf32, #tpu.memory_space<vmem>>[vector<16xi32>, vector<16xi32>], vector<16xf32>,
          %add3A_911 = arith.constant 240 : i32
          %add3A_912 = vector.broadcast %add3A_911 : i32 to vector<16xi32>
          %add3A_913 = arith.addi %iota3A, %add3A_912 : vector<16xi32>
          tpu.vector_store_idx %arg9[%min3A_725, %add3A_913], %while3A_865#15 : memref<256x256xf32, #tpu.memory_space<vmem>>[vector<16xi32>, vector<16xi32>], vector<16xf32>,
          scf.yield %while3A_727#0 : i32
        }
        %add3A_716 = arith.constant 3 : i32
        %add3A_717 = arith.addi %add3A_677, %add3A_716 : i32
        %lt3A_718 = arith.cmpi slt, %add3A_717, %select_n3A : i32
        %convert_element_type3A_719 = arith.extui %lt3A_718 : i1 to i32
        %cond3A_720 = arith.constant 0 : i32
        %cond3A_721 = arith.cmpi ne, %convert_element_type3A_719, %cond3A_720 : i32
        scf.if %cond3A_721 {
          %add3A_722 = arith.constant 3 : i32
          %add3A_723 = arith.addi %add3A_677, %add3A_722 : i32
          %mul3A_724 = arith.constant 32 : i32
          %mul3A_725 = arith.muli %mul3A_724, %add3A_723 : i32
          %add3A_726 = arith.addi %add3A, %mul3A_725 : i32
          %mul3A_727 = arith.constant 80 : i32
          %mul3A_728 = arith.muli %add3A_726, %mul3A_727 : i32
          %dma_start3A_729 = arith.constant 0 : i32
          %dma_start3A_730 = tpu.memref_slice %arg2[%mul3A_728, %dma_start3A_729] : memref<50000x256xf32, #tpu.memory_space<hbm>> -> memref<80x256xf32, #tpu.memory_space<hbm>>
          %dma_start3A_731 = arith.constant 0 : i32
          %dma_start3A_732 = tpu.memref_slice %arg2[%mul3A_728, %dma_start3A_731] : memref<50000x256xf32, #tpu.memory_space<hbm>> -> memref<80x256xf32, #tpu.memory_space<hbm>>
          tpu.enqueue_dma source(%dma_start3A_732 : memref<80x256xf32, #tpu.memory_space<hbm>>) target(%arg6 : memref<80x256xf32, #tpu.memory_space<vmem>>) target_semaphore(%arg13 : memref<!tpu.dma_semaphore, #tpu.memory_space<semaphore_mem>>)
          %mul3A_733 = arith.constant 80 : i32
          %mul3A_734 = arith.muli %add3A_726, %mul3A_733 : i32
          %dma_start3A_735 = arith.constant 0 : i32
          %dma_start3A_736 = tpu.memref_slice %arg10[%dma_start3A_735] : memref<128xi32, #tpu.memory_space<vmem>> -> memref<80xi32, #tpu.memory_space<vmem>>
          %dma_start3A_737 = tpu.memref_slice %arg3[%mul3A_734] : memref<50000xi32, #tpu.memory_space<hbm>> -> memref<80xi32, #tpu.memory_space<hbm>>
          %dma_start3A_738 = arith.constant 0 : i32
          %dma_start3A_739 = tpu.memref_slice %arg10[%dma_start3A_738] : memref<128xi32, #tpu.memory_space<vmem>> -> memref<80xi32, #tpu.memory_space<vmem>>
          %dma_start3A_740 = tpu.memref_slice %arg3[%mul3A_734] : memref<50000xi32, #tpu.memory_space<hbm>> -> memref<80xi32, #tpu.memory_space<hbm>>
          tpu.enqueue_dma source(%dma_start3A_740 : memref<80xi32, #tpu.memory_space<hbm>>) target(%dma_start3A_739 : memref<80xi32, #tpu.memory_space<vmem>>) target_semaphore(%arg16 : memref<!tpu.dma_semaphore, #tpu.memory_space<semaphore_mem>>)
        } else {
        }
      } else {
      }
      %mul3A_682 = arith.constant 3 : i32
      %mul3A_683 = arith.muli %mul3A_682, %scan3A_673 : i32
      %add3A_684 = arith.constant 1 : i32
      %add3A_685 = arith.addi %mul3A_683, %add3A_684 : i32
      %lt3A_686 = arith.cmpi slt, %add3A_685, %select_n3A : i32
      %convert_element_type3A_687 = arith.extui %lt3A_686 : i1 to i32
      %cond3A_688 = arith.constant 0 : i32
      %cond3A_689 = arith.cmpi ne, %convert_element_type3A_687, %cond3A_688 : i32
      scf.if %cond3A_689 {
        %mul3A_698 = arith.constant 32 : i32
        %mul3A_699 = arith.muli %mul3A_698, %add3A_685 : i32
        %add3A_700 = arith.addi %add3A, %mul3A_699 : i32
        %mul3A_701 = arith.constant 80 : i32
        %mul3A_702 = arith.muli %add3A_700, %mul3A_701 : i32
        %dma_wait3A_703 = arith.constant 0 : i32
        %dma_wait3A_704 = tpu.memref_slice %arg2[%mul3A_702, %dma_wait3A_703] : memref<50000x256xf32, #tpu.memory_space<hbm>> -> memref<80x256xf32, #tpu.memory_space<hbm>>
        %dma_wait3A_705 = arith.constant 0 : i32
        %dma_wait3A_706 = tpu.memref_slice %arg2[%mul3A_702, %dma_wait3A_705] : memref<50000x256xf32, #tpu.memory_space<hbm>> -> memref<80x256xf32, #tpu.memory_space<hbm>>
        tpu.wait_dma2 semaphore(%arg14 : memref<!tpu.dma_semaphore, #tpu.memory_space<semaphore_mem>>) src(%dma_wait3A_706 : memref<80x256xf32, #tpu.memory_space<hbm>>) dst(%arg7 : memref<80x256xf32, #tpu.memory_space<vmem>>)
        %mul3A_707 = arith.constant 80 : i32
        %mul3A_708 = arith.muli %add3A_700, %mul3A_707 : i32
        %dma_wait3A_709 = arith.constant 0 : i32
        %dma_wait3A_710 = tpu.memref_slice %arg11[%dma_wait3A_709] : memref<128xi32, #tpu.memory_space<vmem>> -> memref<80xi32, #tpu.memory_space<vmem>>
        %dma_wait3A_711 = tpu.memref_slice %arg3[%mul3A_708] : memref<50000xi32, #tpu.memory_space<hbm>> -> memref<80xi32, #tpu.memory_space<hbm>>
        %dma_wait3A_712 = arith.constant 0 : i32
        %dma_wait3A_713 = tpu.memref_slice %arg11[%dma_wait3A_712] : memref<128xi32, #tpu.memory_space<vmem>> -> memref<80xi32, #tpu.memory_space<vmem>>
        %dma_wait3A_714 = tpu.memref_slice %arg3[%mul3A_708] : memref<50000xi32, #tpu.memory_space<hbm>> -> memref<80xi32, #tpu.memory_space<hbm>>
        tpu.wait_dma2 semaphore(%arg17 : memref<!tpu.dma_semaphore, #tpu.memory_space<semaphore_mem>>) src(%dma_wait3A_714 : memref<80xi32, #tpu.memory_space<hbm>>) dst(%dma_wait3A_713 : memref<80xi32, #tpu.memory_space<vmem>>)
        %while3A = arith.constant 0 : i32
        %while3A_715 = scf.while (%while3A_722 = %while3A) : (i32) -> i32 {
          %lt3A_723 = arith.constant 80 : i32
          %lt3A_724 = arith.cmpi slt, %while3A_722, %lt3A_723 : i32
          scf.condition(%lt3A_724) %while3A_722 : i32
        } do {
        ^bb0(%while3A_722: i32):
          %broadcast_in_dim3A_723 = vector.broadcast %while3A_722 : i32 to vector<16xi32>
          %gather3A = tpu.vector_load_idx %arg11[%broadcast_in_dim3A_723] : memref<128xi32, #tpu.memory_space<vmem>>[vector<16xi32>], vector<16xi32>,
          %min3A = arith.constant 255 : i32
          %min3A_724 = vector.broadcast %min3A : i32 to vector<16xi32>
          %min3A_725 = arith.minsi %gather3A, %min3A_724 : vector<16xi32>
          %while3A_726 = arith.constant 16 : i32
          %while3A_727:2 = scf.while (%while3A_914 = %while3A_722, %while3A_915 = %while3A_726) : (i32, i32) -> (i32, i32) {
            %eq3A = arith.constant 16 : i32
            %eq3A_916 = arith.cmpi eq, %while3A_915, %eq3A : i32
            %lt3A_917 = arith.constant 80 : i32
            %lt3A_918 = arith.cmpi slt, %while3A_914, %lt3A_917 : i32
            %and3A = arith.andi %eq3A_916, %lt3A_918 : i1
            scf.condition(%and3A) %while3A_914, %while3A_915 : i32, i32
          } do {
          ^bb0(%while3A_914: i32, %while3A_915: i32):
            %get3A_916 = arith.index_cast %while3A_914 : i32 to index
            %get3A_917 = tpu.vector_load %arg11[%get3A_916] {strides = array<i32>} : memref<128xi32, #tpu.memory_space<vmem>>, vector<16xi32>,
            %eq3A = arith.cmpi eq, %get3A_917, %gather3A : vector<16xi32>
            %add3A_918 = arith.constant 1 : i32
            %add3A_919 = vector.broadcast %add3A_918 : i32 to vector<16xi32>
            %add3A_920 = arith.addi %iota3A, %add3A_919 : vector<16xi32>
            %jit3A_921 = arith.constant 0 : i32
            %broadcast_in_dim3A_922 = vector.broadcast %jit3A_921 : i32 to vector<16xi32>
            %select_n3A_923 = arith.select %eq3A, %add3A_920, %broadcast_in_dim3A_922 : vector<16xi1>, vector<16xi32>
            %reduce_max3A = arith.constant true
            %reduce_max3A_924 = vector.broadcast %reduce_max3A : i1 to vector<16xi1>
            %reduce_max3A_925 = arith.constant -2147483648 : i32
            %reduce_max3A_926 = vector.broadcast %reduce_max3A_925 : i32 to vector<16xi32>
            %reduce_max3A_927 = arith.xori %select_n3A_923, %reduce_max3A_926 : vector<16xi32>
            %reduce_max3A_928 = tpu.scan <max>, %reduce_max3A_927 masked %reduce_max3A_924 : vector<16xi32>, vector<16xi1> -> vector<16xi32>
            %reduce_max3A_929 = arith.xori %reduce_max3A_928, %reduce_max3A_926 : vector<16xi32>
            %reduce_max3A_930 = vector.extract %reduce_max3A_929[15] : i32 from vector<16xi32>
            %add3A_931 = arith.addi %while3A_914, %reduce_max3A_930 : i32
            %min3A_932 = arith.constant 80 : i32
            %min3A_933 = arith.minsi %add3A_931, %min3A_932 : i32
            scf.yield %min3A_933, %reduce_max3A_930 : i32, i32
          }
          %add3A_728 = arith.constant 0 : i32
          %add3A_729 = vector.broadcast %add3A_728 : i32 to vector<16xi32>
          %add3A_730 = arith.addi %iota3A, %add3A_729 : vector<16xi32>
          %gather3A_731 = tpu.vector_load_idx %arg9[%min3A_725, %add3A_730] : memref<256x256xf32, #tpu.memory_space<vmem>>[vector<16xi32>, vector<16xi32>], vector<16xf32>,
          %get3A = arith.index_cast %while3A_722 : i32 to index
          %get3A_732 = arith.constant 0 : index
          %get3A_733 = tpu.vector_load %arg7[%get3A, %get3A_732] {strides = array<i32>} : memref<80x256xf32, #tpu.memory_space<vmem>>, vector<16xf32>,
          %max3A = arith.maximumf %gather3A_731, %get3A_733 : vector<16xf32>
          %add3A_734 = arith.constant 16 : i32
          %add3A_735 = vector.broadcast %add3A_734 : i32 to vector<16xi32>
          %add3A_736 = arith.addi %iota3A, %add3A_735 : vector<16xi32>
          %gather3A_737 = tpu.vector_load_idx %arg9[%min3A_725, %add3A_736] : memref<256x256xf32, #tpu.memory_space<vmem>>[vector<16xi32>, vector<16xi32>], vector<16xf32>,
          %get3A_738 = arith.index_cast %while3A_722 : i32 to index
          %get3A_739 = arith.constant 16 : index
          %get3A_740 = tpu.vector_load %arg7[%get3A_738, %get3A_739] {strides = array<i32>} : memref<80x256xf32, #tpu.memory_space<vmem>>, vector<16xf32>,
          %max3A_741 = arith.maximumf %gather3A_737, %get3A_740 : vector<16xf32>
          %add3A_742 = arith.constant 32 : i32
          %add3A_743 = vector.broadcast %add3A_742 : i32 to vector<16xi32>
          %add3A_744 = arith.addi %iota3A, %add3A_743 : vector<16xi32>
          %gather3A_745 = tpu.vector_load_idx %arg9[%min3A_725, %add3A_744] : memref<256x256xf32, #tpu.memory_space<vmem>>[vector<16xi32>, vector<16xi32>], vector<16xf32>,
          %get3A_746 = arith.index_cast %while3A_722 : i32 to index
          %get3A_747 = arith.constant 32 : index
          %get3A_748 = tpu.vector_load %arg7[%get3A_746, %get3A_747] {strides = array<i32>} : memref<80x256xf32, #tpu.memory_space<vmem>>, vector<16xf32>,
          %max3A_749 = arith.maximumf %gather3A_745, %get3A_748 : vector<16xf32>
          %add3A_750 = arith.constant 48 : i32
          %add3A_751 = vector.broadcast %add3A_750 : i32 to vector<16xi32>
          %add3A_752 = arith.addi %iota3A, %add3A_751 : vector<16xi32>
          %gather3A_753 = tpu.vector_load_idx %arg9[%min3A_725, %add3A_752] : memref<256x256xf32, #tpu.memory_space<vmem>>[vector<16xi32>, vector<16xi32>], vector<16xf32>,
          %get3A_754 = arith.index_cast %while3A_722 : i32 to index
          %get3A_755 = arith.constant 48 : index
          %get3A_756 = tpu.vector_load %arg7[%get3A_754, %get3A_755] {strides = array<i32>} : memref<80x256xf32, #tpu.memory_space<vmem>>, vector<16xf32>,
          %max3A_757 = arith.maximumf %gather3A_753, %get3A_756 : vector<16xf32>
          %add3A_758 = arith.constant 64 : i32
          %add3A_759 = vector.broadcast %add3A_758 : i32 to vector<16xi32>
          %add3A_760 = arith.addi %iota3A, %add3A_759 : vector<16xi32>
          %gather3A_761 = tpu.vector_load_idx %arg9[%min3A_725, %add3A_760] : memref<256x256xf32, #tpu.memory_space<vmem>>[vector<16xi32>, vector<16xi32>], vector<16xf32>,
          %get3A_762 = arith.index_cast %while3A_722 : i32 to index
          %get3A_763 = arith.constant 64 : index
          %get3A_764 = tpu.vector_load %arg7[%get3A_762, %get3A_763] {strides = array<i32>} : memref<80x256xf32, #tpu.memory_space<vmem>>, vector<16xf32>,
          %max3A_765 = arith.maximumf %gather3A_761, %get3A_764 : vector<16xf32>
          %add3A_766 = arith.constant 80 : i32
          %add3A_767 = vector.broadcast %add3A_766 : i32 to vector<16xi32>
          %add3A_768 = arith.addi %iota3A, %add3A_767 : vector<16xi32>
          %gather3A_769 = tpu.vector_load_idx %arg9[%min3A_725, %add3A_768] : memref<256x256xf32, #tpu.memory_space<vmem>>[vector<16xi32>, vector<16xi32>], vector<16xf32>,
          %get3A_770 = arith.index_cast %while3A_722 : i32 to index
          %get3A_771 = arith.constant 80 : index
          %get3A_772 = tpu.vector_load %arg7[%get3A_770, %get3A_771] {strides = array<i32>} : memref<80x256xf32, #tpu.memory_space<vmem>>, vector<16xf32>,
          %max3A_773 = arith.maximumf %gather3A_769, %get3A_772 : vector<16xf32>
          %add3A_774 = arith.constant 96 : i32
          %add3A_775 = vector.broadcast %add3A_774 : i32 to vector<16xi32>
          %add3A_776 = arith.addi %iota3A, %add3A_775 : vector<16xi32>
          %gather3A_777 = tpu.vector_load_idx %arg9[%min3A_725, %add3A_776] : memref<256x256xf32, #tpu.memory_space<vmem>>[vector<16xi32>, vector<16xi32>], vector<16xf32>,
          %get3A_778 = arith.index_cast %while3A_722 : i32 to index
          %get3A_779 = arith.constant 96 : index
          %get3A_780 = tpu.vector_load %arg7[%get3A_778, %get3A_779] {strides = array<i32>} : memref<80x256xf32, #tpu.memory_space<vmem>>, vector<16xf32>,
          %max3A_781 = arith.maximumf %gather3A_777, %get3A_780 : vector<16xf32>
          %add3A_782 = arith.constant 112 : i32
          %add3A_783 = vector.broadcast %add3A_782 : i32 to vector<16xi32>
          %add3A_784 = arith.addi %iota3A, %add3A_783 : vector<16xi32>
          %gather3A_785 = tpu.vector_load_idx %arg9[%min3A_725, %add3A_784] : memref<256x256xf32, #tpu.memory_space<vmem>>[vector<16xi32>, vector<16xi32>], vector<16xf32>,
          %get3A_786 = arith.index_cast %while3A_722 : i32 to index
          %get3A_787 = arith.constant 112 : index
          %get3A_788 = tpu.vector_load %arg7[%get3A_786, %get3A_787] {strides = array<i32>} : memref<80x256xf32, #tpu.memory_space<vmem>>, vector<16xf32>,
          %max3A_789 = arith.maximumf %gather3A_785, %get3A_788 : vector<16xf32>
          %add3A_790 = arith.constant 128 : i32
          %add3A_791 = vector.broadcast %add3A_790 : i32 to vector<16xi32>
          %add3A_792 = arith.addi %iota3A, %add3A_791 : vector<16xi32>
          %gather3A_793 = tpu.vector_load_idx %arg9[%min3A_725, %add3A_792] : memref<256x256xf32, #tpu.memory_space<vmem>>[vector<16xi32>, vector<16xi32>], vector<16xf32>,
          %get3A_794 = arith.index_cast %while3A_722 : i32 to index
          %get3A_795 = arith.constant 128 : index
          %get3A_796 = tpu.vector_load %arg7[%get3A_794, %get3A_795] {strides = array<i32>} : memref<80x256xf32, #tpu.memory_space<vmem>>, vector<16xf32>,
          %max3A_797 = arith.maximumf %gather3A_793, %get3A_796 : vector<16xf32>
          %add3A_798 = arith.constant 144 : i32
          %add3A_799 = vector.broadcast %add3A_798 : i32 to vector<16xi32>
          %add3A_800 = arith.addi %iota3A, %add3A_799 : vector<16xi32>
          %gather3A_801 = tpu.vector_load_idx %arg9[%min3A_725, %add3A_800] : memref<256x256xf32, #tpu.memory_space<vmem>>[vector<16xi32>, vector<16xi32>], vector<16xf32>,
          %get3A_802 = arith.index_cast %while3A_722 : i32 to index
          %get3A_803 = arith.constant 144 : index
          %get3A_804 = tpu.vector_load %arg7[%get3A_802, %get3A_803] {strides = array<i32>} : memref<80x256xf32, #tpu.memory_space<vmem>>, vector<16xf32>,
          %max3A_805 = arith.maximumf %gather3A_801, %get3A_804 : vector<16xf32>
          %add3A_806 = arith.constant 160 : i32
          %add3A_807 = vector.broadcast %add3A_806 : i32 to vector<16xi32>
          %add3A_808 = arith.addi %iota3A, %add3A_807 : vector<16xi32>
          %gather3A_809 = tpu.vector_load_idx %arg9[%min3A_725, %add3A_808] : memref<256x256xf32, #tpu.memory_space<vmem>>[vector<16xi32>, vector<16xi32>], vector<16xf32>,
          %get3A_810 = arith.index_cast %while3A_722 : i32 to index
          %get3A_811 = arith.constant 160 : index
          %get3A_812 = tpu.vector_load %arg7[%get3A_810, %get3A_811] {strides = array<i32>} : memref<80x256xf32, #tpu.memory_space<vmem>>, vector<16xf32>,
          %max3A_813 = arith.maximumf %gather3A_809, %get3A_812 : vector<16xf32>
          %add3A_814 = arith.constant 176 : i32
          %add3A_815 = vector.broadcast %add3A_814 : i32 to vector<16xi32>
          %add3A_816 = arith.addi %iota3A, %add3A_815 : vector<16xi32>
          %gather3A_817 = tpu.vector_load_idx %arg9[%min3A_725, %add3A_816] : memref<256x256xf32, #tpu.memory_space<vmem>>[vector<16xi32>, vector<16xi32>], vector<16xf32>,
          %get3A_818 = arith.index_cast %while3A_722 : i32 to index
          %get3A_819 = arith.constant 176 : index
          %get3A_820 = tpu.vector_load %arg7[%get3A_818, %get3A_819] {strides = array<i32>} : memref<80x256xf32, #tpu.memory_space<vmem>>, vector<16xf32>,
          %max3A_821 = arith.maximumf %gather3A_817, %get3A_820 : vector<16xf32>
          %add3A_822 = arith.constant 192 : i32
          %add3A_823 = vector.broadcast %add3A_822 : i32 to vector<16xi32>
          %add3A_824 = arith.addi %iota3A, %add3A_823 : vector<16xi32>
          %gather3A_825 = tpu.vector_load_idx %arg9[%min3A_725, %add3A_824] : memref<256x256xf32, #tpu.memory_space<vmem>>[vector<16xi32>, vector<16xi32>], vector<16xf32>,
          %get3A_826 = arith.index_cast %while3A_722 : i32 to index
          %get3A_827 = arith.constant 192 : index
          %get3A_828 = tpu.vector_load %arg7[%get3A_826, %get3A_827] {strides = array<i32>} : memref<80x256xf32, #tpu.memory_space<vmem>>, vector<16xf32>,
          %max3A_829 = arith.maximumf %gather3A_825, %get3A_828 : vector<16xf32>
          %add3A_830 = arith.constant 208 : i32
          %add3A_831 = vector.broadcast %add3A_830 : i32 to vector<16xi32>
          %add3A_832 = arith.addi %iota3A, %add3A_831 : vector<16xi32>
          %gather3A_833 = tpu.vector_load_idx %arg9[%min3A_725, %add3A_832] : memref<256x256xf32, #tpu.memory_space<vmem>>[vector<16xi32>, vector<16xi32>], vector<16xf32>,
          %get3A_834 = arith.index_cast %while3A_722 : i32 to index
          %get3A_835 = arith.constant 208 : index
          %get3A_836 = tpu.vector_load %arg7[%get3A_834, %get3A_835] {strides = array<i32>} : memref<80x256xf32, #tpu.memory_space<vmem>>, vector<16xf32>,
          %max3A_837 = arith.maximumf %gather3A_833, %get3A_836 : vector<16xf32>
          %add3A_838 = arith.constant 224 : i32
          %add3A_839 = vector.broadcast %add3A_838 : i32 to vector<16xi32>
          %add3A_840 = arith.addi %iota3A, %add3A_839 : vector<16xi32>
          %gather3A_841 = tpu.vector_load_idx %arg9[%min3A_725, %add3A_840] : memref<256x256xf32, #tpu.memory_space<vmem>>[vector<16xi32>, vector<16xi32>], vector<16xf32>,
          %get3A_842 = arith.index_cast %while3A_722 : i32 to index
          %get3A_843 = arith.constant 224 : index
          %get3A_844 = tpu.vector_load %arg7[%get3A_842, %get3A_843] {strides = array<i32>} : memref<80x256xf32, #tpu.memory_space<vmem>>, vector<16xf32>,
          %max3A_845 = arith.maximumf %gather3A_841, %get3A_844 : vector<16xf32>
          %add3A_846 = arith.constant 240 : i32
          %add3A_847 = vector.broadcast %add3A_846 : i32 to vector<16xi32>
          %add3A_848 = arith.addi %iota3A, %add3A_847 : vector<16xi32>
          %gather3A_849 = tpu.vector_load_idx %arg9[%min3A_725, %add3A_848] : memref<256x256xf32, #tpu.memory_space<vmem>>[vector<16xi32>, vector<16xi32>], vector<16xf32>,
          %get3A_850 = arith.index_cast %while3A_722 : i32 to index
          %get3A_851 = arith.constant 240 : index
          %get3A_852 = tpu.vector_load %arg7[%get3A_850, %get3A_851] {strides = array<i32>} : memref<80x256xf32, #tpu.memory_space<vmem>>, vector<16xf32>,
          %max3A_853 = arith.maximumf %gather3A_849, %get3A_852 : vector<16xf32>
          %add3A_854 = arith.constant 1 : i32
          %add3A_855 = arith.addi %while3A_722, %add3A_854 : i32
          %while3A_856 = arith.subi %while3A_727#0, %add3A_855 : i32
          %while3A_857 = arith.addi %add3A_855, %while3A_856 : i32
          %while3A_858 = arith.constant 1 : i32
          %while3A_859 = arith.divsi %while3A_856, %while3A_858 : i32
          %while3A_860 = arith.muli %while3A_859, %while3A_858 : i32
          %while3A_861 = arith.addi %add3A_855, %while3A_860 : i32
          %while3A_862 = arith.constant 1 : i32
          %while3A_863:16 = scf.for %while3A_914 = %add3A_855 to %while3A_861 step %while3A_862 iter_args(%while3A_915 = %max3A, %while3A_916 = %max3A_741, %while3A_917 = %max3A_749, %while3A_918 = %max3A_757, %while3A_919 = %max3A_765, %while3A_920 = %max3A_773, %while3A_921 = %max3A_781, %while3A_922 = %max3A_789, %while3A_923 = %max3A_797, %while3A_924 = %max3A_805, %while3A_925 = %max3A_813, %while3A_926 = %max3A_821, %while3A_927 = %max3A_829, %while3A_928 = %max3A_837, %while3A_929 = %max3A_845, %while3A_930 = %max3A_853) -> (vector<16xf32>, vector<16xf32>, vector<16xf32>, vector<16xf32>, vector<16xf32>, vector<16xf32>, vector<16xf32>, vector<16xf32>, vector<16xf32>, vector<16xf32>, vector<16xf32>, vector<16xf32>, vector<16xf32>, vector<16xf32>, vector<16xf32>, vector<16xf32>)  : i32 {
            %get3A_931 = arith.index_cast %while3A_914 : i32 to index
            %get3A_932 = arith.constant 0 : index
            %get3A_933 = tpu.vector_load %arg7[%get3A_931, %get3A_932] {strides = array<i32>} : memref<80x256xf32, #tpu.memory_space<vmem>>, vector<16xf32>,
            %max3A_934 = arith.maximumf %while3A_915, %get3A_933 : vector<16xf32>
            %get3A_935 = arith.index_cast %while3A_914 : i32 to index
            %get3A_936 = arith.constant 16 : index
            %get3A_937 = tpu.vector_load %arg7[%get3A_935, %get3A_936] {strides = array<i32>} : memref<80x256xf32, #tpu.memory_space<vmem>>, vector<16xf32>,
            %max3A_938 = arith.maximumf %while3A_916, %get3A_937 : vector<16xf32>
            %get3A_939 = arith.index_cast %while3A_914 : i32 to index
            %get3A_940 = arith.constant 32 : index
            %get3A_941 = tpu.vector_load %arg7[%get3A_939, %get3A_940] {strides = array<i32>} : memref<80x256xf32, #tpu.memory_space<vmem>>, vector<16xf32>,
            %max3A_942 = arith.maximumf %while3A_917, %get3A_941 : vector<16xf32>
            %get3A_943 = arith.index_cast %while3A_914 : i32 to index
            %get3A_944 = arith.constant 48 : index
            %get3A_945 = tpu.vector_load %arg7[%get3A_943, %get3A_944] {strides = array<i32>} : memref<80x256xf32, #tpu.memory_space<vmem>>, vector<16xf32>,
            %max3A_946 = arith.maximumf %while3A_918, %get3A_945 : vector<16xf32>
            %get3A_947 = arith.index_cast %while3A_914 : i32 to index
            %get3A_948 = arith.constant 64 : index
            %get3A_949 = tpu.vector_load %arg7[%get3A_947, %get3A_948] {strides = array<i32>} : memref<80x256xf32, #tpu.memory_space<vmem>>, vector<16xf32>,
            %max3A_950 = arith.maximumf %while3A_919, %get3A_949 : vector<16xf32>
            %get3A_951 = arith.index_cast %while3A_914 : i32 to index
            %get3A_952 = arith.constant 80 : index
            %get3A_953 = tpu.vector_load %arg7[%get3A_951, %get3A_952] {strides = array<i32>} : memref<80x256xf32, #tpu.memory_space<vmem>>, vector<16xf32>,
            %max3A_954 = arith.maximumf %while3A_920, %get3A_953 : vector<16xf32>
            %get3A_955 = arith.index_cast %while3A_914 : i32 to index
            %get3A_956 = arith.constant 96 : index
            %get3A_957 = tpu.vector_load %arg7[%get3A_955, %get3A_956] {strides = array<i32>} : memref<80x256xf32, #tpu.memory_space<vmem>>, vector<16xf32>,
            %max3A_958 = arith.maximumf %while3A_921, %get3A_957 : vector<16xf32>
            %get3A_959 = arith.index_cast %while3A_914 : i32 to index
            %get3A_960 = arith.constant 112 : index
            %get3A_961 = tpu.vector_load %arg7[%get3A_959, %get3A_960] {strides = array<i32>} : memref<80x256xf32, #tpu.memory_space<vmem>>, vector<16xf32>,
            %max3A_962 = arith.maximumf %while3A_922, %get3A_961 : vector<16xf32>
            %get3A_963 = arith.index_cast %while3A_914 : i32 to index
            %get3A_964 = arith.constant 128 : index
            %get3A_965 = tpu.vector_load %arg7[%get3A_963, %get3A_964] {strides = array<i32>} : memref<80x256xf32, #tpu.memory_space<vmem>>, vector<16xf32>,
            %max3A_966 = arith.maximumf %while3A_923, %get3A_965 : vector<16xf32>
            %get3A_967 = arith.index_cast %while3A_914 : i32 to index
            %get3A_968 = arith.constant 144 : index
            %get3A_969 = tpu.vector_load %arg7[%get3A_967, %get3A_968] {strides = array<i32>} : memref<80x256xf32, #tpu.memory_space<vmem>>, vector<16xf32>,
            %max3A_970 = arith.maximumf %while3A_924, %get3A_969 : vector<16xf32>
            %get3A_971 = arith.index_cast %while3A_914 : i32 to index
            %get3A_972 = arith.constant 160 : index
            %get3A_973 = tpu.vector_load %arg7[%get3A_971, %get3A_972] {strides = array<i32>} : memref<80x256xf32, #tpu.memory_space<vmem>>, vector<16xf32>,
            %max3A_974 = arith.maximumf %while3A_925, %get3A_973 : vector<16xf32>
            %get3A_975 = arith.index_cast %while3A_914 : i32 to index
            %get3A_976 = arith.constant 176 : index
            %get3A_977 = tpu.vector_load %arg7[%get3A_975, %get3A_976] {strides = array<i32>} : memref<80x256xf32, #tpu.memory_space<vmem>>, vector<16xf32>,
            %max3A_978 = arith.maximumf %while3A_926, %get3A_977 : vector<16xf32>
            %get3A_979 = arith.index_cast %while3A_914 : i32 to index
            %get3A_980 = arith.constant 192 : index
            %get3A_981 = tpu.vector_load %arg7[%get3A_979, %get3A_980] {strides = array<i32>} : memref<80x256xf32, #tpu.memory_space<vmem>>, vector<16xf32>,
            %max3A_982 = arith.maximumf %while3A_927, %get3A_981 : vector<16xf32>
            %get3A_983 = arith.index_cast %while3A_914 : i32 to index
            %get3A_984 = arith.constant 208 : index
            %get3A_985 = tpu.vector_load %arg7[%get3A_983, %get3A_984] {strides = array<i32>} : memref<80x256xf32, #tpu.memory_space<vmem>>, vector<16xf32>,
            %max3A_986 = arith.maximumf %while3A_928, %get3A_985 : vector<16xf32>
            %get3A_987 = arith.index_cast %while3A_914 : i32 to index
            %get3A_988 = arith.constant 224 : index
            %get3A_989 = tpu.vector_load %arg7[%get3A_987, %get3A_988] {strides = array<i32>} : memref<80x256xf32, #tpu.memory_space<vmem>>, vector<16xf32>,
            %max3A_990 = arith.maximumf %while3A_929, %get3A_989 : vector<16xf32>
            %get3A_991 = arith.index_cast %while3A_914 : i32 to index
            %get3A_992 = arith.constant 240 : index
            %get3A_993 = tpu.vector_load %arg7[%get3A_991, %get3A_992] {strides = array<i32>} : memref<80x256xf32, #tpu.memory_space<vmem>>, vector<16xf32>,
            %max3A_994 = arith.maximumf %while3A_930, %get3A_993 : vector<16xf32>
            scf.yield %max3A_934, %max3A_938, %max3A_942, %max3A_946, %max3A_950, %max3A_954, %max3A_958, %max3A_962, %max3A_966, %max3A_970, %max3A_974, %max3A_978, %max3A_982, %max3A_986, %max3A_990, %max3A_994 : vector<16xf32>, vector<16xf32>, vector<16xf32>, vector<16xf32>, vector<16xf32>, vector<16xf32>, vector<16xf32>, vector<16xf32>, vector<16xf32>, vector<16xf32>, vector<16xf32>, vector<16xf32>, vector<16xf32>, vector<16xf32>, vector<16xf32>, vector<16xf32>
          }
          %while3A_864 = arith.constant 1 : i32
          %while3A_865:16 = scf.for %while3A_914 = %while3A_861 to %while3A_857 step %while3A_864 iter_args(%while3A_915 = %while3A_863#0, %while3A_916 = %while3A_863#1, %while3A_917 = %while3A_863#2, %while3A_918 = %while3A_863#3, %while3A_919 = %while3A_863#4, %while3A_920 = %while3A_863#5, %while3A_921 = %while3A_863#6, %while3A_922 = %while3A_863#7, %while3A_923 = %while3A_863#8, %while3A_924 = %while3A_863#9, %while3A_925 = %while3A_863#10, %while3A_926 = %while3A_863#11, %while3A_927 = %while3A_863#12, %while3A_928 = %while3A_863#13, %while3A_929 = %while3A_863#14, %while3A_930 = %while3A_863#15) -> (vector<16xf32>, vector<16xf32>, vector<16xf32>, vector<16xf32>, vector<16xf32>, vector<16xf32>, vector<16xf32>, vector<16xf32>, vector<16xf32>, vector<16xf32>, vector<16xf32>, vector<16xf32>, vector<16xf32>, vector<16xf32>, vector<16xf32>, vector<16xf32>)  : i32 {
            %get3A_931 = arith.index_cast %while3A_914 : i32 to index
            %get3A_932 = arith.constant 0 : index
            %get3A_933 = tpu.vector_load %arg7[%get3A_931, %get3A_932] {strides = array<i32>} : memref<80x256xf32, #tpu.memory_space<vmem>>, vector<16xf32>,
            %max3A_934 = arith.maximumf %while3A_915, %get3A_933 : vector<16xf32>
            %get3A_935 = arith.index_cast %while3A_914 : i32 to index
            %get3A_936 = arith.constant 16 : index
            %get3A_937 = tpu.vector_load %arg7[%get3A_935, %get3A_936] {strides = array<i32>} : memref<80x256xf32, #tpu.memory_space<vmem>>, vector<16xf32>,
            %max3A_938 = arith.maximumf %while3A_916, %get3A_937 : vector<16xf32>
            %get3A_939 = arith.index_cast %while3A_914 : i32 to index
            %get3A_940 = arith.constant 32 : index
            %get3A_941 = tpu.vector_load %arg7[%get3A_939, %get3A_940] {strides = array<i32>} : memref<80x256xf32, #tpu.memory_space<vmem>>, vector<16xf32>,
            %max3A_942 = arith.maximumf %while3A_917, %get3A_941 : vector<16xf32>
            %get3A_943 = arith.index_cast %while3A_914 : i32 to index
            %get3A_944 = arith.constant 48 : index
            %get3A_945 = tpu.vector_load %arg7[%get3A_943, %get3A_944] {strides = array<i32>} : memref<80x256xf32, #tpu.memory_space<vmem>>, vector<16xf32>,
            %max3A_946 = arith.maximumf %while3A_918, %get3A_945 : vector<16xf32>
            %get3A_947 = arith.index_cast %while3A_914 : i32 to index
            %get3A_948 = arith.constant 64 : index
            %get3A_949 = tpu.vector_load %arg7[%get3A_947, %get3A_948] {strides = array<i32>} : memref<80x256xf32, #tpu.memory_space<vmem>>, vector<16xf32>,
            %max3A_950 = arith.maximumf %while3A_919, %get3A_949 : vector<16xf32>
            %get3A_951 = arith.index_cast %while3A_914 : i32 to index
            %get3A_952 = arith.constant 80 : index
            %get3A_953 = tpu.vector_load %arg7[%get3A_951, %get3A_952] {strides = array<i32>} : memref<80x256xf32, #tpu.memory_space<vmem>>, vector<16xf32>,
            %max3A_954 = arith.maximumf %while3A_920, %get3A_953 : vector<16xf32>
            %get3A_955 = arith.index_cast %while3A_914 : i32 to index
            %get3A_956 = arith.constant 96 : index
            %get3A_957 = tpu.vector_load %arg7[%get3A_955, %get3A_956] {strides = array<i32>} : memref<80x256xf32, #tpu.memory_space<vmem>>, vector<16xf32>,
            %max3A_958 = arith.maximumf %while3A_921, %get3A_957 : vector<16xf32>
            %get3A_959 = arith.index_cast %while3A_914 : i32 to index
            %get3A_960 = arith.constant 112 : index
            %get3A_961 = tpu.vector_load %arg7[%get3A_959, %get3A_960] {strides = array<i32>} : memref<80x256xf32, #tpu.memory_space<vmem>>, vector<16xf32>,
            %max3A_962 = arith.maximumf %while3A_922, %get3A_961 : vector<16xf32>
            %get3A_963 = arith.index_cast %while3A_914 : i32 to index
            %get3A_964 = arith.constant 128 : index
            %get3A_965 = tpu.vector_load %arg7[%get3A_963, %get3A_964] {strides = array<i32>} : memref<80x256xf32, #tpu.memory_space<vmem>>, vector<16xf32>,
            %max3A_966 = arith.maximumf %while3A_923, %get3A_965 : vector<16xf32>
            %get3A_967 = arith.index_cast %while3A_914 : i32 to index
            %get3A_968 = arith.constant 144 : index
            %get3A_969 = tpu.vector_load %arg7[%get3A_967, %get3A_968] {strides = array<i32>} : memref<80x256xf32, #tpu.memory_space<vmem>>, vector<16xf32>,
            %max3A_970 = arith.maximumf %while3A_924, %get3A_969 : vector<16xf32>
            %get3A_971 = arith.index_cast %while3A_914 : i32 to index
            %get3A_972 = arith.constant 160 : index
            %get3A_973 = tpu.vector_load %arg7[%get3A_971, %get3A_972] {strides = array<i32>} : memref<80x256xf32, #tpu.memory_space<vmem>>, vector<16xf32>,
            %max3A_974 = arith.maximumf %while3A_925, %get3A_973 : vector<16xf32>
            %get3A_975 = arith.index_cast %while3A_914 : i32 to index
            %get3A_976 = arith.constant 176 : index
            %get3A_977 = tpu.vector_load %arg7[%get3A_975, %get3A_976] {strides = array<i32>} : memref<80x256xf32, #tpu.memory_space<vmem>>, vector<16xf32>,
            %max3A_978 = arith.maximumf %while3A_926, %get3A_977 : vector<16xf32>
            %get3A_979 = arith.index_cast %while3A_914 : i32 to index
            %get3A_980 = arith.constant 192 : index
            %get3A_981 = tpu.vector_load %arg7[%get3A_979, %get3A_980] {strides = array<i32>} : memref<80x256xf32, #tpu.memory_space<vmem>>, vector<16xf32>,
            %max3A_982 = arith.maximumf %while3A_927, %get3A_981 : vector<16xf32>
            %get3A_983 = arith.index_cast %while3A_914 : i32 to index
            %get3A_984 = arith.constant 208 : index
            %get3A_985 = tpu.vector_load %arg7[%get3A_983, %get3A_984] {strides = array<i32>} : memref<80x256xf32, #tpu.memory_space<vmem>>, vector<16xf32>,
            %max3A_986 = arith.maximumf %while3A_928, %get3A_985 : vector<16xf32>
            %get3A_987 = arith.index_cast %while3A_914 : i32 to index
            %get3A_988 = arith.constant 224 : index
            %get3A_989 = tpu.vector_load %arg7[%get3A_987, %get3A_988] {strides = array<i32>} : memref<80x256xf32, #tpu.memory_space<vmem>>, vector<16xf32>,
            %max3A_990 = arith.maximumf %while3A_929, %get3A_989 : vector<16xf32>
            %get3A_991 = arith.index_cast %while3A_914 : i32 to index
            %get3A_992 = arith.constant 240 : index
            %get3A_993 = tpu.vector_load %arg7[%get3A_991, %get3A_992] {strides = array<i32>} : memref<80x256xf32, #tpu.memory_space<vmem>>, vector<16xf32>,
            %max3A_994 = arith.maximumf %while3A_930, %get3A_993 : vector<16xf32>
            scf.yield %max3A_934, %max3A_938, %max3A_942, %max3A_946, %max3A_950, %max3A_954, %max3A_958, %max3A_962, %max3A_966, %max3A_970, %max3A_974, %max3A_978, %max3A_982, %max3A_986, %max3A_990, %max3A_994 : vector<16xf32>, vector<16xf32>, vector<16xf32>, vector<16xf32>, vector<16xf32>, vector<16xf32>, vector<16xf32>, vector<16xf32>, vector<16xf32>, vector<16xf32>, vector<16xf32>, vector<16xf32>, vector<16xf32>, vector<16xf32>, vector<16xf32>, vector<16xf32>
          }
          %add3A_866 = arith.constant 0 : i32
          %add3A_867 = vector.broadcast %add3A_866 : i32 to vector<16xi32>
          %add3A_868 = arith.addi %iota3A, %add3A_867 : vector<16xi32>
          tpu.vector_store_idx %arg9[%min3A_725, %add3A_868], %while3A_865#0 : memref<256x256xf32, #tpu.memory_space<vmem>>[vector<16xi32>, vector<16xi32>], vector<16xf32>,
          %add3A_869 = arith.constant 16 : i32
          %add3A_870 = vector.broadcast %add3A_869 : i32 to vector<16xi32>
          %add3A_871 = arith.addi %iota3A, %add3A_870 : vector<16xi32>
          tpu.vector_store_idx %arg9[%min3A_725, %add3A_871], %while3A_865#1 : memref<256x256xf32, #tpu.memory_space<vmem>>[vector<16xi32>, vector<16xi32>], vector<16xf32>,
          %add3A_872 = arith.constant 32 : i32
          %add3A_873 = vector.broadcast %add3A_872 : i32 to vector<16xi32>
          %add3A_874 = arith.addi %iota3A, %add3A_873 : vector<16xi32>
          tpu.vector_store_idx %arg9[%min3A_725, %add3A_874], %while3A_865#2 : memref<256x256xf32, #tpu.memory_space<vmem>>[vector<16xi32>, vector<16xi32>], vector<16xf32>,
          %add3A_875 = arith.constant 48 : i32
          %add3A_876 = vector.broadcast %add3A_875 : i32 to vector<16xi32>
          %add3A_877 = arith.addi %iota3A, %add3A_876 : vector<16xi32>
          tpu.vector_store_idx %arg9[%min3A_725, %add3A_877], %while3A_865#3 : memref<256x256xf32, #tpu.memory_space<vmem>>[vector<16xi32>, vector<16xi32>], vector<16xf32>,
          %add3A_878 = arith.constant 64 : i32
          %add3A_879 = vector.broadcast %add3A_878 : i32 to vector<16xi32>
          %add3A_880 = arith.addi %iota3A, %add3A_879 : vector<16xi32>
          tpu.vector_store_idx %arg9[%min3A_725, %add3A_880], %while3A_865#4 : memref<256x256xf32, #tpu.memory_space<vmem>>[vector<16xi32>, vector<16xi32>], vector<16xf32>,
          %add3A_881 = arith.constant 80 : i32
          %add3A_882 = vector.broadcast %add3A_881 : i32 to vector<16xi32>
          %add3A_883 = arith.addi %iota3A, %add3A_882 : vector<16xi32>
          tpu.vector_store_idx %arg9[%min3A_725, %add3A_883], %while3A_865#5 : memref<256x256xf32, #tpu.memory_space<vmem>>[vector<16xi32>, vector<16xi32>], vector<16xf32>,
          %add3A_884 = arith.constant 96 : i32
          %add3A_885 = vector.broadcast %add3A_884 : i32 to vector<16xi32>
          %add3A_886 = arith.addi %iota3A, %add3A_885 : vector<16xi32>
          tpu.vector_store_idx %arg9[%min3A_725, %add3A_886], %while3A_865#6 : memref<256x256xf32, #tpu.memory_space<vmem>>[vector<16xi32>, vector<16xi32>], vector<16xf32>,
          %add3A_887 = arith.constant 112 : i32
          %add3A_888 = vector.broadcast %add3A_887 : i32 to vector<16xi32>
          %add3A_889 = arith.addi %iota3A, %add3A_888 : vector<16xi32>
          tpu.vector_store_idx %arg9[%min3A_725, %add3A_889], %while3A_865#7 : memref<256x256xf32, #tpu.memory_space<vmem>>[vector<16xi32>, vector<16xi32>], vector<16xf32>,
          %add3A_890 = arith.constant 128 : i32
          %add3A_891 = vector.broadcast %add3A_890 : i32 to vector<16xi32>
          %add3A_892 = arith.addi %iota3A, %add3A_891 : vector<16xi32>
          tpu.vector_store_idx %arg9[%min3A_725, %add3A_892], %while3A_865#8 : memref<256x256xf32, #tpu.memory_space<vmem>>[vector<16xi32>, vector<16xi32>], vector<16xf32>,
          %add3A_893 = arith.constant 144 : i32
          %add3A_894 = vector.broadcast %add3A_893 : i32 to vector<16xi32>
          %add3A_895 = arith.addi %iota3A, %add3A_894 : vector<16xi32>
          tpu.vector_store_idx %arg9[%min3A_725, %add3A_895], %while3A_865#9 : memref<256x256xf32, #tpu.memory_space<vmem>>[vector<16xi32>, vector<16xi32>], vector<16xf32>,
          %add3A_896 = arith.constant 160 : i32
          %add3A_897 = vector.broadcast %add3A_896 : i32 to vector<16xi32>
          %add3A_898 = arith.addi %iota3A, %add3A_897 : vector<16xi32>
          tpu.vector_store_idx %arg9[%min3A_725, %add3A_898], %while3A_865#10 : memref<256x256xf32, #tpu.memory_space<vmem>>[vector<16xi32>, vector<16xi32>], vector<16xf32>,
          %add3A_899 = arith.constant 176 : i32
          %add3A_900 = vector.broadcast %add3A_899 : i32 to vector<16xi32>
          %add3A_901 = arith.addi %iota3A, %add3A_900 : vector<16xi32>
          tpu.vector_store_idx %arg9[%min3A_725, %add3A_901], %while3A_865#11 : memref<256x256xf32, #tpu.memory_space<vmem>>[vector<16xi32>, vector<16xi32>], vector<16xf32>,
          %add3A_902 = arith.constant 192 : i32
          %add3A_903 = vector.broadcast %add3A_902 : i32 to vector<16xi32>
          %add3A_904 = arith.addi %iota3A, %add3A_903 : vector<16xi32>
          tpu.vector_store_idx %arg9[%min3A_725, %add3A_904], %while3A_865#12 : memref<256x256xf32, #tpu.memory_space<vmem>>[vector<16xi32>, vector<16xi32>], vector<16xf32>,
          %add3A_905 = arith.constant 208 : i32
          %add3A_906 = vector.broadcast %add3A_905 : i32 to vector<16xi32>
          %add3A_907 = arith.addi %iota3A, %add3A_906 : vector<16xi32>
          tpu.vector_store_idx %arg9[%min3A_725, %add3A_907], %while3A_865#13 : memref<256x256xf32, #tpu.memory_space<vmem>>[vector<16xi32>, vector<16xi32>], vector<16xf32>,
          %add3A_908 = arith.constant 224 : i32
          %add3A_909 = vector.broadcast %add3A_908 : i32 to vector<16xi32>
          %add3A_910 = arith.addi %iota3A, %add3A_909 : vector<16xi32>
          tpu.vector_store_idx %arg9[%min3A_725, %add3A_910], %while3A_865#14 : memref<256x256xf32, #tpu.memory_space<vmem>>[vector<16xi32>, vector<16xi32>], vector<16xf32>,
          %add3A_911 = arith.constant 240 : i32
          %add3A_912 = vector.broadcast %add3A_911 : i32 to vector<16xi32>
          %add3A_913 = arith.addi %iota3A, %add3A_912 : vector<16xi32>
          tpu.vector_store_idx %arg9[%min3A_725, %add3A_913], %while3A_865#15 : memref<256x256xf32, #tpu.memory_space<vmem>>[vector<16xi32>, vector<16xi32>], vector<16xf32>,
          scf.yield %while3A_727#0 : i32
        }
        %add3A_716 = arith.constant 3 : i32
        %add3A_717 = arith.addi %add3A_685, %add3A_716 : i32
        %lt3A_718 = arith.cmpi slt, %add3A_717, %select_n3A : i32
        %convert_element_type3A_719 = arith.extui %lt3A_718 : i1 to i32
        %cond3A_720 = arith.constant 0 : i32
        %cond3A_721 = arith.cmpi ne, %convert_element_type3A_719, %cond3A_720 : i32
        scf.if %cond3A_721 {
          %add3A_722 = arith.constant 3 : i32
          %add3A_723 = arith.addi %add3A_685, %add3A_722 : i32
          %mul3A_724 = arith.constant 32 : i32
          %mul3A_725 = arith.muli %mul3A_724, %add3A_723 : i32
          %add3A_726 = arith.addi %add3A, %mul3A_725 : i32
          %mul3A_727 = arith.constant 80 : i32
          %mul3A_728 = arith.muli %add3A_726, %mul3A_727 : i32
          %dma_start3A_729 = arith.constant 0 : i32
          %dma_start3A_730 = tpu.memref_slice %arg2[%mul3A_728, %dma_start3A_729] : memref<50000x256xf32, #tpu.memory_space<hbm>> -> memref<80x256xf32, #tpu.memory_space<hbm>>
          %dma_start3A_731 = arith.constant 0 : i32
          %dma_start3A_732 = tpu.memref_slice %arg2[%mul3A_728, %dma_start3A_731] : memref<50000x256xf32, #tpu.memory_space<hbm>> -> memref<80x256xf32, #tpu.memory_space<hbm>>
          tpu.enqueue_dma source(%dma_start3A_732 : memref<80x256xf32, #tpu.memory_space<hbm>>) target(%arg7 : memref<80x256xf32, #tpu.memory_space<vmem>>) target_semaphore(%arg14 : memref<!tpu.dma_semaphore, #tpu.memory_space<semaphore_mem>>)
          %mul3A_733 = arith.constant 80 : i32
          %mul3A_734 = arith.muli %add3A_726, %mul3A_733 : i32
          %dma_start3A_735 = arith.constant 0 : i32
          %dma_start3A_736 = tpu.memref_slice %arg11[%dma_start3A_735] : memref<128xi32, #tpu.memory_space<vmem>> -> memref<80xi32, #tpu.memory_space<vmem>>
          %dma_start3A_737 = tpu.memref_slice %arg3[%mul3A_734] : memref<50000xi32, #tpu.memory_space<hbm>> -> memref<80xi32, #tpu.memory_space<hbm>>
          %dma_start3A_738 = arith.constant 0 : i32
          %dma_start3A_739 = tpu.memref_slice %arg11[%dma_start3A_738] : memref<128xi32, #tpu.memory_space<vmem>> -> memref<80xi32, #tpu.memory_space<vmem>>
          %dma_start3A_740 = tpu.memref_slice %arg3[%mul3A_734] : memref<50000xi32, #tpu.memory_space<hbm>> -> memref<80xi32, #tpu.memory_space<hbm>>
          tpu.enqueue_dma source(%dma_start3A_740 : memref<80xi32, #tpu.memory_space<hbm>>) target(%dma_start3A_739 : memref<80xi32, #tpu.memory_space<vmem>>) target_semaphore(%arg17 : memref<!tpu.dma_semaphore, #tpu.memory_space<semaphore_mem>>)
        } else {
        }
      } else {
      }
      %mul3A_690 = arith.constant 3 : i32
      %mul3A_691 = arith.muli %mul3A_690, %scan3A_673 : i32
      %add3A_692 = arith.constant 2 : i32
      %add3A_693 = arith.addi %mul3A_691, %add3A_692 : i32
      %lt3A_694 = arith.cmpi slt, %add3A_693, %select_n3A : i32
      %convert_element_type3A_695 = arith.extui %lt3A_694 : i1 to i32
      %cond3A_696 = arith.constant 0 : i32
      %cond3A_697 = arith.cmpi ne, %convert_element_type3A_695, %cond3A_696 : i32
      scf.if %cond3A_697 {
        %mul3A_698 = arith.constant 32 : i32
        %mul3A_699 = arith.muli %mul3A_698, %add3A_693 : i32
        %add3A_700 = arith.addi %add3A, %mul3A_699 : i32
        %mul3A_701 = arith.constant 80 : i32
        %mul3A_702 = arith.muli %add3A_700, %mul3A_701 : i32
        %dma_wait3A_703 = arith.constant 0 : i32
        %dma_wait3A_704 = tpu.memref_slice %arg2[%mul3A_702, %dma_wait3A_703] : memref<50000x256xf32, #tpu.memory_space<hbm>> -> memref<80x256xf32, #tpu.memory_space<hbm>>
        %dma_wait3A_705 = arith.constant 0 : i32
        %dma_wait3A_706 = tpu.memref_slice %arg2[%mul3A_702, %dma_wait3A_705] : memref<50000x256xf32, #tpu.memory_space<hbm>> -> memref<80x256xf32, #tpu.memory_space<hbm>>
        tpu.wait_dma2 semaphore(%arg15 : memref<!tpu.dma_semaphore, #tpu.memory_space<semaphore_mem>>) src(%dma_wait3A_706 : memref<80x256xf32, #tpu.memory_space<hbm>>) dst(%arg8 : memref<80x256xf32, #tpu.memory_space<vmem>>)
        %mul3A_707 = arith.constant 80 : i32
        %mul3A_708 = arith.muli %add3A_700, %mul3A_707 : i32
        %dma_wait3A_709 = arith.constant 0 : i32
        %dma_wait3A_710 = tpu.memref_slice %arg12[%dma_wait3A_709] : memref<128xi32, #tpu.memory_space<vmem>> -> memref<80xi32, #tpu.memory_space<vmem>>
        %dma_wait3A_711 = tpu.memref_slice %arg3[%mul3A_708] : memref<50000xi32, #tpu.memory_space<hbm>> -> memref<80xi32, #tpu.memory_space<hbm>>
        %dma_wait3A_712 = arith.constant 0 : i32
        %dma_wait3A_713 = tpu.memref_slice %arg12[%dma_wait3A_712] : memref<128xi32, #tpu.memory_space<vmem>> -> memref<80xi32, #tpu.memory_space<vmem>>
        %dma_wait3A_714 = tpu.memref_slice %arg3[%mul3A_708] : memref<50000xi32, #tpu.memory_space<hbm>> -> memref<80xi32, #tpu.memory_space<hbm>>
        tpu.wait_dma2 semaphore(%arg18 : memref<!tpu.dma_semaphore, #tpu.memory_space<semaphore_mem>>) src(%dma_wait3A_714 : memref<80xi32, #tpu.memory_space<hbm>>) dst(%dma_wait3A_713 : memref<80xi32, #tpu.memory_space<vmem>>)
        %while3A = arith.constant 0 : i32
        %while3A_715 = scf.while (%while3A_722 = %while3A) : (i32) -> i32 {
          %lt3A_723 = arith.constant 80 : i32
          %lt3A_724 = arith.cmpi slt, %while3A_722, %lt3A_723 : i32
          scf.condition(%lt3A_724) %while3A_722 : i32
        } do {
        ^bb0(%while3A_722: i32):
          %broadcast_in_dim3A_723 = vector.broadcast %while3A_722 : i32 to vector<16xi32>
          %gather3A = tpu.vector_load_idx %arg12[%broadcast_in_dim3A_723] : memref<128xi32, #tpu.memory_space<vmem>>[vector<16xi32>], vector<16xi32>,
          %min3A = arith.constant 255 : i32
          %min3A_724 = vector.broadcast %min3A : i32 to vector<16xi32>
          %min3A_725 = arith.minsi %gather3A, %min3A_724 : vector<16xi32>
          %while3A_726 = arith.constant 16 : i32
          %while3A_727:2 = scf.while (%while3A_914 = %while3A_722, %while3A_915 = %while3A_726) : (i32, i32) -> (i32, i32) {
            %eq3A = arith.constant 16 : i32
            %eq3A_916 = arith.cmpi eq, %while3A_915, %eq3A : i32
            %lt3A_917 = arith.constant 80 : i32
            %lt3A_918 = arith.cmpi slt, %while3A_914, %lt3A_917 : i32
            %and3A = arith.andi %eq3A_916, %lt3A_918 : i1
            scf.condition(%and3A) %while3A_914, %while3A_915 : i32, i32
          } do {
          ^bb0(%while3A_914: i32, %while3A_915: i32):
            %get3A_916 = arith.index_cast %while3A_914 : i32 to index
            %get3A_917 = tpu.vector_load %arg12[%get3A_916] {strides = array<i32>} : memref<128xi32, #tpu.memory_space<vmem>>, vector<16xi32>,
            %eq3A = arith.cmpi eq, %get3A_917, %gather3A : vector<16xi32>
            %add3A_918 = arith.constant 1 : i32
            %add3A_919 = vector.broadcast %add3A_918 : i32 to vector<16xi32>
            %add3A_920 = arith.addi %iota3A, %add3A_919 : vector<16xi32>
            %jit3A_921 = arith.constant 0 : i32
            %broadcast_in_dim3A_922 = vector.broadcast %jit3A_921 : i32 to vector<16xi32>
            %select_n3A_923 = arith.select %eq3A, %add3A_920, %broadcast_in_dim3A_922 : vector<16xi1>, vector<16xi32>
            %reduce_max3A = arith.constant true
            %reduce_max3A_924 = vector.broadcast %reduce_max3A : i1 to vector<16xi1>
            %reduce_max3A_925 = arith.constant -2147483648 : i32
            %reduce_max3A_926 = vector.broadcast %reduce_max3A_925 : i32 to vector<16xi32>
            %reduce_max3A_927 = arith.xori %select_n3A_923, %reduce_max3A_926 : vector<16xi32>
            %reduce_max3A_928 = tpu.scan <max>, %reduce_max3A_927 masked %reduce_max3A_924 : vector<16xi32>, vector<16xi1> -> vector<16xi32>
            %reduce_max3A_929 = arith.xori %reduce_max3A_928, %reduce_max3A_926 : vector<16xi32>
            %reduce_max3A_930 = vector.extract %reduce_max3A_929[15] : i32 from vector<16xi32>
            %add3A_931 = arith.addi %while3A_914, %reduce_max3A_930 : i32
            %min3A_932 = arith.constant 80 : i32
            %min3A_933 = arith.minsi %add3A_931, %min3A_932 : i32
            scf.yield %min3A_933, %reduce_max3A_930 : i32, i32
          }
          %add3A_728 = arith.constant 0 : i32
          %add3A_729 = vector.broadcast %add3A_728 : i32 to vector<16xi32>
          %add3A_730 = arith.addi %iota3A, %add3A_729 : vector<16xi32>
          %gather3A_731 = tpu.vector_load_idx %arg9[%min3A_725, %add3A_730] : memref<256x256xf32, #tpu.memory_space<vmem>>[vector<16xi32>, vector<16xi32>], vector<16xf32>,
          %get3A = arith.index_cast %while3A_722 : i32 to index
          %get3A_732 = arith.constant 0 : index
          %get3A_733 = tpu.vector_load %arg8[%get3A, %get3A_732] {strides = array<i32>} : memref<80x256xf32, #tpu.memory_space<vmem>>, vector<16xf32>,
          %max3A = arith.maximumf %gather3A_731, %get3A_733 : vector<16xf32>
          %add3A_734 = arith.constant 16 : i32
          %add3A_735 = vector.broadcast %add3A_734 : i32 to vector<16xi32>
          %add3A_736 = arith.addi %iota3A, %add3A_735 : vector<16xi32>
          %gather3A_737 = tpu.vector_load_idx %arg9[%min3A_725, %add3A_736] : memref<256x256xf32, #tpu.memory_space<vmem>>[vector<16xi32>, vector<16xi32>], vector<16xf32>,
          %get3A_738 = arith.index_cast %while3A_722 : i32 to index
          %get3A_739 = arith.constant 16 : index
          %get3A_740 = tpu.vector_load %arg8[%get3A_738, %get3A_739] {strides = array<i32>} : memref<80x256xf32, #tpu.memory_space<vmem>>, vector<16xf32>,
          %max3A_741 = arith.maximumf %gather3A_737, %get3A_740 : vector<16xf32>
          %add3A_742 = arith.constant 32 : i32
          %add3A_743 = vector.broadcast %add3A_742 : i32 to vector<16xi32>
          %add3A_744 = arith.addi %iota3A, %add3A_743 : vector<16xi32>
          %gather3A_745 = tpu.vector_load_idx %arg9[%min3A_725, %add3A_744] : memref<256x256xf32, #tpu.memory_space<vmem>>[vector<16xi32>, vector<16xi32>], vector<16xf32>,
          %get3A_746 = arith.index_cast %while3A_722 : i32 to index
          %get3A_747 = arith.constant 32 : index
          %get3A_748 = tpu.vector_load %arg8[%get3A_746, %get3A_747] {strides = array<i32>} : memref<80x256xf32, #tpu.memory_space<vmem>>, vector<16xf32>,
          %max3A_749 = arith.maximumf %gather3A_745, %get3A_748 : vector<16xf32>
          %add3A_750 = arith.constant 48 : i32
          %add3A_751 = vector.broadcast %add3A_750 : i32 to vector<16xi32>
          %add3A_752 = arith.addi %iota3A, %add3A_751 : vector<16xi32>
          %gather3A_753 = tpu.vector_load_idx %arg9[%min3A_725, %add3A_752] : memref<256x256xf32, #tpu.memory_space<vmem>>[vector<16xi32>, vector<16xi32>], vector<16xf32>,
          %get3A_754 = arith.index_cast %while3A_722 : i32 to index
          %get3A_755 = arith.constant 48 : index
          %get3A_756 = tpu.vector_load %arg8[%get3A_754, %get3A_755] {strides = array<i32>} : memref<80x256xf32, #tpu.memory_space<vmem>>, vector<16xf32>,
          %max3A_757 = arith.maximumf %gather3A_753, %get3A_756 : vector<16xf32>
          %add3A_758 = arith.constant 64 : i32
          %add3A_759 = vector.broadcast %add3A_758 : i32 to vector<16xi32>
          %add3A_760 = arith.addi %iota3A, %add3A_759 : vector<16xi32>
          %gather3A_761 = tpu.vector_load_idx %arg9[%min3A_725, %add3A_760] : memref<256x256xf32, #tpu.memory_space<vmem>>[vector<16xi32>, vector<16xi32>], vector<16xf32>,
          %get3A_762 = arith.index_cast %while3A_722 : i32 to index
          %get3A_763 = arith.constant 64 : index
          %get3A_764 = tpu.vector_load %arg8[%get3A_762, %get3A_763] {strides = array<i32>} : memref<80x256xf32, #tpu.memory_space<vmem>>, vector<16xf32>,
          %max3A_765 = arith.maximumf %gather3A_761, %get3A_764 : vector<16xf32>
          %add3A_766 = arith.constant 80 : i32
          %add3A_767 = vector.broadcast %add3A_766 : i32 to vector<16xi32>
          %add3A_768 = arith.addi %iota3A, %add3A_767 : vector<16xi32>
          %gather3A_769 = tpu.vector_load_idx %arg9[%min3A_725, %add3A_768] : memref<256x256xf32, #tpu.memory_space<vmem>>[vector<16xi32>, vector<16xi32>], vector<16xf32>,
          %get3A_770 = arith.index_cast %while3A_722 : i32 to index
          %get3A_771 = arith.constant 80 : index
          %get3A_772 = tpu.vector_load %arg8[%get3A_770, %get3A_771] {strides = array<i32>} : memref<80x256xf32, #tpu.memory_space<vmem>>, vector<16xf32>,
          %max3A_773 = arith.maximumf %gather3A_769, %get3A_772 : vector<16xf32>
          %add3A_774 = arith.constant 96 : i32
          %add3A_775 = vector.broadcast %add3A_774 : i32 to vector<16xi32>
          %add3A_776 = arith.addi %iota3A, %add3A_775 : vector<16xi32>
          %gather3A_777 = tpu.vector_load_idx %arg9[%min3A_725, %add3A_776] : memref<256x256xf32, #tpu.memory_space<vmem>>[vector<16xi32>, vector<16xi32>], vector<16xf32>,
          %get3A_778 = arith.index_cast %while3A_722 : i32 to index
          %get3A_779 = arith.constant 96 : index
          %get3A_780 = tpu.vector_load %arg8[%get3A_778, %get3A_779] {strides = array<i32>} : memref<80x256xf32, #tpu.memory_space<vmem>>, vector<16xf32>,
          %max3A_781 = arith.maximumf %gather3A_777, %get3A_780 : vector<16xf32>
          %add3A_782 = arith.constant 112 : i32
          %add3A_783 = vector.broadcast %add3A_782 : i32 to vector<16xi32>
          %add3A_784 = arith.addi %iota3A, %add3A_783 : vector<16xi32>
          %gather3A_785 = tpu.vector_load_idx %arg9[%min3A_725, %add3A_784] : memref<256x256xf32, #tpu.memory_space<vmem>>[vector<16xi32>, vector<16xi32>], vector<16xf32>,
          %get3A_786 = arith.index_cast %while3A_722 : i32 to index
          %get3A_787 = arith.constant 112 : index
          %get3A_788 = tpu.vector_load %arg8[%get3A_786, %get3A_787] {strides = array<i32>} : memref<80x256xf32, #tpu.memory_space<vmem>>, vector<16xf32>,
          %max3A_789 = arith.maximumf %gather3A_785, %get3A_788 : vector<16xf32>
          %add3A_790 = arith.constant 128 : i32
          %add3A_791 = vector.broadcast %add3A_790 : i32 to vector<16xi32>
          %add3A_792 = arith.addi %iota3A, %add3A_791 : vector<16xi32>
          %gather3A_793 = tpu.vector_load_idx %arg9[%min3A_725, %add3A_792] : memref<256x256xf32, #tpu.memory_space<vmem>>[vector<16xi32>, vector<16xi32>], vector<16xf32>,
          %get3A_794 = arith.index_cast %while3A_722 : i32 to index
          %get3A_795 = arith.constant 128 : index
          %get3A_796 = tpu.vector_load %arg8[%get3A_794, %get3A_795] {strides = array<i32>} : memref<80x256xf32, #tpu.memory_space<vmem>>, vector<16xf32>,
          %max3A_797 = arith.maximumf %gather3A_793, %get3A_796 : vector<16xf32>
          %add3A_798 = arith.constant 144 : i32
          %add3A_799 = vector.broadcast %add3A_798 : i32 to vector<16xi32>
          %add3A_800 = arith.addi %iota3A, %add3A_799 : vector<16xi32>
          %gather3A_801 = tpu.vector_load_idx %arg9[%min3A_725, %add3A_800] : memref<256x256xf32, #tpu.memory_space<vmem>>[vector<16xi32>, vector<16xi32>], vector<16xf32>,
          %get3A_802 = arith.index_cast %while3A_722 : i32 to index
          %get3A_803 = arith.constant 144 : index
          %get3A_804 = tpu.vector_load %arg8[%get3A_802, %get3A_803] {strides = array<i32>} : memref<80x256xf32, #tpu.memory_space<vmem>>, vector<16xf32>,
          %max3A_805 = arith.maximumf %gather3A_801, %get3A_804 : vector<16xf32>
          %add3A_806 = arith.constant 160 : i32
          %add3A_807 = vector.broadcast %add3A_806 : i32 to vector<16xi32>
          %add3A_808 = arith.addi %iota3A, %add3A_807 : vector<16xi32>
          %gather3A_809 = tpu.vector_load_idx %arg9[%min3A_725, %add3A_808] : memref<256x256xf32, #tpu.memory_space<vmem>>[vector<16xi32>, vector<16xi32>], vector<16xf32>,
          %get3A_810 = arith.index_cast %while3A_722 : i32 to index
          %get3A_811 = arith.constant 160 : index
          %get3A_812 = tpu.vector_load %arg8[%get3A_810, %get3A_811] {strides = array<i32>} : memref<80x256xf32, #tpu.memory_space<vmem>>, vector<16xf32>,
          %max3A_813 = arith.maximumf %gather3A_809, %get3A_812 : vector<16xf32>
          %add3A_814 = arith.constant 176 : i32
          %add3A_815 = vector.broadcast %add3A_814 : i32 to vector<16xi32>
          %add3A_816 = arith.addi %iota3A, %add3A_815 : vector<16xi32>
          %gather3A_817 = tpu.vector_load_idx %arg9[%min3A_725, %add3A_816] : memref<256x256xf32, #tpu.memory_space<vmem>>[vector<16xi32>, vector<16xi32>], vector<16xf32>,
          %get3A_818 = arith.index_cast %while3A_722 : i32 to index
          %get3A_819 = arith.constant 176 : index
          %get3A_820 = tpu.vector_load %arg8[%get3A_818, %get3A_819] {strides = array<i32>} : memref<80x256xf32, #tpu.memory_space<vmem>>, vector<16xf32>,
          %max3A_821 = arith.maximumf %gather3A_817, %get3A_820 : vector<16xf32>
          %add3A_822 = arith.constant 192 : i32
          %add3A_823 = vector.broadcast %add3A_822 : i32 to vector<16xi32>
          %add3A_824 = arith.addi %iota3A, %add3A_823 : vector<16xi32>
          %gather3A_825 = tpu.vector_load_idx %arg9[%min3A_725, %add3A_824] : memref<256x256xf32, #tpu.memory_space<vmem>>[vector<16xi32>, vector<16xi32>], vector<16xf32>,
          %get3A_826 = arith.index_cast %while3A_722 : i32 to index
          %get3A_827 = arith.constant 192 : index
          %get3A_828 = tpu.vector_load %arg8[%get3A_826, %get3A_827] {strides = array<i32>} : memref<80x256xf32, #tpu.memory_space<vmem>>, vector<16xf32>,
          %max3A_829 = arith.maximumf %gather3A_825, %get3A_828 : vector<16xf32>
          %add3A_830 = arith.constant 208 : i32
          %add3A_831 = vector.broadcast %add3A_830 : i32 to vector<16xi32>
          %add3A_832 = arith.addi %iota3A, %add3A_831 : vector<16xi32>
          %gather3A_833 = tpu.vector_load_idx %arg9[%min3A_725, %add3A_832] : memref<256x256xf32, #tpu.memory_space<vmem>>[vector<16xi32>, vector<16xi32>], vector<16xf32>,
          %get3A_834 = arith.index_cast %while3A_722 : i32 to index
          %get3A_835 = arith.constant 208 : index
          %get3A_836 = tpu.vector_load %arg8[%get3A_834, %get3A_835] {strides = array<i32>} : memref<80x256xf32, #tpu.memory_space<vmem>>, vector<16xf32>,
          %max3A_837 = arith.maximumf %gather3A_833, %get3A_836 : vector<16xf32>
          %add3A_838 = arith.constant 224 : i32
          %add3A_839 = vector.broadcast %add3A_838 : i32 to vector<16xi32>
          %add3A_840 = arith.addi %iota3A, %add3A_839 : vector<16xi32>
          %gather3A_841 = tpu.vector_load_idx %arg9[%min3A_725, %add3A_840] : memref<256x256xf32, #tpu.memory_space<vmem>>[vector<16xi32>, vector<16xi32>], vector<16xf32>,
          %get3A_842 = arith.index_cast %while3A_722 : i32 to index
          %get3A_843 = arith.constant 224 : index
          %get3A_844 = tpu.vector_load %arg8[%get3A_842, %get3A_843] {strides = array<i32>} : memref<80x256xf32, #tpu.memory_space<vmem>>, vector<16xf32>,
          %max3A_845 = arith.maximumf %gather3A_841, %get3A_844 : vector<16xf32>
          %add3A_846 = arith.constant 240 : i32
          %add3A_847 = vector.broadcast %add3A_846 : i32 to vector<16xi32>
          %add3A_848 = arith.addi %iota3A, %add3A_847 : vector<16xi32>
          %gather3A_849 = tpu.vector_load_idx %arg9[%min3A_725, %add3A_848] : memref<256x256xf32, #tpu.memory_space<vmem>>[vector<16xi32>, vector<16xi32>], vector<16xf32>,
          %get3A_850 = arith.index_cast %while3A_722 : i32 to index
          %get3A_851 = arith.constant 240 : index
          %get3A_852 = tpu.vector_load %arg8[%get3A_850, %get3A_851] {strides = array<i32>} : memref<80x256xf32, #tpu.memory_space<vmem>>, vector<16xf32>,
          %max3A_853 = arith.maximumf %gather3A_849, %get3A_852 : vector<16xf32>
          %add3A_854 = arith.constant 1 : i32
          %add3A_855 = arith.addi %while3A_722, %add3A_854 : i32
          %while3A_856 = arith.subi %while3A_727#0, %add3A_855 : i32
          %while3A_857 = arith.addi %add3A_855, %while3A_856 : i32
          %while3A_858 = arith.constant 1 : i32
          %while3A_859 = arith.divsi %while3A_856, %while3A_858 : i32
          %while3A_860 = arith.muli %while3A_859, %while3A_858 : i32
          %while3A_861 = arith.addi %add3A_855, %while3A_860 : i32
          %while3A_862 = arith.constant 1 : i32
          %while3A_863:16 = scf.for %while3A_914 = %add3A_855 to %while3A_861 step %while3A_862 iter_args(%while3A_915 = %max3A, %while3A_916 = %max3A_741, %while3A_917 = %max3A_749, %while3A_918 = %max3A_757, %while3A_919 = %max3A_765, %while3A_920 = %max3A_773, %while3A_921 = %max3A_781, %while3A_922 = %max3A_789, %while3A_923 = %max3A_797, %while3A_924 = %max3A_805, %while3A_925 = %max3A_813, %while3A_926 = %max3A_821, %while3A_927 = %max3A_829, %while3A_928 = %max3A_837, %while3A_929 = %max3A_845, %while3A_930 = %max3A_853) -> (vector<16xf32>, vector<16xf32>, vector<16xf32>, vector<16xf32>, vector<16xf32>, vector<16xf32>, vector<16xf32>, vector<16xf32>, vector<16xf32>, vector<16xf32>, vector<16xf32>, vector<16xf32>, vector<16xf32>, vector<16xf32>, vector<16xf32>, vector<16xf32>)  : i32 {
            %get3A_931 = arith.index_cast %while3A_914 : i32 to index
            %get3A_932 = arith.constant 0 : index
            %get3A_933 = tpu.vector_load %arg8[%get3A_931, %get3A_932] {strides = array<i32>} : memref<80x256xf32, #tpu.memory_space<vmem>>, vector<16xf32>,
            %max3A_934 = arith.maximumf %while3A_915, %get3A_933 : vector<16xf32>
            %get3A_935 = arith.index_cast %while3A_914 : i32 to index
            %get3A_936 = arith.constant 16 : index
            %get3A_937 = tpu.vector_load %arg8[%get3A_935, %get3A_936] {strides = array<i32>} : memref<80x256xf32, #tpu.memory_space<vmem>>, vector<16xf32>,
            %max3A_938 = arith.maximumf %while3A_916, %get3A_937 : vector<16xf32>
            %get3A_939 = arith.index_cast %while3A_914 : i32 to index
            %get3A_940 = arith.constant 32 : index
            %get3A_941 = tpu.vector_load %arg8[%get3A_939, %get3A_940] {strides = array<i32>} : memref<80x256xf32, #tpu.memory_space<vmem>>, vector<16xf32>,
            %max3A_942 = arith.maximumf %while3A_917, %get3A_941 : vector<16xf32>
            %get3A_943 = arith.index_cast %while3A_914 : i32 to index
            %get3A_944 = arith.constant 48 : index
            %get3A_945 = tpu.vector_load %arg8[%get3A_943, %get3A_944] {strides = array<i32>} : memref<80x256xf32, #tpu.memory_space<vmem>>, vector<16xf32>,
            %max3A_946 = arith.maximumf %while3A_918, %get3A_945 : vector<16xf32>
            %get3A_947 = arith.index_cast %while3A_914 : i32 to index
            %get3A_948 = arith.constant 64 : index
            %get3A_949 = tpu.vector_load %arg8[%get3A_947, %get3A_948] {strides = array<i32>} : memref<80x256xf32, #tpu.memory_space<vmem>>, vector<16xf32>,
            %max3A_950 = arith.maximumf %while3A_919, %get3A_949 : vector<16xf32>
            %get3A_951 = arith.index_cast %while3A_914 : i32 to index
            %get3A_952 = arith.constant 80 : index
            %get3A_953 = tpu.vector_load %arg8[%get3A_951, %get3A_952] {strides = array<i32>} : memref<80x256xf32, #tpu.memory_space<vmem>>, vector<16xf32>,
            %max3A_954 = arith.maximumf %while3A_920, %get3A_953 : vector<16xf32>
            %get3A_955 = arith.index_cast %while3A_914 : i32 to index
            %get3A_956 = arith.constant 96 : index
            %get3A_957 = tpu.vector_load %arg8[%get3A_955, %get3A_956] {strides = array<i32>} : memref<80x256xf32, #tpu.memory_space<vmem>>, vector<16xf32>,
            %max3A_958 = arith.maximumf %while3A_921, %get3A_957 : vector<16xf32>
            %get3A_959 = arith.index_cast %while3A_914 : i32 to index
            %get3A_960 = arith.constant 112 : index
            %get3A_961 = tpu.vector_load %arg8[%get3A_959, %get3A_960] {strides = array<i32>} : memref<80x256xf32, #tpu.memory_space<vmem>>, vector<16xf32>,
            %max3A_962 = arith.maximumf %while3A_922, %get3A_961 : vector<16xf32>
            %get3A_963 = arith.index_cast %while3A_914 : i32 to index
            %get3A_964 = arith.constant 128 : index
            %get3A_965 = tpu.vector_load %arg8[%get3A_963, %get3A_964] {strides = array<i32>} : memref<80x256xf32, #tpu.memory_space<vmem>>, vector<16xf32>,
            %max3A_966 = arith.maximumf %while3A_923, %get3A_965 : vector<16xf32>
            %get3A_967 = arith.index_cast %while3A_914 : i32 to index
            %get3A_968 = arith.constant 144 : index
            %get3A_969 = tpu.vector_load %arg8[%get3A_967, %get3A_968] {strides = array<i32>} : memref<80x256xf32, #tpu.memory_space<vmem>>, vector<16xf32>,
            %max3A_970 = arith.maximumf %while3A_924, %get3A_969 : vector<16xf32>
            %get3A_971 = arith.index_cast %while3A_914 : i32 to index
            %get3A_972 = arith.constant 160 : index
            %get3A_973 = tpu.vector_load %arg8[%get3A_971, %get3A_972] {strides = array<i32>} : memref<80x256xf32, #tpu.memory_space<vmem>>, vector<16xf32>,
            %max3A_974 = arith.maximumf %while3A_925, %get3A_973 : vector<16xf32>
            %get3A_975 = arith.index_cast %while3A_914 : i32 to index
            %get3A_976 = arith.constant 176 : index
            %get3A_977 = tpu.vector_load %arg8[%get3A_975, %get3A_976] {strides = array<i32>} : memref<80x256xf32, #tpu.memory_space<vmem>>, vector<16xf32>,
            %max3A_978 = arith.maximumf %while3A_926, %get3A_977 : vector<16xf32>
            %get3A_979 = arith.index_cast %while3A_914 : i32 to index
            %get3A_980 = arith.constant 192 : index
            %get3A_981 = tpu.vector_load %arg8[%get3A_979, %get3A_980] {strides = array<i32>} : memref<80x256xf32, #tpu.memory_space<vmem>>, vector<16xf32>,
            %max3A_982 = arith.maximumf %while3A_927, %get3A_981 : vector<16xf32>
            %get3A_983 = arith.index_cast %while3A_914 : i32 to index
            %get3A_984 = arith.constant 208 : index
            %get3A_985 = tpu.vector_load %arg8[%get3A_983, %get3A_984] {strides = array<i32>} : memref<80x256xf32, #tpu.memory_space<vmem>>, vector<16xf32>,
            %max3A_986 = arith.maximumf %while3A_928, %get3A_985 : vector<16xf32>
            %get3A_987 = arith.index_cast %while3A_914 : i32 to index
            %get3A_988 = arith.constant 224 : index
            %get3A_989 = tpu.vector_load %arg8[%get3A_987, %get3A_988] {strides = array<i32>} : memref<80x256xf32, #tpu.memory_space<vmem>>, vector<16xf32>,
            %max3A_990 = arith.maximumf %while3A_929, %get3A_989 : vector<16xf32>
            %get3A_991 = arith.index_cast %while3A_914 : i32 to index
            %get3A_992 = arith.constant 240 : index
            %get3A_993 = tpu.vector_load %arg8[%get3A_991, %get3A_992] {strides = array<i32>} : memref<80x256xf32, #tpu.memory_space<vmem>>, vector<16xf32>,
            %max3A_994 = arith.maximumf %while3A_930, %get3A_993 : vector<16xf32>
            scf.yield %max3A_934, %max3A_938, %max3A_942, %max3A_946, %max3A_950, %max3A_954, %max3A_958, %max3A_962, %max3A_966, %max3A_970, %max3A_974, %max3A_978, %max3A_982, %max3A_986, %max3A_990, %max3A_994 : vector<16xf32>, vector<16xf32>, vector<16xf32>, vector<16xf32>, vector<16xf32>, vector<16xf32>, vector<16xf32>, vector<16xf32>, vector<16xf32>, vector<16xf32>, vector<16xf32>, vector<16xf32>, vector<16xf32>, vector<16xf32>, vector<16xf32>, vector<16xf32>
          }
          %while3A_864 = arith.constant 1 : i32
          %while3A_865:16 = scf.for %while3A_914 = %while3A_861 to %while3A_857 step %while3A_864 iter_args(%while3A_915 = %while3A_863#0, %while3A_916 = %while3A_863#1, %while3A_917 = %while3A_863#2, %while3A_918 = %while3A_863#3, %while3A_919 = %while3A_863#4, %while3A_920 = %while3A_863#5, %while3A_921 = %while3A_863#6, %while3A_922 = %while3A_863#7, %while3A_923 = %while3A_863#8, %while3A_924 = %while3A_863#9, %while3A_925 = %while3A_863#10, %while3A_926 = %while3A_863#11, %while3A_927 = %while3A_863#12, %while3A_928 = %while3A_863#13, %while3A_929 = %while3A_863#14, %while3A_930 = %while3A_863#15) -> (vector<16xf32>, vector<16xf32>, vector<16xf32>, vector<16xf32>, vector<16xf32>, vector<16xf32>, vector<16xf32>, vector<16xf32>, vector<16xf32>, vector<16xf32>, vector<16xf32>, vector<16xf32>, vector<16xf32>, vector<16xf32>, vector<16xf32>, vector<16xf32>)  : i32 {
            %get3A_931 = arith.index_cast %while3A_914 : i32 to index
            %get3A_932 = arith.constant 0 : index
            %get3A_933 = tpu.vector_load %arg8[%get3A_931, %get3A_932] {strides = array<i32>} : memref<80x256xf32, #tpu.memory_space<vmem>>, vector<16xf32>,
            %max3A_934 = arith.maximumf %while3A_915, %get3A_933 : vector<16xf32>
            %get3A_935 = arith.index_cast %while3A_914 : i32 to index
            %get3A_936 = arith.constant 16 : index
            %get3A_937 = tpu.vector_load %arg8[%get3A_935, %get3A_936] {strides = array<i32>} : memref<80x256xf32, #tpu.memory_space<vmem>>, vector<16xf32>,
            %max3A_938 = arith.maximumf %while3A_916, %get3A_937 : vector<16xf32>
            %get3A_939 = arith.index_cast %while3A_914 : i32 to index
            %get3A_940 = arith.constant 32 : index
            %get3A_941 = tpu.vector_load %arg8[%get3A_939, %get3A_940] {strides = array<i32>} : memref<80x256xf32, #tpu.memory_space<vmem>>, vector<16xf32>,
            %max3A_942 = arith.maximumf %while3A_917, %get3A_941 : vector<16xf32>
            %get3A_943 = arith.index_cast %while3A_914 : i32 to index
            %get3A_944 = arith.constant 48 : index
            %get3A_945 = tpu.vector_load %arg8[%get3A_943, %get3A_944] {strides = array<i32>} : memref<80x256xf32, #tpu.memory_space<vmem>>, vector<16xf32>,
            %max3A_946 = arith.maximumf %while3A_918, %get3A_945 : vector<16xf32>
            %get3A_947 = arith.index_cast %while3A_914 : i32 to index
            %get3A_948 = arith.constant 64 : index
            %get3A_949 = tpu.vector_load %arg8[%get3A_947, %get3A_948] {strides = array<i32>} : memref<80x256xf32, #tpu.memory_space<vmem>>, vector<16xf32>,
            %max3A_950 = arith.maximumf %while3A_919, %get3A_949 : vector<16xf32>
            %get3A_951 = arith.index_cast %while3A_914 : i32 to index
            %get3A_952 = arith.constant 80 : index
            %get3A_953 = tpu.vector_load %arg8[%get3A_951, %get3A_952] {strides = array<i32>} : memref<80x256xf32, #tpu.memory_space<vmem>>, vector<16xf32>,
            %max3A_954 = arith.maximumf %while3A_920, %get3A_953 : vector<16xf32>
            %get3A_955 = arith.index_cast %while3A_914 : i32 to index
            %get3A_956 = arith.constant 96 : index
            %get3A_957 = tpu.vector_load %arg8[%get3A_955, %get3A_956] {strides = array<i32>} : memref<80x256xf32, #tpu.memory_space<vmem>>, vector<16xf32>,
            %max3A_958 = arith.maximumf %while3A_921, %get3A_957 : vector<16xf32>
            %get3A_959 = arith.index_cast %while3A_914 : i32 to index
            %get3A_960 = arith.constant 112 : index
            %get3A_961 = tpu.vector_load %arg8[%get3A_959, %get3A_960] {strides = array<i32>} : memref<80x256xf32, #tpu.memory_space<vmem>>, vector<16xf32>,
            %max3A_962 = arith.maximumf %while3A_922, %get3A_961 : vector<16xf32>
            %get3A_963 = arith.index_cast %while3A_914 : i32 to index
            %get3A_964 = arith.constant 128 : index
            %get3A_965 = tpu.vector_load %arg8[%get3A_963, %get3A_964] {strides = array<i32>} : memref<80x256xf32, #tpu.memory_space<vmem>>, vector<16xf32>,
            %max3A_966 = arith.maximumf %while3A_923, %get3A_965 : vector<16xf32>
            %get3A_967 = arith.index_cast %while3A_914 : i32 to index
            %get3A_968 = arith.constant 144 : index
            %get3A_969 = tpu.vector_load %arg8[%get3A_967, %get3A_968] {strides = array<i32>} : memref<80x256xf32, #tpu.memory_space<vmem>>, vector<16xf32>,
            %max3A_970 = arith.maximumf %while3A_924, %get3A_969 : vector<16xf32>
            %get3A_971 = arith.index_cast %while3A_914 : i32 to index
            %get3A_972 = arith.constant 160 : index
            %get3A_973 = tpu.vector_load %arg8[%get3A_971, %get3A_972] {strides = array<i32>} : memref<80x256xf32, #tpu.memory_space<vmem>>, vector<16xf32>,
            %max3A_974 = arith.maximumf %while3A_925, %get3A_973 : vector<16xf32>
            %get3A_975 = arith.index_cast %while3A_914 : i32 to index
            %get3A_976 = arith.constant 176 : index
            %get3A_977 = tpu.vector_load %arg8[%get3A_975, %get3A_976] {strides = array<i32>} : memref<80x256xf32, #tpu.memory_space<vmem>>, vector<16xf32>,
            %max3A_978 = arith.maximumf %while3A_926, %get3A_977 : vector<16xf32>
            %get3A_979 = arith.index_cast %while3A_914 : i32 to index
            %get3A_980 = arith.constant 192 : index
            %get3A_981 = tpu.vector_load %arg8[%get3A_979, %get3A_980] {strides = array<i32>} : memref<80x256xf32, #tpu.memory_space<vmem>>, vector<16xf32>,
            %max3A_982 = arith.maximumf %while3A_927, %get3A_981 : vector<16xf32>
            %get3A_983 = arith.index_cast %while3A_914 : i32 to index
            %get3A_984 = arith.constant 208 : index
            %get3A_985 = tpu.vector_load %arg8[%get3A_983, %get3A_984] {strides = array<i32>} : memref<80x256xf32, #tpu.memory_space<vmem>>, vector<16xf32>,
            %max3A_986 = arith.maximumf %while3A_928, %get3A_985 : vector<16xf32>
            %get3A_987 = arith.index_cast %while3A_914 : i32 to index
            %get3A_988 = arith.constant 224 : index
            %get3A_989 = tpu.vector_load %arg8[%get3A_987, %get3A_988] {strides = array<i32>} : memref<80x256xf32, #tpu.memory_space<vmem>>, vector<16xf32>,
            %max3A_990 = arith.maximumf %while3A_929, %get3A_989 : vector<16xf32>
            %get3A_991 = arith.index_cast %while3A_914 : i32 to index
            %get3A_992 = arith.constant 240 : index
            %get3A_993 = tpu.vector_load %arg8[%get3A_991, %get3A_992] {strides = array<i32>} : memref<80x256xf32, #tpu.memory_space<vmem>>, vector<16xf32>,
            %max3A_994 = arith.maximumf %while3A_930, %get3A_993 : vector<16xf32>
            scf.yield %max3A_934, %max3A_938, %max3A_942, %max3A_946, %max3A_950, %max3A_954, %max3A_958, %max3A_962, %max3A_966, %max3A_970, %max3A_974, %max3A_978, %max3A_982, %max3A_986, %max3A_990, %max3A_994 : vector<16xf32>, vector<16xf32>, vector<16xf32>, vector<16xf32>, vector<16xf32>, vector<16xf32>, vector<16xf32>, vector<16xf32>, vector<16xf32>, vector<16xf32>, vector<16xf32>, vector<16xf32>, vector<16xf32>, vector<16xf32>, vector<16xf32>, vector<16xf32>
          }
          %add3A_866 = arith.constant 0 : i32
          %add3A_867 = vector.broadcast %add3A_866 : i32 to vector<16xi32>
          %add3A_868 = arith.addi %iota3A, %add3A_867 : vector<16xi32>
          tpu.vector_store_idx %arg9[%min3A_725, %add3A_868], %while3A_865#0 : memref<256x256xf32, #tpu.memory_space<vmem>>[vector<16xi32>, vector<16xi32>], vector<16xf32>,
          %add3A_869 = arith.constant 16 : i32
          %add3A_870 = vector.broadcast %add3A_869 : i32 to vector<16xi32>
          %add3A_871 = arith.addi %iota3A, %add3A_870 : vector<16xi32>
          tpu.vector_store_idx %arg9[%min3A_725, %add3A_871], %while3A_865#1 : memref<256x256xf32, #tpu.memory_space<vmem>>[vector<16xi32>, vector<16xi32>], vector<16xf32>,
          %add3A_872 = arith.constant 32 : i32
          %add3A_873 = vector.broadcast %add3A_872 : i32 to vector<16xi32>
          %add3A_874 = arith.addi %iota3A, %add3A_873 : vector<16xi32>
          tpu.vector_store_idx %arg9[%min3A_725, %add3A_874], %while3A_865#2 : memref<256x256xf32, #tpu.memory_space<vmem>>[vector<16xi32>, vector<16xi32>], vector<16xf32>,
          %add3A_875 = arith.constant 48 : i32
          %add3A_876 = vector.broadcast %add3A_875 : i32 to vector<16xi32>
          %add3A_877 = arith.addi %iota3A, %add3A_876 : vector<16xi32>
          tpu.vector_store_idx %arg9[%min3A_725, %add3A_877], %while3A_865#3 : memref<256x256xf32, #tpu.memory_space<vmem>>[vector<16xi32>, vector<16xi32>], vector<16xf32>,
          %add3A_878 = arith.constant 64 : i32
          %add3A_879 = vector.broadcast %add3A_878 : i32 to vector<16xi32>
          %add3A_880 = arith.addi %iota3A, %add3A_879 : vector<16xi32>
          tpu.vector_store_idx %arg9[%min3A_725, %add3A_880], %while3A_865#4 : memref<256x256xf32, #tpu.memory_space<vmem>>[vector<16xi32>, vector<16xi32>], vector<16xf32>,
          %add3A_881 = arith.constant 80 : i32
          %add3A_882 = vector.broadcast %add3A_881 : i32 to vector<16xi32>
          %add3A_883 = arith.addi %iota3A, %add3A_882 : vector<16xi32>
          tpu.vector_store_idx %arg9[%min3A_725, %add3A_883], %while3A_865#5 : memref<256x256xf32, #tpu.memory_space<vmem>>[vector<16xi32>, vector<16xi32>], vector<16xf32>,
          %add3A_884 = arith.constant 96 : i32
          %add3A_885 = vector.broadcast %add3A_884 : i32 to vector<16xi32>
          %add3A_886 = arith.addi %iota3A, %add3A_885 : vector<16xi32>
          tpu.vector_store_idx %arg9[%min3A_725, %add3A_886], %while3A_865#6 : memref<256x256xf32, #tpu.memory_space<vmem>>[vector<16xi32>, vector<16xi32>], vector<16xf32>,
          %add3A_887 = arith.constant 112 : i32
          %add3A_888 = vector.broadcast %add3A_887 : i32 to vector<16xi32>
          %add3A_889 = arith.addi %iota3A, %add3A_888 : vector<16xi32>
          tpu.vector_store_idx %arg9[%min3A_725, %add3A_889], %while3A_865#7 : memref<256x256xf32, #tpu.memory_space<vmem>>[vector<16xi32>, vector<16xi32>], vector<16xf32>,
          %add3A_890 = arith.constant 128 : i32
          %add3A_891 = vector.broadcast %add3A_890 : i32 to vector<16xi32>
          %add3A_892 = arith.addi %iota3A, %add3A_891 : vector<16xi32>
          tpu.vector_store_idx %arg9[%min3A_725, %add3A_892], %while3A_865#8 : memref<256x256xf32, #tpu.memory_space<vmem>>[vector<16xi32>, vector<16xi32>], vector<16xf32>,
          %add3A_893 = arith.constant 144 : i32
          %add3A_894 = vector.broadcast %add3A_893 : i32 to vector<16xi32>
          %add3A_895 = arith.addi %iota3A, %add3A_894 : vector<16xi32>
          tpu.vector_store_idx %arg9[%min3A_725, %add3A_895], %while3A_865#9 : memref<256x256xf32, #tpu.memory_space<vmem>>[vector<16xi32>, vector<16xi32>], vector<16xf32>,
          %add3A_896 = arith.constant 160 : i32
          %add3A_897 = vector.broadcast %add3A_896 : i32 to vector<16xi32>
          %add3A_898 = arith.addi %iota3A, %add3A_897 : vector<16xi32>
          tpu.vector_store_idx %arg9[%min3A_725, %add3A_898], %while3A_865#10 : memref<256x256xf32, #tpu.memory_space<vmem>>[vector<16xi32>, vector<16xi32>], vector<16xf32>,
          %add3A_899 = arith.constant 176 : i32
          %add3A_900 = vector.broadcast %add3A_899 : i32 to vector<16xi32>
          %add3A_901 = arith.addi %iota3A, %add3A_900 : vector<16xi32>
          tpu.vector_store_idx %arg9[%min3A_725, %add3A_901], %while3A_865#11 : memref<256x256xf32, #tpu.memory_space<vmem>>[vector<16xi32>, vector<16xi32>], vector<16xf32>,
          %add3A_902 = arith.constant 192 : i32
          %add3A_903 = vector.broadcast %add3A_902 : i32 to vector<16xi32>
          %add3A_904 = arith.addi %iota3A, %add3A_903 : vector<16xi32>
          tpu.vector_store_idx %arg9[%min3A_725, %add3A_904], %while3A_865#12 : memref<256x256xf32, #tpu.memory_space<vmem>>[vector<16xi32>, vector<16xi32>], vector<16xf32>,
          %add3A_905 = arith.constant 208 : i32
          %add3A_906 = vector.broadcast %add3A_905 : i32 to vector<16xi32>
          %add3A_907 = arith.addi %iota3A, %add3A_906 : vector<16xi32>
          tpu.vector_store_idx %arg9[%min3A_725, %add3A_907], %while3A_865#13 : memref<256x256xf32, #tpu.memory_space<vmem>>[vector<16xi32>, vector<16xi32>], vector<16xf32>,
          %add3A_908 = arith.constant 224 : i32
          %add3A_909 = vector.broadcast %add3A_908 : i32 to vector<16xi32>
          %add3A_910 = arith.addi %iota3A, %add3A_909 : vector<16xi32>
          tpu.vector_store_idx %arg9[%min3A_725, %add3A_910], %while3A_865#14 : memref<256x256xf32, #tpu.memory_space<vmem>>[vector<16xi32>, vector<16xi32>], vector<16xf32>,
          %add3A_911 = arith.constant 240 : i32
          %add3A_912 = vector.broadcast %add3A_911 : i32 to vector<16xi32>
          %add3A_913 = arith.addi %iota3A, %add3A_912 : vector<16xi32>
          tpu.vector_store_idx %arg9[%min3A_725, %add3A_913], %while3A_865#15 : memref<256x256xf32, #tpu.memory_space<vmem>>[vector<16xi32>, vector<16xi32>], vector<16xf32>,
          scf.yield %while3A_727#0 : i32
        }
        %add3A_716 = arith.constant 3 : i32
        %add3A_717 = arith.addi %add3A_693, %add3A_716 : i32
        %lt3A_718 = arith.cmpi slt, %add3A_717, %select_n3A : i32
        %convert_element_type3A_719 = arith.extui %lt3A_718 : i1 to i32
        %cond3A_720 = arith.constant 0 : i32
        %cond3A_721 = arith.cmpi ne, %convert_element_type3A_719, %cond3A_720 : i32
        scf.if %cond3A_721 {
          %add3A_722 = arith.constant 3 : i32
          %add3A_723 = arith.addi %add3A_693, %add3A_722 : i32
          %mul3A_724 = arith.constant 32 : i32
          %mul3A_725 = arith.muli %mul3A_724, %add3A_723 : i32
          %add3A_726 = arith.addi %add3A, %mul3A_725 : i32
          %mul3A_727 = arith.constant 80 : i32
          %mul3A_728 = arith.muli %add3A_726, %mul3A_727 : i32
          %dma_start3A_729 = arith.constant 0 : i32
          %dma_start3A_730 = tpu.memref_slice %arg2[%mul3A_728, %dma_start3A_729] : memref<50000x256xf32, #tpu.memory_space<hbm>> -> memref<80x256xf32, #tpu.memory_space<hbm>>
          %dma_start3A_731 = arith.constant 0 : i32
          %dma_start3A_732 = tpu.memref_slice %arg2[%mul3A_728, %dma_start3A_731] : memref<50000x256xf32, #tpu.memory_space<hbm>> -> memref<80x256xf32, #tpu.memory_space<hbm>>
          tpu.enqueue_dma source(%dma_start3A_732 : memref<80x256xf32, #tpu.memory_space<hbm>>) target(%arg8 : memref<80x256xf32, #tpu.memory_space<vmem>>) target_semaphore(%arg15 : memref<!tpu.dma_semaphore, #tpu.memory_space<semaphore_mem>>)
          %mul3A_733 = arith.constant 80 : i32
          %mul3A_734 = arith.muli %add3A_726, %mul3A_733 : i32
          %dma_start3A_735 = arith.constant 0 : i32
          %dma_start3A_736 = tpu.memref_slice %arg12[%dma_start3A_735] : memref<128xi32, #tpu.memory_space<vmem>> -> memref<80xi32, #tpu.memory_space<vmem>>
          %dma_start3A_737 = tpu.memref_slice %arg3[%mul3A_734] : memref<50000xi32, #tpu.memory_space<hbm>> -> memref<80xi32, #tpu.memory_space<hbm>>
          %dma_start3A_738 = arith.constant 0 : i32
          %dma_start3A_739 = tpu.memref_slice %arg12[%dma_start3A_738] : memref<128xi32, #tpu.memory_space<vmem>> -> memref<80xi32, #tpu.memory_space<vmem>>
          %dma_start3A_740 = tpu.memref_slice %arg3[%mul3A_734] : memref<50000xi32, #tpu.memory_space<hbm>> -> memref<80xi32, #tpu.memory_space<hbm>>
          tpu.enqueue_dma source(%dma_start3A_740 : memref<80xi32, #tpu.memory_space<hbm>>) target(%dma_start3A_739 : memref<80xi32, #tpu.memory_space<vmem>>) target_semaphore(%arg18 : memref<!tpu.dma_semaphore, #tpu.memory_space<semaphore_mem>>)
        } else {
        }
      } else {
      }
    }
    %scan3A_55 = arith.constant 7 : i32
    %mul3A_56 = arith.constant 16 : i32
    %mul3A_57 = arith.muli %arg1, %mul3A_56 : i32
    %dma_start3A_58 = arith.constant 0 : i32
    %dma_start3A_59 = arith.constant 0 : i32
    %dma_start3A_60 = arith.constant 0 : i32
    %dma_start3A_61 = tpu.memref_slice %arg9[%dma_start3A_59, %dma_start3A_60] : memref<256x256xf32, #tpu.memory_space<vmem>> -> memref<16x256xf32, #tpu.memory_space<vmem>>
    %dma_start3A_62 = arith.constant 0 : i32
    %dma_start3A_63 = tpu.memref_slice %arg4[%arg0, %dma_start3A_58, %mul3A_57, %dma_start3A_62] : memref<2x16x256x256xf32, #tpu.memory_space<hbm>> -> memref<1x1x16x256xf32, #tpu.memory_space<hbm>>
    %dma_start3A_64 = tpu.memref_squeeze %dma_start3A_63 : memref<1x1x16x256xf32, #tpu.memory_space<hbm>> -> memref<16x256xf32, #tpu.memory_space<hbm>>
    %dma_start3A_65 = arith.constant 0 : i32
    %dma_start3A_66 = tpu.memref_slice %arg4[%arg0, %dma_start3A_58, %mul3A_57, %dma_start3A_65] : memref<2x16x256x256xf32, #tpu.memory_space<hbm>> -> memref<1x1x16x256xf32, #tpu.memory_space<hbm>>
    %dma_start3A_67 = tpu.memref_squeeze %dma_start3A_66 : memref<1x1x16x256xf32, #tpu.memory_space<hbm>> -> memref<16x256xf32, #tpu.memory_space<hbm>>
    %dma_start3A_68 = arith.constant 0 : i32
    %dma_start3A_69 = arith.constant 0 : i32
    %dma_start3A_70 = tpu.memref_slice %arg9[%dma_start3A_68, %dma_start3A_69] : memref<256x256xf32, #tpu.memory_space<vmem>> -> memref<16x256xf32, #tpu.memory_space<vmem>>
    tpu.enqueue_dma source(%dma_start3A_70 : memref<16x256xf32, #tpu.memory_space<vmem>>) target(%dma_start3A_67 : memref<16x256xf32, #tpu.memory_space<hbm>>) target_semaphore(%arg13 : memref<!tpu.dma_semaphore, #tpu.memory_space<semaphore_mem>>)
    %mul3A_71 = arith.constant 16 : i32
    %mul3A_72 = arith.muli %arg1, %mul3A_71 : i32
    %dma_start3A_73 = arith.constant 1 : i32
    %dma_start3A_74 = arith.constant 16 : i32
    %dma_start3A_75 = arith.constant 0 : i32
    %dma_start3A_76 = tpu.memref_slice %arg9[%dma_start3A_74, %dma_start3A_75] : memref<256x256xf32, #tpu.memory_space<vmem>> -> memref<16x256xf32, #tpu.memory_space<vmem>>
    %dma_start3A_77 = arith.constant 0 : i32
    %dma_start3A_78 = tpu.memref_slice %arg4[%arg0, %dma_start3A_73, %mul3A_72, %dma_start3A_77] : memref<2x16x256x256xf32, #tpu.memory_space<hbm>> -> memref<1x1x16x256xf32, #tpu.memory_space<hbm>>
    %dma_start3A_79 = tpu.memref_squeeze %dma_start3A_78 : memref<1x1x16x256xf32, #tpu.memory_space<hbm>> -> memref<16x256xf32, #tpu.memory_space<hbm>>
    %dma_start3A_80 = arith.constant 0 : i32
    %dma_start3A_81 = tpu.memref_slice %arg4[%arg0, %dma_start3A_73, %mul3A_72, %dma_start3A_80] : memref<2x16x256x256xf32, #tpu.memory_space<hbm>> -> memref<1x1x16x256xf32, #tpu.memory_space<hbm>>
    %dma_start3A_82 = tpu.memref_squeeze %dma_start3A_81 : memref<1x1x16x256xf32, #tpu.memory_space<hbm>> -> memref<16x256xf32, #tpu.memory_space<hbm>>
    %dma_start3A_83 = arith.constant 16 : i32
    %dma_start3A_84 = arith.constant 0 : i32
    %dma_start3A_85 = tpu.memref_slice %arg9[%dma_start3A_83, %dma_start3A_84] : memref<256x256xf32, #tpu.memory_space<vmem>> -> memref<16x256xf32, #tpu.memory_space<vmem>>
    tpu.enqueue_dma source(%dma_start3A_85 : memref<16x256xf32, #tpu.memory_space<vmem>>) target(%dma_start3A_82 : memref<16x256xf32, #tpu.memory_space<hbm>>) target_semaphore(%arg13 : memref<!tpu.dma_semaphore, #tpu.memory_space<semaphore_mem>>)
    %mul3A_86 = arith.constant 16 : i32
    %mul3A_87 = arith.muli %arg1, %mul3A_86 : i32
    %dma_start3A_88 = arith.constant 2 : i32
    %dma_start3A_89 = arith.constant 32 : i32
    %dma_start3A_90 = arith.constant 0 : i32
    %dma_start3A_91 = tpu.memref_slice %arg9[%dma_start3A_89, %dma_start3A_90] : memref<256x256xf32, #tpu.memory_space<vmem>> -> memref<16x256xf32, #tpu.memory_space<vmem>>
    %dma_start3A_92 = arith.constant 0 : i32
    %dma_start3A_93 = tpu.memref_slice %arg4[%arg0, %dma_start3A_88, %mul3A_87, %dma_start3A_92] : memref<2x16x256x256xf32, #tpu.memory_space<hbm>> -> memref<1x1x16x256xf32, #tpu.memory_space<hbm>>
    %dma_start3A_94 = tpu.memref_squeeze %dma_start3A_93 : memref<1x1x16x256xf32, #tpu.memory_space<hbm>> -> memref<16x256xf32, #tpu.memory_space<hbm>>
    %dma_start3A_95 = arith.constant 0 : i32
    %dma_start3A_96 = tpu.memref_slice %arg4[%arg0, %dma_start3A_88, %mul3A_87, %dma_start3A_95] : memref<2x16x256x256xf32, #tpu.memory_space<hbm>> -> memref<1x1x16x256xf32, #tpu.memory_space<hbm>>
    %dma_start3A_97 = tpu.memref_squeeze %dma_start3A_96 : memref<1x1x16x256xf32, #tpu.memory_space<hbm>> -> memref<16x256xf32, #tpu.memory_space<hbm>>
    %dma_start3A_98 = arith.constant 32 : i32
    %dma_start3A_99 = arith.constant 0 : i32
    %dma_start3A_100 = tpu.memref_slice %arg9[%dma_start3A_98, %dma_start3A_99] : memref<256x256xf32, #tpu.memory_space<vmem>> -> memref<16x256xf32, #tpu.memory_space<vmem>>
    tpu.enqueue_dma source(%dma_start3A_100 : memref<16x256xf32, #tpu.memory_space<vmem>>) target(%dma_start3A_97 : memref<16x256xf32, #tpu.memory_space<hbm>>) target_semaphore(%arg13 : memref<!tpu.dma_semaphore, #tpu.memory_space<semaphore_mem>>)
    %mul3A_101 = arith.constant 16 : i32
    %mul3A_102 = arith.muli %arg1, %mul3A_101 : i32
    %dma_start3A_103 = arith.constant 3 : i32
    %dma_start3A_104 = arith.constant 48 : i32
    %dma_start3A_105 = arith.constant 0 : i32
    %dma_start3A_106 = tpu.memref_slice %arg9[%dma_start3A_104, %dma_start3A_105] : memref<256x256xf32, #tpu.memory_space<vmem>> -> memref<16x256xf32, #tpu.memory_space<vmem>>
    %dma_start3A_107 = arith.constant 0 : i32
    %dma_start3A_108 = tpu.memref_slice %arg4[%arg0, %dma_start3A_103, %mul3A_102, %dma_start3A_107] : memref<2x16x256x256xf32, #tpu.memory_space<hbm>> -> memref<1x1x16x256xf32, #tpu.memory_space<hbm>>
    %dma_start3A_109 = tpu.memref_squeeze %dma_start3A_108 : memref<1x1x16x256xf32, #tpu.memory_space<hbm>> -> memref<16x256xf32, #tpu.memory_space<hbm>>
    %dma_start3A_110 = arith.constant 0 : i32
    %dma_start3A_111 = tpu.memref_slice %arg4[%arg0, %dma_start3A_103, %mul3A_102, %dma_start3A_110] : memref<2x16x256x256xf32, #tpu.memory_space<hbm>> -> memref<1x1x16x256xf32, #tpu.memory_space<hbm>>
    %dma_start3A_112 = tpu.memref_squeeze %dma_start3A_111 : memref<1x1x16x256xf32, #tpu.memory_space<hbm>> -> memref<16x256xf32, #tpu.memory_space<hbm>>
    %dma_start3A_113 = arith.constant 48 : i32
    %dma_start3A_114 = arith.constant 0 : i32
    %dma_start3A_115 = tpu.memref_slice %arg9[%dma_start3A_113, %dma_start3A_114] : memref<256x256xf32, #tpu.memory_space<vmem>> -> memref<16x256xf32, #tpu.memory_space<vmem>>
    tpu.enqueue_dma source(%dma_start3A_115 : memref<16x256xf32, #tpu.memory_space<vmem>>) target(%dma_start3A_112 : memref<16x256xf32, #tpu.memory_space<hbm>>) target_semaphore(%arg13 : memref<!tpu.dma_semaphore, #tpu.memory_space<semaphore_mem>>)
    %mul3A_116 = arith.constant 16 : i32
    %mul3A_117 = arith.muli %arg1, %mul3A_116 : i32
    %dma_start3A_118 = arith.constant 4 : i32
    %dma_start3A_119 = arith.constant 64 : i32
    %dma_start3A_120 = arith.constant 0 : i32
    %dma_start3A_121 = tpu.memref_slice %arg9[%dma_start3A_119, %dma_start3A_120] : memref<256x256xf32, #tpu.memory_space<vmem>> -> memref<16x256xf32, #tpu.memory_space<vmem>>
    %dma_start3A_122 = arith.constant 0 : i32
    %dma_start3A_123 = tpu.memref_slice %arg4[%arg0, %dma_start3A_118, %mul3A_117, %dma_start3A_122] : memref<2x16x256x256xf32, #tpu.memory_space<hbm>> -> memref<1x1x16x256xf32, #tpu.memory_space<hbm>>
    %dma_start3A_124 = tpu.memref_squeeze %dma_start3A_123 : memref<1x1x16x256xf32, #tpu.memory_space<hbm>> -> memref<16x256xf32, #tpu.memory_space<hbm>>
    %dma_start3A_125 = arith.constant 0 : i32
    %dma_start3A_126 = tpu.memref_slice %arg4[%arg0, %dma_start3A_118, %mul3A_117, %dma_start3A_125] : memref<2x16x256x256xf32, #tpu.memory_space<hbm>> -> memref<1x1x16x256xf32, #tpu.memory_space<hbm>>
    %dma_start3A_127 = tpu.memref_squeeze %dma_start3A_126 : memref<1x1x16x256xf32, #tpu.memory_space<hbm>> -> memref<16x256xf32, #tpu.memory_space<hbm>>
    %dma_start3A_128 = arith.constant 64 : i32
    %dma_start3A_129 = arith.constant 0 : i32
    %dma_start3A_130 = tpu.memref_slice %arg9[%dma_start3A_128, %dma_start3A_129] : memref<256x256xf32, #tpu.memory_space<vmem>> -> memref<16x256xf32, #tpu.memory_space<vmem>>
    tpu.enqueue_dma source(%dma_start3A_130 : memref<16x256xf32, #tpu.memory_space<vmem>>) target(%dma_start3A_127 : memref<16x256xf32, #tpu.memory_space<hbm>>) target_semaphore(%arg13 : memref<!tpu.dma_semaphore, #tpu.memory_space<semaphore_mem>>)
    %mul3A_131 = arith.constant 16 : i32
    %mul3A_132 = arith.muli %arg1, %mul3A_131 : i32
    %dma_start3A_133 = arith.constant 5 : i32
    %dma_start3A_134 = arith.constant 80 : i32
    %dma_start3A_135 = arith.constant 0 : i32
    %dma_start3A_136 = tpu.memref_slice %arg9[%dma_start3A_134, %dma_start3A_135] : memref<256x256xf32, #tpu.memory_space<vmem>> -> memref<16x256xf32, #tpu.memory_space<vmem>>
    %dma_start3A_137 = arith.constant 0 : i32
    %dma_start3A_138 = tpu.memref_slice %arg4[%arg0, %dma_start3A_133, %mul3A_132, %dma_start3A_137] : memref<2x16x256x256xf32, #tpu.memory_space<hbm>> -> memref<1x1x16x256xf32, #tpu.memory_space<hbm>>
    %dma_start3A_139 = tpu.memref_squeeze %dma_start3A_138 : memref<1x1x16x256xf32, #tpu.memory_space<hbm>> -> memref<16x256xf32, #tpu.memory_space<hbm>>
    %dma_start3A_140 = arith.constant 0 : i32
    %dma_start3A_141 = tpu.memref_slice %arg4[%arg0, %dma_start3A_133, %mul3A_132, %dma_start3A_140] : memref<2x16x256x256xf32, #tpu.memory_space<hbm>> -> memref<1x1x16x256xf32, #tpu.memory_space<hbm>>
    %dma_start3A_142 = tpu.memref_squeeze %dma_start3A_141 : memref<1x1x16x256xf32, #tpu.memory_space<hbm>> -> memref<16x256xf32, #tpu.memory_space<hbm>>
    %dma_start3A_143 = arith.constant 80 : i32
    %dma_start3A_144 = arith.constant 0 : i32
    %dma_start3A_145 = tpu.memref_slice %arg9[%dma_start3A_143, %dma_start3A_144] : memref<256x256xf32, #tpu.memory_space<vmem>> -> memref<16x256xf32, #tpu.memory_space<vmem>>
    tpu.enqueue_dma source(%dma_start3A_145 : memref<16x256xf32, #tpu.memory_space<vmem>>) target(%dma_start3A_142 : memref<16x256xf32, #tpu.memory_space<hbm>>) target_semaphore(%arg13 : memref<!tpu.dma_semaphore, #tpu.memory_space<semaphore_mem>>)
    %mul3A_146 = arith.constant 16 : i32
    %mul3A_147 = arith.muli %arg1, %mul3A_146 : i32
    %dma_start3A_148 = arith.constant 6 : i32
    %dma_start3A_149 = arith.constant 96 : i32
    %dma_start3A_150 = arith.constant 0 : i32
    %dma_start3A_151 = tpu.memref_slice %arg9[%dma_start3A_149, %dma_start3A_150] : memref<256x256xf32, #tpu.memory_space<vmem>> -> memref<16x256xf32, #tpu.memory_space<vmem>>
    %dma_start3A_152 = arith.constant 0 : i32
    %dma_start3A_153 = tpu.memref_slice %arg4[%arg0, %dma_start3A_148, %mul3A_147, %dma_start3A_152] : memref<2x16x256x256xf32, #tpu.memory_space<hbm>> -> memref<1x1x16x256xf32, #tpu.memory_space<hbm>>
    %dma_start3A_154 = tpu.memref_squeeze %dma_start3A_153 : memref<1x1x16x256xf32, #tpu.memory_space<hbm>> -> memref<16x256xf32, #tpu.memory_space<hbm>>
    %dma_start3A_155 = arith.constant 0 : i32
    %dma_start3A_156 = tpu.memref_slice %arg4[%arg0, %dma_start3A_148, %mul3A_147, %dma_start3A_155] : memref<2x16x256x256xf32, #tpu.memory_space<hbm>> -> memref<1x1x16x256xf32, #tpu.memory_space<hbm>>
    %dma_start3A_157 = tpu.memref_squeeze %dma_start3A_156 : memref<1x1x16x256xf32, #tpu.memory_space<hbm>> -> memref<16x256xf32, #tpu.memory_space<hbm>>
    %dma_start3A_158 = arith.constant 96 : i32
    %dma_start3A_159 = arith.constant 0 : i32
    %dma_start3A_160 = tpu.memref_slice %arg9[%dma_start3A_158, %dma_start3A_159] : memref<256x256xf32, #tpu.memory_space<vmem>> -> memref<16x256xf32, #tpu.memory_space<vmem>>
    tpu.enqueue_dma source(%dma_start3A_160 : memref<16x256xf32, #tpu.memory_space<vmem>>) target(%dma_start3A_157 : memref<16x256xf32, #tpu.memory_space<hbm>>) target_semaphore(%arg13 : memref<!tpu.dma_semaphore, #tpu.memory_space<semaphore_mem>>)
    %mul3A_161 = arith.constant 16 : i32
    %mul3A_162 = arith.muli %arg1, %mul3A_161 : i32
    %dma_start3A_163 = arith.constant 7 : i32
    %dma_start3A_164 = arith.constant 112 : i32
    %dma_start3A_165 = arith.constant 0 : i32
    %dma_start3A_166 = tpu.memref_slice %arg9[%dma_start3A_164, %dma_start3A_165] : memref<256x256xf32, #tpu.memory_space<vmem>> -> memref<16x256xf32, #tpu.memory_space<vmem>>
    %dma_start3A_167 = arith.constant 0 : i32
    %dma_start3A_168 = tpu.memref_slice %arg4[%arg0, %dma_start3A_163, %mul3A_162, %dma_start3A_167] : memref<2x16x256x256xf32, #tpu.memory_space<hbm>> -> memref<1x1x16x256xf32, #tpu.memory_space<hbm>>
    %dma_start3A_169 = tpu.memref_squeeze %dma_start3A_168 : memref<1x1x16x256xf32, #tpu.memory_space<hbm>> -> memref<16x256xf32, #tpu.memory_space<hbm>>
    %dma_start3A_170 = arith.constant 0 : i32
    %dma_start3A_171 = tpu.memref_slice %arg4[%arg0, %dma_start3A_163, %mul3A_162, %dma_start3A_170] : memref<2x16x256x256xf32, #tpu.memory_space<hbm>> -> memref<1x1x16x256xf32, #tpu.memory_space<hbm>>
    %dma_start3A_172 = tpu.memref_squeeze %dma_start3A_171 : memref<1x1x16x256xf32, #tpu.memory_space<hbm>> -> memref<16x256xf32, #tpu.memory_space<hbm>>
    %dma_start3A_173 = arith.constant 112 : i32
    %dma_start3A_174 = arith.constant 0 : i32
    %dma_start3A_175 = tpu.memref_slice %arg9[%dma_start3A_173, %dma_start3A_174] : memref<256x256xf32, #tpu.memory_space<vmem>> -> memref<16x256xf32, #tpu.memory_space<vmem>>
    tpu.enqueue_dma source(%dma_start3A_175 : memref<16x256xf32, #tpu.memory_space<vmem>>) target(%dma_start3A_172 : memref<16x256xf32, #tpu.memory_space<hbm>>) target_semaphore(%arg13 : memref<!tpu.dma_semaphore, #tpu.memory_space<semaphore_mem>>)
    %mul3A_176 = arith.constant 16 : i32
    %mul3A_177 = arith.muli %arg1, %mul3A_176 : i32
    %dma_start3A_178 = arith.constant 8 : i32
    %dma_start3A_179 = arith.constant 128 : i32
    %dma_start3A_180 = arith.constant 0 : i32
    %dma_start3A_181 = tpu.memref_slice %arg9[%dma_start3A_179, %dma_start3A_180] : memref<256x256xf32, #tpu.memory_space<vmem>> -> memref<16x256xf32, #tpu.memory_space<vmem>>
    %dma_start3A_182 = arith.constant 0 : i32
    %dma_start3A_183 = tpu.memref_slice %arg4[%arg0, %dma_start3A_178, %mul3A_177, %dma_start3A_182] : memref<2x16x256x256xf32, #tpu.memory_space<hbm>> -> memref<1x1x16x256xf32, #tpu.memory_space<hbm>>
    %dma_start3A_184 = tpu.memref_squeeze %dma_start3A_183 : memref<1x1x16x256xf32, #tpu.memory_space<hbm>> -> memref<16x256xf32, #tpu.memory_space<hbm>>
    %dma_start3A_185 = arith.constant 0 : i32
    %dma_start3A_186 = tpu.memref_slice %arg4[%arg0, %dma_start3A_178, %mul3A_177, %dma_start3A_185] : memref<2x16x256x256xf32, #tpu.memory_space<hbm>> -> memref<1x1x16x256xf32, #tpu.memory_space<hbm>>
    %dma_start3A_187 = tpu.memref_squeeze %dma_start3A_186 : memref<1x1x16x256xf32, #tpu.memory_space<hbm>> -> memref<16x256xf32, #tpu.memory_space<hbm>>
    %dma_start3A_188 = arith.constant 128 : i32
    %dma_start3A_189 = arith.constant 0 : i32
    %dma_start3A_190 = tpu.memref_slice %arg9[%dma_start3A_188, %dma_start3A_189] : memref<256x256xf32, #tpu.memory_space<vmem>> -> memref<16x256xf32, #tpu.memory_space<vmem>>
    tpu.enqueue_dma source(%dma_start3A_190 : memref<16x256xf32, #tpu.memory_space<vmem>>) target(%dma_start3A_187 : memref<16x256xf32, #tpu.memory_space<hbm>>) target_semaphore(%arg13 : memref<!tpu.dma_semaphore, #tpu.memory_space<semaphore_mem>>)
    %mul3A_191 = arith.constant 16 : i32
    %mul3A_192 = arith.muli %arg1, %mul3A_191 : i32
    %dma_start3A_193 = arith.constant 9 : i32
    %dma_start3A_194 = arith.constant 144 : i32
    %dma_start3A_195 = arith.constant 0 : i32
    %dma_start3A_196 = tpu.memref_slice %arg9[%dma_start3A_194, %dma_start3A_195] : memref<256x256xf32, #tpu.memory_space<vmem>> -> memref<16x256xf32, #tpu.memory_space<vmem>>
    %dma_start3A_197 = arith.constant 0 : i32
    %dma_start3A_198 = tpu.memref_slice %arg4[%arg0, %dma_start3A_193, %mul3A_192, %dma_start3A_197] : memref<2x16x256x256xf32, #tpu.memory_space<hbm>> -> memref<1x1x16x256xf32, #tpu.memory_space<hbm>>
    %dma_start3A_199 = tpu.memref_squeeze %dma_start3A_198 : memref<1x1x16x256xf32, #tpu.memory_space<hbm>> -> memref<16x256xf32, #tpu.memory_space<hbm>>
    %dma_start3A_200 = arith.constant 0 : i32
    %dma_start3A_201 = tpu.memref_slice %arg4[%arg0, %dma_start3A_193, %mul3A_192, %dma_start3A_200] : memref<2x16x256x256xf32, #tpu.memory_space<hbm>> -> memref<1x1x16x256xf32, #tpu.memory_space<hbm>>
    %dma_start3A_202 = tpu.memref_squeeze %dma_start3A_201 : memref<1x1x16x256xf32, #tpu.memory_space<hbm>> -> memref<16x256xf32, #tpu.memory_space<hbm>>
    %dma_start3A_203 = arith.constant 144 : i32
    %dma_start3A_204 = arith.constant 0 : i32
    %dma_start3A_205 = tpu.memref_slice %arg9[%dma_start3A_203, %dma_start3A_204] : memref<256x256xf32, #tpu.memory_space<vmem>> -> memref<16x256xf32, #tpu.memory_space<vmem>>
    tpu.enqueue_dma source(%dma_start3A_205 : memref<16x256xf32, #tpu.memory_space<vmem>>) target(%dma_start3A_202 : memref<16x256xf32, #tpu.memory_space<hbm>>) target_semaphore(%arg13 : memref<!tpu.dma_semaphore, #tpu.memory_space<semaphore_mem>>)
    %mul3A_206 = arith.constant 16 : i32
    %mul3A_207 = arith.muli %arg1, %mul3A_206 : i32
    %dma_start3A_208 = arith.constant 10 : i32
    %dma_start3A_209 = arith.constant 160 : i32
    %dma_start3A_210 = arith.constant 0 : i32
    %dma_start3A_211 = tpu.memref_slice %arg9[%dma_start3A_209, %dma_start3A_210] : memref<256x256xf32, #tpu.memory_space<vmem>> -> memref<16x256xf32, #tpu.memory_space<vmem>>
    %dma_start3A_212 = arith.constant 0 : i32
    %dma_start3A_213 = tpu.memref_slice %arg4[%arg0, %dma_start3A_208, %mul3A_207, %dma_start3A_212] : memref<2x16x256x256xf32, #tpu.memory_space<hbm>> -> memref<1x1x16x256xf32, #tpu.memory_space<hbm>>
    %dma_start3A_214 = tpu.memref_squeeze %dma_start3A_213 : memref<1x1x16x256xf32, #tpu.memory_space<hbm>> -> memref<16x256xf32, #tpu.memory_space<hbm>>
    %dma_start3A_215 = arith.constant 0 : i32
    %dma_start3A_216 = tpu.memref_slice %arg4[%arg0, %dma_start3A_208, %mul3A_207, %dma_start3A_215] : memref<2x16x256x256xf32, #tpu.memory_space<hbm>> -> memref<1x1x16x256xf32, #tpu.memory_space<hbm>>
    %dma_start3A_217 = tpu.memref_squeeze %dma_start3A_216 : memref<1x1x16x256xf32, #tpu.memory_space<hbm>> -> memref<16x256xf32, #tpu.memory_space<hbm>>
    %dma_start3A_218 = arith.constant 160 : i32
    %dma_start3A_219 = arith.constant 0 : i32
    %dma_start3A_220 = tpu.memref_slice %arg9[%dma_start3A_218, %dma_start3A_219] : memref<256x256xf32, #tpu.memory_space<vmem>> -> memref<16x256xf32, #tpu.memory_space<vmem>>
    tpu.enqueue_dma source(%dma_start3A_220 : memref<16x256xf32, #tpu.memory_space<vmem>>) target(%dma_start3A_217 : memref<16x256xf32, #tpu.memory_space<hbm>>) target_semaphore(%arg13 : memref<!tpu.dma_semaphore, #tpu.memory_space<semaphore_mem>>)
    %mul3A_221 = arith.constant 16 : i32
    %mul3A_222 = arith.muli %arg1, %mul3A_221 : i32
    %dma_start3A_223 = arith.constant 11 : i32
    %dma_start3A_224 = arith.constant 176 : i32
    %dma_start3A_225 = arith.constant 0 : i32
    %dma_start3A_226 = tpu.memref_slice %arg9[%dma_start3A_224, %dma_start3A_225] : memref<256x256xf32, #tpu.memory_space<vmem>> -> memref<16x256xf32, #tpu.memory_space<vmem>>
    %dma_start3A_227 = arith.constant 0 : i32
    %dma_start3A_228 = tpu.memref_slice %arg4[%arg0, %dma_start3A_223, %mul3A_222, %dma_start3A_227] : memref<2x16x256x256xf32, #tpu.memory_space<hbm>> -> memref<1x1x16x256xf32, #tpu.memory_space<hbm>>
    %dma_start3A_229 = tpu.memref_squeeze %dma_start3A_228 : memref<1x1x16x256xf32, #tpu.memory_space<hbm>> -> memref<16x256xf32, #tpu.memory_space<hbm>>
    %dma_start3A_230 = arith.constant 0 : i32
    %dma_start3A_231 = tpu.memref_slice %arg4[%arg0, %dma_start3A_223, %mul3A_222, %dma_start3A_230] : memref<2x16x256x256xf32, #tpu.memory_space<hbm>> -> memref<1x1x16x256xf32, #tpu.memory_space<hbm>>
    %dma_start3A_232 = tpu.memref_squeeze %dma_start3A_231 : memref<1x1x16x256xf32, #tpu.memory_space<hbm>> -> memref<16x256xf32, #tpu.memory_space<hbm>>
    %dma_start3A_233 = arith.constant 176 : i32
    %dma_start3A_234 = arith.constant 0 : i32
    %dma_start3A_235 = tpu.memref_slice %arg9[%dma_start3A_233, %dma_start3A_234] : memref<256x256xf32, #tpu.memory_space<vmem>> -> memref<16x256xf32, #tpu.memory_space<vmem>>
    tpu.enqueue_dma source(%dma_start3A_235 : memref<16x256xf32, #tpu.memory_space<vmem>>) target(%dma_start3A_232 : memref<16x256xf32, #tpu.memory_space<hbm>>) target_semaphore(%arg13 : memref<!tpu.dma_semaphore, #tpu.memory_space<semaphore_mem>>)
    %mul3A_236 = arith.constant 16 : i32
    %mul3A_237 = arith.muli %arg1, %mul3A_236 : i32
    %dma_start3A_238 = arith.constant 12 : i32
    %dma_start3A_239 = arith.constant 192 : i32
    %dma_start3A_240 = arith.constant 0 : i32
    %dma_start3A_241 = tpu.memref_slice %arg9[%dma_start3A_239, %dma_start3A_240] : memref<256x256xf32, #tpu.memory_space<vmem>> -> memref<16x256xf32, #tpu.memory_space<vmem>>
    %dma_start3A_242 = arith.constant 0 : i32
    %dma_start3A_243 = tpu.memref_slice %arg4[%arg0, %dma_start3A_238, %mul3A_237, %dma_start3A_242] : memref<2x16x256x256xf32, #tpu.memory_space<hbm>> -> memref<1x1x16x256xf32, #tpu.memory_space<hbm>>
    %dma_start3A_244 = tpu.memref_squeeze %dma_start3A_243 : memref<1x1x16x256xf32, #tpu.memory_space<hbm>> -> memref<16x256xf32, #tpu.memory_space<hbm>>
    %dma_start3A_245 = arith.constant 0 : i32
    %dma_start3A_246 = tpu.memref_slice %arg4[%arg0, %dma_start3A_238, %mul3A_237, %dma_start3A_245] : memref<2x16x256x256xf32, #tpu.memory_space<hbm>> -> memref<1x1x16x256xf32, #tpu.memory_space<hbm>>
    %dma_start3A_247 = tpu.memref_squeeze %dma_start3A_246 : memref<1x1x16x256xf32, #tpu.memory_space<hbm>> -> memref<16x256xf32, #tpu.memory_space<hbm>>
    %dma_start3A_248 = arith.constant 192 : i32
    %dma_start3A_249 = arith.constant 0 : i32
    %dma_start3A_250 = tpu.memref_slice %arg9[%dma_start3A_248, %dma_start3A_249] : memref<256x256xf32, #tpu.memory_space<vmem>> -> memref<16x256xf32, #tpu.memory_space<vmem>>
    tpu.enqueue_dma source(%dma_start3A_250 : memref<16x256xf32, #tpu.memory_space<vmem>>) target(%dma_start3A_247 : memref<16x256xf32, #tpu.memory_space<hbm>>) target_semaphore(%arg13 : memref<!tpu.dma_semaphore, #tpu.memory_space<semaphore_mem>>)
    %mul3A_251 = arith.constant 16 : i32
    %mul3A_252 = arith.muli %arg1, %mul3A_251 : i32
    %dma_start3A_253 = arith.constant 13 : i32
    %dma_start3A_254 = arith.constant 208 : i32
    %dma_start3A_255 = arith.constant 0 : i32
    %dma_start3A_256 = tpu.memref_slice %arg9[%dma_start3A_254, %dma_start3A_255] : memref<256x256xf32, #tpu.memory_space<vmem>> -> memref<16x256xf32, #tpu.memory_space<vmem>>
    %dma_start3A_257 = arith.constant 0 : i32
    %dma_start3A_258 = tpu.memref_slice %arg4[%arg0, %dma_start3A_253, %mul3A_252, %dma_start3A_257] : memref<2x16x256x256xf32, #tpu.memory_space<hbm>> -> memref<1x1x16x256xf32, #tpu.memory_space<hbm>>
    %dma_start3A_259 = tpu.memref_squeeze %dma_start3A_258 : memref<1x1x16x256xf32, #tpu.memory_space<hbm>> -> memref<16x256xf32, #tpu.memory_space<hbm>>
    %dma_start3A_260 = arith.constant 0 : i32
    %dma_start3A_261 = tpu.memref_slice %arg4[%arg0, %dma_start3A_253, %mul3A_252, %dma_start3A_260] : memref<2x16x256x256xf32, #tpu.memory_space<hbm>> -> memref<1x1x16x256xf32, #tpu.memory_space<hbm>>
    %dma_start3A_262 = tpu.memref_squeeze %dma_start3A_261 : memref<1x1x16x256xf32, #tpu.memory_space<hbm>> -> memref<16x256xf32, #tpu.memory_space<hbm>>
    %dma_start3A_263 = arith.constant 208 : i32
    %dma_start3A_264 = arith.constant 0 : i32
    %dma_start3A_265 = tpu.memref_slice %arg9[%dma_start3A_263, %dma_start3A_264] : memref<256x256xf32, #tpu.memory_space<vmem>> -> memref<16x256xf32, #tpu.memory_space<vmem>>
    tpu.enqueue_dma source(%dma_start3A_265 : memref<16x256xf32, #tpu.memory_space<vmem>>) target(%dma_start3A_262 : memref<16x256xf32, #tpu.memory_space<hbm>>) target_semaphore(%arg13 : memref<!tpu.dma_semaphore, #tpu.memory_space<semaphore_mem>>)
    %mul3A_266 = arith.constant 16 : i32
    %mul3A_267 = arith.muli %arg1, %mul3A_266 : i32
    %dma_start3A_268 = arith.constant 14 : i32
    %dma_start3A_269 = arith.constant 224 : i32
    %dma_start3A_270 = arith.constant 0 : i32
    %dma_start3A_271 = tpu.memref_slice %arg9[%dma_start3A_269, %dma_start3A_270] : memref<256x256xf32, #tpu.memory_space<vmem>> -> memref<16x256xf32, #tpu.memory_space<vmem>>
    %dma_start3A_272 = arith.constant 0 : i32
    %dma_start3A_273 = tpu.memref_slice %arg4[%arg0, %dma_start3A_268, %mul3A_267, %dma_start3A_272] : memref<2x16x256x256xf32, #tpu.memory_space<hbm>> -> memref<1x1x16x256xf32, #tpu.memory_space<hbm>>
    %dma_start3A_274 = tpu.memref_squeeze %dma_start3A_273 : memref<1x1x16x256xf32, #tpu.memory_space<hbm>> -> memref<16x256xf32, #tpu.memory_space<hbm>>
    %dma_start3A_275 = arith.constant 0 : i32
    %dma_start3A_276 = tpu.memref_slice %arg4[%arg0, %dma_start3A_268, %mul3A_267, %dma_start3A_275] : memref<2x16x256x256xf32, #tpu.memory_space<hbm>> -> memref<1x1x16x256xf32, #tpu.memory_space<hbm>>
    %dma_start3A_277 = tpu.memref_squeeze %dma_start3A_276 : memref<1x1x16x256xf32, #tpu.memory_space<hbm>> -> memref<16x256xf32, #tpu.memory_space<hbm>>
    %dma_start3A_278 = arith.constant 224 : i32
    %dma_start3A_279 = arith.constant 0 : i32
    %dma_start3A_280 = tpu.memref_slice %arg9[%dma_start3A_278, %dma_start3A_279] : memref<256x256xf32, #tpu.memory_space<vmem>> -> memref<16x256xf32, #tpu.memory_space<vmem>>
    tpu.enqueue_dma source(%dma_start3A_280 : memref<16x256xf32, #tpu.memory_space<vmem>>) target(%dma_start3A_277 : memref<16x256xf32, #tpu.memory_space<hbm>>) target_semaphore(%arg13 : memref<!tpu.dma_semaphore, #tpu.memory_space<semaphore_mem>>)
    %mul3A_281 = arith.constant 16 : i32
    %mul3A_282 = arith.muli %arg1, %mul3A_281 : i32
    %dma_start3A_283 = arith.constant 15 : i32
    %dma_start3A_284 = arith.constant 240 : i32
    %dma_start3A_285 = arith.constant 0 : i32
    %dma_start3A_286 = tpu.memref_slice %arg9[%dma_start3A_284, %dma_start3A_285] : memref<256x256xf32, #tpu.memory_space<vmem>> -> memref<16x256xf32, #tpu.memory_space<vmem>>
    %dma_start3A_287 = arith.constant 0 : i32
    %dma_start3A_288 = tpu.memref_slice %arg4[%arg0, %dma_start3A_283, %mul3A_282, %dma_start3A_287] : memref<2x16x256x256xf32, #tpu.memory_space<hbm>> -> memref<1x1x16x256xf32, #tpu.memory_space<hbm>>
    %dma_start3A_289 = tpu.memref_squeeze %dma_start3A_288 : memref<1x1x16x256xf32, #tpu.memory_space<hbm>> -> memref<16x256xf32, #tpu.memory_space<hbm>>
    %dma_start3A_290 = arith.constant 0 : i32
    %dma_start3A_291 = tpu.memref_slice %arg4[%arg0, %dma_start3A_283, %mul3A_282, %dma_start3A_290] : memref<2x16x256x256xf32, #tpu.memory_space<hbm>> -> memref<1x1x16x256xf32, #tpu.memory_space<hbm>>
    %dma_start3A_292 = tpu.memref_squeeze %dma_start3A_291 : memref<1x1x16x256xf32, #tpu.memory_space<hbm>> -> memref<16x256xf32, #tpu.memory_space<hbm>>
    %dma_start3A_293 = arith.constant 240 : i32
    %dma_start3A_294 = arith.constant 0 : i32
    %dma_start3A_295 = tpu.memref_slice %arg9[%dma_start3A_293, %dma_start3A_294] : memref<256x256xf32, #tpu.memory_space<vmem>> -> memref<16x256xf32, #tpu.memory_space<vmem>>
    tpu.enqueue_dma source(%dma_start3A_295 : memref<16x256xf32, #tpu.memory_space<vmem>>) target(%dma_start3A_292 : memref<16x256xf32, #tpu.memory_space<hbm>>) target_semaphore(%arg13 : memref<!tpu.dma_semaphore, #tpu.memory_space<semaphore_mem>>)
    %mul3A_296 = arith.constant 16 : i32
    %mul3A_297 = arith.muli %arg1, %mul3A_296 : i32
    %dma_wait3A = arith.constant 0 : i32
    %dma_wait3A_298 = arith.constant 0 : i32
    %dma_wait3A_299 = arith.constant 0 : i32
    %dma_wait3A_300 = tpu.memref_slice %arg9[%dma_wait3A_298, %dma_wait3A_299] : memref<256x256xf32, #tpu.memory_space<vmem>> -> memref<16x256xf32, #tpu.memory_space<vmem>>
    %dma_wait3A_301 = arith.constant 0 : i32
    %dma_wait3A_302 = tpu.memref_slice %arg4[%arg0, %dma_wait3A, %mul3A_297, %dma_wait3A_301] : memref<2x16x256x256xf32, #tpu.memory_space<hbm>> -> memref<1x1x16x256xf32, #tpu.memory_space<hbm>>
    %dma_wait3A_303 = tpu.memref_squeeze %dma_wait3A_302 : memref<1x1x16x256xf32, #tpu.memory_space<hbm>> -> memref<16x256xf32, #tpu.memory_space<hbm>>
    %dma_wait3A_304 = arith.constant 0 : i32
    %dma_wait3A_305 = tpu.memref_slice %arg4[%arg0, %dma_wait3A, %mul3A_297, %dma_wait3A_304] : memref<2x16x256x256xf32, #tpu.memory_space<hbm>> -> memref<1x1x16x256xf32, #tpu.memory_space<hbm>>
    %dma_wait3A_306 = tpu.memref_squeeze %dma_wait3A_305 : memref<1x1x16x256xf32, #tpu.memory_space<hbm>> -> memref<16x256xf32, #tpu.memory_space<hbm>>
    %dma_wait3A_307 = arith.constant 0 : i32
    %dma_wait3A_308 = arith.constant 0 : i32
    %dma_wait3A_309 = tpu.memref_slice %arg9[%dma_wait3A_307, %dma_wait3A_308] : memref<256x256xf32, #tpu.memory_space<vmem>> -> memref<16x256xf32, #tpu.memory_space<vmem>>
    tpu.wait_dma2 semaphore(%arg13 : memref<!tpu.dma_semaphore, #tpu.memory_space<semaphore_mem>>) src(%dma_wait3A_309 : memref<16x256xf32, #tpu.memory_space<vmem>>) dst(%dma_wait3A_306 : memref<16x256xf32, #tpu.memory_space<hbm>>)
    %mul3A_310 = arith.constant 16 : i32
    %mul3A_311 = arith.muli %arg1, %mul3A_310 : i32
    %dma_wait3A_312 = arith.constant 1 : i32
    %dma_wait3A_313 = arith.constant 16 : i32
    %dma_wait3A_314 = arith.constant 0 : i32
    %dma_wait3A_315 = tpu.memref_slice %arg9[%dma_wait3A_313, %dma_wait3A_314] : memref<256x256xf32, #tpu.memory_space<vmem>> -> memref<16x256xf32, #tpu.memory_space<vmem>>
    %dma_wait3A_316 = arith.constant 0 : i32
    %dma_wait3A_317 = tpu.memref_slice %arg4[%arg0, %dma_wait3A_312, %mul3A_311, %dma_wait3A_316] : memref<2x16x256x256xf32, #tpu.memory_space<hbm>> -> memref<1x1x16x256xf32, #tpu.memory_space<hbm>>
    %dma_wait3A_318 = tpu.memref_squeeze %dma_wait3A_317 : memref<1x1x16x256xf32, #tpu.memory_space<hbm>> -> memref<16x256xf32, #tpu.memory_space<hbm>>
    %dma_wait3A_319 = arith.constant 0 : i32
    %dma_wait3A_320 = tpu.memref_slice %arg4[%arg0, %dma_wait3A_312, %mul3A_311, %dma_wait3A_319] : memref<2x16x256x256xf32, #tpu.memory_space<hbm>> -> memref<1x1x16x256xf32, #tpu.memory_space<hbm>>
    %dma_wait3A_321 = tpu.memref_squeeze %dma_wait3A_320 : memref<1x1x16x256xf32, #tpu.memory_space<hbm>> -> memref<16x256xf32, #tpu.memory_space<hbm>>
    %dma_wait3A_322 = arith.constant 16 : i32
    %dma_wait3A_323 = arith.constant 0 : i32
    %dma_wait3A_324 = tpu.memref_slice %arg9[%dma_wait3A_322, %dma_wait3A_323] : memref<256x256xf32, #tpu.memory_space<vmem>> -> memref<16x256xf32, #tpu.memory_space<vmem>>
    tpu.wait_dma2 semaphore(%arg13 : memref<!tpu.dma_semaphore, #tpu.memory_space<semaphore_mem>>) src(%dma_wait3A_324 : memref<16x256xf32, #tpu.memory_space<vmem>>) dst(%dma_wait3A_321 : memref<16x256xf32, #tpu.memory_space<hbm>>)
    %mul3A_325 = arith.constant 16 : i32
    %mul3A_326 = arith.muli %arg1, %mul3A_325 : i32
    %dma_wait3A_327 = arith.constant 2 : i32
    %dma_wait3A_328 = arith.constant 32 : i32
    %dma_wait3A_329 = arith.constant 0 : i32
    %dma_wait3A_330 = tpu.memref_slice %arg9[%dma_wait3A_328, %dma_wait3A_329] : memref<256x256xf32, #tpu.memory_space<vmem>> -> memref<16x256xf32, #tpu.memory_space<vmem>>
    %dma_wait3A_331 = arith.constant 0 : i32
    %dma_wait3A_332 = tpu.memref_slice %arg4[%arg0, %dma_wait3A_327, %mul3A_326, %dma_wait3A_331] : memref<2x16x256x256xf32, #tpu.memory_space<hbm>> -> memref<1x1x16x256xf32, #tpu.memory_space<hbm>>
    %dma_wait3A_333 = tpu.memref_squeeze %dma_wait3A_332 : memref<1x1x16x256xf32, #tpu.memory_space<hbm>> -> memref<16x256xf32, #tpu.memory_space<hbm>>
    %dma_wait3A_334 = arith.constant 0 : i32
    %dma_wait3A_335 = tpu.memref_slice %arg4[%arg0, %dma_wait3A_327, %mul3A_326, %dma_wait3A_334] : memref<2x16x256x256xf32, #tpu.memory_space<hbm>> -> memref<1x1x16x256xf32, #tpu.memory_space<hbm>>
    %dma_wait3A_336 = tpu.memref_squeeze %dma_wait3A_335 : memref<1x1x16x256xf32, #tpu.memory_space<hbm>> -> memref<16x256xf32, #tpu.memory_space<hbm>>
    %dma_wait3A_337 = arith.constant 32 : i32
    %dma_wait3A_338 = arith.constant 0 : i32
    %dma_wait3A_339 = tpu.memref_slice %arg9[%dma_wait3A_337, %dma_wait3A_338] : memref<256x256xf32, #tpu.memory_space<vmem>> -> memref<16x256xf32, #tpu.memory_space<vmem>>
    tpu.wait_dma2 semaphore(%arg13 : memref<!tpu.dma_semaphore, #tpu.memory_space<semaphore_mem>>) src(%dma_wait3A_339 : memref<16x256xf32, #tpu.memory_space<vmem>>) dst(%dma_wait3A_336 : memref<16x256xf32, #tpu.memory_space<hbm>>)
    %mul3A_340 = arith.constant 16 : i32
    %mul3A_341 = arith.muli %arg1, %mul3A_340 : i32
    %dma_wait3A_342 = arith.constant 3 : i32
    %dma_wait3A_343 = arith.constant 48 : i32
    %dma_wait3A_344 = arith.constant 0 : i32
    %dma_wait3A_345 = tpu.memref_slice %arg9[%dma_wait3A_343, %dma_wait3A_344] : memref<256x256xf32, #tpu.memory_space<vmem>> -> memref<16x256xf32, #tpu.memory_space<vmem>>
    %dma_wait3A_346 = arith.constant 0 : i32
    %dma_wait3A_347 = tpu.memref_slice %arg4[%arg0, %dma_wait3A_342, %mul3A_341, %dma_wait3A_346] : memref<2x16x256x256xf32, #tpu.memory_space<hbm>> -> memref<1x1x16x256xf32, #tpu.memory_space<hbm>>
    %dma_wait3A_348 = tpu.memref_squeeze %dma_wait3A_347 : memref<1x1x16x256xf32, #tpu.memory_space<hbm>> -> memref<16x256xf32, #tpu.memory_space<hbm>>
    %dma_wait3A_349 = arith.constant 0 : i32
    %dma_wait3A_350 = tpu.memref_slice %arg4[%arg0, %dma_wait3A_342, %mul3A_341, %dma_wait3A_349] : memref<2x16x256x256xf32, #tpu.memory_space<hbm>> -> memref<1x1x16x256xf32, #tpu.memory_space<hbm>>
    %dma_wait3A_351 = tpu.memref_squeeze %dma_wait3A_350 : memref<1x1x16x256xf32, #tpu.memory_space<hbm>> -> memref<16x256xf32, #tpu.memory_space<hbm>>
    %dma_wait3A_352 = arith.constant 48 : i32
    %dma_wait3A_353 = arith.constant 0 : i32
    %dma_wait3A_354 = tpu.memref_slice %arg9[%dma_wait3A_352, %dma_wait3A_353] : memref<256x256xf32, #tpu.memory_space<vmem>> -> memref<16x256xf32, #tpu.memory_space<vmem>>
    tpu.wait_dma2 semaphore(%arg13 : memref<!tpu.dma_semaphore, #tpu.memory_space<semaphore_mem>>) src(%dma_wait3A_354 : memref<16x256xf32, #tpu.memory_space<vmem>>) dst(%dma_wait3A_351 : memref<16x256xf32, #tpu.memory_space<hbm>>)
    %mul3A_355 = arith.constant 16 : i32
    %mul3A_356 = arith.muli %arg1, %mul3A_355 : i32
    %dma_wait3A_357 = arith.constant 4 : i32
    %dma_wait3A_358 = arith.constant 64 : i32
    %dma_wait3A_359 = arith.constant 0 : i32
    %dma_wait3A_360 = tpu.memref_slice %arg9[%dma_wait3A_358, %dma_wait3A_359] : memref<256x256xf32, #tpu.memory_space<vmem>> -> memref<16x256xf32, #tpu.memory_space<vmem>>
    %dma_wait3A_361 = arith.constant 0 : i32
    %dma_wait3A_362 = tpu.memref_slice %arg4[%arg0, %dma_wait3A_357, %mul3A_356, %dma_wait3A_361] : memref<2x16x256x256xf32, #tpu.memory_space<hbm>> -> memref<1x1x16x256xf32, #tpu.memory_space<hbm>>
    %dma_wait3A_363 = tpu.memref_squeeze %dma_wait3A_362 : memref<1x1x16x256xf32, #tpu.memory_space<hbm>> -> memref<16x256xf32, #tpu.memory_space<hbm>>
    %dma_wait3A_364 = arith.constant 0 : i32
    %dma_wait3A_365 = tpu.memref_slice %arg4[%arg0, %dma_wait3A_357, %mul3A_356, %dma_wait3A_364] : memref<2x16x256x256xf32, #tpu.memory_space<hbm>> -> memref<1x1x16x256xf32, #tpu.memory_space<hbm>>
    %dma_wait3A_366 = tpu.memref_squeeze %dma_wait3A_365 : memref<1x1x16x256xf32, #tpu.memory_space<hbm>> -> memref<16x256xf32, #tpu.memory_space<hbm>>
    %dma_wait3A_367 = arith.constant 64 : i32
    %dma_wait3A_368 = arith.constant 0 : i32
    %dma_wait3A_369 = tpu.memref_slice %arg9[%dma_wait3A_367, %dma_wait3A_368] : memref<256x256xf32, #tpu.memory_space<vmem>> -> memref<16x256xf32, #tpu.memory_space<vmem>>
    tpu.wait_dma2 semaphore(%arg13 : memref<!tpu.dma_semaphore, #tpu.memory_space<semaphore_mem>>) src(%dma_wait3A_369 : memref<16x256xf32, #tpu.memory_space<vmem>>) dst(%dma_wait3A_366 : memref<16x256xf32, #tpu.memory_space<hbm>>)
    %mul3A_370 = arith.constant 16 : i32
    %mul3A_371 = arith.muli %arg1, %mul3A_370 : i32
    %dma_wait3A_372 = arith.constant 5 : i32
    %dma_wait3A_373 = arith.constant 80 : i32
    %dma_wait3A_374 = arith.constant 0 : i32
    %dma_wait3A_375 = tpu.memref_slice %arg9[%dma_wait3A_373, %dma_wait3A_374] : memref<256x256xf32, #tpu.memory_space<vmem>> -> memref<16x256xf32, #tpu.memory_space<vmem>>
    %dma_wait3A_376 = arith.constant 0 : i32
    %dma_wait3A_377 = tpu.memref_slice %arg4[%arg0, %dma_wait3A_372, %mul3A_371, %dma_wait3A_376] : memref<2x16x256x256xf32, #tpu.memory_space<hbm>> -> memref<1x1x16x256xf32, #tpu.memory_space<hbm>>
    %dma_wait3A_378 = tpu.memref_squeeze %dma_wait3A_377 : memref<1x1x16x256xf32, #tpu.memory_space<hbm>> -> memref<16x256xf32, #tpu.memory_space<hbm>>
    %dma_wait3A_379 = arith.constant 0 : i32
    %dma_wait3A_380 = tpu.memref_slice %arg4[%arg0, %dma_wait3A_372, %mul3A_371, %dma_wait3A_379] : memref<2x16x256x256xf32, #tpu.memory_space<hbm>> -> memref<1x1x16x256xf32, #tpu.memory_space<hbm>>
    %dma_wait3A_381 = tpu.memref_squeeze %dma_wait3A_380 : memref<1x1x16x256xf32, #tpu.memory_space<hbm>> -> memref<16x256xf32, #tpu.memory_space<hbm>>
    %dma_wait3A_382 = arith.constant 80 : i32
    %dma_wait3A_383 = arith.constant 0 : i32
    %dma_wait3A_384 = tpu.memref_slice %arg9[%dma_wait3A_382, %dma_wait3A_383] : memref<256x256xf32, #tpu.memory_space<vmem>> -> memref<16x256xf32, #tpu.memory_space<vmem>>
    tpu.wait_dma2 semaphore(%arg13 : memref<!tpu.dma_semaphore, #tpu.memory_space<semaphore_mem>>) src(%dma_wait3A_384 : memref<16x256xf32, #tpu.memory_space<vmem>>) dst(%dma_wait3A_381 : memref<16x256xf32, #tpu.memory_space<hbm>>)
    %mul3A_385 = arith.constant 16 : i32
    %mul3A_386 = arith.muli %arg1, %mul3A_385 : i32
    %dma_wait3A_387 = arith.constant 6 : i32
    %dma_wait3A_388 = arith.constant 96 : i32
    %dma_wait3A_389 = arith.constant 0 : i32
    %dma_wait3A_390 = tpu.memref_slice %arg9[%dma_wait3A_388, %dma_wait3A_389] : memref<256x256xf32, #tpu.memory_space<vmem>> -> memref<16x256xf32, #tpu.memory_space<vmem>>
    %dma_wait3A_391 = arith.constant 0 : i32
    %dma_wait3A_392 = tpu.memref_slice %arg4[%arg0, %dma_wait3A_387, %mul3A_386, %dma_wait3A_391] : memref<2x16x256x256xf32, #tpu.memory_space<hbm>> -> memref<1x1x16x256xf32, #tpu.memory_space<hbm>>
    %dma_wait3A_393 = tpu.memref_squeeze %dma_wait3A_392 : memref<1x1x16x256xf32, #tpu.memory_space<hbm>> -> memref<16x256xf32, #tpu.memory_space<hbm>>
    %dma_wait3A_394 = arith.constant 0 : i32
    %dma_wait3A_395 = tpu.memref_slice %arg4[%arg0, %dma_wait3A_387, %mul3A_386, %dma_wait3A_394] : memref<2x16x256x256xf32, #tpu.memory_space<hbm>> -> memref<1x1x16x256xf32, #tpu.memory_space<hbm>>
    %dma_wait3A_396 = tpu.memref_squeeze %dma_wait3A_395 : memref<1x1x16x256xf32, #tpu.memory_space<hbm>> -> memref<16x256xf32, #tpu.memory_space<hbm>>
    %dma_wait3A_397 = arith.constant 96 : i32
    %dma_wait3A_398 = arith.constant 0 : i32
    %dma_wait3A_399 = tpu.memref_slice %arg9[%dma_wait3A_397, %dma_wait3A_398] : memref<256x256xf32, #tpu.memory_space<vmem>> -> memref<16x256xf32, #tpu.memory_space<vmem>>
    tpu.wait_dma2 semaphore(%arg13 : memref<!tpu.dma_semaphore, #tpu.memory_space<semaphore_mem>>) src(%dma_wait3A_399 : memref<16x256xf32, #tpu.memory_space<vmem>>) dst(%dma_wait3A_396 : memref<16x256xf32, #tpu.memory_space<hbm>>)
    %mul3A_400 = arith.constant 16 : i32
    %mul3A_401 = arith.muli %arg1, %mul3A_400 : i32
    %dma_wait3A_402 = arith.constant 7 : i32
    %dma_wait3A_403 = arith.constant 112 : i32
    %dma_wait3A_404 = arith.constant 0 : i32
    %dma_wait3A_405 = tpu.memref_slice %arg9[%dma_wait3A_403, %dma_wait3A_404] : memref<256x256xf32, #tpu.memory_space<vmem>> -> memref<16x256xf32, #tpu.memory_space<vmem>>
    %dma_wait3A_406 = arith.constant 0 : i32
    %dma_wait3A_407 = tpu.memref_slice %arg4[%arg0, %dma_wait3A_402, %mul3A_401, %dma_wait3A_406] : memref<2x16x256x256xf32, #tpu.memory_space<hbm>> -> memref<1x1x16x256xf32, #tpu.memory_space<hbm>>
    %dma_wait3A_408 = tpu.memref_squeeze %dma_wait3A_407 : memref<1x1x16x256xf32, #tpu.memory_space<hbm>> -> memref<16x256xf32, #tpu.memory_space<hbm>>
    %dma_wait3A_409 = arith.constant 0 : i32
    %dma_wait3A_410 = tpu.memref_slice %arg4[%arg0, %dma_wait3A_402, %mul3A_401, %dma_wait3A_409] : memref<2x16x256x256xf32, #tpu.memory_space<hbm>> -> memref<1x1x16x256xf32, #tpu.memory_space<hbm>>
    %dma_wait3A_411 = tpu.memref_squeeze %dma_wait3A_410 : memref<1x1x16x256xf32, #tpu.memory_space<hbm>> -> memref<16x256xf32, #tpu.memory_space<hbm>>
    %dma_wait3A_412 = arith.constant 112 : i32
    %dma_wait3A_413 = arith.constant 0 : i32
    %dma_wait3A_414 = tpu.memref_slice %arg9[%dma_wait3A_412, %dma_wait3A_413] : memref<256x256xf32, #tpu.memory_space<vmem>> -> memref<16x256xf32, #tpu.memory_space<vmem>>
    tpu.wait_dma2 semaphore(%arg13 : memref<!tpu.dma_semaphore, #tpu.memory_space<semaphore_mem>>) src(%dma_wait3A_414 : memref<16x256xf32, #tpu.memory_space<vmem>>) dst(%dma_wait3A_411 : memref<16x256xf32, #tpu.memory_space<hbm>>)
    %mul3A_415 = arith.constant 16 : i32
    %mul3A_416 = arith.muli %arg1, %mul3A_415 : i32
    %dma_wait3A_417 = arith.constant 8 : i32
    %dma_wait3A_418 = arith.constant 128 : i32
    %dma_wait3A_419 = arith.constant 0 : i32
    %dma_wait3A_420 = tpu.memref_slice %arg9[%dma_wait3A_418, %dma_wait3A_419] : memref<256x256xf32, #tpu.memory_space<vmem>> -> memref<16x256xf32, #tpu.memory_space<vmem>>
    %dma_wait3A_421 = arith.constant 0 : i32
    %dma_wait3A_422 = tpu.memref_slice %arg4[%arg0, %dma_wait3A_417, %mul3A_416, %dma_wait3A_421] : memref<2x16x256x256xf32, #tpu.memory_space<hbm>> -> memref<1x1x16x256xf32, #tpu.memory_space<hbm>>
    %dma_wait3A_423 = tpu.memref_squeeze %dma_wait3A_422 : memref<1x1x16x256xf32, #tpu.memory_space<hbm>> -> memref<16x256xf32, #tpu.memory_space<hbm>>
    %dma_wait3A_424 = arith.constant 0 : i32
    %dma_wait3A_425 = tpu.memref_slice %arg4[%arg0, %dma_wait3A_417, %mul3A_416, %dma_wait3A_424] : memref<2x16x256x256xf32, #tpu.memory_space<hbm>> -> memref<1x1x16x256xf32, #tpu.memory_space<hbm>>
    %dma_wait3A_426 = tpu.memref_squeeze %dma_wait3A_425 : memref<1x1x16x256xf32, #tpu.memory_space<hbm>> -> memref<16x256xf32, #tpu.memory_space<hbm>>
    %dma_wait3A_427 = arith.constant 128 : i32
    %dma_wait3A_428 = arith.constant 0 : i32
    %dma_wait3A_429 = tpu.memref_slice %arg9[%dma_wait3A_427, %dma_wait3A_428] : memref<256x256xf32, #tpu.memory_space<vmem>> -> memref<16x256xf32, #tpu.memory_space<vmem>>
    tpu.wait_dma2 semaphore(%arg13 : memref<!tpu.dma_semaphore, #tpu.memory_space<semaphore_mem>>) src(%dma_wait3A_429 : memref<16x256xf32, #tpu.memory_space<vmem>>) dst(%dma_wait3A_426 : memref<16x256xf32, #tpu.memory_space<hbm>>)
    %mul3A_430 = arith.constant 16 : i32
    %mul3A_431 = arith.muli %arg1, %mul3A_430 : i32
    %dma_wait3A_432 = arith.constant 9 : i32
    %dma_wait3A_433 = arith.constant 144 : i32
    %dma_wait3A_434 = arith.constant 0 : i32
    %dma_wait3A_435 = tpu.memref_slice %arg9[%dma_wait3A_433, %dma_wait3A_434] : memref<256x256xf32, #tpu.memory_space<vmem>> -> memref<16x256xf32, #tpu.memory_space<vmem>>
    %dma_wait3A_436 = arith.constant 0 : i32
    %dma_wait3A_437 = tpu.memref_slice %arg4[%arg0, %dma_wait3A_432, %mul3A_431, %dma_wait3A_436] : memref<2x16x256x256xf32, #tpu.memory_space<hbm>> -> memref<1x1x16x256xf32, #tpu.memory_space<hbm>>
    %dma_wait3A_438 = tpu.memref_squeeze %dma_wait3A_437 : memref<1x1x16x256xf32, #tpu.memory_space<hbm>> -> memref<16x256xf32, #tpu.memory_space<hbm>>
    %dma_wait3A_439 = arith.constant 0 : i32
    %dma_wait3A_440 = tpu.memref_slice %arg4[%arg0, %dma_wait3A_432, %mul3A_431, %dma_wait3A_439] : memref<2x16x256x256xf32, #tpu.memory_space<hbm>> -> memref<1x1x16x256xf32, #tpu.memory_space<hbm>>
    %dma_wait3A_441 = tpu.memref_squeeze %dma_wait3A_440 : memref<1x1x16x256xf32, #tpu.memory_space<hbm>> -> memref<16x256xf32, #tpu.memory_space<hbm>>
    %dma_wait3A_442 = arith.constant 144 : i32
    %dma_wait3A_443 = arith.constant 0 : i32
    %dma_wait3A_444 = tpu.memref_slice %arg9[%dma_wait3A_442, %dma_wait3A_443] : memref<256x256xf32, #tpu.memory_space<vmem>> -> memref<16x256xf32, #tpu.memory_space<vmem>>
    tpu.wait_dma2 semaphore(%arg13 : memref<!tpu.dma_semaphore, #tpu.memory_space<semaphore_mem>>) src(%dma_wait3A_444 : memref<16x256xf32, #tpu.memory_space<vmem>>) dst(%dma_wait3A_441 : memref<16x256xf32, #tpu.memory_space<hbm>>)
    %mul3A_445 = arith.constant 16 : i32
    %mul3A_446 = arith.muli %arg1, %mul3A_445 : i32
    %dma_wait3A_447 = arith.constant 10 : i32
    %dma_wait3A_448 = arith.constant 160 : i32
    %dma_wait3A_449 = arith.constant 0 : i32
    %dma_wait3A_450 = tpu.memref_slice %arg9[%dma_wait3A_448, %dma_wait3A_449] : memref<256x256xf32, #tpu.memory_space<vmem>> -> memref<16x256xf32, #tpu.memory_space<vmem>>
    %dma_wait3A_451 = arith.constant 0 : i32
    %dma_wait3A_452 = tpu.memref_slice %arg4[%arg0, %dma_wait3A_447, %mul3A_446, %dma_wait3A_451] : memref<2x16x256x256xf32, #tpu.memory_space<hbm>> -> memref<1x1x16x256xf32, #tpu.memory_space<hbm>>
    %dma_wait3A_453 = tpu.memref_squeeze %dma_wait3A_452 : memref<1x1x16x256xf32, #tpu.memory_space<hbm>> -> memref<16x256xf32, #tpu.memory_space<hbm>>
    %dma_wait3A_454 = arith.constant 0 : i32
    %dma_wait3A_455 = tpu.memref_slice %arg4[%arg0, %dma_wait3A_447, %mul3A_446, %dma_wait3A_454] : memref<2x16x256x256xf32, #tpu.memory_space<hbm>> -> memref<1x1x16x256xf32, #tpu.memory_space<hbm>>
    %dma_wait3A_456 = tpu.memref_squeeze %dma_wait3A_455 : memref<1x1x16x256xf32, #tpu.memory_space<hbm>> -> memref<16x256xf32, #tpu.memory_space<hbm>>
    %dma_wait3A_457 = arith.constant 160 : i32
    %dma_wait3A_458 = arith.constant 0 : i32
    %dma_wait3A_459 = tpu.memref_slice %arg9[%dma_wait3A_457, %dma_wait3A_458] : memref<256x256xf32, #tpu.memory_space<vmem>> -> memref<16x256xf32, #tpu.memory_space<vmem>>
    tpu.wait_dma2 semaphore(%arg13 : memref<!tpu.dma_semaphore, #tpu.memory_space<semaphore_mem>>) src(%dma_wait3A_459 : memref<16x256xf32, #tpu.memory_space<vmem>>) dst(%dma_wait3A_456 : memref<16x256xf32, #tpu.memory_space<hbm>>)
    %mul3A_460 = arith.constant 16 : i32
    %mul3A_461 = arith.muli %arg1, %mul3A_460 : i32
    %dma_wait3A_462 = arith.constant 11 : i32
    %dma_wait3A_463 = arith.constant 176 : i32
    %dma_wait3A_464 = arith.constant 0 : i32
    %dma_wait3A_465 = tpu.memref_slice %arg9[%dma_wait3A_463, %dma_wait3A_464] : memref<256x256xf32, #tpu.memory_space<vmem>> -> memref<16x256xf32, #tpu.memory_space<vmem>>
    %dma_wait3A_466 = arith.constant 0 : i32
    %dma_wait3A_467 = tpu.memref_slice %arg4[%arg0, %dma_wait3A_462, %mul3A_461, %dma_wait3A_466] : memref<2x16x256x256xf32, #tpu.memory_space<hbm>> -> memref<1x1x16x256xf32, #tpu.memory_space<hbm>>
    %dma_wait3A_468 = tpu.memref_squeeze %dma_wait3A_467 : memref<1x1x16x256xf32, #tpu.memory_space<hbm>> -> memref<16x256xf32, #tpu.memory_space<hbm>>
    %dma_wait3A_469 = arith.constant 0 : i32
    %dma_wait3A_470 = tpu.memref_slice %arg4[%arg0, %dma_wait3A_462, %mul3A_461, %dma_wait3A_469] : memref<2x16x256x256xf32, #tpu.memory_space<hbm>> -> memref<1x1x16x256xf32, #tpu.memory_space<hbm>>
    %dma_wait3A_471 = tpu.memref_squeeze %dma_wait3A_470 : memref<1x1x16x256xf32, #tpu.memory_space<hbm>> -> memref<16x256xf32, #tpu.memory_space<hbm>>
    %dma_wait3A_472 = arith.constant 176 : i32
    %dma_wait3A_473 = arith.constant 0 : i32
    %dma_wait3A_474 = tpu.memref_slice %arg9[%dma_wait3A_472, %dma_wait3A_473] : memref<256x256xf32, #tpu.memory_space<vmem>> -> memref<16x256xf32, #tpu.memory_space<vmem>>
    tpu.wait_dma2 semaphore(%arg13 : memref<!tpu.dma_semaphore, #tpu.memory_space<semaphore_mem>>) src(%dma_wait3A_474 : memref<16x256xf32, #tpu.memory_space<vmem>>) dst(%dma_wait3A_471 : memref<16x256xf32, #tpu.memory_space<hbm>>)
    %mul3A_475 = arith.constant 16 : i32
    %mul3A_476 = arith.muli %arg1, %mul3A_475 : i32
    %dma_wait3A_477 = arith.constant 12 : i32
    %dma_wait3A_478 = arith.constant 192 : i32
    %dma_wait3A_479 = arith.constant 0 : i32
    %dma_wait3A_480 = tpu.memref_slice %arg9[%dma_wait3A_478, %dma_wait3A_479] : memref<256x256xf32, #tpu.memory_space<vmem>> -> memref<16x256xf32, #tpu.memory_space<vmem>>
    %dma_wait3A_481 = arith.constant 0 : i32
    %dma_wait3A_482 = tpu.memref_slice %arg4[%arg0, %dma_wait3A_477, %mul3A_476, %dma_wait3A_481] : memref<2x16x256x256xf32, #tpu.memory_space<hbm>> -> memref<1x1x16x256xf32, #tpu.memory_space<hbm>>
    %dma_wait3A_483 = tpu.memref_squeeze %dma_wait3A_482 : memref<1x1x16x256xf32, #tpu.memory_space<hbm>> -> memref<16x256xf32, #tpu.memory_space<hbm>>
    %dma_wait3A_484 = arith.constant 0 : i32
    %dma_wait3A_485 = tpu.memref_slice %arg4[%arg0, %dma_wait3A_477, %mul3A_476, %dma_wait3A_484] : memref<2x16x256x256xf32, #tpu.memory_space<hbm>> -> memref<1x1x16x256xf32, #tpu.memory_space<hbm>>
    %dma_wait3A_486 = tpu.memref_squeeze %dma_wait3A_485 : memref<1x1x16x256xf32, #tpu.memory_space<hbm>> -> memref<16x256xf32, #tpu.memory_space<hbm>>
    %dma_wait3A_487 = arith.constant 192 : i32
    %dma_wait3A_488 = arith.constant 0 : i32
    %dma_wait3A_489 = tpu.memref_slice %arg9[%dma_wait3A_487, %dma_wait3A_488] : memref<256x256xf32, #tpu.memory_space<vmem>> -> memref<16x256xf32, #tpu.memory_space<vmem>>
    tpu.wait_dma2 semaphore(%arg13 : memref<!tpu.dma_semaphore, #tpu.memory_space<semaphore_mem>>) src(%dma_wait3A_489 : memref<16x256xf32, #tpu.memory_space<vmem>>) dst(%dma_wait3A_486 : memref<16x256xf32, #tpu.memory_space<hbm>>)
    %mul3A_490 = arith.constant 16 : i32
    %mul3A_491 = arith.muli %arg1, %mul3A_490 : i32
    %dma_wait3A_492 = arith.constant 13 : i32
    %dma_wait3A_493 = arith.constant 208 : i32
    %dma_wait3A_494 = arith.constant 0 : i32
    %dma_wait3A_495 = tpu.memref_slice %arg9[%dma_wait3A_493, %dma_wait3A_494] : memref<256x256xf32, #tpu.memory_space<vmem>> -> memref<16x256xf32, #tpu.memory_space<vmem>>
    %dma_wait3A_496 = arith.constant 0 : i32
    %dma_wait3A_497 = tpu.memref_slice %arg4[%arg0, %dma_wait3A_492, %mul3A_491, %dma_wait3A_496] : memref<2x16x256x256xf32, #tpu.memory_space<hbm>> -> memref<1x1x16x256xf32, #tpu.memory_space<hbm>>
    %dma_wait3A_498 = tpu.memref_squeeze %dma_wait3A_497 : memref<1x1x16x256xf32, #tpu.memory_space<hbm>> -> memref<16x256xf32, #tpu.memory_space<hbm>>
    %dma_wait3A_499 = arith.constant 0 : i32
    %dma_wait3A_500 = tpu.memref_slice %arg4[%arg0, %dma_wait3A_492, %mul3A_491, %dma_wait3A_499] : memref<2x16x256x256xf32, #tpu.memory_space<hbm>> -> memref<1x1x16x256xf32, #tpu.memory_space<hbm>>
    %dma_wait3A_501 = tpu.memref_squeeze %dma_wait3A_500 : memref<1x1x16x256xf32, #tpu.memory_space<hbm>> -> memref<16x256xf32, #tpu.memory_space<hbm>>
    %dma_wait3A_502 = arith.constant 208 : i32
    %dma_wait3A_503 = arith.constant 0 : i32
    %dma_wait3A_504 = tpu.memref_slice %arg9[%dma_wait3A_502, %dma_wait3A_503] : memref<256x256xf32, #tpu.memory_space<vmem>> -> memref<16x256xf32, #tpu.memory_space<vmem>>
    tpu.wait_dma2 semaphore(%arg13 : memref<!tpu.dma_semaphore, #tpu.memory_space<semaphore_mem>>) src(%dma_wait3A_504 : memref<16x256xf32, #tpu.memory_space<vmem>>) dst(%dma_wait3A_501 : memref<16x256xf32, #tpu.memory_space<hbm>>)
    %mul3A_505 = arith.constant 16 : i32
    %mul3A_506 = arith.muli %arg1, %mul3A_505 : i32
    %dma_wait3A_507 = arith.constant 14 : i32
    %dma_wait3A_508 = arith.constant 224 : i32
    %dma_wait3A_509 = arith.constant 0 : i32
    %dma_wait3A_510 = tpu.memref_slice %arg9[%dma_wait3A_508, %dma_wait3A_509] : memref<256x256xf32, #tpu.memory_space<vmem>> -> memref<16x256xf32, #tpu.memory_space<vmem>>
    %dma_wait3A_511 = arith.constant 0 : i32
    %dma_wait3A_512 = tpu.memref_slice %arg4[%arg0, %dma_wait3A_507, %mul3A_506, %dma_wait3A_511] : memref<2x16x256x256xf32, #tpu.memory_space<hbm>> -> memref<1x1x16x256xf32, #tpu.memory_space<hbm>>
    %dma_wait3A_513 = tpu.memref_squeeze %dma_wait3A_512 : memref<1x1x16x256xf32, #tpu.memory_space<hbm>> -> memref<16x256xf32, #tpu.memory_space<hbm>>
    %dma_wait3A_514 = arith.constant 0 : i32
    %dma_wait3A_515 = tpu.memref_slice %arg4[%arg0, %dma_wait3A_507, %mul3A_506, %dma_wait3A_514] : memref<2x16x256x256xf32, #tpu.memory_space<hbm>> -> memref<1x1x16x256xf32, #tpu.memory_space<hbm>>
    %dma_wait3A_516 = tpu.memref_squeeze %dma_wait3A_515 : memref<1x1x16x256xf32, #tpu.memory_space<hbm>> -> memref<16x256xf32, #tpu.memory_space<hbm>>
    %dma_wait3A_517 = arith.constant 224 : i32
    %dma_wait3A_518 = arith.constant 0 : i32
    %dma_wait3A_519 = tpu.memref_slice %arg9[%dma_wait3A_517, %dma_wait3A_518] : memref<256x256xf32, #tpu.memory_space<vmem>> -> memref<16x256xf32, #tpu.memory_space<vmem>>
    tpu.wait_dma2 semaphore(%arg13 : memref<!tpu.dma_semaphore, #tpu.memory_space<semaphore_mem>>) src(%dma_wait3A_519 : memref<16x256xf32, #tpu.memory_space<vmem>>) dst(%dma_wait3A_516 : memref<16x256xf32, #tpu.memory_space<hbm>>)
    %mul3A_520 = arith.constant 16 : i32
    %mul3A_521 = arith.muli %arg1, %mul3A_520 : i32
    %dma_wait3A_522 = arith.constant 15 : i32
    %dma_wait3A_523 = arith.constant 240 : i32
    %dma_wait3A_524 = arith.constant 0 : i32
    %dma_wait3A_525 = tpu.memref_slice %arg9[%dma_wait3A_523, %dma_wait3A_524] : memref<256x256xf32, #tpu.memory_space<vmem>> -> memref<16x256xf32, #tpu.memory_space<vmem>>
    %dma_wait3A_526 = arith.constant 0 : i32
    %dma_wait3A_527 = tpu.memref_slice %arg4[%arg0, %dma_wait3A_522, %mul3A_521, %dma_wait3A_526] : memref<2x16x256x256xf32, #tpu.memory_space<hbm>> -> memref<1x1x16x256xf32, #tpu.memory_space<hbm>>
    %dma_wait3A_528 = tpu.memref_squeeze %dma_wait3A_527 : memref<1x1x16x256xf32, #tpu.memory_space<hbm>> -> memref<16x256xf32, #tpu.memory_space<hbm>>
    %dma_wait3A_529 = arith.constant 0 : i32
    %dma_wait3A_530 = tpu.memref_slice %arg4[%arg0, %dma_wait3A_522, %mul3A_521, %dma_wait3A_529] : memref<2x16x256x256xf32, #tpu.memory_space<hbm>> -> memref<1x1x16x256xf32, #tpu.memory_space<hbm>>
    %dma_wait3A_531 = tpu.memref_squeeze %dma_wait3A_530 : memref<1x1x16x256xf32, #tpu.memory_space<hbm>> -> memref<16x256xf32, #tpu.memory_space<hbm>>
    %dma_wait3A_532 = arith.constant 240 : i32
    %dma_wait3A_533 = arith.constant 0 : i32
    %dma_wait3A_534 = tpu.memref_slice %arg9[%dma_wait3A_532, %dma_wait3A_533] : memref<256x256xf32, #tpu.memory_space<vmem>> -> memref<16x256xf32, #tpu.memory_space<vmem>>
    tpu.wait_dma2 semaphore(%arg13 : memref<!tpu.dma_semaphore, #tpu.memory_space<semaphore_mem>>) src(%dma_wait3A_534 : memref<16x256xf32, #tpu.memory_space<vmem>>) dst(%dma_wait3A_531 : memref<16x256xf32, #tpu.memory_space<hbm>>)
    %barrier3A = arith.constant 0 : index
    tpu.barrier barrier_id(%barrier3A)
    %dma_start3A_535 = arith.constant 0 : i32
    %dma_start3A_536 = arith.constant 0 : i32
    %dma_start3A_537 = tpu.memref_slice %arg6[%dma_start3A_535, %dma_start3A_536] : memref<80x256xf32, #tpu.memory_space<vmem>> -> memref<64x256xf32, #tpu.memory_space<vmem>>
    %dma_start3A_538 = arith.constant 0 : i32
    %dma_start3A_539 = arith.constant 0 : i32
    %dma_start3A_540 = tpu.memref_slice %arg4[%arg0, %arg1, %dma_start3A_538, %dma_start3A_539] : memref<2x16x256x256xf32, #tpu.memory_space<hbm>> -> memref<1x1x64x256xf32, #tpu.memory_space<hbm>>
    %dma_start3A_541 = tpu.memref_squeeze %dma_start3A_540 : memref<1x1x64x256xf32, #tpu.memory_space<hbm>> -> memref<64x256xf32, #tpu.memory_space<hbm>>
    %dma_start3A_542 = arith.constant 0 : i32
    %dma_start3A_543 = arith.constant 0 : i32
    %dma_start3A_544 = tpu.memref_slice %arg6[%dma_start3A_542, %dma_start3A_543] : memref<80x256xf32, #tpu.memory_space<vmem>> -> memref<64x256xf32, #tpu.memory_space<vmem>>
    %dma_start3A_545 = arith.constant 0 : i32
    %dma_start3A_546 = arith.constant 0 : i32
    %dma_start3A_547 = tpu.memref_slice %arg4[%arg0, %arg1, %dma_start3A_545, %dma_start3A_546] : memref<2x16x256x256xf32, #tpu.memory_space<hbm>> -> memref<1x1x64x256xf32, #tpu.memory_space<hbm>>
    %dma_start3A_548 = tpu.memref_squeeze %dma_start3A_547 : memref<1x1x64x256xf32, #tpu.memory_space<hbm>> -> memref<64x256xf32, #tpu.memory_space<hbm>>
    tpu.enqueue_dma source(%dma_start3A_548 : memref<64x256xf32, #tpu.memory_space<hbm>>) target(%dma_start3A_544 : memref<64x256xf32, #tpu.memory_space<vmem>>) target_semaphore(%arg14 : memref<!tpu.dma_semaphore, #tpu.memory_space<semaphore_mem>>)
    %dma_start3A_549 = arith.constant 0 : i32
    %dma_start3A_550 = arith.constant 0 : i32
    %dma_start3A_551 = tpu.memref_slice %arg7[%dma_start3A_549, %dma_start3A_550] : memref<80x256xf32, #tpu.memory_space<vmem>> -> memref<64x256xf32, #tpu.memory_space<vmem>>
    %dma_start3A_552 = arith.constant 64 : i32
    %dma_start3A_553 = arith.constant 0 : i32
    %dma_start3A_554 = tpu.memref_slice %arg4[%arg0, %arg1, %dma_start3A_552, %dma_start3A_553] : memref<2x16x256x256xf32, #tpu.memory_space<hbm>> -> memref<1x1x64x256xf32, #tpu.memory_space<hbm>>
    %dma_start3A_555 = tpu.memref_squeeze %dma_start3A_554 : memref<1x1x64x256xf32, #tpu.memory_space<hbm>> -> memref<64x256xf32, #tpu.memory_space<hbm>>
    %dma_start3A_556 = arith.constant 0 : i32
    %dma_start3A_557 = arith.constant 0 : i32
    %dma_start3A_558 = tpu.memref_slice %arg7[%dma_start3A_556, %dma_start3A_557] : memref<80x256xf32, #tpu.memory_space<vmem>> -> memref<64x256xf32, #tpu.memory_space<vmem>>
    %dma_start3A_559 = arith.constant 64 : i32
    %dma_start3A_560 = arith.constant 0 : i32
    %dma_start3A_561 = tpu.memref_slice %arg4[%arg0, %arg1, %dma_start3A_559, %dma_start3A_560] : memref<2x16x256x256xf32, #tpu.memory_space<hbm>> -> memref<1x1x64x256xf32, #tpu.memory_space<hbm>>
    %dma_start3A_562 = tpu.memref_squeeze %dma_start3A_561 : memref<1x1x64x256xf32, #tpu.memory_space<hbm>> -> memref<64x256xf32, #tpu.memory_space<hbm>>
    tpu.enqueue_dma source(%dma_start3A_562 : memref<64x256xf32, #tpu.memory_space<hbm>>) target(%dma_start3A_558 : memref<64x256xf32, #tpu.memory_space<vmem>>) target_semaphore(%arg15 : memref<!tpu.dma_semaphore, #tpu.memory_space<semaphore_mem>>)
    %dma_wait3A_563 = arith.constant 0 : i32
    %dma_wait3A_564 = arith.constant 0 : i32
    %dma_wait3A_565 = tpu.memref_slice %arg6[%dma_wait3A_563, %dma_wait3A_564] : memref<80x256xf32, #tpu.memory_space<vmem>> -> memref<64x256xf32, #tpu.memory_space<vmem>>
    %dma_wait3A_566 = arith.constant 0 : i32
    %dma_wait3A_567 = arith.constant 0 : i32
    %dma_wait3A_568 = tpu.memref_slice %arg4[%arg0, %arg1, %dma_wait3A_566, %dma_wait3A_567] : memref<2x16x256x256xf32, #tpu.memory_space<hbm>> -> memref<1x1x64x256xf32, #tpu.memory_space<hbm>>
    %dma_wait3A_569 = tpu.memref_squeeze %dma_wait3A_568 : memref<1x1x64x256xf32, #tpu.memory_space<hbm>> -> memref<64x256xf32, #tpu.memory_space<hbm>>
    %dma_wait3A_570 = arith.constant 0 : i32
    %dma_wait3A_571 = arith.constant 0 : i32
    %dma_wait3A_572 = tpu.memref_slice %arg6[%dma_wait3A_570, %dma_wait3A_571] : memref<80x256xf32, #tpu.memory_space<vmem>> -> memref<64x256xf32, #tpu.memory_space<vmem>>
    %dma_wait3A_573 = arith.constant 0 : i32
    %dma_wait3A_574 = arith.constant 0 : i32
    %dma_wait3A_575 = tpu.memref_slice %arg4[%arg0, %arg1, %dma_wait3A_573, %dma_wait3A_574] : memref<2x16x256x256xf32, #tpu.memory_space<hbm>> -> memref<1x1x64x256xf32, #tpu.memory_space<hbm>>
    %dma_wait3A_576 = tpu.memref_squeeze %dma_wait3A_575 : memref<1x1x64x256xf32, #tpu.memory_space<hbm>> -> memref<64x256xf32, #tpu.memory_space<hbm>>
    tpu.wait_dma2 semaphore(%arg14 : memref<!tpu.dma_semaphore, #tpu.memory_space<semaphore_mem>>) src(%dma_wait3A_576 : memref<64x256xf32, #tpu.memory_space<hbm>>) dst(%dma_wait3A_572 : memref<64x256xf32, #tpu.memory_space<vmem>>)
    %scan3A_577 = arith.constant 0 : i32
    %scan3A_578 = arith.constant 0 : i32
    %scan3A_579 = arith.constant 16 : i32
    %scan3A_580 = arith.addi %scan3A_578, %scan3A_579 : i32
    %scan3A_581 = arith.constant 1 : i32
    scf.for %scan3A_673 = %scan3A_578 to %scan3A_580 step %scan3A_581  : i32 {
      %get3A = arith.index_cast %scan3A_673 : i32 to index
      %get3A_674 = arith.constant 0 : index
      %get3A_675 = tpu.vector_load %arg6[%get3A, %get3A_674] {strides = array<i32>} : memref<80x256xf32, #tpu.memory_space<vmem>>, vector<16xf32>,
      %add3A_676 = arith.constant 16 : i32
      %add3A_677 = arith.addi %add3A_676, %scan3A_673 : i32
      %get3A_678 = arith.index_cast %add3A_677 : i32 to index
      %get3A_679 = arith.constant 0 : index
      %get3A_680 = tpu.vector_load %arg6[%get3A_678, %get3A_679] {strides = array<i32>} : memref<80x256xf32, #tpu.memory_space<vmem>>, vector<16xf32>,
      %max3A = arith.maximumf %get3A_675, %get3A_680 : vector<16xf32>
      %add3A_681 = arith.constant 32 : i32
      %add3A_682 = arith.addi %add3A_681, %scan3A_673 : i32
      %get3A_683 = arith.index_cast %add3A_682 : i32 to index
      %get3A_684 = arith.constant 0 : index
      %get3A_685 = tpu.vector_load %arg6[%get3A_683, %get3A_684] {strides = array<i32>} : memref<80x256xf32, #tpu.memory_space<vmem>>, vector<16xf32>,
      %max3A_686 = arith.maximumf %max3A, %get3A_685 : vector<16xf32>
      %add3A_687 = arith.constant 48 : i32
      %add3A_688 = arith.addi %add3A_687, %scan3A_673 : i32
      %get3A_689 = arith.index_cast %add3A_688 : i32 to index
      %get3A_690 = arith.constant 0 : index
      %get3A_691 = tpu.vector_load %arg6[%get3A_689, %get3A_690] {strides = array<i32>} : memref<80x256xf32, #tpu.memory_space<vmem>>, vector<16xf32>,
      %max3A_692 = arith.maximumf %max3A_686, %get3A_691 : vector<16xf32>
      %swap3A_693 = arith.index_cast %scan3A_673 : i32 to index
      %swap3A_694 = arith.constant 0 : index
      %swap3A_695 = tpu.vector_load %arg8[%swap3A_693, %swap3A_694] {strides = array<i32>} : memref<80x256xf32, #tpu.memory_space<vmem>>, vector<16xf32>,
      tpu.vector_store %arg8[%swap3A_693, %swap3A_694], %max3A_692 {strides = array<i32>} : memref<80x256xf32, #tpu.memory_space<vmem>>, vector<16xf32>,
      %get3A_696 = arith.index_cast %scan3A_673 : i32 to index
      %get3A_697 = arith.constant 16 : index
      %get3A_698 = tpu.vector_load %arg6[%get3A_696, %get3A_697] {strides = array<i32>} : memref<80x256xf32, #tpu.memory_space<vmem>>, vector<16xf32>,
      %add3A_699 = arith.constant 16 : i32
      %add3A_700 = arith.addi %add3A_699, %scan3A_673 : i32
      %get3A_701 = arith.index_cast %add3A_700 : i32 to index
      %get3A_702 = arith.constant 16 : index
      %get3A_703 = tpu.vector_load %arg6[%get3A_701, %get3A_702] {strides = array<i32>} : memref<80x256xf32, #tpu.memory_space<vmem>>, vector<16xf32>,
      %max3A_704 = arith.maximumf %get3A_698, %get3A_703 : vector<16xf32>
      %add3A_705 = arith.constant 32 : i32
      %add3A_706 = arith.addi %add3A_705, %scan3A_673 : i32
      %get3A_707 = arith.index_cast %add3A_706 : i32 to index
      %get3A_708 = arith.constant 16 : index
      %get3A_709 = tpu.vector_load %arg6[%get3A_707, %get3A_708] {strides = array<i32>} : memref<80x256xf32, #tpu.memory_space<vmem>>, vector<16xf32>,
      %max3A_710 = arith.maximumf %max3A_704, %get3A_709 : vector<16xf32>
      %add3A_711 = arith.constant 48 : i32
      %add3A_712 = arith.addi %add3A_711, %scan3A_673 : i32
      %get3A_713 = arith.index_cast %add3A_712 : i32 to index
      %get3A_714 = arith.constant 16 : index
      %get3A_715 = tpu.vector_load %arg6[%get3A_713, %get3A_714] {strides = array<i32>} : memref<80x256xf32, #tpu.memory_space<vmem>>, vector<16xf32>,
      %max3A_716 = arith.maximumf %max3A_710, %get3A_715 : vector<16xf32>
      %swap3A_717 = arith.index_cast %scan3A_673 : i32 to index
      %swap3A_718 = arith.constant 16 : index
      %swap3A_719 = tpu.vector_load %arg8[%swap3A_717, %swap3A_718] {strides = array<i32>} : memref<80x256xf32, #tpu.memory_space<vmem>>, vector<16xf32>,
      tpu.vector_store %arg8[%swap3A_717, %swap3A_718], %max3A_716 {strides = array<i32>} : memref<80x256xf32, #tpu.memory_space<vmem>>, vector<16xf32>,
      %get3A_720 = arith.index_cast %scan3A_673 : i32 to index
      %get3A_721 = arith.constant 32 : index
      %get3A_722 = tpu.vector_load %arg6[%get3A_720, %get3A_721] {strides = array<i32>} : memref<80x256xf32, #tpu.memory_space<vmem>>, vector<16xf32>,
      %add3A_723 = arith.constant 16 : i32
      %add3A_724 = arith.addi %add3A_723, %scan3A_673 : i32
      %get3A_725 = arith.index_cast %add3A_724 : i32 to index
      %get3A_726 = arith.constant 32 : index
      %get3A_727 = tpu.vector_load %arg6[%get3A_725, %get3A_726] {strides = array<i32>} : memref<80x256xf32, #tpu.memory_space<vmem>>, vector<16xf32>,
      %max3A_728 = arith.maximumf %get3A_722, %get3A_727 : vector<16xf32>
      %add3A_729 = arith.constant 32 : i32
      %add3A_730 = arith.addi %add3A_729, %scan3A_673 : i32
      %get3A_731 = arith.index_cast %add3A_730 : i32 to index
      %get3A_732 = arith.constant 32 : index
      %get3A_733 = tpu.vector_load %arg6[%get3A_731, %get3A_732] {strides = array<i32>} : memref<80x256xf32, #tpu.memory_space<vmem>>, vector<16xf32>,
      %max3A_734 = arith.maximumf %max3A_728, %get3A_733 : vector<16xf32>
      %add3A_735 = arith.constant 48 : i32
      %add3A_736 = arith.addi %add3A_735, %scan3A_673 : i32
      %get3A_737 = arith.index_cast %add3A_736 : i32 to index
      %get3A_738 = arith.constant 32 : index
      %get3A_739 = tpu.vector_load %arg6[%get3A_737, %get3A_738] {strides = array<i32>} : memref<80x256xf32, #tpu.memory_space<vmem>>, vector<16xf32>,
      %max3A_740 = arith.maximumf %max3A_734, %get3A_739 : vector<16xf32>
      %swap3A_741 = arith.index_cast %scan3A_673 : i32 to index
      %swap3A_742 = arith.constant 32 : index
      %swap3A_743 = tpu.vector_load %arg8[%swap3A_741, %swap3A_742] {strides = array<i32>} : memref<80x256xf32, #tpu.memory_space<vmem>>, vector<16xf32>,
      tpu.vector_store %arg8[%swap3A_741, %swap3A_742], %max3A_740 {strides = array<i32>} : memref<80x256xf32, #tpu.memory_space<vmem>>, vector<16xf32>,
      %get3A_744 = arith.index_cast %scan3A_673 : i32 to index
      %get3A_745 = arith.constant 48 : index
      %get3A_746 = tpu.vector_load %arg6[%get3A_744, %get3A_745] {strides = array<i32>} : memref<80x256xf32, #tpu.memory_space<vmem>>, vector<16xf32>,
      %add3A_747 = arith.constant 16 : i32
      %add3A_748 = arith.addi %add3A_747, %scan3A_673 : i32
      %get3A_749 = arith.index_cast %add3A_748 : i32 to index
      %get3A_750 = arith.constant 48 : index
      %get3A_751 = tpu.vector_load %arg6[%get3A_749, %get3A_750] {strides = array<i32>} : memref<80x256xf32, #tpu.memory_space<vmem>>, vector<16xf32>,
      %max3A_752 = arith.maximumf %get3A_746, %get3A_751 : vector<16xf32>
      %add3A_753 = arith.constant 32 : i32
      %add3A_754 = arith.addi %add3A_753, %scan3A_673 : i32
      %get3A_755 = arith.index_cast %add3A_754 : i32 to index
      %get3A_756 = arith.constant 48 : index
      %get3A_757 = tpu.vector_load %arg6[%get3A_755, %get3A_756] {strides = array<i32>} : memref<80x256xf32, #tpu.memory_space<vmem>>, vector<16xf32>,
      %max3A_758 = arith.maximumf %max3A_752, %get3A_757 : vector<16xf32>
      %add3A_759 = arith.constant 48 : i32
      %add3A_760 = arith.addi %add3A_759, %scan3A_673 : i32
      %get3A_761 = arith.index_cast %add3A_760 : i32 to index
      %get3A_762 = arith.constant 48 : index
      %get3A_763 = tpu.vector_load %arg6[%get3A_761, %get3A_762] {strides = array<i32>} : memref<80x256xf32, #tpu.memory_space<vmem>>, vector<16xf32>,
      %max3A_764 = arith.maximumf %max3A_758, %get3A_763 : vector<16xf32>
      %swap3A_765 = arith.index_cast %scan3A_673 : i32 to index
      %swap3A_766 = arith.constant 48 : index
      %swap3A_767 = tpu.vector_load %arg8[%swap3A_765, %swap3A_766] {strides = array<i32>} : memref<80x256xf32, #tpu.memory_space<vmem>>, vector<16xf32>,
      tpu.vector_store %arg8[%swap3A_765, %swap3A_766], %max3A_764 {strides = array<i32>} : memref<80x256xf32, #tpu.memory_space<vmem>>, vector<16xf32>,
      %get3A_768 = arith.index_cast %scan3A_673 : i32 to index
      %get3A_769 = arith.constant 64 : index
      %get3A_770 = tpu.vector_load %arg6[%get3A_768, %get3A_769] {strides = array<i32>} : memref<80x256xf32, #tpu.memory_space<vmem>>, vector<16xf32>,
      %add3A_771 = arith.constant 16 : i32
      %add3A_772 = arith.addi %add3A_771, %scan3A_673 : i32
      %get3A_773 = arith.index_cast %add3A_772 : i32 to index
      %get3A_774 = arith.constant 64 : index
      %get3A_775 = tpu.vector_load %arg6[%get3A_773, %get3A_774] {strides = array<i32>} : memref<80x256xf32, #tpu.memory_space<vmem>>, vector<16xf32>,
      %max3A_776 = arith.maximumf %get3A_770, %get3A_775 : vector<16xf32>
      %add3A_777 = arith.constant 32 : i32
      %add3A_778 = arith.addi %add3A_777, %scan3A_673 : i32
      %get3A_779 = arith.index_cast %add3A_778 : i32 to index
      %get3A_780 = arith.constant 64 : index
      %get3A_781 = tpu.vector_load %arg6[%get3A_779, %get3A_780] {strides = array<i32>} : memref<80x256xf32, #tpu.memory_space<vmem>>, vector<16xf32>,
      %max3A_782 = arith.maximumf %max3A_776, %get3A_781 : vector<16xf32>
      %add3A_783 = arith.constant 48 : i32
      %add3A_784 = arith.addi %add3A_783, %scan3A_673 : i32
      %get3A_785 = arith.index_cast %add3A_784 : i32 to index
      %get3A_786 = arith.constant 64 : index
      %get3A_787 = tpu.vector_load %arg6[%get3A_785, %get3A_786] {strides = array<i32>} : memref<80x256xf32, #tpu.memory_space<vmem>>, vector<16xf32>,
      %max3A_788 = arith.maximumf %max3A_782, %get3A_787 : vector<16xf32>
      %swap3A_789 = arith.index_cast %scan3A_673 : i32 to index
      %swap3A_790 = arith.constant 64 : index
      %swap3A_791 = tpu.vector_load %arg8[%swap3A_789, %swap3A_790] {strides = array<i32>} : memref<80x256xf32, #tpu.memory_space<vmem>>, vector<16xf32>,
      tpu.vector_store %arg8[%swap3A_789, %swap3A_790], %max3A_788 {strides = array<i32>} : memref<80x256xf32, #tpu.memory_space<vmem>>, vector<16xf32>,
      %get3A_792 = arith.index_cast %scan3A_673 : i32 to index
      %get3A_793 = arith.constant 80 : index
      %get3A_794 = tpu.vector_load %arg6[%get3A_792, %get3A_793] {strides = array<i32>} : memref<80x256xf32, #tpu.memory_space<vmem>>, vector<16xf32>,
      %add3A_795 = arith.constant 16 : i32
      %add3A_796 = arith.addi %add3A_795, %scan3A_673 : i32
      %get3A_797 = arith.index_cast %add3A_796 : i32 to index
      %get3A_798 = arith.constant 80 : index
      %get3A_799 = tpu.vector_load %arg6[%get3A_797, %get3A_798] {strides = array<i32>} : memref<80x256xf32, #tpu.memory_space<vmem>>, vector<16xf32>,
      %max3A_800 = arith.maximumf %get3A_794, %get3A_799 : vector<16xf32>
      %add3A_801 = arith.constant 32 : i32
      %add3A_802 = arith.addi %add3A_801, %scan3A_673 : i32
      %get3A_803 = arith.index_cast %add3A_802 : i32 to index
      %get3A_804 = arith.constant 80 : index
      %get3A_805 = tpu.vector_load %arg6[%get3A_803, %get3A_804] {strides = array<i32>} : memref<80x256xf32, #tpu.memory_space<vmem>>, vector<16xf32>,
      %max3A_806 = arith.maximumf %max3A_800, %get3A_805 : vector<16xf32>
      %add3A_807 = arith.constant 48 : i32
      %add3A_808 = arith.addi %add3A_807, %scan3A_673 : i32
      %get3A_809 = arith.index_cast %add3A_808 : i32 to index
      %get3A_810 = arith.constant 80 : index
      %get3A_811 = tpu.vector_load %arg6[%get3A_809, %get3A_810] {strides = array<i32>} : memref<80x256xf32, #tpu.memory_space<vmem>>, vector<16xf32>,
      %max3A_812 = arith.maximumf %max3A_806, %get3A_811 : vector<16xf32>
      %swap3A_813 = arith.index_cast %scan3A_673 : i32 to index
      %swap3A_814 = arith.constant 80 : index
      %swap3A_815 = tpu.vector_load %arg8[%swap3A_813, %swap3A_814] {strides = array<i32>} : memref<80x256xf32, #tpu.memory_space<vmem>>, vector<16xf32>,
      tpu.vector_store %arg8[%swap3A_813, %swap3A_814], %max3A_812 {strides = array<i32>} : memref<80x256xf32, #tpu.memory_space<vmem>>, vector<16xf32>,
      %get3A_816 = arith.index_cast %scan3A_673 : i32 to index
      %get3A_817 = arith.constant 96 : index
      %get3A_818 = tpu.vector_load %arg6[%get3A_816, %get3A_817] {strides = array<i32>} : memref<80x256xf32, #tpu.memory_space<vmem>>, vector<16xf32>,
      %add3A_819 = arith.constant 16 : i32
      %add3A_820 = arith.addi %add3A_819, %scan3A_673 : i32
      %get3A_821 = arith.index_cast %add3A_820 : i32 to index
      %get3A_822 = arith.constant 96 : index
      %get3A_823 = tpu.vector_load %arg6[%get3A_821, %get3A_822] {strides = array<i32>} : memref<80x256xf32, #tpu.memory_space<vmem>>, vector<16xf32>,
      %max3A_824 = arith.maximumf %get3A_818, %get3A_823 : vector<16xf32>
      %add3A_825 = arith.constant 32 : i32
      %add3A_826 = arith.addi %add3A_825, %scan3A_673 : i32
      %get3A_827 = arith.index_cast %add3A_826 : i32 to index
      %get3A_828 = arith.constant 96 : index
      %get3A_829 = tpu.vector_load %arg6[%get3A_827, %get3A_828] {strides = array<i32>} : memref<80x256xf32, #tpu.memory_space<vmem>>, vector<16xf32>,
      %max3A_830 = arith.maximumf %max3A_824, %get3A_829 : vector<16xf32>
      %add3A_831 = arith.constant 48 : i32
      %add3A_832 = arith.addi %add3A_831, %scan3A_673 : i32
      %get3A_833 = arith.index_cast %add3A_832 : i32 to index
      %get3A_834 = arith.constant 96 : index
      %get3A_835 = tpu.vector_load %arg6[%get3A_833, %get3A_834] {strides = array<i32>} : memref<80x256xf32, #tpu.memory_space<vmem>>, vector<16xf32>,
      %max3A_836 = arith.maximumf %max3A_830, %get3A_835 : vector<16xf32>
      %swap3A_837 = arith.index_cast %scan3A_673 : i32 to index
      %swap3A_838 = arith.constant 96 : index
      %swap3A_839 = tpu.vector_load %arg8[%swap3A_837, %swap3A_838] {strides = array<i32>} : memref<80x256xf32, #tpu.memory_space<vmem>>, vector<16xf32>,
      tpu.vector_store %arg8[%swap3A_837, %swap3A_838], %max3A_836 {strides = array<i32>} : memref<80x256xf32, #tpu.memory_space<vmem>>, vector<16xf32>,
      %get3A_840 = arith.index_cast %scan3A_673 : i32 to index
      %get3A_841 = arith.constant 112 : index
      %get3A_842 = tpu.vector_load %arg6[%get3A_840, %get3A_841] {strides = array<i32>} : memref<80x256xf32, #tpu.memory_space<vmem>>, vector<16xf32>,
      %add3A_843 = arith.constant 16 : i32
      %add3A_844 = arith.addi %add3A_843, %scan3A_673 : i32
      %get3A_845 = arith.index_cast %add3A_844 : i32 to index
      %get3A_846 = arith.constant 112 : index
      %get3A_847 = tpu.vector_load %arg6[%get3A_845, %get3A_846] {strides = array<i32>} : memref<80x256xf32, #tpu.memory_space<vmem>>, vector<16xf32>,
      %max3A_848 = arith.maximumf %get3A_842, %get3A_847 : vector<16xf32>
      %add3A_849 = arith.constant 32 : i32
      %add3A_850 = arith.addi %add3A_849, %scan3A_673 : i32
      %get3A_851 = arith.index_cast %add3A_850 : i32 to index
      %get3A_852 = arith.constant 112 : index
      %get3A_853 = tpu.vector_load %arg6[%get3A_851, %get3A_852] {strides = array<i32>} : memref<80x256xf32, #tpu.memory_space<vmem>>, vector<16xf32>,
      %max3A_854 = arith.maximumf %max3A_848, %get3A_853 : vector<16xf32>
      %add3A_855 = arith.constant 48 : i32
      %add3A_856 = arith.addi %add3A_855, %scan3A_673 : i32
      %get3A_857 = arith.index_cast %add3A_856 : i32 to index
      %get3A_858 = arith.constant 112 : index
      %get3A_859 = tpu.vector_load %arg6[%get3A_857, %get3A_858] {strides = array<i32>} : memref<80x256xf32, #tpu.memory_space<vmem>>, vector<16xf32>,
      %max3A_860 = arith.maximumf %max3A_854, %get3A_859 : vector<16xf32>
      %swap3A_861 = arith.index_cast %scan3A_673 : i32 to index
      %swap3A_862 = arith.constant 112 : index
      %swap3A_863 = tpu.vector_load %arg8[%swap3A_861, %swap3A_862] {strides = array<i32>} : memref<80x256xf32, #tpu.memory_space<vmem>>, vector<16xf32>,
      tpu.vector_store %arg8[%swap3A_861, %swap3A_862], %max3A_860 {strides = array<i32>} : memref<80x256xf32, #tpu.memory_space<vmem>>, vector<16xf32>,
      %get3A_864 = arith.index_cast %scan3A_673 : i32 to index
      %get3A_865 = arith.constant 128 : index
      %get3A_866 = tpu.vector_load %arg6[%get3A_864, %get3A_865] {strides = array<i32>} : memref<80x256xf32, #tpu.memory_space<vmem>>, vector<16xf32>,
      %add3A_867 = arith.constant 16 : i32
      %add3A_868 = arith.addi %add3A_867, %scan3A_673 : i32
      %get3A_869 = arith.index_cast %add3A_868 : i32 to index
      %get3A_870 = arith.constant 128 : index
      %get3A_871 = tpu.vector_load %arg6[%get3A_869, %get3A_870] {strides = array<i32>} : memref<80x256xf32, #tpu.memory_space<vmem>>, vector<16xf32>,
      %max3A_872 = arith.maximumf %get3A_866, %get3A_871 : vector<16xf32>
      %add3A_873 = arith.constant 32 : i32
      %add3A_874 = arith.addi %add3A_873, %scan3A_673 : i32
      %get3A_875 = arith.index_cast %add3A_874 : i32 to index
      %get3A_876 = arith.constant 128 : index
      %get3A_877 = tpu.vector_load %arg6[%get3A_875, %get3A_876] {strides = array<i32>} : memref<80x256xf32, #tpu.memory_space<vmem>>, vector<16xf32>,
      %max3A_878 = arith.maximumf %max3A_872, %get3A_877 : vector<16xf32>
      %add3A_879 = arith.constant 48 : i32
      %add3A_880 = arith.addi %add3A_879, %scan3A_673 : i32
      %get3A_881 = arith.index_cast %add3A_880 : i32 to index
      %get3A_882 = arith.constant 128 : index
      %get3A_883 = tpu.vector_load %arg6[%get3A_881, %get3A_882] {strides = array<i32>} : memref<80x256xf32, #tpu.memory_space<vmem>>, vector<16xf32>,
      %max3A_884 = arith.maximumf %max3A_878, %get3A_883 : vector<16xf32>
      %swap3A_885 = arith.index_cast %scan3A_673 : i32 to index
      %swap3A_886 = arith.constant 128 : index
      %swap3A_887 = tpu.vector_load %arg8[%swap3A_885, %swap3A_886] {strides = array<i32>} : memref<80x256xf32, #tpu.memory_space<vmem>>, vector<16xf32>,
      tpu.vector_store %arg8[%swap3A_885, %swap3A_886], %max3A_884 {strides = array<i32>} : memref<80x256xf32, #tpu.memory_space<vmem>>, vector<16xf32>,
      %get3A_888 = arith.index_cast %scan3A_673 : i32 to index
      %get3A_889 = arith.constant 144 : index
      %get3A_890 = tpu.vector_load %arg6[%get3A_888, %get3A_889] {strides = array<i32>} : memref<80x256xf32, #tpu.memory_space<vmem>>, vector<16xf32>,
      %add3A_891 = arith.constant 16 : i32
      %add3A_892 = arith.addi %add3A_891, %scan3A_673 : i32
      %get3A_893 = arith.index_cast %add3A_892 : i32 to index
      %get3A_894 = arith.constant 144 : index
      %get3A_895 = tpu.vector_load %arg6[%get3A_893, %get3A_894] {strides = array<i32>} : memref<80x256xf32, #tpu.memory_space<vmem>>, vector<16xf32>,
      %max3A_896 = arith.maximumf %get3A_890, %get3A_895 : vector<16xf32>
      %add3A_897 = arith.constant 32 : i32
      %add3A_898 = arith.addi %add3A_897, %scan3A_673 : i32
      %get3A_899 = arith.index_cast %add3A_898 : i32 to index
      %get3A_900 = arith.constant 144 : index
      %get3A_901 = tpu.vector_load %arg6[%get3A_899, %get3A_900] {strides = array<i32>} : memref<80x256xf32, #tpu.memory_space<vmem>>, vector<16xf32>,
      %max3A_902 = arith.maximumf %max3A_896, %get3A_901 : vector<16xf32>
      %add3A_903 = arith.constant 48 : i32
      %add3A_904 = arith.addi %add3A_903, %scan3A_673 : i32
      %get3A_905 = arith.index_cast %add3A_904 : i32 to index
      %get3A_906 = arith.constant 144 : index
      %get3A_907 = tpu.vector_load %arg6[%get3A_905, %get3A_906] {strides = array<i32>} : memref<80x256xf32, #tpu.memory_space<vmem>>, vector<16xf32>,
      %max3A_908 = arith.maximumf %max3A_902, %get3A_907 : vector<16xf32>
      %swap3A_909 = arith.index_cast %scan3A_673 : i32 to index
      %swap3A_910 = arith.constant 144 : index
      %swap3A_911 = tpu.vector_load %arg8[%swap3A_909, %swap3A_910] {strides = array<i32>} : memref<80x256xf32, #tpu.memory_space<vmem>>, vector<16xf32>,
      tpu.vector_store %arg8[%swap3A_909, %swap3A_910], %max3A_908 {strides = array<i32>} : memref<80x256xf32, #tpu.memory_space<vmem>>, vector<16xf32>,
      %get3A_912 = arith.index_cast %scan3A_673 : i32 to index
      %get3A_913 = arith.constant 160 : index
      %get3A_914 = tpu.vector_load %arg6[%get3A_912, %get3A_913] {strides = array<i32>} : memref<80x256xf32, #tpu.memory_space<vmem>>, vector<16xf32>,
      %add3A_915 = arith.constant 16 : i32
      %add3A_916 = arith.addi %add3A_915, %scan3A_673 : i32
      %get3A_917 = arith.index_cast %add3A_916 : i32 to index
      %get3A_918 = arith.constant 160 : index
      %get3A_919 = tpu.vector_load %arg6[%get3A_917, %get3A_918] {strides = array<i32>} : memref<80x256xf32, #tpu.memory_space<vmem>>, vector<16xf32>,
      %max3A_920 = arith.maximumf %get3A_914, %get3A_919 : vector<16xf32>
      %add3A_921 = arith.constant 32 : i32
      %add3A_922 = arith.addi %add3A_921, %scan3A_673 : i32
      %get3A_923 = arith.index_cast %add3A_922 : i32 to index
      %get3A_924 = arith.constant 160 : index
      %get3A_925 = tpu.vector_load %arg6[%get3A_923, %get3A_924] {strides = array<i32>} : memref<80x256xf32, #tpu.memory_space<vmem>>, vector<16xf32>,
      %max3A_926 = arith.maximumf %max3A_920, %get3A_925 : vector<16xf32>
      %add3A_927 = arith.constant 48 : i32
      %add3A_928 = arith.addi %add3A_927, %scan3A_673 : i32
      %get3A_929 = arith.index_cast %add3A_928 : i32 to index
      %get3A_930 = arith.constant 160 : index
      %get3A_931 = tpu.vector_load %arg6[%get3A_929, %get3A_930] {strides = array<i32>} : memref<80x256xf32, #tpu.memory_space<vmem>>, vector<16xf32>,
      %max3A_932 = arith.maximumf %max3A_926, %get3A_931 : vector<16xf32>
      %swap3A_933 = arith.index_cast %scan3A_673 : i32 to index
      %swap3A_934 = arith.constant 160 : index
      %swap3A_935 = tpu.vector_load %arg8[%swap3A_933, %swap3A_934] {strides = array<i32>} : memref<80x256xf32, #tpu.memory_space<vmem>>, vector<16xf32>,
      tpu.vector_store %arg8[%swap3A_933, %swap3A_934], %max3A_932 {strides = array<i32>} : memref<80x256xf32, #tpu.memory_space<vmem>>, vector<16xf32>,
      %get3A_936 = arith.index_cast %scan3A_673 : i32 to index
      %get3A_937 = arith.constant 176 : index
      %get3A_938 = tpu.vector_load %arg6[%get3A_936, %get3A_937] {strides = array<i32>} : memref<80x256xf32, #tpu.memory_space<vmem>>, vector<16xf32>,
      %add3A_939 = arith.constant 16 : i32
      %add3A_940 = arith.addi %add3A_939, %scan3A_673 : i32
      %get3A_941 = arith.index_cast %add3A_940 : i32 to index
      %get3A_942 = arith.constant 176 : index
      %get3A_943 = tpu.vector_load %arg6[%get3A_941, %get3A_942] {strides = array<i32>} : memref<80x256xf32, #tpu.memory_space<vmem>>, vector<16xf32>,
      %max3A_944 = arith.maximumf %get3A_938, %get3A_943 : vector<16xf32>
      %add3A_945 = arith.constant 32 : i32
      %add3A_946 = arith.addi %add3A_945, %scan3A_673 : i32
      %get3A_947 = arith.index_cast %add3A_946 : i32 to index
      %get3A_948 = arith.constant 176 : index
      %get3A_949 = tpu.vector_load %arg6[%get3A_947, %get3A_948] {strides = array<i32>} : memref<80x256xf32, #tpu.memory_space<vmem>>, vector<16xf32>,
      %max3A_950 = arith.maximumf %max3A_944, %get3A_949 : vector<16xf32>
      %add3A_951 = arith.constant 48 : i32
      %add3A_952 = arith.addi %add3A_951, %scan3A_673 : i32
      %get3A_953 = arith.index_cast %add3A_952 : i32 to index
      %get3A_954 = arith.constant 176 : index
      %get3A_955 = tpu.vector_load %arg6[%get3A_953, %get3A_954] {strides = array<i32>} : memref<80x256xf32, #tpu.memory_space<vmem>>, vector<16xf32>,
      %max3A_956 = arith.maximumf %max3A_950, %get3A_955 : vector<16xf32>
      %swap3A_957 = arith.index_cast %scan3A_673 : i32 to index
      %swap3A_958 = arith.constant 176 : index
      %swap3A_959 = tpu.vector_load %arg8[%swap3A_957, %swap3A_958] {strides = array<i32>} : memref<80x256xf32, #tpu.memory_space<vmem>>, vector<16xf32>,
      tpu.vector_store %arg8[%swap3A_957, %swap3A_958], %max3A_956 {strides = array<i32>} : memref<80x256xf32, #tpu.memory_space<vmem>>, vector<16xf32>,
      %get3A_960 = arith.index_cast %scan3A_673 : i32 to index
      %get3A_961 = arith.constant 192 : index
      %get3A_962 = tpu.vector_load %arg6[%get3A_960, %get3A_961] {strides = array<i32>} : memref<80x256xf32, #tpu.memory_space<vmem>>, vector<16xf32>,
      %add3A_963 = arith.constant 16 : i32
      %add3A_964 = arith.addi %add3A_963, %scan3A_673 : i32
      %get3A_965 = arith.index_cast %add3A_964 : i32 to index
      %get3A_966 = arith.constant 192 : index
      %get3A_967 = tpu.vector_load %arg6[%get3A_965, %get3A_966] {strides = array<i32>} : memref<80x256xf32, #tpu.memory_space<vmem>>, vector<16xf32>,
      %max3A_968 = arith.maximumf %get3A_962, %get3A_967 : vector<16xf32>
      %add3A_969 = arith.constant 32 : i32
      %add3A_970 = arith.addi %add3A_969, %scan3A_673 : i32
      %get3A_971 = arith.index_cast %add3A_970 : i32 to index
      %get3A_972 = arith.constant 192 : index
      %get3A_973 = tpu.vector_load %arg6[%get3A_971, %get3A_972] {strides = array<i32>} : memref<80x256xf32, #tpu.memory_space<vmem>>, vector<16xf32>,
      %max3A_974 = arith.maximumf %max3A_968, %get3A_973 : vector<16xf32>
      %add3A_975 = arith.constant 48 : i32
      %add3A_976 = arith.addi %add3A_975, %scan3A_673 : i32
      %get3A_977 = arith.index_cast %add3A_976 : i32 to index
      %get3A_978 = arith.constant 192 : index
      %get3A_979 = tpu.vector_load %arg6[%get3A_977, %get3A_978] {strides = array<i32>} : memref<80x256xf32, #tpu.memory_space<vmem>>, vector<16xf32>,
      %max3A_980 = arith.maximumf %max3A_974, %get3A_979 : vector<16xf32>
      %swap3A_981 = arith.index_cast %scan3A_673 : i32 to index
      %swap3A_982 = arith.constant 192 : index
      %swap3A_983 = tpu.vector_load %arg8[%swap3A_981, %swap3A_982] {strides = array<i32>} : memref<80x256xf32, #tpu.memory_space<vmem>>, vector<16xf32>,
      tpu.vector_store %arg8[%swap3A_981, %swap3A_982], %max3A_980 {strides = array<i32>} : memref<80x256xf32, #tpu.memory_space<vmem>>, vector<16xf32>,
      %get3A_984 = arith.index_cast %scan3A_673 : i32 to index
      %get3A_985 = arith.constant 208 : index
      %get3A_986 = tpu.vector_load %arg6[%get3A_984, %get3A_985] {strides = array<i32>} : memref<80x256xf32, #tpu.memory_space<vmem>>, vector<16xf32>,
      %add3A_987 = arith.constant 16 : i32
      %add3A_988 = arith.addi %add3A_987, %scan3A_673 : i32
      %get3A_989 = arith.index_cast %add3A_988 : i32 to index
      %get3A_990 = arith.constant 208 : index
      %get3A_991 = tpu.vector_load %arg6[%get3A_989, %get3A_990] {strides = array<i32>} : memref<80x256xf32, #tpu.memory_space<vmem>>, vector<16xf32>,
      %max3A_992 = arith.maximumf %get3A_986, %get3A_991 : vector<16xf32>
      %add3A_993 = arith.constant 32 : i32
      %add3A_994 = arith.addi %add3A_993, %scan3A_673 : i32
      %get3A_995 = arith.index_cast %add3A_994 : i32 to index
      %get3A_996 = arith.constant 208 : index
      %get3A_997 = tpu.vector_load %arg6[%get3A_995, %get3A_996] {strides = array<i32>} : memref<80x256xf32, #tpu.memory_space<vmem>>, vector<16xf32>,
      %max3A_998 = arith.maximumf %max3A_992, %get3A_997 : vector<16xf32>
      %add3A_999 = arith.constant 48 : i32
      %add3A_1000 = arith.addi %add3A_999, %scan3A_673 : i32
      %get3A_1001 = arith.index_cast %add3A_1000 : i32 to index
      %get3A_1002 = arith.constant 208 : index
      %get3A_1003 = tpu.vector_load %arg6[%get3A_1001, %get3A_1002] {strides = array<i32>} : memref<80x256xf32, #tpu.memory_space<vmem>>, vector<16xf32>,
      %max3A_1004 = arith.maximumf %max3A_998, %get3A_1003 : vector<16xf32>
      %swap3A_1005 = arith.index_cast %scan3A_673 : i32 to index
      %swap3A_1006 = arith.constant 208 : index
      %swap3A_1007 = tpu.vector_load %arg8[%swap3A_1005, %swap3A_1006] {strides = array<i32>} : memref<80x256xf32, #tpu.memory_space<vmem>>, vector<16xf32>,
      tpu.vector_store %arg8[%swap3A_1005, %swap3A_1006], %max3A_1004 {strides = array<i32>} : memref<80x256xf32, #tpu.memory_space<vmem>>, vector<16xf32>,
      %get3A_1008 = arith.index_cast %scan3A_673 : i32 to index
      %get3A_1009 = arith.constant 224 : index
      %get3A_1010 = tpu.vector_load %arg6[%get3A_1008, %get3A_1009] {strides = array<i32>} : memref<80x256xf32, #tpu.memory_space<vmem>>, vector<16xf32>,
      %add3A_1011 = arith.constant 16 : i32
      %add3A_1012 = arith.addi %add3A_1011, %scan3A_673 : i32
      %get3A_1013 = arith.index_cast %add3A_1012 : i32 to index
      %get3A_1014 = arith.constant 224 : index
      %get3A_1015 = tpu.vector_load %arg6[%get3A_1013, %get3A_1014] {strides = array<i32>} : memref<80x256xf32, #tpu.memory_space<vmem>>, vector<16xf32>,
      %max3A_1016 = arith.maximumf %get3A_1010, %get3A_1015 : vector<16xf32>
      %add3A_1017 = arith.constant 32 : i32
      %add3A_1018 = arith.addi %add3A_1017, %scan3A_673 : i32
      %get3A_1019 = arith.index_cast %add3A_1018 : i32 to index
      %get3A_1020 = arith.constant 224 : index
      %get3A_1021 = tpu.vector_load %arg6[%get3A_1019, %get3A_1020] {strides = array<i32>} : memref<80x256xf32, #tpu.memory_space<vmem>>, vector<16xf32>,
      %max3A_1022 = arith.maximumf %max3A_1016, %get3A_1021 : vector<16xf32>
      %add3A_1023 = arith.constant 48 : i32
      %add3A_1024 = arith.addi %add3A_1023, %scan3A_673 : i32
      %get3A_1025 = arith.index_cast %add3A_1024 : i32 to index
      %get3A_1026 = arith.constant 224 : index
      %get3A_1027 = tpu.vector_load %arg6[%get3A_1025, %get3A_1026] {strides = array<i32>} : memref<80x256xf32, #tpu.memory_space<vmem>>, vector<16xf32>,
      %max3A_1028 = arith.maximumf %max3A_1022, %get3A_1027 : vector<16xf32>
      %swap3A_1029 = arith.index_cast %scan3A_673 : i32 to index
      %swap3A_1030 = arith.constant 224 : index
      %swap3A_1031 = tpu.vector_load %arg8[%swap3A_1029, %swap3A_1030] {strides = array<i32>} : memref<80x256xf32, #tpu.memory_space<vmem>>, vector<16xf32>,
      tpu.vector_store %arg8[%swap3A_1029, %swap3A_1030], %max3A_1028 {strides = array<i32>} : memref<80x256xf32, #tpu.memory_space<vmem>>, vector<16xf32>,
      %get3A_1032 = arith.index_cast %scan3A_673 : i32 to index
      %get3A_1033 = arith.constant 240 : index
      %get3A_1034 = tpu.vector_load %arg6[%get3A_1032, %get3A_1033] {strides = array<i32>} : memref<80x256xf32, #tpu.memory_space<vmem>>, vector<16xf32>,
      %add3A_1035 = arith.constant 16 : i32
      %add3A_1036 = arith.addi %add3A_1035, %scan3A_673 : i32
      %get3A_1037 = arith.index_cast %add3A_1036 : i32 to index
      %get3A_1038 = arith.constant 240 : index
      %get3A_1039 = tpu.vector_load %arg6[%get3A_1037, %get3A_1038] {strides = array<i32>} : memref<80x256xf32, #tpu.memory_space<vmem>>, vector<16xf32>,
      %max3A_1040 = arith.maximumf %get3A_1034, %get3A_1039 : vector<16xf32>
      %add3A_1041 = arith.constant 32 : i32
      %add3A_1042 = arith.addi %add3A_1041, %scan3A_673 : i32
      %get3A_1043 = arith.index_cast %add3A_1042 : i32 to index
      %get3A_1044 = arith.constant 240 : index
      %get3A_1045 = tpu.vector_load %arg6[%get3A_1043, %get3A_1044] {strides = array<i32>} : memref<80x256xf32, #tpu.memory_space<vmem>>, vector<16xf32>,
      %max3A_1046 = arith.maximumf %max3A_1040, %get3A_1045 : vector<16xf32>
      %add3A_1047 = arith.constant 48 : i32
      %add3A_1048 = arith.addi %add3A_1047, %scan3A_673 : i32
      %get3A_1049 = arith.index_cast %add3A_1048 : i32 to index
      %get3A_1050 = arith.constant 240 : index
      %get3A_1051 = tpu.vector_load %arg6[%get3A_1049, %get3A_1050] {strides = array<i32>} : memref<80x256xf32, #tpu.memory_space<vmem>>, vector<16xf32>,
      %max3A_1052 = arith.maximumf %max3A_1046, %get3A_1051 : vector<16xf32>
      %swap3A_1053 = arith.index_cast %scan3A_673 : i32 to index
      %swap3A_1054 = arith.constant 240 : index
      %swap3A_1055 = tpu.vector_load %arg8[%swap3A_1053, %swap3A_1054] {strides = array<i32>} : memref<80x256xf32, #tpu.memory_space<vmem>>, vector<16xf32>,
      tpu.vector_store %arg8[%swap3A_1053, %swap3A_1054], %max3A_1052 {strides = array<i32>} : memref<80x256xf32, #tpu.memory_space<vmem>>, vector<16xf32>,
    }
    %scan3A_582 = arith.constant 16 : i32
    %dma_start3A_583 = arith.constant 0 : i32
    %dma_start3A_584 = arith.constant 0 : i32
    %dma_start3A_585 = tpu.memref_slice %arg6[%dma_start3A_583, %dma_start3A_584] : memref<80x256xf32, #tpu.memory_space<vmem>> -> memref<64x256xf32, #tpu.memory_space<vmem>>
    %dma_start3A_586 = arith.constant 128 : i32
    %dma_start3A_587 = arith.constant 0 : i32
    %dma_start3A_588 = tpu.memref_slice %arg4[%arg0, %arg1, %dma_start3A_586, %dma_start3A_587] : memref<2x16x256x256xf32, #tpu.memory_space<hbm>> -> memref<1x1x64x256xf32, #tpu.memory_space<hbm>>
    %dma_start3A_589 = tpu.memref_squeeze %dma_start3A_588 : memref<1x1x64x256xf32, #tpu.memory_space<hbm>> -> memref<64x256xf32, #tpu.memory_space<hbm>>
    %dma_start3A_590 = arith.constant 0 : i32
    %dma_start3A_591 = arith.constant 0 : i32
    %dma_start3A_592 = tpu.memref_slice %arg6[%dma_start3A_590, %dma_start3A_591] : memref<80x256xf32, #tpu.memory_space<vmem>> -> memref<64x256xf32, #tpu.memory_space<vmem>>
    %dma_start3A_593 = arith.constant 128 : i32
    %dma_start3A_594 = arith.constant 0 : i32
    %dma_start3A_595 = tpu.memref_slice %arg4[%arg0, %arg1, %dma_start3A_593, %dma_start3A_594] : memref<2x16x256x256xf32, #tpu.memory_space<hbm>> -> memref<1x1x64x256xf32, #tpu.memory_space<hbm>>
    %dma_start3A_596 = tpu.memref_squeeze %dma_start3A_595 : memref<1x1x64x256xf32, #tpu.memory_space<hbm>> -> memref<64x256xf32, #tpu.memory_space<hbm>>
    tpu.enqueue_dma source(%dma_start3A_596 : memref<64x256xf32, #tpu.memory_space<hbm>>) target(%dma_start3A_592 : memref<64x256xf32, #tpu.memory_space<vmem>>) target_semaphore(%arg14 : memref<!tpu.dma_semaphore, #tpu.memory_space<semaphore_mem>>)
    %dma_wait3A_597 = arith.constant 0 : i32
    %dma_wait3A_598 = arith.constant 0 : i32
    %dma_wait3A_599 = tpu.memref_slice %arg7[%dma_wait3A_597, %dma_wait3A_598] : memref<80x256xf32, #tpu.memory_space<vmem>> -> memref<64x256xf32, #tpu.memory_space<vmem>>
    %dma_wait3A_600 = arith.constant 64 : i32
    %dma_wait3A_601 = arith.constant 0 : i32
    %dma_wait3A_602 = tpu.memref_slice %arg4[%arg0, %arg1, %dma_wait3A_600, %dma_wait3A_601] : memref<2x16x256x256xf32, #tpu.memory_space<hbm>> -> memref<1x1x64x256xf32, #tpu.memory_space<hbm>>
    %dma_wait3A_603 = tpu.memref_squeeze %dma_wait3A_602 : memref<1x1x64x256xf32, #tpu.memory_space<hbm>> -> memref<64x256xf32, #tpu.memory_space<hbm>>
    %dma_wait3A_604 = arith.constant 0 : i32
    %dma_wait3A_605 = arith.constant 0 : i32
    %dma_wait3A_606 = tpu.memref_slice %arg7[%dma_wait3A_604, %dma_wait3A_605] : memref<80x256xf32, #tpu.memory_space<vmem>> -> memref<64x256xf32, #tpu.memory_space<vmem>>
    %dma_wait3A_607 = arith.constant 64 : i32
    %dma_wait3A_608 = arith.constant 0 : i32
    %dma_wait3A_609 = tpu.memref_slice %arg4[%arg0, %arg1, %dma_wait3A_607, %dma_wait3A_608] : memref<2x16x256x256xf32, #tpu.memory_space<hbm>> -> memref<1x1x64x256xf32, #tpu.memory_space<hbm>>
    %dma_wait3A_610 = tpu.memref_squeeze %dma_wait3A_609 : memref<1x1x64x256xf32, #tpu.memory_space<hbm>> -> memref<64x256xf32, #tpu.memory_space<hbm>>
    tpu.wait_dma2 semaphore(%arg15 : memref<!tpu.dma_semaphore, #tpu.memory_space<semaphore_mem>>) src(%dma_wait3A_610 : memref<64x256xf32, #tpu.memory_space<hbm>>) dst(%dma_wait3A_606 : memref<64x256xf32, #tpu.memory_space<vmem>>)
    %scan3A_611 = arith.constant 0 : i32
    %scan3A_612 = arith.constant 0 : i32
    %scan3A_613 = arith.constant 16 : i32
    %scan3A_614 = arith.addi %scan3A_612, %scan3A_613 : i32
    %scan3A_615 = arith.constant 1 : i32
    scf.for %scan3A_673 = %scan3A_612 to %scan3A_614 step %scan3A_615  : i32 {
      %get3A = arith.index_cast %scan3A_673 : i32 to index
      %get3A_674 = arith.constant 0 : index
      %get3A_675 = tpu.vector_load %arg7[%get3A, %get3A_674] {strides = array<i32>} : memref<80x256xf32, #tpu.memory_space<vmem>>, vector<16xf32>,
      %add3A_676 = arith.constant 16 : i32
      %add3A_677 = arith.addi %add3A_676, %scan3A_673 : i32
      %get3A_678 = arith.index_cast %add3A_677 : i32 to index
      %get3A_679 = arith.constant 0 : index
      %get3A_680 = tpu.vector_load %arg7[%get3A_678, %get3A_679] {strides = array<i32>} : memref<80x256xf32, #tpu.memory_space<vmem>>, vector<16xf32>,
      %max3A = arith.maximumf %get3A_675, %get3A_680 : vector<16xf32>
      %add3A_681 = arith.constant 32 : i32
      %add3A_682 = arith.addi %add3A_681, %scan3A_673 : i32
      %get3A_683 = arith.index_cast %add3A_682 : i32 to index
      %get3A_684 = arith.constant 0 : index
      %get3A_685 = tpu.vector_load %arg7[%get3A_683, %get3A_684] {strides = array<i32>} : memref<80x256xf32, #tpu.memory_space<vmem>>, vector<16xf32>,
      %max3A_686 = arith.maximumf %max3A, %get3A_685 : vector<16xf32>
      %add3A_687 = arith.constant 48 : i32
      %add3A_688 = arith.addi %add3A_687, %scan3A_673 : i32
      %get3A_689 = arith.index_cast %add3A_688 : i32 to index
      %get3A_690 = arith.constant 0 : index
      %get3A_691 = tpu.vector_load %arg7[%get3A_689, %get3A_690] {strides = array<i32>} : memref<80x256xf32, #tpu.memory_space<vmem>>, vector<16xf32>,
      %max3A_692 = arith.maximumf %max3A_686, %get3A_691 : vector<16xf32>
      %get3A_693 = arith.index_cast %scan3A_673 : i32 to index
      %get3A_694 = arith.constant 0 : index
      %get3A_695 = tpu.vector_load %arg8[%get3A_693, %get3A_694] {strides = array<i32>} : memref<80x256xf32, #tpu.memory_space<vmem>>, vector<16xf32>,
      %max3A_696 = arith.maximumf %max3A_692, %get3A_695 : vector<16xf32>
      %swap3A_697 = arith.index_cast %scan3A_673 : i32 to index
      %swap3A_698 = arith.constant 0 : index
      %swap3A_699 = tpu.vector_load %arg8[%swap3A_697, %swap3A_698] {strides = array<i32>} : memref<80x256xf32, #tpu.memory_space<vmem>>, vector<16xf32>,
      tpu.vector_store %arg8[%swap3A_697, %swap3A_698], %max3A_696 {strides = array<i32>} : memref<80x256xf32, #tpu.memory_space<vmem>>, vector<16xf32>,
      %get3A_700 = arith.index_cast %scan3A_673 : i32 to index
      %get3A_701 = arith.constant 16 : index
      %get3A_702 = tpu.vector_load %arg7[%get3A_700, %get3A_701] {strides = array<i32>} : memref<80x256xf32, #tpu.memory_space<vmem>>, vector<16xf32>,
      %add3A_703 = arith.constant 16 : i32
      %add3A_704 = arith.addi %add3A_703, %scan3A_673 : i32
      %get3A_705 = arith.index_cast %add3A_704 : i32 to index
      %get3A_706 = arith.constant 16 : index
      %get3A_707 = tpu.vector_load %arg7[%get3A_705, %get3A_706] {strides = array<i32>} : memref<80x256xf32, #tpu.memory_space<vmem>>, vector<16xf32>,
      %max3A_708 = arith.maximumf %get3A_702, %get3A_707 : vector<16xf32>
      %add3A_709 = arith.constant 32 : i32
      %add3A_710 = arith.addi %add3A_709, %scan3A_673 : i32
      %get3A_711 = arith.index_cast %add3A_710 : i32 to index
      %get3A_712 = arith.constant 16 : index
      %get3A_713 = tpu.vector_load %arg7[%get3A_711, %get3A_712] {strides = array<i32>} : memref<80x256xf32, #tpu.memory_space<vmem>>, vector<16xf32>,
      %max3A_714 = arith.maximumf %max3A_708, %get3A_713 : vector<16xf32>
      %add3A_715 = arith.constant 48 : i32
      %add3A_716 = arith.addi %add3A_715, %scan3A_673 : i32
      %get3A_717 = arith.index_cast %add3A_716 : i32 to index
      %get3A_718 = arith.constant 16 : index
      %get3A_719 = tpu.vector_load %arg7[%get3A_717, %get3A_718] {strides = array<i32>} : memref<80x256xf32, #tpu.memory_space<vmem>>, vector<16xf32>,
      %max3A_720 = arith.maximumf %max3A_714, %get3A_719 : vector<16xf32>
      %get3A_721 = arith.index_cast %scan3A_673 : i32 to index
      %get3A_722 = arith.constant 16 : index
      %get3A_723 = tpu.vector_load %arg8[%get3A_721, %get3A_722] {strides = array<i32>} : memref<80x256xf32, #tpu.memory_space<vmem>>, vector<16xf32>,
      %max3A_724 = arith.maximumf %max3A_720, %get3A_723 : vector<16xf32>
      %swap3A_725 = arith.index_cast %scan3A_673 : i32 to index
      %swap3A_726 = arith.constant 16 : index
      %swap3A_727 = tpu.vector_load %arg8[%swap3A_725, %swap3A_726] {strides = array<i32>} : memref<80x256xf32, #tpu.memory_space<vmem>>, vector<16xf32>,
      tpu.vector_store %arg8[%swap3A_725, %swap3A_726], %max3A_724 {strides = array<i32>} : memref<80x256xf32, #tpu.memory_space<vmem>>, vector<16xf32>,
      %get3A_728 = arith.index_cast %scan3A_673 : i32 to index
      %get3A_729 = arith.constant 32 : index
      %get3A_730 = tpu.vector_load %arg7[%get3A_728, %get3A_729] {strides = array<i32>} : memref<80x256xf32, #tpu.memory_space<vmem>>, vector<16xf32>,
      %add3A_731 = arith.constant 16 : i32
      %add3A_732 = arith.addi %add3A_731, %scan3A_673 : i32
      %get3A_733 = arith.index_cast %add3A_732 : i32 to index
      %get3A_734 = arith.constant 32 : index
      %get3A_735 = tpu.vector_load %arg7[%get3A_733, %get3A_734] {strides = array<i32>} : memref<80x256xf32, #tpu.memory_space<vmem>>, vector<16xf32>,
      %max3A_736 = arith.maximumf %get3A_730, %get3A_735 : vector<16xf32>
      %add3A_737 = arith.constant 32 : i32
      %add3A_738 = arith.addi %add3A_737, %scan3A_673 : i32
      %get3A_739 = arith.index_cast %add3A_738 : i32 to index
      %get3A_740 = arith.constant 32 : index
      %get3A_741 = tpu.vector_load %arg7[%get3A_739, %get3A_740] {strides = array<i32>} : memref<80x256xf32, #tpu.memory_space<vmem>>, vector<16xf32>,
      %max3A_742 = arith.maximumf %max3A_736, %get3A_741 : vector<16xf32>
      %add3A_743 = arith.constant 48 : i32
      %add3A_744 = arith.addi %add3A_743, %scan3A_673 : i32
      %get3A_745 = arith.index_cast %add3A_744 : i32 to index
      %get3A_746 = arith.constant 32 : index
      %get3A_747 = tpu.vector_load %arg7[%get3A_745, %get3A_746] {strides = array<i32>} : memref<80x256xf32, #tpu.memory_space<vmem>>, vector<16xf32>,
      %max3A_748 = arith.maximumf %max3A_742, %get3A_747 : vector<16xf32>
      %get3A_749 = arith.index_cast %scan3A_673 : i32 to index
      %get3A_750 = arith.constant 32 : index
      %get3A_751 = tpu.vector_load %arg8[%get3A_749, %get3A_750] {strides = array<i32>} : memref<80x256xf32, #tpu.memory_space<vmem>>, vector<16xf32>,
      %max3A_752 = arith.maximumf %max3A_748, %get3A_751 : vector<16xf32>
      %swap3A_753 = arith.index_cast %scan3A_673 : i32 to index
      %swap3A_754 = arith.constant 32 : index
      %swap3A_755 = tpu.vector_load %arg8[%swap3A_753, %swap3A_754] {strides = array<i32>} : memref<80x256xf32, #tpu.memory_space<vmem>>, vector<16xf32>,
      tpu.vector_store %arg8[%swap3A_753, %swap3A_754], %max3A_752 {strides = array<i32>} : memref<80x256xf32, #tpu.memory_space<vmem>>, vector<16xf32>,
      %get3A_756 = arith.index_cast %scan3A_673 : i32 to index
      %get3A_757 = arith.constant 48 : index
      %get3A_758 = tpu.vector_load %arg7[%get3A_756, %get3A_757] {strides = array<i32>} : memref<80x256xf32, #tpu.memory_space<vmem>>, vector<16xf32>,
      %add3A_759 = arith.constant 16 : i32
      %add3A_760 = arith.addi %add3A_759, %scan3A_673 : i32
      %get3A_761 = arith.index_cast %add3A_760 : i32 to index
      %get3A_762 = arith.constant 48 : index
      %get3A_763 = tpu.vector_load %arg7[%get3A_761, %get3A_762] {strides = array<i32>} : memref<80x256xf32, #tpu.memory_space<vmem>>, vector<16xf32>,
      %max3A_764 = arith.maximumf %get3A_758, %get3A_763 : vector<16xf32>
      %add3A_765 = arith.constant 32 : i32
      %add3A_766 = arith.addi %add3A_765, %scan3A_673 : i32
      %get3A_767 = arith.index_cast %add3A_766 : i32 to index
      %get3A_768 = arith.constant 48 : index
      %get3A_769 = tpu.vector_load %arg7[%get3A_767, %get3A_768] {strides = array<i32>} : memref<80x256xf32, #tpu.memory_space<vmem>>, vector<16xf32>,
      %max3A_770 = arith.maximumf %max3A_764, %get3A_769 : vector<16xf32>
      %add3A_771 = arith.constant 48 : i32
      %add3A_772 = arith.addi %add3A_771, %scan3A_673 : i32
      %get3A_773 = arith.index_cast %add3A_772 : i32 to index
      %get3A_774 = arith.constant 48 : index
      %get3A_775 = tpu.vector_load %arg7[%get3A_773, %get3A_774] {strides = array<i32>} : memref<80x256xf32, #tpu.memory_space<vmem>>, vector<16xf32>,
      %max3A_776 = arith.maximumf %max3A_770, %get3A_775 : vector<16xf32>
      %get3A_777 = arith.index_cast %scan3A_673 : i32 to index
      %get3A_778 = arith.constant 48 : index
      %get3A_779 = tpu.vector_load %arg8[%get3A_777, %get3A_778] {strides = array<i32>} : memref<80x256xf32, #tpu.memory_space<vmem>>, vector<16xf32>,
      %max3A_780 = arith.maximumf %max3A_776, %get3A_779 : vector<16xf32>
      %swap3A_781 = arith.index_cast %scan3A_673 : i32 to index
      %swap3A_782 = arith.constant 48 : index
      %swap3A_783 = tpu.vector_load %arg8[%swap3A_781, %swap3A_782] {strides = array<i32>} : memref<80x256xf32, #tpu.memory_space<vmem>>, vector<16xf32>,
      tpu.vector_store %arg8[%swap3A_781, %swap3A_782], %max3A_780 {strides = array<i32>} : memref<80x256xf32, #tpu.memory_space<vmem>>, vector<16xf32>,
      %get3A_784 = arith.index_cast %scan3A_673 : i32 to index
      %get3A_785 = arith.constant 64 : index
      %get3A_786 = tpu.vector_load %arg7[%get3A_784, %get3A_785] {strides = array<i32>} : memref<80x256xf32, #tpu.memory_space<vmem>>, vector<16xf32>,
      %add3A_787 = arith.constant 16 : i32
      %add3A_788 = arith.addi %add3A_787, %scan3A_673 : i32
      %get3A_789 = arith.index_cast %add3A_788 : i32 to index
      %get3A_790 = arith.constant 64 : index
      %get3A_791 = tpu.vector_load %arg7[%get3A_789, %get3A_790] {strides = array<i32>} : memref<80x256xf32, #tpu.memory_space<vmem>>, vector<16xf32>,
      %max3A_792 = arith.maximumf %get3A_786, %get3A_791 : vector<16xf32>
      %add3A_793 = arith.constant 32 : i32
      %add3A_794 = arith.addi %add3A_793, %scan3A_673 : i32
      %get3A_795 = arith.index_cast %add3A_794 : i32 to index
      %get3A_796 = arith.constant 64 : index
      %get3A_797 = tpu.vector_load %arg7[%get3A_795, %get3A_796] {strides = array<i32>} : memref<80x256xf32, #tpu.memory_space<vmem>>, vector<16xf32>,
      %max3A_798 = arith.maximumf %max3A_792, %get3A_797 : vector<16xf32>
      %add3A_799 = arith.constant 48 : i32
      %add3A_800 = arith.addi %add3A_799, %scan3A_673 : i32
      %get3A_801 = arith.index_cast %add3A_800 : i32 to index
      %get3A_802 = arith.constant 64 : index
      %get3A_803 = tpu.vector_load %arg7[%get3A_801, %get3A_802] {strides = array<i32>} : memref<80x256xf32, #tpu.memory_space<vmem>>, vector<16xf32>,
      %max3A_804 = arith.maximumf %max3A_798, %get3A_803 : vector<16xf32>
      %get3A_805 = arith.index_cast %scan3A_673 : i32 to index
      %get3A_806 = arith.constant 64 : index
      %get3A_807 = tpu.vector_load %arg8[%get3A_805, %get3A_806] {strides = array<i32>} : memref<80x256xf32, #tpu.memory_space<vmem>>, vector<16xf32>,
      %max3A_808 = arith.maximumf %max3A_804, %get3A_807 : vector<16xf32>
      %swap3A_809 = arith.index_cast %scan3A_673 : i32 to index
      %swap3A_810 = arith.constant 64 : index
      %swap3A_811 = tpu.vector_load %arg8[%swap3A_809, %swap3A_810] {strides = array<i32>} : memref<80x256xf32, #tpu.memory_space<vmem>>, vector<16xf32>,
      tpu.vector_store %arg8[%swap3A_809, %swap3A_810], %max3A_808 {strides = array<i32>} : memref<80x256xf32, #tpu.memory_space<vmem>>, vector<16xf32>,
      %get3A_812 = arith.index_cast %scan3A_673 : i32 to index
      %get3A_813 = arith.constant 80 : index
      %get3A_814 = tpu.vector_load %arg7[%get3A_812, %get3A_813] {strides = array<i32>} : memref<80x256xf32, #tpu.memory_space<vmem>>, vector<16xf32>,
      %add3A_815 = arith.constant 16 : i32
      %add3A_816 = arith.addi %add3A_815, %scan3A_673 : i32
      %get3A_817 = arith.index_cast %add3A_816 : i32 to index
      %get3A_818 = arith.constant 80 : index
      %get3A_819 = tpu.vector_load %arg7[%get3A_817, %get3A_818] {strides = array<i32>} : memref<80x256xf32, #tpu.memory_space<vmem>>, vector<16xf32>,
      %max3A_820 = arith.maximumf %get3A_814, %get3A_819 : vector<16xf32>
      %add3A_821 = arith.constant 32 : i32
      %add3A_822 = arith.addi %add3A_821, %scan3A_673 : i32
      %get3A_823 = arith.index_cast %add3A_822 : i32 to index
      %get3A_824 = arith.constant 80 : index
      %get3A_825 = tpu.vector_load %arg7[%get3A_823, %get3A_824] {strides = array<i32>} : memref<80x256xf32, #tpu.memory_space<vmem>>, vector<16xf32>,
      %max3A_826 = arith.maximumf %max3A_820, %get3A_825 : vector<16xf32>
      %add3A_827 = arith.constant 48 : i32
      %add3A_828 = arith.addi %add3A_827, %scan3A_673 : i32
      %get3A_829 = arith.index_cast %add3A_828 : i32 to index
      %get3A_830 = arith.constant 80 : index
      %get3A_831 = tpu.vector_load %arg7[%get3A_829, %get3A_830] {strides = array<i32>} : memref<80x256xf32, #tpu.memory_space<vmem>>, vector<16xf32>,
      %max3A_832 = arith.maximumf %max3A_826, %get3A_831 : vector<16xf32>
      %get3A_833 = arith.index_cast %scan3A_673 : i32 to index
      %get3A_834 = arith.constant 80 : index
      %get3A_835 = tpu.vector_load %arg8[%get3A_833, %get3A_834] {strides = array<i32>} : memref<80x256xf32, #tpu.memory_space<vmem>>, vector<16xf32>,
      %max3A_836 = arith.maximumf %max3A_832, %get3A_835 : vector<16xf32>
      %swap3A_837 = arith.index_cast %scan3A_673 : i32 to index
      %swap3A_838 = arith.constant 80 : index
      %swap3A_839 = tpu.vector_load %arg8[%swap3A_837, %swap3A_838] {strides = array<i32>} : memref<80x256xf32, #tpu.memory_space<vmem>>, vector<16xf32>,
      tpu.vector_store %arg8[%swap3A_837, %swap3A_838], %max3A_836 {strides = array<i32>} : memref<80x256xf32, #tpu.memory_space<vmem>>, vector<16xf32>,
      %get3A_840 = arith.index_cast %scan3A_673 : i32 to index
      %get3A_841 = arith.constant 96 : index
      %get3A_842 = tpu.vector_load %arg7[%get3A_840, %get3A_841] {strides = array<i32>} : memref<80x256xf32, #tpu.memory_space<vmem>>, vector<16xf32>,
      %add3A_843 = arith.constant 16 : i32
      %add3A_844 = arith.addi %add3A_843, %scan3A_673 : i32
      %get3A_845 = arith.index_cast %add3A_844 : i32 to index
      %get3A_846 = arith.constant 96 : index
      %get3A_847 = tpu.vector_load %arg7[%get3A_845, %get3A_846] {strides = array<i32>} : memref<80x256xf32, #tpu.memory_space<vmem>>, vector<16xf32>,
      %max3A_848 = arith.maximumf %get3A_842, %get3A_847 : vector<16xf32>
      %add3A_849 = arith.constant 32 : i32
      %add3A_850 = arith.addi %add3A_849, %scan3A_673 : i32
      %get3A_851 = arith.index_cast %add3A_850 : i32 to index
      %get3A_852 = arith.constant 96 : index
      %get3A_853 = tpu.vector_load %arg7[%get3A_851, %get3A_852] {strides = array<i32>} : memref<80x256xf32, #tpu.memory_space<vmem>>, vector<16xf32>,
      %max3A_854 = arith.maximumf %max3A_848, %get3A_853 : vector<16xf32>
      %add3A_855 = arith.constant 48 : i32
      %add3A_856 = arith.addi %add3A_855, %scan3A_673 : i32
      %get3A_857 = arith.index_cast %add3A_856 : i32 to index
      %get3A_858 = arith.constant 96 : index
      %get3A_859 = tpu.vector_load %arg7[%get3A_857, %get3A_858] {strides = array<i32>} : memref<80x256xf32, #tpu.memory_space<vmem>>, vector<16xf32>,
      %max3A_860 = arith.maximumf %max3A_854, %get3A_859 : vector<16xf32>
      %get3A_861 = arith.index_cast %scan3A_673 : i32 to index
      %get3A_862 = arith.constant 96 : index
      %get3A_863 = tpu.vector_load %arg8[%get3A_861, %get3A_862] {strides = array<i32>} : memref<80x256xf32, #tpu.memory_space<vmem>>, vector<16xf32>,
      %max3A_864 = arith.maximumf %max3A_860, %get3A_863 : vector<16xf32>
      %swap3A_865 = arith.index_cast %scan3A_673 : i32 to index
      %swap3A_866 = arith.constant 96 : index
      %swap3A_867 = tpu.vector_load %arg8[%swap3A_865, %swap3A_866] {strides = array<i32>} : memref<80x256xf32, #tpu.memory_space<vmem>>, vector<16xf32>,
      tpu.vector_store %arg8[%swap3A_865, %swap3A_866], %max3A_864 {strides = array<i32>} : memref<80x256xf32, #tpu.memory_space<vmem>>, vector<16xf32>,
      %get3A_868 = arith.index_cast %scan3A_673 : i32 to index
      %get3A_869 = arith.constant 112 : index
      %get3A_870 = tpu.vector_load %arg7[%get3A_868, %get3A_869] {strides = array<i32>} : memref<80x256xf32, #tpu.memory_space<vmem>>, vector<16xf32>,
      %add3A_871 = arith.constant 16 : i32
      %add3A_872 = arith.addi %add3A_871, %scan3A_673 : i32
      %get3A_873 = arith.index_cast %add3A_872 : i32 to index
      %get3A_874 = arith.constant 112 : index
      %get3A_875 = tpu.vector_load %arg7[%get3A_873, %get3A_874] {strides = array<i32>} : memref<80x256xf32, #tpu.memory_space<vmem>>, vector<16xf32>,
      %max3A_876 = arith.maximumf %get3A_870, %get3A_875 : vector<16xf32>
      %add3A_877 = arith.constant 32 : i32
      %add3A_878 = arith.addi %add3A_877, %scan3A_673 : i32
      %get3A_879 = arith.index_cast %add3A_878 : i32 to index
      %get3A_880 = arith.constant 112 : index
      %get3A_881 = tpu.vector_load %arg7[%get3A_879, %get3A_880] {strides = array<i32>} : memref<80x256xf32, #tpu.memory_space<vmem>>, vector<16xf32>,
      %max3A_882 = arith.maximumf %max3A_876, %get3A_881 : vector<16xf32>
      %add3A_883 = arith.constant 48 : i32
      %add3A_884 = arith.addi %add3A_883, %scan3A_673 : i32
      %get3A_885 = arith.index_cast %add3A_884 : i32 to index
      %get3A_886 = arith.constant 112 : index
      %get3A_887 = tpu.vector_load %arg7[%get3A_885, %get3A_886] {strides = array<i32>} : memref<80x256xf32, #tpu.memory_space<vmem>>, vector<16xf32>,
      %max3A_888 = arith.maximumf %max3A_882, %get3A_887 : vector<16xf32>
      %get3A_889 = arith.index_cast %scan3A_673 : i32 to index
      %get3A_890 = arith.constant 112 : index
      %get3A_891 = tpu.vector_load %arg8[%get3A_889, %get3A_890] {strides = array<i32>} : memref<80x256xf32, #tpu.memory_space<vmem>>, vector<16xf32>,
      %max3A_892 = arith.maximumf %max3A_888, %get3A_891 : vector<16xf32>
      %swap3A_893 = arith.index_cast %scan3A_673 : i32 to index
      %swap3A_894 = arith.constant 112 : index
      %swap3A_895 = tpu.vector_load %arg8[%swap3A_893, %swap3A_894] {strides = array<i32>} : memref<80x256xf32, #tpu.memory_space<vmem>>, vector<16xf32>,
      tpu.vector_store %arg8[%swap3A_893, %swap3A_894], %max3A_892 {strides = array<i32>} : memref<80x256xf32, #tpu.memory_space<vmem>>, vector<16xf32>,
      %get3A_896 = arith.index_cast %scan3A_673 : i32 to index
      %get3A_897 = arith.constant 128 : index
      %get3A_898 = tpu.vector_load %arg7[%get3A_896, %get3A_897] {strides = array<i32>} : memref<80x256xf32, #tpu.memory_space<vmem>>, vector<16xf32>,
      %add3A_899 = arith.constant 16 : i32
      %add3A_900 = arith.addi %add3A_899, %scan3A_673 : i32
      %get3A_901 = arith.index_cast %add3A_900 : i32 to index
      %get3A_902 = arith.constant 128 : index
      %get3A_903 = tpu.vector_load %arg7[%get3A_901, %get3A_902] {strides = array<i32>} : memref<80x256xf32, #tpu.memory_space<vmem>>, vector<16xf32>,
      %max3A_904 = arith.maximumf %get3A_898, %get3A_903 : vector<16xf32>
      %add3A_905 = arith.constant 32 : i32
      %add3A_906 = arith.addi %add3A_905, %scan3A_673 : i32
      %get3A_907 = arith.index_cast %add3A_906 : i32 to index
      %get3A_908 = arith.constant 128 : index
      %get3A_909 = tpu.vector_load %arg7[%get3A_907, %get3A_908] {strides = array<i32>} : memref<80x256xf32, #tpu.memory_space<vmem>>, vector<16xf32>,
      %max3A_910 = arith.maximumf %max3A_904, %get3A_909 : vector<16xf32>
      %add3A_911 = arith.constant 48 : i32
      %add3A_912 = arith.addi %add3A_911, %scan3A_673 : i32
      %get3A_913 = arith.index_cast %add3A_912 : i32 to index
      %get3A_914 = arith.constant 128 : index
      %get3A_915 = tpu.vector_load %arg7[%get3A_913, %get3A_914] {strides = array<i32>} : memref<80x256xf32, #tpu.memory_space<vmem>>, vector<16xf32>,
      %max3A_916 = arith.maximumf %max3A_910, %get3A_915 : vector<16xf32>
      %get3A_917 = arith.index_cast %scan3A_673 : i32 to index
      %get3A_918 = arith.constant 128 : index
      %get3A_919 = tpu.vector_load %arg8[%get3A_917, %get3A_918] {strides = array<i32>} : memref<80x256xf32, #tpu.memory_space<vmem>>, vector<16xf32>,
      %max3A_920 = arith.maximumf %max3A_916, %get3A_919 : vector<16xf32>
      %swap3A_921 = arith.index_cast %scan3A_673 : i32 to index
      %swap3A_922 = arith.constant 128 : index
      %swap3A_923 = tpu.vector_load %arg8[%swap3A_921, %swap3A_922] {strides = array<i32>} : memref<80x256xf32, #tpu.memory_space<vmem>>, vector<16xf32>,
      tpu.vector_store %arg8[%swap3A_921, %swap3A_922], %max3A_920 {strides = array<i32>} : memref<80x256xf32, #tpu.memory_space<vmem>>, vector<16xf32>,
      %get3A_924 = arith.index_cast %scan3A_673 : i32 to index
      %get3A_925 = arith.constant 144 : index
      %get3A_926 = tpu.vector_load %arg7[%get3A_924, %get3A_925] {strides = array<i32>} : memref<80x256xf32, #tpu.memory_space<vmem>>, vector<16xf32>,
      %add3A_927 = arith.constant 16 : i32
      %add3A_928 = arith.addi %add3A_927, %scan3A_673 : i32
      %get3A_929 = arith.index_cast %add3A_928 : i32 to index
      %get3A_930 = arith.constant 144 : index
      %get3A_931 = tpu.vector_load %arg7[%get3A_929, %get3A_930] {strides = array<i32>} : memref<80x256xf32, #tpu.memory_space<vmem>>, vector<16xf32>,
      %max3A_932 = arith.maximumf %get3A_926, %get3A_931 : vector<16xf32>
      %add3A_933 = arith.constant 32 : i32
      %add3A_934 = arith.addi %add3A_933, %scan3A_673 : i32
      %get3A_935 = arith.index_cast %add3A_934 : i32 to index
      %get3A_936 = arith.constant 144 : index
      %get3A_937 = tpu.vector_load %arg7[%get3A_935, %get3A_936] {strides = array<i32>} : memref<80x256xf32, #tpu.memory_space<vmem>>, vector<16xf32>,
      %max3A_938 = arith.maximumf %max3A_932, %get3A_937 : vector<16xf32>
      %add3A_939 = arith.constant 48 : i32
      %add3A_940 = arith.addi %add3A_939, %scan3A_673 : i32
      %get3A_941 = arith.index_cast %add3A_940 : i32 to index
      %get3A_942 = arith.constant 144 : index
      %get3A_943 = tpu.vector_load %arg7[%get3A_941, %get3A_942] {strides = array<i32>} : memref<80x256xf32, #tpu.memory_space<vmem>>, vector<16xf32>,
      %max3A_944 = arith.maximumf %max3A_938, %get3A_943 : vector<16xf32>
      %get3A_945 = arith.index_cast %scan3A_673 : i32 to index
      %get3A_946 = arith.constant 144 : index
      %get3A_947 = tpu.vector_load %arg8[%get3A_945, %get3A_946] {strides = array<i32>} : memref<80x256xf32, #tpu.memory_space<vmem>>, vector<16xf32>,
      %max3A_948 = arith.maximumf %max3A_944, %get3A_947 : vector<16xf32>
      %swap3A_949 = arith.index_cast %scan3A_673 : i32 to index
      %swap3A_950 = arith.constant 144 : index
      %swap3A_951 = tpu.vector_load %arg8[%swap3A_949, %swap3A_950] {strides = array<i32>} : memref<80x256xf32, #tpu.memory_space<vmem>>, vector<16xf32>,
      tpu.vector_store %arg8[%swap3A_949, %swap3A_950], %max3A_948 {strides = array<i32>} : memref<80x256xf32, #tpu.memory_space<vmem>>, vector<16xf32>,
      %get3A_952 = arith.index_cast %scan3A_673 : i32 to index
      %get3A_953 = arith.constant 160 : index
      %get3A_954 = tpu.vector_load %arg7[%get3A_952, %get3A_953] {strides = array<i32>} : memref<80x256xf32, #tpu.memory_space<vmem>>, vector<16xf32>,
      %add3A_955 = arith.constant 16 : i32
      %add3A_956 = arith.addi %add3A_955, %scan3A_673 : i32
      %get3A_957 = arith.index_cast %add3A_956 : i32 to index
      %get3A_958 = arith.constant 160 : index
      %get3A_959 = tpu.vector_load %arg7[%get3A_957, %get3A_958] {strides = array<i32>} : memref<80x256xf32, #tpu.memory_space<vmem>>, vector<16xf32>,
      %max3A_960 = arith.maximumf %get3A_954, %get3A_959 : vector<16xf32>
      %add3A_961 = arith.constant 32 : i32
      %add3A_962 = arith.addi %add3A_961, %scan3A_673 : i32
      %get3A_963 = arith.index_cast %add3A_962 : i32 to index
      %get3A_964 = arith.constant 160 : index
      %get3A_965 = tpu.vector_load %arg7[%get3A_963, %get3A_964] {strides = array<i32>} : memref<80x256xf32, #tpu.memory_space<vmem>>, vector<16xf32>,
      %max3A_966 = arith.maximumf %max3A_960, %get3A_965 : vector<16xf32>
      %add3A_967 = arith.constant 48 : i32
      %add3A_968 = arith.addi %add3A_967, %scan3A_673 : i32
      %get3A_969 = arith.index_cast %add3A_968 : i32 to index
      %get3A_970 = arith.constant 160 : index
      %get3A_971 = tpu.vector_load %arg7[%get3A_969, %get3A_970] {strides = array<i32>} : memref<80x256xf32, #tpu.memory_space<vmem>>, vector<16xf32>,
      %max3A_972 = arith.maximumf %max3A_966, %get3A_971 : vector<16xf32>
      %get3A_973 = arith.index_cast %scan3A_673 : i32 to index
      %get3A_974 = arith.constant 160 : index
      %get3A_975 = tpu.vector_load %arg8[%get3A_973, %get3A_974] {strides = array<i32>} : memref<80x256xf32, #tpu.memory_space<vmem>>, vector<16xf32>,
      %max3A_976 = arith.maximumf %max3A_972, %get3A_975 : vector<16xf32>
      %swap3A_977 = arith.index_cast %scan3A_673 : i32 to index
      %swap3A_978 = arith.constant 160 : index
      %swap3A_979 = tpu.vector_load %arg8[%swap3A_977, %swap3A_978] {strides = array<i32>} : memref<80x256xf32, #tpu.memory_space<vmem>>, vector<16xf32>,
      tpu.vector_store %arg8[%swap3A_977, %swap3A_978], %max3A_976 {strides = array<i32>} : memref<80x256xf32, #tpu.memory_space<vmem>>, vector<16xf32>,
      %get3A_980 = arith.index_cast %scan3A_673 : i32 to index
      %get3A_981 = arith.constant 176 : index
      %get3A_982 = tpu.vector_load %arg7[%get3A_980, %get3A_981] {strides = array<i32>} : memref<80x256xf32, #tpu.memory_space<vmem>>, vector<16xf32>,
      %add3A_983 = arith.constant 16 : i32
      %add3A_984 = arith.addi %add3A_983, %scan3A_673 : i32
      %get3A_985 = arith.index_cast %add3A_984 : i32 to index
      %get3A_986 = arith.constant 176 : index
      %get3A_987 = tpu.vector_load %arg7[%get3A_985, %get3A_986] {strides = array<i32>} : memref<80x256xf32, #tpu.memory_space<vmem>>, vector<16xf32>,
      %max3A_988 = arith.maximumf %get3A_982, %get3A_987 : vector<16xf32>
      %add3A_989 = arith.constant 32 : i32
      %add3A_990 = arith.addi %add3A_989, %scan3A_673 : i32
      %get3A_991 = arith.index_cast %add3A_990 : i32 to index
      %get3A_992 = arith.constant 176 : index
      %get3A_993 = tpu.vector_load %arg7[%get3A_991, %get3A_992] {strides = array<i32>} : memref<80x256xf32, #tpu.memory_space<vmem>>, vector<16xf32>,
      %max3A_994 = arith.maximumf %max3A_988, %get3A_993 : vector<16xf32>
      %add3A_995 = arith.constant 48 : i32
      %add3A_996 = arith.addi %add3A_995, %scan3A_673 : i32
      %get3A_997 = arith.index_cast %add3A_996 : i32 to index
      %get3A_998 = arith.constant 176 : index
      %get3A_999 = tpu.vector_load %arg7[%get3A_997, %get3A_998] {strides = array<i32>} : memref<80x256xf32, #tpu.memory_space<vmem>>, vector<16xf32>,
      %max3A_1000 = arith.maximumf %max3A_994, %get3A_999 : vector<16xf32>
      %get3A_1001 = arith.index_cast %scan3A_673 : i32 to index
      %get3A_1002 = arith.constant 176 : index
      %get3A_1003 = tpu.vector_load %arg8[%get3A_1001, %get3A_1002] {strides = array<i32>} : memref<80x256xf32, #tpu.memory_space<vmem>>, vector<16xf32>,
      %max3A_1004 = arith.maximumf %max3A_1000, %get3A_1003 : vector<16xf32>
      %swap3A_1005 = arith.index_cast %scan3A_673 : i32 to index
      %swap3A_1006 = arith.constant 176 : index
      %swap3A_1007 = tpu.vector_load %arg8[%swap3A_1005, %swap3A_1006] {strides = array<i32>} : memref<80x256xf32, #tpu.memory_space<vmem>>, vector<16xf32>,
      tpu.vector_store %arg8[%swap3A_1005, %swap3A_1006], %max3A_1004 {strides = array<i32>} : memref<80x256xf32, #tpu.memory_space<vmem>>, vector<16xf32>,
      %get3A_1008 = arith.index_cast %scan3A_673 : i32 to index
      %get3A_1009 = arith.constant 192 : index
      %get3A_1010 = tpu.vector_load %arg7[%get3A_1008, %get3A_1009] {strides = array<i32>} : memref<80x256xf32, #tpu.memory_space<vmem>>, vector<16xf32>,
      %add3A_1011 = arith.constant 16 : i32
      %add3A_1012 = arith.addi %add3A_1011, %scan3A_673 : i32
      %get3A_1013 = arith.index_cast %add3A_1012 : i32 to index
      %get3A_1014 = arith.constant 192 : index
      %get3A_1015 = tpu.vector_load %arg7[%get3A_1013, %get3A_1014] {strides = array<i32>} : memref<80x256xf32, #tpu.memory_space<vmem>>, vector<16xf32>,
      %max3A_1016 = arith.maximumf %get3A_1010, %get3A_1015 : vector<16xf32>
      %add3A_1017 = arith.constant 32 : i32
      %add3A_1018 = arith.addi %add3A_1017, %scan3A_673 : i32
      %get3A_1019 = arith.index_cast %add3A_1018 : i32 to index
      %get3A_1020 = arith.constant 192 : index
      %get3A_1021 = tpu.vector_load %arg7[%get3A_1019, %get3A_1020] {strides = array<i32>} : memref<80x256xf32, #tpu.memory_space<vmem>>, vector<16xf32>,
      %max3A_1022 = arith.maximumf %max3A_1016, %get3A_1021 : vector<16xf32>
      %add3A_1023 = arith.constant 48 : i32
      %add3A_1024 = arith.addi %add3A_1023, %scan3A_673 : i32
      %get3A_1025 = arith.index_cast %add3A_1024 : i32 to index
      %get3A_1026 = arith.constant 192 : index
      %get3A_1027 = tpu.vector_load %arg7[%get3A_1025, %get3A_1026] {strides = array<i32>} : memref<80x256xf32, #tpu.memory_space<vmem>>, vector<16xf32>,
      %max3A_1028 = arith.maximumf %max3A_1022, %get3A_1027 : vector<16xf32>
      %get3A_1029 = arith.index_cast %scan3A_673 : i32 to index
      %get3A_1030 = arith.constant 192 : index
      %get3A_1031 = tpu.vector_load %arg8[%get3A_1029, %get3A_1030] {strides = array<i32>} : memref<80x256xf32, #tpu.memory_space<vmem>>, vector<16xf32>,
      %max3A_1032 = arith.maximumf %max3A_1028, %get3A_1031 : vector<16xf32>
      %swap3A_1033 = arith.index_cast %scan3A_673 : i32 to index
      %swap3A_1034 = arith.constant 192 : index
      %swap3A_1035 = tpu.vector_load %arg8[%swap3A_1033, %swap3A_1034] {strides = array<i32>} : memref<80x256xf32, #tpu.memory_space<vmem>>, vector<16xf32>,
      tpu.vector_store %arg8[%swap3A_1033, %swap3A_1034], %max3A_1032 {strides = array<i32>} : memref<80x256xf32, #tpu.memory_space<vmem>>, vector<16xf32>,
      %get3A_1036 = arith.index_cast %scan3A_673 : i32 to index
      %get3A_1037 = arith.constant 208 : index
      %get3A_1038 = tpu.vector_load %arg7[%get3A_1036, %get3A_1037] {strides = array<i32>} : memref<80x256xf32, #tpu.memory_space<vmem>>, vector<16xf32>,
      %add3A_1039 = arith.constant 16 : i32
      %add3A_1040 = arith.addi %add3A_1039, %scan3A_673 : i32
      %get3A_1041 = arith.index_cast %add3A_1040 : i32 to index
      %get3A_1042 = arith.constant 208 : index
      %get3A_1043 = tpu.vector_load %arg7[%get3A_1041, %get3A_1042] {strides = array<i32>} : memref<80x256xf32, #tpu.memory_space<vmem>>, vector<16xf32>,
      %max3A_1044 = arith.maximumf %get3A_1038, %get3A_1043 : vector<16xf32>
      %add3A_1045 = arith.constant 32 : i32
      %add3A_1046 = arith.addi %add3A_1045, %scan3A_673 : i32
      %get3A_1047 = arith.index_cast %add3A_1046 : i32 to index
      %get3A_1048 = arith.constant 208 : index
      %get3A_1049 = tpu.vector_load %arg7[%get3A_1047, %get3A_1048] {strides = array<i32>} : memref<80x256xf32, #tpu.memory_space<vmem>>, vector<16xf32>,
      %max3A_1050 = arith.maximumf %max3A_1044, %get3A_1049 : vector<16xf32>
      %add3A_1051 = arith.constant 48 : i32
      %add3A_1052 = arith.addi %add3A_1051, %scan3A_673 : i32
      %get3A_1053 = arith.index_cast %add3A_1052 : i32 to index
      %get3A_1054 = arith.constant 208 : index
      %get3A_1055 = tpu.vector_load %arg7[%get3A_1053, %get3A_1054] {strides = array<i32>} : memref<80x256xf32, #tpu.memory_space<vmem>>, vector<16xf32>,
      %max3A_1056 = arith.maximumf %max3A_1050, %get3A_1055 : vector<16xf32>
      %get3A_1057 = arith.index_cast %scan3A_673 : i32 to index
      %get3A_1058 = arith.constant 208 : index
      %get3A_1059 = tpu.vector_load %arg8[%get3A_1057, %get3A_1058] {strides = array<i32>} : memref<80x256xf32, #tpu.memory_space<vmem>>, vector<16xf32>,
      %max3A_1060 = arith.maximumf %max3A_1056, %get3A_1059 : vector<16xf32>
      %swap3A_1061 = arith.index_cast %scan3A_673 : i32 to index
      %swap3A_1062 = arith.constant 208 : index
      %swap3A_1063 = tpu.vector_load %arg8[%swap3A_1061, %swap3A_1062] {strides = array<i32>} : memref<80x256xf32, #tpu.memory_space<vmem>>, vector<16xf32>,
      tpu.vector_store %arg8[%swap3A_1061, %swap3A_1062], %max3A_1060 {strides = array<i32>} : memref<80x256xf32, #tpu.memory_space<vmem>>, vector<16xf32>,
      %get3A_1064 = arith.index_cast %scan3A_673 : i32 to index
      %get3A_1065 = arith.constant 224 : index
      %get3A_1066 = tpu.vector_load %arg7[%get3A_1064, %get3A_1065] {strides = array<i32>} : memref<80x256xf32, #tpu.memory_space<vmem>>, vector<16xf32>,
      %add3A_1067 = arith.constant 16 : i32
      %add3A_1068 = arith.addi %add3A_1067, %scan3A_673 : i32
      %get3A_1069 = arith.index_cast %add3A_1068 : i32 to index
      %get3A_1070 = arith.constant 224 : index
      %get3A_1071 = tpu.vector_load %arg7[%get3A_1069, %get3A_1070] {strides = array<i32>} : memref<80x256xf32, #tpu.memory_space<vmem>>, vector<16xf32>,
      %max3A_1072 = arith.maximumf %get3A_1066, %get3A_1071 : vector<16xf32>
      %add3A_1073 = arith.constant 32 : i32
      %add3A_1074 = arith.addi %add3A_1073, %scan3A_673 : i32
      %get3A_1075 = arith.index_cast %add3A_1074 : i32 to index
      %get3A_1076 = arith.constant 224 : index
      %get3A_1077 = tpu.vector_load %arg7[%get3A_1075, %get3A_1076] {strides = array<i32>} : memref<80x256xf32, #tpu.memory_space<vmem>>, vector<16xf32>,
      %max3A_1078 = arith.maximumf %max3A_1072, %get3A_1077 : vector<16xf32>
      %add3A_1079 = arith.constant 48 : i32
      %add3A_1080 = arith.addi %add3A_1079, %scan3A_673 : i32
      %get3A_1081 = arith.index_cast %add3A_1080 : i32 to index
      %get3A_1082 = arith.constant 224 : index
      %get3A_1083 = tpu.vector_load %arg7[%get3A_1081, %get3A_1082] {strides = array<i32>} : memref<80x256xf32, #tpu.memory_space<vmem>>, vector<16xf32>,
      %max3A_1084 = arith.maximumf %max3A_1078, %get3A_1083 : vector<16xf32>
      %get3A_1085 = arith.index_cast %scan3A_673 : i32 to index
      %get3A_1086 = arith.constant 224 : index
      %get3A_1087 = tpu.vector_load %arg8[%get3A_1085, %get3A_1086] {strides = array<i32>} : memref<80x256xf32, #tpu.memory_space<vmem>>, vector<16xf32>,
      %max3A_1088 = arith.maximumf %max3A_1084, %get3A_1087 : vector<16xf32>
      %swap3A_1089 = arith.index_cast %scan3A_673 : i32 to index
      %swap3A_1090 = arith.constant 224 : index
      %swap3A_1091 = tpu.vector_load %arg8[%swap3A_1089, %swap3A_1090] {strides = array<i32>} : memref<80x256xf32, #tpu.memory_space<vmem>>, vector<16xf32>,
      tpu.vector_store %arg8[%swap3A_1089, %swap3A_1090], %max3A_1088 {strides = array<i32>} : memref<80x256xf32, #tpu.memory_space<vmem>>, vector<16xf32>,
      %get3A_1092 = arith.index_cast %scan3A_673 : i32 to index
      %get3A_1093 = arith.constant 240 : index
      %get3A_1094 = tpu.vector_load %arg7[%get3A_1092, %get3A_1093] {strides = array<i32>} : memref<80x256xf32, #tpu.memory_space<vmem>>, vector<16xf32>,
      %add3A_1095 = arith.constant 16 : i32
      %add3A_1096 = arith.addi %add3A_1095, %scan3A_673 : i32
      %get3A_1097 = arith.index_cast %add3A_1096 : i32 to index
      %get3A_1098 = arith.constant 240 : index
      %get3A_1099 = tpu.vector_load %arg7[%get3A_1097, %get3A_1098] {strides = array<i32>} : memref<80x256xf32, #tpu.memory_space<vmem>>, vector<16xf32>,
      %max3A_1100 = arith.maximumf %get3A_1094, %get3A_1099 : vector<16xf32>
      %add3A_1101 = arith.constant 32 : i32
      %add3A_1102 = arith.addi %add3A_1101, %scan3A_673 : i32
      %get3A_1103 = arith.index_cast %add3A_1102 : i32 to index
      %get3A_1104 = arith.constant 240 : index
      %get3A_1105 = tpu.vector_load %arg7[%get3A_1103, %get3A_1104] {strides = array<i32>} : memref<80x256xf32, #tpu.memory_space<vmem>>, vector<16xf32>,
      %max3A_1106 = arith.maximumf %max3A_1100, %get3A_1105 : vector<16xf32>
      %add3A_1107 = arith.constant 48 : i32
      %add3A_1108 = arith.addi %add3A_1107, %scan3A_673 : i32
      %get3A_1109 = arith.index_cast %add3A_1108 : i32 to index
      %get3A_1110 = arith.constant 240 : index
      %get3A_1111 = tpu.vector_load %arg7[%get3A_1109, %get3A_1110] {strides = array<i32>} : memref<80x256xf32, #tpu.memory_space<vmem>>, vector<16xf32>,
      %max3A_1112 = arith.maximumf %max3A_1106, %get3A_1111 : vector<16xf32>
      %get3A_1113 = arith.index_cast %scan3A_673 : i32 to index
      %get3A_1114 = arith.constant 240 : index
      %get3A_1115 = tpu.vector_load %arg8[%get3A_1113, %get3A_1114] {strides = array<i32>} : memref<80x256xf32, #tpu.memory_space<vmem>>, vector<16xf32>,
      %max3A_1116 = arith.maximumf %max3A_1112, %get3A_1115 : vector<16xf32>
      %swap3A_1117 = arith.index_cast %scan3A_673 : i32 to index
      %swap3A_1118 = arith.constant 240 : index
      %swap3A_1119 = tpu.vector_load %arg8[%swap3A_1117, %swap3A_1118] {strides = array<i32>} : memref<80x256xf32, #tpu.memory_space<vmem>>, vector<16xf32>,
      tpu.vector_store %arg8[%swap3A_1117, %swap3A_1118], %max3A_1116 {strides = array<i32>} : memref<80x256xf32, #tpu.memory_space<vmem>>, vector<16xf32>,
    }
    %scan3A_616 = arith.constant 16 : i32
    %dma_start3A_617 = arith.constant 0 : i32
    %dma_start3A_618 = arith.constant 0 : i32
    %dma_start3A_619 = tpu.memref_slice %arg7[%dma_start3A_617, %dma_start3A_618] : memref<80x256xf32, #tpu.memory_space<vmem>> -> memref<64x256xf32, #tpu.memory_space<vmem>>
    %dma_start3A_620 = arith.constant 192 : i32
    %dma_start3A_621 = arith.constant 0 : i32
    %dma_start3A_622 = tpu.memref_slice %arg4[%arg0, %arg1, %dma_start3A_620, %dma_start3A_621] : memref<2x16x256x256xf32, #tpu.memory_space<hbm>> -> memref<1x1x64x256xf32, #tpu.memory_space<hbm>>
    %dma_start3A_623 = tpu.memref_squeeze %dma_start3A_622 : memref<1x1x64x256xf32, #tpu.memory_space<hbm>> -> memref<64x256xf32, #tpu.memory_space<hbm>>
    %dma_start3A_624 = arith.constant 0 : i32
    %dma_start3A_625 = arith.constant 0 : i32
    %dma_start3A_626 = tpu.memref_slice %arg7[%dma_start3A_624, %dma_start3A_625] : memref<80x256xf32, #tpu.memory_space<vmem>> -> memref<64x256xf32, #tpu.memory_space<vmem>>
    %dma_start3A_627 = arith.constant 192 : i32
    %dma_start3A_628 = arith.constant 0 : i32
    %dma_start3A_629 = tpu.memref_slice %arg4[%arg0, %arg1, %dma_start3A_627, %dma_start3A_628] : memref<2x16x256x256xf32, #tpu.memory_space<hbm>> -> memref<1x1x64x256xf32, #tpu.memory_space<hbm>>
    %dma_start3A_630 = tpu.memref_squeeze %dma_start3A_629 : memref<1x1x64x256xf32, #tpu.memory_space<hbm>> -> memref<64x256xf32, #tpu.memory_space<hbm>>
    tpu.enqueue_dma source(%dma_start3A_630 : memref<64x256xf32, #tpu.memory_space<hbm>>) target(%dma_start3A_626 : memref<64x256xf32, #tpu.memory_space<vmem>>) target_semaphore(%arg15 : memref<!tpu.dma_semaphore, #tpu.memory_space<semaphore_mem>>)
    %dma_wait3A_631 = arith.constant 0 : i32
    %dma_wait3A_632 = arith.constant 0 : i32
    %dma_wait3A_633 = tpu.memref_slice %arg6[%dma_wait3A_631, %dma_wait3A_632] : memref<80x256xf32, #tpu.memory_space<vmem>> -> memref<64x256xf32, #tpu.memory_space<vmem>>
    %dma_wait3A_634 = arith.constant 128 : i32
    %dma_wait3A_635 = arith.constant 0 : i32
    %dma_wait3A_636 = tpu.memref_slice %arg4[%arg0, %arg1, %dma_wait3A_634, %dma_wait3A_635] : memref<2x16x256x256xf32, #tpu.memory_space<hbm>> -> memref<1x1x64x256xf32, #tpu.memory_space<hbm>>
    %dma_wait3A_637 = tpu.memref_squeeze %dma_wait3A_636 : memref<1x1x64x256xf32, #tpu.memory_space<hbm>> -> memref<64x256xf32, #tpu.memory_space<hbm>>
    %dma_wait3A_638 = arith.constant 0 : i32
    %dma_wait3A_639 = arith.constant 0 : i32
    %dma_wait3A_640 = tpu.memref_slice %arg6[%dma_wait3A_638, %dma_wait3A_639] : memref<80x256xf32, #tpu.memory_space<vmem>> -> memref<64x256xf32, #tpu.memory_space<vmem>>
    %dma_wait3A_641 = arith.constant 128 : i32
    %dma_wait3A_642 = arith.constant 0 : i32
    %dma_wait3A_643 = tpu.memref_slice %arg4[%arg0, %arg1, %dma_wait3A_641, %dma_wait3A_642] : memref<2x16x256x256xf32, #tpu.memory_space<hbm>> -> memref<1x1x64x256xf32, #tpu.memory_space<hbm>>
    %dma_wait3A_644 = tpu.memref_squeeze %dma_wait3A_643 : memref<1x1x64x256xf32, #tpu.memory_space<hbm>> -> memref<64x256xf32, #tpu.memory_space<hbm>>
    tpu.wait_dma2 semaphore(%arg14 : memref<!tpu.dma_semaphore, #tpu.memory_space<semaphore_mem>>) src(%dma_wait3A_644 : memref<64x256xf32, #tpu.memory_space<hbm>>) dst(%dma_wait3A_640 : memref<64x256xf32, #tpu.memory_space<vmem>>)
    %scan3A_645 = arith.constant 0 : i32
    %scan3A_646 = arith.constant 0 : i32
    %scan3A_647 = arith.constant 16 : i32
    %scan3A_648 = arith.addi %scan3A_646, %scan3A_647 : i32
    %scan3A_649 = arith.constant 1 : i32
    scf.for %scan3A_673 = %scan3A_646 to %scan3A_648 step %scan3A_649  : i32 {
      %get3A = arith.index_cast %scan3A_673 : i32 to index
      %get3A_674 = arith.constant 0 : index
      %get3A_675 = tpu.vector_load %arg6[%get3A, %get3A_674] {strides = array<i32>} : memref<80x256xf32, #tpu.memory_space<vmem>>, vector<16xf32>,
      %add3A_676 = arith.constant 16 : i32
      %add3A_677 = arith.addi %add3A_676, %scan3A_673 : i32
      %get3A_678 = arith.index_cast %add3A_677 : i32 to index
      %get3A_679 = arith.constant 0 : index
      %get3A_680 = tpu.vector_load %arg6[%get3A_678, %get3A_679] {strides = array<i32>} : memref<80x256xf32, #tpu.memory_space<vmem>>, vector<16xf32>,
      %max3A = arith.maximumf %get3A_675, %get3A_680 : vector<16xf32>
      %add3A_681 = arith.constant 32 : i32
      %add3A_682 = arith.addi %add3A_681, %scan3A_673 : i32
      %get3A_683 = arith.index_cast %add3A_682 : i32 to index
      %get3A_684 = arith.constant 0 : index
      %get3A_685 = tpu.vector_load %arg6[%get3A_683, %get3A_684] {strides = array<i32>} : memref<80x256xf32, #tpu.memory_space<vmem>>, vector<16xf32>,
      %max3A_686 = arith.maximumf %max3A, %get3A_685 : vector<16xf32>
      %add3A_687 = arith.constant 48 : i32
      %add3A_688 = arith.addi %add3A_687, %scan3A_673 : i32
      %get3A_689 = arith.index_cast %add3A_688 : i32 to index
      %get3A_690 = arith.constant 0 : index
      %get3A_691 = tpu.vector_load %arg6[%get3A_689, %get3A_690] {strides = array<i32>} : memref<80x256xf32, #tpu.memory_space<vmem>>, vector<16xf32>,
      %max3A_692 = arith.maximumf %max3A_686, %get3A_691 : vector<16xf32>
      %get3A_693 = arith.index_cast %scan3A_673 : i32 to index
      %get3A_694 = arith.constant 0 : index
      %get3A_695 = tpu.vector_load %arg8[%get3A_693, %get3A_694] {strides = array<i32>} : memref<80x256xf32, #tpu.memory_space<vmem>>, vector<16xf32>,
      %max3A_696 = arith.maximumf %max3A_692, %get3A_695 : vector<16xf32>
      %swap3A_697 = arith.index_cast %scan3A_673 : i32 to index
      %swap3A_698 = arith.constant 0 : index
      %swap3A_699 = tpu.vector_load %arg8[%swap3A_697, %swap3A_698] {strides = array<i32>} : memref<80x256xf32, #tpu.memory_space<vmem>>, vector<16xf32>,
      tpu.vector_store %arg8[%swap3A_697, %swap3A_698], %max3A_696 {strides = array<i32>} : memref<80x256xf32, #tpu.memory_space<vmem>>, vector<16xf32>,
      %get3A_700 = arith.index_cast %scan3A_673 : i32 to index
      %get3A_701 = arith.constant 16 : index
      %get3A_702 = tpu.vector_load %arg6[%get3A_700, %get3A_701] {strides = array<i32>} : memref<80x256xf32, #tpu.memory_space<vmem>>, vector<16xf32>,
      %add3A_703 = arith.constant 16 : i32
      %add3A_704 = arith.addi %add3A_703, %scan3A_673 : i32
      %get3A_705 = arith.index_cast %add3A_704 : i32 to index
      %get3A_706 = arith.constant 16 : index
      %get3A_707 = tpu.vector_load %arg6[%get3A_705, %get3A_706] {strides = array<i32>} : memref<80x256xf32, #tpu.memory_space<vmem>>, vector<16xf32>,
      %max3A_708 = arith.maximumf %get3A_702, %get3A_707 : vector<16xf32>
      %add3A_709 = arith.constant 32 : i32
      %add3A_710 = arith.addi %add3A_709, %scan3A_673 : i32
      %get3A_711 = arith.index_cast %add3A_710 : i32 to index
      %get3A_712 = arith.constant 16 : index
      %get3A_713 = tpu.vector_load %arg6[%get3A_711, %get3A_712] {strides = array<i32>} : memref<80x256xf32, #tpu.memory_space<vmem>>, vector<16xf32>,
      %max3A_714 = arith.maximumf %max3A_708, %get3A_713 : vector<16xf32>
      %add3A_715 = arith.constant 48 : i32
      %add3A_716 = arith.addi %add3A_715, %scan3A_673 : i32
      %get3A_717 = arith.index_cast %add3A_716 : i32 to index
      %get3A_718 = arith.constant 16 : index
      %get3A_719 = tpu.vector_load %arg6[%get3A_717, %get3A_718] {strides = array<i32>} : memref<80x256xf32, #tpu.memory_space<vmem>>, vector<16xf32>,
      %max3A_720 = arith.maximumf %max3A_714, %get3A_719 : vector<16xf32>
      %get3A_721 = arith.index_cast %scan3A_673 : i32 to index
      %get3A_722 = arith.constant 16 : index
      %get3A_723 = tpu.vector_load %arg8[%get3A_721, %get3A_722] {strides = array<i32>} : memref<80x256xf32, #tpu.memory_space<vmem>>, vector<16xf32>,
      %max3A_724 = arith.maximumf %max3A_720, %get3A_723 : vector<16xf32>
      %swap3A_725 = arith.index_cast %scan3A_673 : i32 to index
      %swap3A_726 = arith.constant 16 : index
      %swap3A_727 = tpu.vector_load %arg8[%swap3A_725, %swap3A_726] {strides = array<i32>} : memref<80x256xf32, #tpu.memory_space<vmem>>, vector<16xf32>,
      tpu.vector_store %arg8[%swap3A_725, %swap3A_726], %max3A_724 {strides = array<i32>} : memref<80x256xf32, #tpu.memory_space<vmem>>, vector<16xf32>,
      %get3A_728 = arith.index_cast %scan3A_673 : i32 to index
      %get3A_729 = arith.constant 32 : index
      %get3A_730 = tpu.vector_load %arg6[%get3A_728, %get3A_729] {strides = array<i32>} : memref<80x256xf32, #tpu.memory_space<vmem>>, vector<16xf32>,
      %add3A_731 = arith.constant 16 : i32
      %add3A_732 = arith.addi %add3A_731, %scan3A_673 : i32
      %get3A_733 = arith.index_cast %add3A_732 : i32 to index
      %get3A_734 = arith.constant 32 : index
      %get3A_735 = tpu.vector_load %arg6[%get3A_733, %get3A_734] {strides = array<i32>} : memref<80x256xf32, #tpu.memory_space<vmem>>, vector<16xf32>,
      %max3A_736 = arith.maximumf %get3A_730, %get3A_735 : vector<16xf32>
      %add3A_737 = arith.constant 32 : i32
      %add3A_738 = arith.addi %add3A_737, %scan3A_673 : i32
      %get3A_739 = arith.index_cast %add3A_738 : i32 to index
      %get3A_740 = arith.constant 32 : index
      %get3A_741 = tpu.vector_load %arg6[%get3A_739, %get3A_740] {strides = array<i32>} : memref<80x256xf32, #tpu.memory_space<vmem>>, vector<16xf32>,
      %max3A_742 = arith.maximumf %max3A_736, %get3A_741 : vector<16xf32>
      %add3A_743 = arith.constant 48 : i32
      %add3A_744 = arith.addi %add3A_743, %scan3A_673 : i32
      %get3A_745 = arith.index_cast %add3A_744 : i32 to index
      %get3A_746 = arith.constant 32 : index
      %get3A_747 = tpu.vector_load %arg6[%get3A_745, %get3A_746] {strides = array<i32>} : memref<80x256xf32, #tpu.memory_space<vmem>>, vector<16xf32>,
      %max3A_748 = arith.maximumf %max3A_742, %get3A_747 : vector<16xf32>
      %get3A_749 = arith.index_cast %scan3A_673 : i32 to index
      %get3A_750 = arith.constant 32 : index
      %get3A_751 = tpu.vector_load %arg8[%get3A_749, %get3A_750] {strides = array<i32>} : memref<80x256xf32, #tpu.memory_space<vmem>>, vector<16xf32>,
      %max3A_752 = arith.maximumf %max3A_748, %get3A_751 : vector<16xf32>
      %swap3A_753 = arith.index_cast %scan3A_673 : i32 to index
      %swap3A_754 = arith.constant 32 : index
      %swap3A_755 = tpu.vector_load %arg8[%swap3A_753, %swap3A_754] {strides = array<i32>} : memref<80x256xf32, #tpu.memory_space<vmem>>, vector<16xf32>,
      tpu.vector_store %arg8[%swap3A_753, %swap3A_754], %max3A_752 {strides = array<i32>} : memref<80x256xf32, #tpu.memory_space<vmem>>, vector<16xf32>,
      %get3A_756 = arith.index_cast %scan3A_673 : i32 to index
      %get3A_757 = arith.constant 48 : index
      %get3A_758 = tpu.vector_load %arg6[%get3A_756, %get3A_757] {strides = array<i32>} : memref<80x256xf32, #tpu.memory_space<vmem>>, vector<16xf32>,
      %add3A_759 = arith.constant 16 : i32
      %add3A_760 = arith.addi %add3A_759, %scan3A_673 : i32
      %get3A_761 = arith.index_cast %add3A_760 : i32 to index
      %get3A_762 = arith.constant 48 : index
      %get3A_763 = tpu.vector_load %arg6[%get3A_761, %get3A_762] {strides = array<i32>} : memref<80x256xf32, #tpu.memory_space<vmem>>, vector<16xf32>,
      %max3A_764 = arith.maximumf %get3A_758, %get3A_763 : vector<16xf32>
      %add3A_765 = arith.constant 32 : i32
      %add3A_766 = arith.addi %add3A_765, %scan3A_673 : i32
      %get3A_767 = arith.index_cast %add3A_766 : i32 to index
      %get3A_768 = arith.constant 48 : index
      %get3A_769 = tpu.vector_load %arg6[%get3A_767, %get3A_768] {strides = array<i32>} : memref<80x256xf32, #tpu.memory_space<vmem>>, vector<16xf32>,
      %max3A_770 = arith.maximumf %max3A_764, %get3A_769 : vector<16xf32>
      %add3A_771 = arith.constant 48 : i32
      %add3A_772 = arith.addi %add3A_771, %scan3A_673 : i32
      %get3A_773 = arith.index_cast %add3A_772 : i32 to index
      %get3A_774 = arith.constant 48 : index
      %get3A_775 = tpu.vector_load %arg6[%get3A_773, %get3A_774] {strides = array<i32>} : memref<80x256xf32, #tpu.memory_space<vmem>>, vector<16xf32>,
      %max3A_776 = arith.maximumf %max3A_770, %get3A_775 : vector<16xf32>
      %get3A_777 = arith.index_cast %scan3A_673 : i32 to index
      %get3A_778 = arith.constant 48 : index
      %get3A_779 = tpu.vector_load %arg8[%get3A_777, %get3A_778] {strides = array<i32>} : memref<80x256xf32, #tpu.memory_space<vmem>>, vector<16xf32>,
      %max3A_780 = arith.maximumf %max3A_776, %get3A_779 : vector<16xf32>
      %swap3A_781 = arith.index_cast %scan3A_673 : i32 to index
      %swap3A_782 = arith.constant 48 : index
      %swap3A_783 = tpu.vector_load %arg8[%swap3A_781, %swap3A_782] {strides = array<i32>} : memref<80x256xf32, #tpu.memory_space<vmem>>, vector<16xf32>,
      tpu.vector_store %arg8[%swap3A_781, %swap3A_782], %max3A_780 {strides = array<i32>} : memref<80x256xf32, #tpu.memory_space<vmem>>, vector<16xf32>,
      %get3A_784 = arith.index_cast %scan3A_673 : i32 to index
      %get3A_785 = arith.constant 64 : index
      %get3A_786 = tpu.vector_load %arg6[%get3A_784, %get3A_785] {strides = array<i32>} : memref<80x256xf32, #tpu.memory_space<vmem>>, vector<16xf32>,
      %add3A_787 = arith.constant 16 : i32
      %add3A_788 = arith.addi %add3A_787, %scan3A_673 : i32
      %get3A_789 = arith.index_cast %add3A_788 : i32 to index
      %get3A_790 = arith.constant 64 : index
      %get3A_791 = tpu.vector_load %arg6[%get3A_789, %get3A_790] {strides = array<i32>} : memref<80x256xf32, #tpu.memory_space<vmem>>, vector<16xf32>,
      %max3A_792 = arith.maximumf %get3A_786, %get3A_791 : vector<16xf32>
      %add3A_793 = arith.constant 32 : i32
      %add3A_794 = arith.addi %add3A_793, %scan3A_673 : i32
      %get3A_795 = arith.index_cast %add3A_794 : i32 to index
      %get3A_796 = arith.constant 64 : index
      %get3A_797 = tpu.vector_load %arg6[%get3A_795, %get3A_796] {strides = array<i32>} : memref<80x256xf32, #tpu.memory_space<vmem>>, vector<16xf32>,
      %max3A_798 = arith.maximumf %max3A_792, %get3A_797 : vector<16xf32>
      %add3A_799 = arith.constant 48 : i32
      %add3A_800 = arith.addi %add3A_799, %scan3A_673 : i32
      %get3A_801 = arith.index_cast %add3A_800 : i32 to index
      %get3A_802 = arith.constant 64 : index
      %get3A_803 = tpu.vector_load %arg6[%get3A_801, %get3A_802] {strides = array<i32>} : memref<80x256xf32, #tpu.memory_space<vmem>>, vector<16xf32>,
      %max3A_804 = arith.maximumf %max3A_798, %get3A_803 : vector<16xf32>
      %get3A_805 = arith.index_cast %scan3A_673 : i32 to index
      %get3A_806 = arith.constant 64 : index
      %get3A_807 = tpu.vector_load %arg8[%get3A_805, %get3A_806] {strides = array<i32>} : memref<80x256xf32, #tpu.memory_space<vmem>>, vector<16xf32>,
      %max3A_808 = arith.maximumf %max3A_804, %get3A_807 : vector<16xf32>
      %swap3A_809 = arith.index_cast %scan3A_673 : i32 to index
      %swap3A_810 = arith.constant 64 : index
      %swap3A_811 = tpu.vector_load %arg8[%swap3A_809, %swap3A_810] {strides = array<i32>} : memref<80x256xf32, #tpu.memory_space<vmem>>, vector<16xf32>,
      tpu.vector_store %arg8[%swap3A_809, %swap3A_810], %max3A_808 {strides = array<i32>} : memref<80x256xf32, #tpu.memory_space<vmem>>, vector<16xf32>,
      %get3A_812 = arith.index_cast %scan3A_673 : i32 to index
      %get3A_813 = arith.constant 80 : index
      %get3A_814 = tpu.vector_load %arg6[%get3A_812, %get3A_813] {strides = array<i32>} : memref<80x256xf32, #tpu.memory_space<vmem>>, vector<16xf32>,
      %add3A_815 = arith.constant 16 : i32
      %add3A_816 = arith.addi %add3A_815, %scan3A_673 : i32
      %get3A_817 = arith.index_cast %add3A_816 : i32 to index
      %get3A_818 = arith.constant 80 : index
      %get3A_819 = tpu.vector_load %arg6[%get3A_817, %get3A_818] {strides = array<i32>} : memref<80x256xf32, #tpu.memory_space<vmem>>, vector<16xf32>,
      %max3A_820 = arith.maximumf %get3A_814, %get3A_819 : vector<16xf32>
      %add3A_821 = arith.constant 32 : i32
      %add3A_822 = arith.addi %add3A_821, %scan3A_673 : i32
      %get3A_823 = arith.index_cast %add3A_822 : i32 to index
      %get3A_824 = arith.constant 80 : index
      %get3A_825 = tpu.vector_load %arg6[%get3A_823, %get3A_824] {strides = array<i32>} : memref<80x256xf32, #tpu.memory_space<vmem>>, vector<16xf32>,
      %max3A_826 = arith.maximumf %max3A_820, %get3A_825 : vector<16xf32>
      %add3A_827 = arith.constant 48 : i32
      %add3A_828 = arith.addi %add3A_827, %scan3A_673 : i32
      %get3A_829 = arith.index_cast %add3A_828 : i32 to index
      %get3A_830 = arith.constant 80 : index
      %get3A_831 = tpu.vector_load %arg6[%get3A_829, %get3A_830] {strides = array<i32>} : memref<80x256xf32, #tpu.memory_space<vmem>>, vector<16xf32>,
      %max3A_832 = arith.maximumf %max3A_826, %get3A_831 : vector<16xf32>
      %get3A_833 = arith.index_cast %scan3A_673 : i32 to index
      %get3A_834 = arith.constant 80 : index
      %get3A_835 = tpu.vector_load %arg8[%get3A_833, %get3A_834] {strides = array<i32>} : memref<80x256xf32, #tpu.memory_space<vmem>>, vector<16xf32>,
      %max3A_836 = arith.maximumf %max3A_832, %get3A_835 : vector<16xf32>
      %swap3A_837 = arith.index_cast %scan3A_673 : i32 to index
      %swap3A_838 = arith.constant 80 : index
      %swap3A_839 = tpu.vector_load %arg8[%swap3A_837, %swap3A_838] {strides = array<i32>} : memref<80x256xf32, #tpu.memory_space<vmem>>, vector<16xf32>,
      tpu.vector_store %arg8[%swap3A_837, %swap3A_838], %max3A_836 {strides = array<i32>} : memref<80x256xf32, #tpu.memory_space<vmem>>, vector<16xf32>,
      %get3A_840 = arith.index_cast %scan3A_673 : i32 to index
      %get3A_841 = arith.constant 96 : index
      %get3A_842 = tpu.vector_load %arg6[%get3A_840, %get3A_841] {strides = array<i32>} : memref<80x256xf32, #tpu.memory_space<vmem>>, vector<16xf32>,
      %add3A_843 = arith.constant 16 : i32
      %add3A_844 = arith.addi %add3A_843, %scan3A_673 : i32
      %get3A_845 = arith.index_cast %add3A_844 : i32 to index
      %get3A_846 = arith.constant 96 : index
      %get3A_847 = tpu.vector_load %arg6[%get3A_845, %get3A_846] {strides = array<i32>} : memref<80x256xf32, #tpu.memory_space<vmem>>, vector<16xf32>,
      %max3A_848 = arith.maximumf %get3A_842, %get3A_847 : vector<16xf32>
      %add3A_849 = arith.constant 32 : i32
      %add3A_850 = arith.addi %add3A_849, %scan3A_673 : i32
      %get3A_851 = arith.index_cast %add3A_850 : i32 to index
      %get3A_852 = arith.constant 96 : index
      %get3A_853 = tpu.vector_load %arg6[%get3A_851, %get3A_852] {strides = array<i32>} : memref<80x256xf32, #tpu.memory_space<vmem>>, vector<16xf32>,
      %max3A_854 = arith.maximumf %max3A_848, %get3A_853 : vector<16xf32>
      %add3A_855 = arith.constant 48 : i32
      %add3A_856 = arith.addi %add3A_855, %scan3A_673 : i32
      %get3A_857 = arith.index_cast %add3A_856 : i32 to index
      %get3A_858 = arith.constant 96 : index
      %get3A_859 = tpu.vector_load %arg6[%get3A_857, %get3A_858] {strides = array<i32>} : memref<80x256xf32, #tpu.memory_space<vmem>>, vector<16xf32>,
      %max3A_860 = arith.maximumf %max3A_854, %get3A_859 : vector<16xf32>
      %get3A_861 = arith.index_cast %scan3A_673 : i32 to index
      %get3A_862 = arith.constant 96 : index
      %get3A_863 = tpu.vector_load %arg8[%get3A_861, %get3A_862] {strides = array<i32>} : memref<80x256xf32, #tpu.memory_space<vmem>>, vector<16xf32>,
      %max3A_864 = arith.maximumf %max3A_860, %get3A_863 : vector<16xf32>
      %swap3A_865 = arith.index_cast %scan3A_673 : i32 to index
      %swap3A_866 = arith.constant 96 : index
      %swap3A_867 = tpu.vector_load %arg8[%swap3A_865, %swap3A_866] {strides = array<i32>} : memref<80x256xf32, #tpu.memory_space<vmem>>, vector<16xf32>,
      tpu.vector_store %arg8[%swap3A_865, %swap3A_866], %max3A_864 {strides = array<i32>} : memref<80x256xf32, #tpu.memory_space<vmem>>, vector<16xf32>,
      %get3A_868 = arith.index_cast %scan3A_673 : i32 to index
      %get3A_869 = arith.constant 112 : index
      %get3A_870 = tpu.vector_load %arg6[%get3A_868, %get3A_869] {strides = array<i32>} : memref<80x256xf32, #tpu.memory_space<vmem>>, vector<16xf32>,
      %add3A_871 = arith.constant 16 : i32
      %add3A_872 = arith.addi %add3A_871, %scan3A_673 : i32
      %get3A_873 = arith.index_cast %add3A_872 : i32 to index
      %get3A_874 = arith.constant 112 : index
      %get3A_875 = tpu.vector_load %arg6[%get3A_873, %get3A_874] {strides = array<i32>} : memref<80x256xf32, #tpu.memory_space<vmem>>, vector<16xf32>,
      %max3A_876 = arith.maximumf %get3A_870, %get3A_875 : vector<16xf32>
      %add3A_877 = arith.constant 32 : i32
      %add3A_878 = arith.addi %add3A_877, %scan3A_673 : i32
      %get3A_879 = arith.index_cast %add3A_878 : i32 to index
      %get3A_880 = arith.constant 112 : index
      %get3A_881 = tpu.vector_load %arg6[%get3A_879, %get3A_880] {strides = array<i32>} : memref<80x256xf32, #tpu.memory_space<vmem>>, vector<16xf32>,
      %max3A_882 = arith.maximumf %max3A_876, %get3A_881 : vector<16xf32>
      %add3A_883 = arith.constant 48 : i32
      %add3A_884 = arith.addi %add3A_883, %scan3A_673 : i32
      %get3A_885 = arith.index_cast %add3A_884 : i32 to index
      %get3A_886 = arith.constant 112 : index
      %get3A_887 = tpu.vector_load %arg6[%get3A_885, %get3A_886] {strides = array<i32>} : memref<80x256xf32, #tpu.memory_space<vmem>>, vector<16xf32>,
      %max3A_888 = arith.maximumf %max3A_882, %get3A_887 : vector<16xf32>
      %get3A_889 = arith.index_cast %scan3A_673 : i32 to index
      %get3A_890 = arith.constant 112 : index
      %get3A_891 = tpu.vector_load %arg8[%get3A_889, %get3A_890] {strides = array<i32>} : memref<80x256xf32, #tpu.memory_space<vmem>>, vector<16xf32>,
      %max3A_892 = arith.maximumf %max3A_888, %get3A_891 : vector<16xf32>
      %swap3A_893 = arith.index_cast %scan3A_673 : i32 to index
      %swap3A_894 = arith.constant 112 : index
      %swap3A_895 = tpu.vector_load %arg8[%swap3A_893, %swap3A_894] {strides = array<i32>} : memref<80x256xf32, #tpu.memory_space<vmem>>, vector<16xf32>,
      tpu.vector_store %arg8[%swap3A_893, %swap3A_894], %max3A_892 {strides = array<i32>} : memref<80x256xf32, #tpu.memory_space<vmem>>, vector<16xf32>,
      %get3A_896 = arith.index_cast %scan3A_673 : i32 to index
      %get3A_897 = arith.constant 128 : index
      %get3A_898 = tpu.vector_load %arg6[%get3A_896, %get3A_897] {strides = array<i32>} : memref<80x256xf32, #tpu.memory_space<vmem>>, vector<16xf32>,
      %add3A_899 = arith.constant 16 : i32
      %add3A_900 = arith.addi %add3A_899, %scan3A_673 : i32
      %get3A_901 = arith.index_cast %add3A_900 : i32 to index
      %get3A_902 = arith.constant 128 : index
      %get3A_903 = tpu.vector_load %arg6[%get3A_901, %get3A_902] {strides = array<i32>} : memref<80x256xf32, #tpu.memory_space<vmem>>, vector<16xf32>,
      %max3A_904 = arith.maximumf %get3A_898, %get3A_903 : vector<16xf32>
      %add3A_905 = arith.constant 32 : i32
      %add3A_906 = arith.addi %add3A_905, %scan3A_673 : i32
      %get3A_907 = arith.index_cast %add3A_906 : i32 to index
      %get3A_908 = arith.constant 128 : index
      %get3A_909 = tpu.vector_load %arg6[%get3A_907, %get3A_908] {strides = array<i32>} : memref<80x256xf32, #tpu.memory_space<vmem>>, vector<16xf32>,
      %max3A_910 = arith.maximumf %max3A_904, %get3A_909 : vector<16xf32>
      %add3A_911 = arith.constant 48 : i32
      %add3A_912 = arith.addi %add3A_911, %scan3A_673 : i32
      %get3A_913 = arith.index_cast %add3A_912 : i32 to index
      %get3A_914 = arith.constant 128 : index
      %get3A_915 = tpu.vector_load %arg6[%get3A_913, %get3A_914] {strides = array<i32>} : memref<80x256xf32, #tpu.memory_space<vmem>>, vector<16xf32>,
      %max3A_916 = arith.maximumf %max3A_910, %get3A_915 : vector<16xf32>
      %get3A_917 = arith.index_cast %scan3A_673 : i32 to index
      %get3A_918 = arith.constant 128 : index
      %get3A_919 = tpu.vector_load %arg8[%get3A_917, %get3A_918] {strides = array<i32>} : memref<80x256xf32, #tpu.memory_space<vmem>>, vector<16xf32>,
      %max3A_920 = arith.maximumf %max3A_916, %get3A_919 : vector<16xf32>
      %swap3A_921 = arith.index_cast %scan3A_673 : i32 to index
      %swap3A_922 = arith.constant 128 : index
      %swap3A_923 = tpu.vector_load %arg8[%swap3A_921, %swap3A_922] {strides = array<i32>} : memref<80x256xf32, #tpu.memory_space<vmem>>, vector<16xf32>,
      tpu.vector_store %arg8[%swap3A_921, %swap3A_922], %max3A_920 {strides = array<i32>} : memref<80x256xf32, #tpu.memory_space<vmem>>, vector<16xf32>,
      %get3A_924 = arith.index_cast %scan3A_673 : i32 to index
      %get3A_925 = arith.constant 144 : index
      %get3A_926 = tpu.vector_load %arg6[%get3A_924, %get3A_925] {strides = array<i32>} : memref<80x256xf32, #tpu.memory_space<vmem>>, vector<16xf32>,
      %add3A_927 = arith.constant 16 : i32
      %add3A_928 = arith.addi %add3A_927, %scan3A_673 : i32
      %get3A_929 = arith.index_cast %add3A_928 : i32 to index
      %get3A_930 = arith.constant 144 : index
      %get3A_931 = tpu.vector_load %arg6[%get3A_929, %get3A_930] {strides = array<i32>} : memref<80x256xf32, #tpu.memory_space<vmem>>, vector<16xf32>,
      %max3A_932 = arith.maximumf %get3A_926, %get3A_931 : vector<16xf32>
      %add3A_933 = arith.constant 32 : i32
      %add3A_934 = arith.addi %add3A_933, %scan3A_673 : i32
      %get3A_935 = arith.index_cast %add3A_934 : i32 to index
      %get3A_936 = arith.constant 144 : index
      %get3A_937 = tpu.vector_load %arg6[%get3A_935, %get3A_936] {strides = array<i32>} : memref<80x256xf32, #tpu.memory_space<vmem>>, vector<16xf32>,
      %max3A_938 = arith.maximumf %max3A_932, %get3A_937 : vector<16xf32>
      %add3A_939 = arith.constant 48 : i32
      %add3A_940 = arith.addi %add3A_939, %scan3A_673 : i32
      %get3A_941 = arith.index_cast %add3A_940 : i32 to index
      %get3A_942 = arith.constant 144 : index
      %get3A_943 = tpu.vector_load %arg6[%get3A_941, %get3A_942] {strides = array<i32>} : memref<80x256xf32, #tpu.memory_space<vmem>>, vector<16xf32>,
      %max3A_944 = arith.maximumf %max3A_938, %get3A_943 : vector<16xf32>
      %get3A_945 = arith.index_cast %scan3A_673 : i32 to index
      %get3A_946 = arith.constant 144 : index
      %get3A_947 = tpu.vector_load %arg8[%get3A_945, %get3A_946] {strides = array<i32>} : memref<80x256xf32, #tpu.memory_space<vmem>>, vector<16xf32>,
      %max3A_948 = arith.maximumf %max3A_944, %get3A_947 : vector<16xf32>
      %swap3A_949 = arith.index_cast %scan3A_673 : i32 to index
      %swap3A_950 = arith.constant 144 : index
      %swap3A_951 = tpu.vector_load %arg8[%swap3A_949, %swap3A_950] {strides = array<i32>} : memref<80x256xf32, #tpu.memory_space<vmem>>, vector<16xf32>,
      tpu.vector_store %arg8[%swap3A_949, %swap3A_950], %max3A_948 {strides = array<i32>} : memref<80x256xf32, #tpu.memory_space<vmem>>, vector<16xf32>,
      %get3A_952 = arith.index_cast %scan3A_673 : i32 to index
      %get3A_953 = arith.constant 160 : index
      %get3A_954 = tpu.vector_load %arg6[%get3A_952, %get3A_953] {strides = array<i32>} : memref<80x256xf32, #tpu.memory_space<vmem>>, vector<16xf32>,
      %add3A_955 = arith.constant 16 : i32
      %add3A_956 = arith.addi %add3A_955, %scan3A_673 : i32
      %get3A_957 = arith.index_cast %add3A_956 : i32 to index
      %get3A_958 = arith.constant 160 : index
      %get3A_959 = tpu.vector_load %arg6[%get3A_957, %get3A_958] {strides = array<i32>} : memref<80x256xf32, #tpu.memory_space<vmem>>, vector<16xf32>,
      %max3A_960 = arith.maximumf %get3A_954, %get3A_959 : vector<16xf32>
      %add3A_961 = arith.constant 32 : i32
      %add3A_962 = arith.addi %add3A_961, %scan3A_673 : i32
      %get3A_963 = arith.index_cast %add3A_962 : i32 to index
      %get3A_964 = arith.constant 160 : index
      %get3A_965 = tpu.vector_load %arg6[%get3A_963, %get3A_964] {strides = array<i32>} : memref<80x256xf32, #tpu.memory_space<vmem>>, vector<16xf32>,
      %max3A_966 = arith.maximumf %max3A_960, %get3A_965 : vector<16xf32>
      %add3A_967 = arith.constant 48 : i32
      %add3A_968 = arith.addi %add3A_967, %scan3A_673 : i32
      %get3A_969 = arith.index_cast %add3A_968 : i32 to index
      %get3A_970 = arith.constant 160 : index
      %get3A_971 = tpu.vector_load %arg6[%get3A_969, %get3A_970] {strides = array<i32>} : memref<80x256xf32, #tpu.memory_space<vmem>>, vector<16xf32>,
      %max3A_972 = arith.maximumf %max3A_966, %get3A_971 : vector<16xf32>
      %get3A_973 = arith.index_cast %scan3A_673 : i32 to index
      %get3A_974 = arith.constant 160 : index
      %get3A_975 = tpu.vector_load %arg8[%get3A_973, %get3A_974] {strides = array<i32>} : memref<80x256xf32, #tpu.memory_space<vmem>>, vector<16xf32>,
      %max3A_976 = arith.maximumf %max3A_972, %get3A_975 : vector<16xf32>
      %swap3A_977 = arith.index_cast %scan3A_673 : i32 to index
      %swap3A_978 = arith.constant 160 : index
      %swap3A_979 = tpu.vector_load %arg8[%swap3A_977, %swap3A_978] {strides = array<i32>} : memref<80x256xf32, #tpu.memory_space<vmem>>, vector<16xf32>,
      tpu.vector_store %arg8[%swap3A_977, %swap3A_978], %max3A_976 {strides = array<i32>} : memref<80x256xf32, #tpu.memory_space<vmem>>, vector<16xf32>,
      %get3A_980 = arith.index_cast %scan3A_673 : i32 to index
      %get3A_981 = arith.constant 176 : index
      %get3A_982 = tpu.vector_load %arg6[%get3A_980, %get3A_981] {strides = array<i32>} : memref<80x256xf32, #tpu.memory_space<vmem>>, vector<16xf32>,
      %add3A_983 = arith.constant 16 : i32
      %add3A_984 = arith.addi %add3A_983, %scan3A_673 : i32
      %get3A_985 = arith.index_cast %add3A_984 : i32 to index
      %get3A_986 = arith.constant 176 : index
      %get3A_987 = tpu.vector_load %arg6[%get3A_985, %get3A_986] {strides = array<i32>} : memref<80x256xf32, #tpu.memory_space<vmem>>, vector<16xf32>,
      %max3A_988 = arith.maximumf %get3A_982, %get3A_987 : vector<16xf32>
      %add3A_989 = arith.constant 32 : i32
      %add3A_990 = arith.addi %add3A_989, %scan3A_673 : i32
      %get3A_991 = arith.index_cast %add3A_990 : i32 to index
      %get3A_992 = arith.constant 176 : index
      %get3A_993 = tpu.vector_load %arg6[%get3A_991, %get3A_992] {strides = array<i32>} : memref<80x256xf32, #tpu.memory_space<vmem>>, vector<16xf32>,
      %max3A_994 = arith.maximumf %max3A_988, %get3A_993 : vector<16xf32>
      %add3A_995 = arith.constant 48 : i32
      %add3A_996 = arith.addi %add3A_995, %scan3A_673 : i32
      %get3A_997 = arith.index_cast %add3A_996 : i32 to index
      %get3A_998 = arith.constant 176 : index
      %get3A_999 = tpu.vector_load %arg6[%get3A_997, %get3A_998] {strides = array<i32>} : memref<80x256xf32, #tpu.memory_space<vmem>>, vector<16xf32>,
      %max3A_1000 = arith.maximumf %max3A_994, %get3A_999 : vector<16xf32>
      %get3A_1001 = arith.index_cast %scan3A_673 : i32 to index
      %get3A_1002 = arith.constant 176 : index
      %get3A_1003 = tpu.vector_load %arg8[%get3A_1001, %get3A_1002] {strides = array<i32>} : memref<80x256xf32, #tpu.memory_space<vmem>>, vector<16xf32>,
      %max3A_1004 = arith.maximumf %max3A_1000, %get3A_1003 : vector<16xf32>
      %swap3A_1005 = arith.index_cast %scan3A_673 : i32 to index
      %swap3A_1006 = arith.constant 176 : index
      %swap3A_1007 = tpu.vector_load %arg8[%swap3A_1005, %swap3A_1006] {strides = array<i32>} : memref<80x256xf32, #tpu.memory_space<vmem>>, vector<16xf32>,
      tpu.vector_store %arg8[%swap3A_1005, %swap3A_1006], %max3A_1004 {strides = array<i32>} : memref<80x256xf32, #tpu.memory_space<vmem>>, vector<16xf32>,
      %get3A_1008 = arith.index_cast %scan3A_673 : i32 to index
      %get3A_1009 = arith.constant 192 : index
      %get3A_1010 = tpu.vector_load %arg6[%get3A_1008, %get3A_1009] {strides = array<i32>} : memref<80x256xf32, #tpu.memory_space<vmem>>, vector<16xf32>,
      %add3A_1011 = arith.constant 16 : i32
      %add3A_1012 = arith.addi %add3A_1011, %scan3A_673 : i32
      %get3A_1013 = arith.index_cast %add3A_1012 : i32 to index
      %get3A_1014 = arith.constant 192 : index
      %get3A_1015 = tpu.vector_load %arg6[%get3A_1013, %get3A_1014] {strides = array<i32>} : memref<80x256xf32, #tpu.memory_space<vmem>>, vector<16xf32>,
      %max3A_1016 = arith.maximumf %get3A_1010, %get3A_1015 : vector<16xf32>
      %add3A_1017 = arith.constant 32 : i32
      %add3A_1018 = arith.addi %add3A_1017, %scan3A_673 : i32
      %get3A_1019 = arith.index_cast %add3A_1018 : i32 to index
      %get3A_1020 = arith.constant 192 : index
      %get3A_1021 = tpu.vector_load %arg6[%get3A_1019, %get3A_1020] {strides = array<i32>} : memref<80x256xf32, #tpu.memory_space<vmem>>, vector<16xf32>,
      %max3A_1022 = arith.maximumf %max3A_1016, %get3A_1021 : vector<16xf32>
      %add3A_1023 = arith.constant 48 : i32
      %add3A_1024 = arith.addi %add3A_1023, %scan3A_673 : i32
      %get3A_1025 = arith.index_cast %add3A_1024 : i32 to index
      %get3A_1026 = arith.constant 192 : index
      %get3A_1027 = tpu.vector_load %arg6[%get3A_1025, %get3A_1026] {strides = array<i32>} : memref<80x256xf32, #tpu.memory_space<vmem>>, vector<16xf32>,
      %max3A_1028 = arith.maximumf %max3A_1022, %get3A_1027 : vector<16xf32>
      %get3A_1029 = arith.index_cast %scan3A_673 : i32 to index
      %get3A_1030 = arith.constant 192 : index
      %get3A_1031 = tpu.vector_load %arg8[%get3A_1029, %get3A_1030] {strides = array<i32>} : memref<80x256xf32, #tpu.memory_space<vmem>>, vector<16xf32>,
      %max3A_1032 = arith.maximumf %max3A_1028, %get3A_1031 : vector<16xf32>
      %swap3A_1033 = arith.index_cast %scan3A_673 : i32 to index
      %swap3A_1034 = arith.constant 192 : index
      %swap3A_1035 = tpu.vector_load %arg8[%swap3A_1033, %swap3A_1034] {strides = array<i32>} : memref<80x256xf32, #tpu.memory_space<vmem>>, vector<16xf32>,
      tpu.vector_store %arg8[%swap3A_1033, %swap3A_1034], %max3A_1032 {strides = array<i32>} : memref<80x256xf32, #tpu.memory_space<vmem>>, vector<16xf32>,
      %get3A_1036 = arith.index_cast %scan3A_673 : i32 to index
      %get3A_1037 = arith.constant 208 : index
      %get3A_1038 = tpu.vector_load %arg6[%get3A_1036, %get3A_1037] {strides = array<i32>} : memref<80x256xf32, #tpu.memory_space<vmem>>, vector<16xf32>,
      %add3A_1039 = arith.constant 16 : i32
      %add3A_1040 = arith.addi %add3A_1039, %scan3A_673 : i32
      %get3A_1041 = arith.index_cast %add3A_1040 : i32 to index
      %get3A_1042 = arith.constant 208 : index
      %get3A_1043 = tpu.vector_load %arg6[%get3A_1041, %get3A_1042] {strides = array<i32>} : memref<80x256xf32, #tpu.memory_space<vmem>>, vector<16xf32>,
      %max3A_1044 = arith.maximumf %get3A_1038, %get3A_1043 : vector<16xf32>
      %add3A_1045 = arith.constant 32 : i32
      %add3A_1046 = arith.addi %add3A_1045, %scan3A_673 : i32
      %get3A_1047 = arith.index_cast %add3A_1046 : i32 to index
      %get3A_1048 = arith.constant 208 : index
      %get3A_1049 = tpu.vector_load %arg6[%get3A_1047, %get3A_1048] {strides = array<i32>} : memref<80x256xf32, #tpu.memory_space<vmem>>, vector<16xf32>,
      %max3A_1050 = arith.maximumf %max3A_1044, %get3A_1049 : vector<16xf32>
      %add3A_1051 = arith.constant 48 : i32
      %add3A_1052 = arith.addi %add3A_1051, %scan3A_673 : i32
      %get3A_1053 = arith.index_cast %add3A_1052 : i32 to index
      %get3A_1054 = arith.constant 208 : index
      %get3A_1055 = tpu.vector_load %arg6[%get3A_1053, %get3A_1054] {strides = array<i32>} : memref<80x256xf32, #tpu.memory_space<vmem>>, vector<16xf32>,
      %max3A_1056 = arith.maximumf %max3A_1050, %get3A_1055 : vector<16xf32>
      %get3A_1057 = arith.index_cast %scan3A_673 : i32 to index
      %get3A_1058 = arith.constant 208 : index
      %get3A_1059 = tpu.vector_load %arg8[%get3A_1057, %get3A_1058] {strides = array<i32>} : memref<80x256xf32, #tpu.memory_space<vmem>>, vector<16xf32>,
      %max3A_1060 = arith.maximumf %max3A_1056, %get3A_1059 : vector<16xf32>
      %swap3A_1061 = arith.index_cast %scan3A_673 : i32 to index
      %swap3A_1062 = arith.constant 208 : index
      %swap3A_1063 = tpu.vector_load %arg8[%swap3A_1061, %swap3A_1062] {strides = array<i32>} : memref<80x256xf32, #tpu.memory_space<vmem>>, vector<16xf32>,
      tpu.vector_store %arg8[%swap3A_1061, %swap3A_1062], %max3A_1060 {strides = array<i32>} : memref<80x256xf32, #tpu.memory_space<vmem>>, vector<16xf32>,
      %get3A_1064 = arith.index_cast %scan3A_673 : i32 to index
      %get3A_1065 = arith.constant 224 : index
      %get3A_1066 = tpu.vector_load %arg6[%get3A_1064, %get3A_1065] {strides = array<i32>} : memref<80x256xf32, #tpu.memory_space<vmem>>, vector<16xf32>,
      %add3A_1067 = arith.constant 16 : i32
      %add3A_1068 = arith.addi %add3A_1067, %scan3A_673 : i32
      %get3A_1069 = arith.index_cast %add3A_1068 : i32 to index
      %get3A_1070 = arith.constant 224 : index
      %get3A_1071 = tpu.vector_load %arg6[%get3A_1069, %get3A_1070] {strides = array<i32>} : memref<80x256xf32, #tpu.memory_space<vmem>>, vector<16xf32>,
      %max3A_1072 = arith.maximumf %get3A_1066, %get3A_1071 : vector<16xf32>
      %add3A_1073 = arith.constant 32 : i32
      %add3A_1074 = arith.addi %add3A_1073, %scan3A_673 : i32
      %get3A_1075 = arith.index_cast %add3A_1074 : i32 to index
      %get3A_1076 = arith.constant 224 : index
      %get3A_1077 = tpu.vector_load %arg6[%get3A_1075, %get3A_1076] {strides = array<i32>} : memref<80x256xf32, #tpu.memory_space<vmem>>, vector<16xf32>,
      %max3A_1078 = arith.maximumf %max3A_1072, %get3A_1077 : vector<16xf32>
      %add3A_1079 = arith.constant 48 : i32
      %add3A_1080 = arith.addi %add3A_1079, %scan3A_673 : i32
      %get3A_1081 = arith.index_cast %add3A_1080 : i32 to index
      %get3A_1082 = arith.constant 224 : index
      %get3A_1083 = tpu.vector_load %arg6[%get3A_1081, %get3A_1082] {strides = array<i32>} : memref<80x256xf32, #tpu.memory_space<vmem>>, vector<16xf32>,
      %max3A_1084 = arith.maximumf %max3A_1078, %get3A_1083 : vector<16xf32>
      %get3A_1085 = arith.index_cast %scan3A_673 : i32 to index
      %get3A_1086 = arith.constant 224 : index
      %get3A_1087 = tpu.vector_load %arg8[%get3A_1085, %get3A_1086] {strides = array<i32>} : memref<80x256xf32, #tpu.memory_space<vmem>>, vector<16xf32>,
      %max3A_1088 = arith.maximumf %max3A_1084, %get3A_1087 : vector<16xf32>
      %swap3A_1089 = arith.index_cast %scan3A_673 : i32 to index
      %swap3A_1090 = arith.constant 224 : index
      %swap3A_1091 = tpu.vector_load %arg8[%swap3A_1089, %swap3A_1090] {strides = array<i32>} : memref<80x256xf32, #tpu.memory_space<vmem>>, vector<16xf32>,
      tpu.vector_store %arg8[%swap3A_1089, %swap3A_1090], %max3A_1088 {strides = array<i32>} : memref<80x256xf32, #tpu.memory_space<vmem>>, vector<16xf32>,
      %get3A_1092 = arith.index_cast %scan3A_673 : i32 to index
      %get3A_1093 = arith.constant 240 : index
      %get3A_1094 = tpu.vector_load %arg6[%get3A_1092, %get3A_1093] {strides = array<i32>} : memref<80x256xf32, #tpu.memory_space<vmem>>, vector<16xf32>,
      %add3A_1095 = arith.constant 16 : i32
      %add3A_1096 = arith.addi %add3A_1095, %scan3A_673 : i32
      %get3A_1097 = arith.index_cast %add3A_1096 : i32 to index
      %get3A_1098 = arith.constant 240 : index
      %get3A_1099 = tpu.vector_load %arg6[%get3A_1097, %get3A_1098] {strides = array<i32>} : memref<80x256xf32, #tpu.memory_space<vmem>>, vector<16xf32>,
      %max3A_1100 = arith.maximumf %get3A_1094, %get3A_1099 : vector<16xf32>
      %add3A_1101 = arith.constant 32 : i32
      %add3A_1102 = arith.addi %add3A_1101, %scan3A_673 : i32
      %get3A_1103 = arith.index_cast %add3A_1102 : i32 to index
      %get3A_1104 = arith.constant 240 : index
      %get3A_1105 = tpu.vector_load %arg6[%get3A_1103, %get3A_1104] {strides = array<i32>} : memref<80x256xf32, #tpu.memory_space<vmem>>, vector<16xf32>,
      %max3A_1106 = arith.maximumf %max3A_1100, %get3A_1105 : vector<16xf32>
      %add3A_1107 = arith.constant 48 : i32
      %add3A_1108 = arith.addi %add3A_1107, %scan3A_673 : i32
      %get3A_1109 = arith.index_cast %add3A_1108 : i32 to index
      %get3A_1110 = arith.constant 240 : index
      %get3A_1111 = tpu.vector_load %arg6[%get3A_1109, %get3A_1110] {strides = array<i32>} : memref<80x256xf32, #tpu.memory_space<vmem>>, vector<16xf32>,
      %max3A_1112 = arith.maximumf %max3A_1106, %get3A_1111 : vector<16xf32>
      %get3A_1113 = arith.index_cast %scan3A_673 : i32 to index
      %get3A_1114 = arith.constant 240 : index
      %get3A_1115 = tpu.vector_load %arg8[%get3A_1113, %get3A_1114] {strides = array<i32>} : memref<80x256xf32, #tpu.memory_space<vmem>>, vector<16xf32>,
      %max3A_1116 = arith.maximumf %max3A_1112, %get3A_1115 : vector<16xf32>
      %swap3A_1117 = arith.index_cast %scan3A_673 : i32 to index
      %swap3A_1118 = arith.constant 240 : index
      %swap3A_1119 = tpu.vector_load %arg8[%swap3A_1117, %swap3A_1118] {strides = array<i32>} : memref<80x256xf32, #tpu.memory_space<vmem>>, vector<16xf32>,
      tpu.vector_store %arg8[%swap3A_1117, %swap3A_1118], %max3A_1116 {strides = array<i32>} : memref<80x256xf32, #tpu.memory_space<vmem>>, vector<16xf32>,
    }
    %scan3A_650 = arith.constant 16 : i32
    %dma_wait3A_651 = arith.constant 0 : i32
    %dma_wait3A_652 = arith.constant 0 : i32
    %dma_wait3A_653 = tpu.memref_slice %arg7[%dma_wait3A_651, %dma_wait3A_652] : memref<80x256xf32, #tpu.memory_space<vmem>> -> memref<64x256xf32, #tpu.memory_space<vmem>>
    %dma_wait3A_654 = arith.constant 192 : i32
    %dma_wait3A_655 = arith.constant 0 : i32
    %dma_wait3A_656 = tpu.memref_slice %arg4[%arg0, %arg1, %dma_wait3A_654, %dma_wait3A_655] : memref<2x16x256x256xf32, #tpu.memory_space<hbm>> -> memref<1x1x64x256xf32, #tpu.memory_space<hbm>>
    %dma_wait3A_657 = tpu.memref_squeeze %dma_wait3A_656 : memref<1x1x64x256xf32, #tpu.memory_space<hbm>> -> memref<64x256xf32, #tpu.memory_space<hbm>>
    %dma_wait3A_658 = arith.constant 0 : i32
    %dma_wait3A_659 = arith.constant 0 : i32
    %dma_wait3A_660 = tpu.memref_slice %arg7[%dma_wait3A_658, %dma_wait3A_659] : memref<80x256xf32, #tpu.memory_space<vmem>> -> memref<64x256xf32, #tpu.memory_space<vmem>>
    %dma_wait3A_661 = arith.constant 192 : i32
    %dma_wait3A_662 = arith.constant 0 : i32
    %dma_wait3A_663 = tpu.memref_slice %arg4[%arg0, %arg1, %dma_wait3A_661, %dma_wait3A_662] : memref<2x16x256x256xf32, #tpu.memory_space<hbm>> -> memref<1x1x64x256xf32, #tpu.memory_space<hbm>>
    %dma_wait3A_664 = tpu.memref_squeeze %dma_wait3A_663 : memref<1x1x64x256xf32, #tpu.memory_space<hbm>> -> memref<64x256xf32, #tpu.memory_space<hbm>>
    tpu.wait_dma2 semaphore(%arg15 : memref<!tpu.dma_semaphore, #tpu.memory_space<semaphore_mem>>) src(%dma_wait3A_664 : memref<64x256xf32, #tpu.memory_space<hbm>>) dst(%dma_wait3A_660 : memref<64x256xf32, #tpu.memory_space<vmem>>)
    %scan3A_665 = arith.constant 0 : i32
    %scan3A_666 = arith.constant 0 : i32
    %scan3A_667 = arith.constant 16 : i32
    %scan3A_668 = arith.addi %scan3A_666, %scan3A_667 : i32
    %scan3A_669 = arith.constant 1 : i32
    scf.for %scan3A_673 = %scan3A_666 to %scan3A_668 step %scan3A_669  : i32 {
      %get3A = arith.index_cast %scan3A_673 : i32 to index
      %get3A_674 = arith.constant 0 : index
      %get3A_675 = tpu.vector_load %arg7[%get3A, %get3A_674] {strides = array<i32>} : memref<80x256xf32, #tpu.memory_space<vmem>>, vector<16xf32>,
      %add3A_676 = arith.constant 16 : i32
      %add3A_677 = arith.addi %add3A_676, %scan3A_673 : i32
      %get3A_678 = arith.index_cast %add3A_677 : i32 to index
      %get3A_679 = arith.constant 0 : index
      %get3A_680 = tpu.vector_load %arg7[%get3A_678, %get3A_679] {strides = array<i32>} : memref<80x256xf32, #tpu.memory_space<vmem>>, vector<16xf32>,
      %max3A = arith.maximumf %get3A_675, %get3A_680 : vector<16xf32>
      %add3A_681 = arith.constant 32 : i32
      %add3A_682 = arith.addi %add3A_681, %scan3A_673 : i32
      %get3A_683 = arith.index_cast %add3A_682 : i32 to index
      %get3A_684 = arith.constant 0 : index
      %get3A_685 = tpu.vector_load %arg7[%get3A_683, %get3A_684] {strides = array<i32>} : memref<80x256xf32, #tpu.memory_space<vmem>>, vector<16xf32>,
      %max3A_686 = arith.maximumf %max3A, %get3A_685 : vector<16xf32>
      %add3A_687 = arith.constant 48 : i32
      %add3A_688 = arith.addi %add3A_687, %scan3A_673 : i32
      %get3A_689 = arith.index_cast %add3A_688 : i32 to index
      %get3A_690 = arith.constant 0 : index
      %get3A_691 = tpu.vector_load %arg7[%get3A_689, %get3A_690] {strides = array<i32>} : memref<80x256xf32, #tpu.memory_space<vmem>>, vector<16xf32>,
      %max3A_692 = arith.maximumf %max3A_686, %get3A_691 : vector<16xf32>
      %get3A_693 = arith.index_cast %scan3A_673 : i32 to index
      %get3A_694 = arith.constant 0 : index
      %get3A_695 = tpu.vector_load %arg8[%get3A_693, %get3A_694] {strides = array<i32>} : memref<80x256xf32, #tpu.memory_space<vmem>>, vector<16xf32>,
      %max3A_696 = arith.maximumf %max3A_692, %get3A_695 : vector<16xf32>
      %swap3A_697 = arith.index_cast %scan3A_673 : i32 to index
      %swap3A_698 = arith.constant 0 : index
      %swap3A_699 = tpu.vector_load %arg8[%swap3A_697, %swap3A_698] {strides = array<i32>} : memref<80x256xf32, #tpu.memory_space<vmem>>, vector<16xf32>,
      tpu.vector_store %arg8[%swap3A_697, %swap3A_698], %max3A_696 {strides = array<i32>} : memref<80x256xf32, #tpu.memory_space<vmem>>, vector<16xf32>,
      %get3A_700 = arith.index_cast %scan3A_673 : i32 to index
      %get3A_701 = arith.constant 16 : index
      %get3A_702 = tpu.vector_load %arg7[%get3A_700, %get3A_701] {strides = array<i32>} : memref<80x256xf32, #tpu.memory_space<vmem>>, vector<16xf32>,
      %add3A_703 = arith.constant 16 : i32
      %add3A_704 = arith.addi %add3A_703, %scan3A_673 : i32
      %get3A_705 = arith.index_cast %add3A_704 : i32 to index
      %get3A_706 = arith.constant 16 : index
      %get3A_707 = tpu.vector_load %arg7[%get3A_705, %get3A_706] {strides = array<i32>} : memref<80x256xf32, #tpu.memory_space<vmem>>, vector<16xf32>,
      %max3A_708 = arith.maximumf %get3A_702, %get3A_707 : vector<16xf32>
      %add3A_709 = arith.constant 32 : i32
      %add3A_710 = arith.addi %add3A_709, %scan3A_673 : i32
      %get3A_711 = arith.index_cast %add3A_710 : i32 to index
      %get3A_712 = arith.constant 16 : index
      %get3A_713 = tpu.vector_load %arg7[%get3A_711, %get3A_712] {strides = array<i32>} : memref<80x256xf32, #tpu.memory_space<vmem>>, vector<16xf32>,
      %max3A_714 = arith.maximumf %max3A_708, %get3A_713 : vector<16xf32>
      %add3A_715 = arith.constant 48 : i32
      %add3A_716 = arith.addi %add3A_715, %scan3A_673 : i32
      %get3A_717 = arith.index_cast %add3A_716 : i32 to index
      %get3A_718 = arith.constant 16 : index
      %get3A_719 = tpu.vector_load %arg7[%get3A_717, %get3A_718] {strides = array<i32>} : memref<80x256xf32, #tpu.memory_space<vmem>>, vector<16xf32>,
      %max3A_720 = arith.maximumf %max3A_714, %get3A_719 : vector<16xf32>
      %get3A_721 = arith.index_cast %scan3A_673 : i32 to index
      %get3A_722 = arith.constant 16 : index
      %get3A_723 = tpu.vector_load %arg8[%get3A_721, %get3A_722] {strides = array<i32>} : memref<80x256xf32, #tpu.memory_space<vmem>>, vector<16xf32>,
      %max3A_724 = arith.maximumf %max3A_720, %get3A_723 : vector<16xf32>
      %swap3A_725 = arith.index_cast %scan3A_673 : i32 to index
      %swap3A_726 = arith.constant 16 : index
      %swap3A_727 = tpu.vector_load %arg8[%swap3A_725, %swap3A_726] {strides = array<i32>} : memref<80x256xf32, #tpu.memory_space<vmem>>, vector<16xf32>,
      tpu.vector_store %arg8[%swap3A_725, %swap3A_726], %max3A_724 {strides = array<i32>} : memref<80x256xf32, #tpu.memory_space<vmem>>, vector<16xf32>,
      %get3A_728 = arith.index_cast %scan3A_673 : i32 to index
      %get3A_729 = arith.constant 32 : index
      %get3A_730 = tpu.vector_load %arg7[%get3A_728, %get3A_729] {strides = array<i32>} : memref<80x256xf32, #tpu.memory_space<vmem>>, vector<16xf32>,
      %add3A_731 = arith.constant 16 : i32
      %add3A_732 = arith.addi %add3A_731, %scan3A_673 : i32
      %get3A_733 = arith.index_cast %add3A_732 : i32 to index
      %get3A_734 = arith.constant 32 : index
      %get3A_735 = tpu.vector_load %arg7[%get3A_733, %get3A_734] {strides = array<i32>} : memref<80x256xf32, #tpu.memory_space<vmem>>, vector<16xf32>,
      %max3A_736 = arith.maximumf %get3A_730, %get3A_735 : vector<16xf32>
      %add3A_737 = arith.constant 32 : i32
      %add3A_738 = arith.addi %add3A_737, %scan3A_673 : i32
      %get3A_739 = arith.index_cast %add3A_738 : i32 to index
      %get3A_740 = arith.constant 32 : index
      %get3A_741 = tpu.vector_load %arg7[%get3A_739, %get3A_740] {strides = array<i32>} : memref<80x256xf32, #tpu.memory_space<vmem>>, vector<16xf32>,
      %max3A_742 = arith.maximumf %max3A_736, %get3A_741 : vector<16xf32>
      %add3A_743 = arith.constant 48 : i32
      %add3A_744 = arith.addi %add3A_743, %scan3A_673 : i32
      %get3A_745 = arith.index_cast %add3A_744 : i32 to index
      %get3A_746 = arith.constant 32 : index
      %get3A_747 = tpu.vector_load %arg7[%get3A_745, %get3A_746] {strides = array<i32>} : memref<80x256xf32, #tpu.memory_space<vmem>>, vector<16xf32>,
      %max3A_748 = arith.maximumf %max3A_742, %get3A_747 : vector<16xf32>
      %get3A_749 = arith.index_cast %scan3A_673 : i32 to index
      %get3A_750 = arith.constant 32 : index
      %get3A_751 = tpu.vector_load %arg8[%get3A_749, %get3A_750] {strides = array<i32>} : memref<80x256xf32, #tpu.memory_space<vmem>>, vector<16xf32>,
      %max3A_752 = arith.maximumf %max3A_748, %get3A_751 : vector<16xf32>
      %swap3A_753 = arith.index_cast %scan3A_673 : i32 to index
      %swap3A_754 = arith.constant 32 : index
      %swap3A_755 = tpu.vector_load %arg8[%swap3A_753, %swap3A_754] {strides = array<i32>} : memref<80x256xf32, #tpu.memory_space<vmem>>, vector<16xf32>,
      tpu.vector_store %arg8[%swap3A_753, %swap3A_754], %max3A_752 {strides = array<i32>} : memref<80x256xf32, #tpu.memory_space<vmem>>, vector<16xf32>,
      %get3A_756 = arith.index_cast %scan3A_673 : i32 to index
      %get3A_757 = arith.constant 48 : index
      %get3A_758 = tpu.vector_load %arg7[%get3A_756, %get3A_757] {strides = array<i32>} : memref<80x256xf32, #tpu.memory_space<vmem>>, vector<16xf32>,
      %add3A_759 = arith.constant 16 : i32
      %add3A_760 = arith.addi %add3A_759, %scan3A_673 : i32
      %get3A_761 = arith.index_cast %add3A_760 : i32 to index
      %get3A_762 = arith.constant 48 : index
      %get3A_763 = tpu.vector_load %arg7[%get3A_761, %get3A_762] {strides = array<i32>} : memref<80x256xf32, #tpu.memory_space<vmem>>, vector<16xf32>,
      %max3A_764 = arith.maximumf %get3A_758, %get3A_763 : vector<16xf32>
      %add3A_765 = arith.constant 32 : i32
      %add3A_766 = arith.addi %add3A_765, %scan3A_673 : i32
      %get3A_767 = arith.index_cast %add3A_766 : i32 to index
      %get3A_768 = arith.constant 48 : index
      %get3A_769 = tpu.vector_load %arg7[%get3A_767, %get3A_768] {strides = array<i32>} : memref<80x256xf32, #tpu.memory_space<vmem>>, vector<16xf32>,
      %max3A_770 = arith.maximumf %max3A_764, %get3A_769 : vector<16xf32>
      %add3A_771 = arith.constant 48 : i32
      %add3A_772 = arith.addi %add3A_771, %scan3A_673 : i32
      %get3A_773 = arith.index_cast %add3A_772 : i32 to index
      %get3A_774 = arith.constant 48 : index
      %get3A_775 = tpu.vector_load %arg7[%get3A_773, %get3A_774] {strides = array<i32>} : memref<80x256xf32, #tpu.memory_space<vmem>>, vector<16xf32>,
      %max3A_776 = arith.maximumf %max3A_770, %get3A_775 : vector<16xf32>
      %get3A_777 = arith.index_cast %scan3A_673 : i32 to index
      %get3A_778 = arith.constant 48 : index
      %get3A_779 = tpu.vector_load %arg8[%get3A_777, %get3A_778] {strides = array<i32>} : memref<80x256xf32, #tpu.memory_space<vmem>>, vector<16xf32>,
      %max3A_780 = arith.maximumf %max3A_776, %get3A_779 : vector<16xf32>
      %swap3A_781 = arith.index_cast %scan3A_673 : i32 to index
      %swap3A_782 = arith.constant 48 : index
      %swap3A_783 = tpu.vector_load %arg8[%swap3A_781, %swap3A_782] {strides = array<i32>} : memref<80x256xf32, #tpu.memory_space<vmem>>, vector<16xf32>,
      tpu.vector_store %arg8[%swap3A_781, %swap3A_782], %max3A_780 {strides = array<i32>} : memref<80x256xf32, #tpu.memory_space<vmem>>, vector<16xf32>,
      %get3A_784 = arith.index_cast %scan3A_673 : i32 to index
      %get3A_785 = arith.constant 64 : index
      %get3A_786 = tpu.vector_load %arg7[%get3A_784, %get3A_785] {strides = array<i32>} : memref<80x256xf32, #tpu.memory_space<vmem>>, vector<16xf32>,
      %add3A_787 = arith.constant 16 : i32
      %add3A_788 = arith.addi %add3A_787, %scan3A_673 : i32
      %get3A_789 = arith.index_cast %add3A_788 : i32 to index
      %get3A_790 = arith.constant 64 : index
      %get3A_791 = tpu.vector_load %arg7[%get3A_789, %get3A_790] {strides = array<i32>} : memref<80x256xf32, #tpu.memory_space<vmem>>, vector<16xf32>,
      %max3A_792 = arith.maximumf %get3A_786, %get3A_791 : vector<16xf32>
      %add3A_793 = arith.constant 32 : i32
      %add3A_794 = arith.addi %add3A_793, %scan3A_673 : i32
      %get3A_795 = arith.index_cast %add3A_794 : i32 to index
      %get3A_796 = arith.constant 64 : index
      %get3A_797 = tpu.vector_load %arg7[%get3A_795, %get3A_796] {strides = array<i32>} : memref<80x256xf32, #tpu.memory_space<vmem>>, vector<16xf32>,
      %max3A_798 = arith.maximumf %max3A_792, %get3A_797 : vector<16xf32>
      %add3A_799 = arith.constant 48 : i32
      %add3A_800 = arith.addi %add3A_799, %scan3A_673 : i32
      %get3A_801 = arith.index_cast %add3A_800 : i32 to index
      %get3A_802 = arith.constant 64 : index
      %get3A_803 = tpu.vector_load %arg7[%get3A_801, %get3A_802] {strides = array<i32>} : memref<80x256xf32, #tpu.memory_space<vmem>>, vector<16xf32>,
      %max3A_804 = arith.maximumf %max3A_798, %get3A_803 : vector<16xf32>
      %get3A_805 = arith.index_cast %scan3A_673 : i32 to index
      %get3A_806 = arith.constant 64 : index
      %get3A_807 = tpu.vector_load %arg8[%get3A_805, %get3A_806] {strides = array<i32>} : memref<80x256xf32, #tpu.memory_space<vmem>>, vector<16xf32>,
      %max3A_808 = arith.maximumf %max3A_804, %get3A_807 : vector<16xf32>
      %swap3A_809 = arith.index_cast %scan3A_673 : i32 to index
      %swap3A_810 = arith.constant 64 : index
      %swap3A_811 = tpu.vector_load %arg8[%swap3A_809, %swap3A_810] {strides = array<i32>} : memref<80x256xf32, #tpu.memory_space<vmem>>, vector<16xf32>,
      tpu.vector_store %arg8[%swap3A_809, %swap3A_810], %max3A_808 {strides = array<i32>} : memref<80x256xf32, #tpu.memory_space<vmem>>, vector<16xf32>,
      %get3A_812 = arith.index_cast %scan3A_673 : i32 to index
      %get3A_813 = arith.constant 80 : index
      %get3A_814 = tpu.vector_load %arg7[%get3A_812, %get3A_813] {strides = array<i32>} : memref<80x256xf32, #tpu.memory_space<vmem>>, vector<16xf32>,
      %add3A_815 = arith.constant 16 : i32
      %add3A_816 = arith.addi %add3A_815, %scan3A_673 : i32
      %get3A_817 = arith.index_cast %add3A_816 : i32 to index
      %get3A_818 = arith.constant 80 : index
      %get3A_819 = tpu.vector_load %arg7[%get3A_817, %get3A_818] {strides = array<i32>} : memref<80x256xf32, #tpu.memory_space<vmem>>, vector<16xf32>,
      %max3A_820 = arith.maximumf %get3A_814, %get3A_819 : vector<16xf32>
      %add3A_821 = arith.constant 32 : i32
      %add3A_822 = arith.addi %add3A_821, %scan3A_673 : i32
      %get3A_823 = arith.index_cast %add3A_822 : i32 to index
      %get3A_824 = arith.constant 80 : index
      %get3A_825 = tpu.vector_load %arg7[%get3A_823, %get3A_824] {strides = array<i32>} : memref<80x256xf32, #tpu.memory_space<vmem>>, vector<16xf32>,
      %max3A_826 = arith.maximumf %max3A_820, %get3A_825 : vector<16xf32>
      %add3A_827 = arith.constant 48 : i32
      %add3A_828 = arith.addi %add3A_827, %scan3A_673 : i32
      %get3A_829 = arith.index_cast %add3A_828 : i32 to index
      %get3A_830 = arith.constant 80 : index
      %get3A_831 = tpu.vector_load %arg7[%get3A_829, %get3A_830] {strides = array<i32>} : memref<80x256xf32, #tpu.memory_space<vmem>>, vector<16xf32>,
      %max3A_832 = arith.maximumf %max3A_826, %get3A_831 : vector<16xf32>
      %get3A_833 = arith.index_cast %scan3A_673 : i32 to index
      %get3A_834 = arith.constant 80 : index
      %get3A_835 = tpu.vector_load %arg8[%get3A_833, %get3A_834] {strides = array<i32>} : memref<80x256xf32, #tpu.memory_space<vmem>>, vector<16xf32>,
      %max3A_836 = arith.maximumf %max3A_832, %get3A_835 : vector<16xf32>
      %swap3A_837 = arith.index_cast %scan3A_673 : i32 to index
      %swap3A_838 = arith.constant 80 : index
      %swap3A_839 = tpu.vector_load %arg8[%swap3A_837, %swap3A_838] {strides = array<i32>} : memref<80x256xf32, #tpu.memory_space<vmem>>, vector<16xf32>,
      tpu.vector_store %arg8[%swap3A_837, %swap3A_838], %max3A_836 {strides = array<i32>} : memref<80x256xf32, #tpu.memory_space<vmem>>, vector<16xf32>,
      %get3A_840 = arith.index_cast %scan3A_673 : i32 to index
      %get3A_841 = arith.constant 96 : index
      %get3A_842 = tpu.vector_load %arg7[%get3A_840, %get3A_841] {strides = array<i32>} : memref<80x256xf32, #tpu.memory_space<vmem>>, vector<16xf32>,
      %add3A_843 = arith.constant 16 : i32
      %add3A_844 = arith.addi %add3A_843, %scan3A_673 : i32
      %get3A_845 = arith.index_cast %add3A_844 : i32 to index
      %get3A_846 = arith.constant 96 : index
      %get3A_847 = tpu.vector_load %arg7[%get3A_845, %get3A_846] {strides = array<i32>} : memref<80x256xf32, #tpu.memory_space<vmem>>, vector<16xf32>,
      %max3A_848 = arith.maximumf %get3A_842, %get3A_847 : vector<16xf32>
      %add3A_849 = arith.constant 32 : i32
      %add3A_850 = arith.addi %add3A_849, %scan3A_673 : i32
      %get3A_851 = arith.index_cast %add3A_850 : i32 to index
      %get3A_852 = arith.constant 96 : index
      %get3A_853 = tpu.vector_load %arg7[%get3A_851, %get3A_852] {strides = array<i32>} : memref<80x256xf32, #tpu.memory_space<vmem>>, vector<16xf32>,
      %max3A_854 = arith.maximumf %max3A_848, %get3A_853 : vector<16xf32>
      %add3A_855 = arith.constant 48 : i32
      %add3A_856 = arith.addi %add3A_855, %scan3A_673 : i32
      %get3A_857 = arith.index_cast %add3A_856 : i32 to index
      %get3A_858 = arith.constant 96 : index
      %get3A_859 = tpu.vector_load %arg7[%get3A_857, %get3A_858] {strides = array<i32>} : memref<80x256xf32, #tpu.memory_space<vmem>>, vector<16xf32>,
      %max3A_860 = arith.maximumf %max3A_854, %get3A_859 : vector<16xf32>
      %get3A_861 = arith.index_cast %scan3A_673 : i32 to index
      %get3A_862 = arith.constant 96 : index
      %get3A_863 = tpu.vector_load %arg8[%get3A_861, %get3A_862] {strides = array<i32>} : memref<80x256xf32, #tpu.memory_space<vmem>>, vector<16xf32>,
      %max3A_864 = arith.maximumf %max3A_860, %get3A_863 : vector<16xf32>
      %swap3A_865 = arith.index_cast %scan3A_673 : i32 to index
      %swap3A_866 = arith.constant 96 : index
      %swap3A_867 = tpu.vector_load %arg8[%swap3A_865, %swap3A_866] {strides = array<i32>} : memref<80x256xf32, #tpu.memory_space<vmem>>, vector<16xf32>,
      tpu.vector_store %arg8[%swap3A_865, %swap3A_866], %max3A_864 {strides = array<i32>} : memref<80x256xf32, #tpu.memory_space<vmem>>, vector<16xf32>,
      %get3A_868 = arith.index_cast %scan3A_673 : i32 to index
      %get3A_869 = arith.constant 112 : index
      %get3A_870 = tpu.vector_load %arg7[%get3A_868, %get3A_869] {strides = array<i32>} : memref<80x256xf32, #tpu.memory_space<vmem>>, vector<16xf32>,
      %add3A_871 = arith.constant 16 : i32
      %add3A_872 = arith.addi %add3A_871, %scan3A_673 : i32
      %get3A_873 = arith.index_cast %add3A_872 : i32 to index
      %get3A_874 = arith.constant 112 : index
      %get3A_875 = tpu.vector_load %arg7[%get3A_873, %get3A_874] {strides = array<i32>} : memref<80x256xf32, #tpu.memory_space<vmem>>, vector<16xf32>,
      %max3A_876 = arith.maximumf %get3A_870, %get3A_875 : vector<16xf32>
      %add3A_877 = arith.constant 32 : i32
      %add3A_878 = arith.addi %add3A_877, %scan3A_673 : i32
      %get3A_879 = arith.index_cast %add3A_878 : i32 to index
      %get3A_880 = arith.constant 112 : index
      %get3A_881 = tpu.vector_load %arg7[%get3A_879, %get3A_880] {strides = array<i32>} : memref<80x256xf32, #tpu.memory_space<vmem>>, vector<16xf32>,
      %max3A_882 = arith.maximumf %max3A_876, %get3A_881 : vector<16xf32>
      %add3A_883 = arith.constant 48 : i32
      %add3A_884 = arith.addi %add3A_883, %scan3A_673 : i32
      %get3A_885 = arith.index_cast %add3A_884 : i32 to index
      %get3A_886 = arith.constant 112 : index
      %get3A_887 = tpu.vector_load %arg7[%get3A_885, %get3A_886] {strides = array<i32>} : memref<80x256xf32, #tpu.memory_space<vmem>>, vector<16xf32>,
      %max3A_888 = arith.maximumf %max3A_882, %get3A_887 : vector<16xf32>
      %get3A_889 = arith.index_cast %scan3A_673 : i32 to index
      %get3A_890 = arith.constant 112 : index
      %get3A_891 = tpu.vector_load %arg8[%get3A_889, %get3A_890] {strides = array<i32>} : memref<80x256xf32, #tpu.memory_space<vmem>>, vector<16xf32>,
      %max3A_892 = arith.maximumf %max3A_888, %get3A_891 : vector<16xf32>
      %swap3A_893 = arith.index_cast %scan3A_673 : i32 to index
      %swap3A_894 = arith.constant 112 : index
      %swap3A_895 = tpu.vector_load %arg8[%swap3A_893, %swap3A_894] {strides = array<i32>} : memref<80x256xf32, #tpu.memory_space<vmem>>, vector<16xf32>,
      tpu.vector_store %arg8[%swap3A_893, %swap3A_894], %max3A_892 {strides = array<i32>} : memref<80x256xf32, #tpu.memory_space<vmem>>, vector<16xf32>,
      %get3A_896 = arith.index_cast %scan3A_673 : i32 to index
      %get3A_897 = arith.constant 128 : index
      %get3A_898 = tpu.vector_load %arg7[%get3A_896, %get3A_897] {strides = array<i32>} : memref<80x256xf32, #tpu.memory_space<vmem>>, vector<16xf32>,
      %add3A_899 = arith.constant 16 : i32
      %add3A_900 = arith.addi %add3A_899, %scan3A_673 : i32
      %get3A_901 = arith.index_cast %add3A_900 : i32 to index
      %get3A_902 = arith.constant 128 : index
      %get3A_903 = tpu.vector_load %arg7[%get3A_901, %get3A_902] {strides = array<i32>} : memref<80x256xf32, #tpu.memory_space<vmem>>, vector<16xf32>,
      %max3A_904 = arith.maximumf %get3A_898, %get3A_903 : vector<16xf32>
      %add3A_905 = arith.constant 32 : i32
      %add3A_906 = arith.addi %add3A_905, %scan3A_673 : i32
      %get3A_907 = arith.index_cast %add3A_906 : i32 to index
      %get3A_908 = arith.constant 128 : index
      %get3A_909 = tpu.vector_load %arg7[%get3A_907, %get3A_908] {strides = array<i32>} : memref<80x256xf32, #tpu.memory_space<vmem>>, vector<16xf32>,
      %max3A_910 = arith.maximumf %max3A_904, %get3A_909 : vector<16xf32>
      %add3A_911 = arith.constant 48 : i32
      %add3A_912 = arith.addi %add3A_911, %scan3A_673 : i32
      %get3A_913 = arith.index_cast %add3A_912 : i32 to index
      %get3A_914 = arith.constant 128 : index
      %get3A_915 = tpu.vector_load %arg7[%get3A_913, %get3A_914] {strides = array<i32>} : memref<80x256xf32, #tpu.memory_space<vmem>>, vector<16xf32>,
      %max3A_916 = arith.maximumf %max3A_910, %get3A_915 : vector<16xf32>
      %get3A_917 = arith.index_cast %scan3A_673 : i32 to index
      %get3A_918 = arith.constant 128 : index
      %get3A_919 = tpu.vector_load %arg8[%get3A_917, %get3A_918] {strides = array<i32>} : memref<80x256xf32, #tpu.memory_space<vmem>>, vector<16xf32>,
      %max3A_920 = arith.maximumf %max3A_916, %get3A_919 : vector<16xf32>
      %swap3A_921 = arith.index_cast %scan3A_673 : i32 to index
      %swap3A_922 = arith.constant 128 : index
      %swap3A_923 = tpu.vector_load %arg8[%swap3A_921, %swap3A_922] {strides = array<i32>} : memref<80x256xf32, #tpu.memory_space<vmem>>, vector<16xf32>,
      tpu.vector_store %arg8[%swap3A_921, %swap3A_922], %max3A_920 {strides = array<i32>} : memref<80x256xf32, #tpu.memory_space<vmem>>, vector<16xf32>,
      %get3A_924 = arith.index_cast %scan3A_673 : i32 to index
      %get3A_925 = arith.constant 144 : index
      %get3A_926 = tpu.vector_load %arg7[%get3A_924, %get3A_925] {strides = array<i32>} : memref<80x256xf32, #tpu.memory_space<vmem>>, vector<16xf32>,
      %add3A_927 = arith.constant 16 : i32
      %add3A_928 = arith.addi %add3A_927, %scan3A_673 : i32
      %get3A_929 = arith.index_cast %add3A_928 : i32 to index
      %get3A_930 = arith.constant 144 : index
      %get3A_931 = tpu.vector_load %arg7[%get3A_929, %get3A_930] {strides = array<i32>} : memref<80x256xf32, #tpu.memory_space<vmem>>, vector<16xf32>,
      %max3A_932 = arith.maximumf %get3A_926, %get3A_931 : vector<16xf32>
      %add3A_933 = arith.constant 32 : i32
      %add3A_934 = arith.addi %add3A_933, %scan3A_673 : i32
      %get3A_935 = arith.index_cast %add3A_934 : i32 to index
      %get3A_936 = arith.constant 144 : index
      %get3A_937 = tpu.vector_load %arg7[%get3A_935, %get3A_936] {strides = array<i32>} : memref<80x256xf32, #tpu.memory_space<vmem>>, vector<16xf32>,
      %max3A_938 = arith.maximumf %max3A_932, %get3A_937 : vector<16xf32>
      %add3A_939 = arith.constant 48 : i32
      %add3A_940 = arith.addi %add3A_939, %scan3A_673 : i32
      %get3A_941 = arith.index_cast %add3A_940 : i32 to index
      %get3A_942 = arith.constant 144 : index
      %get3A_943 = tpu.vector_load %arg7[%get3A_941, %get3A_942] {strides = array<i32>} : memref<80x256xf32, #tpu.memory_space<vmem>>, vector<16xf32>,
      %max3A_944 = arith.maximumf %max3A_938, %get3A_943 : vector<16xf32>
      %get3A_945 = arith.index_cast %scan3A_673 : i32 to index
      %get3A_946 = arith.constant 144 : index
      %get3A_947 = tpu.vector_load %arg8[%get3A_945, %get3A_946] {strides = array<i32>} : memref<80x256xf32, #tpu.memory_space<vmem>>, vector<16xf32>,
      %max3A_948 = arith.maximumf %max3A_944, %get3A_947 : vector<16xf32>
      %swap3A_949 = arith.index_cast %scan3A_673 : i32 to index
      %swap3A_950 = arith.constant 144 : index
      %swap3A_951 = tpu.vector_load %arg8[%swap3A_949, %swap3A_950] {strides = array<i32>} : memref<80x256xf32, #tpu.memory_space<vmem>>, vector<16xf32>,
      tpu.vector_store %arg8[%swap3A_949, %swap3A_950], %max3A_948 {strides = array<i32>} : memref<80x256xf32, #tpu.memory_space<vmem>>, vector<16xf32>,
      %get3A_952 = arith.index_cast %scan3A_673 : i32 to index
      %get3A_953 = arith.constant 160 : index
      %get3A_954 = tpu.vector_load %arg7[%get3A_952, %get3A_953] {strides = array<i32>} : memref<80x256xf32, #tpu.memory_space<vmem>>, vector<16xf32>,
      %add3A_955 = arith.constant 16 : i32
      %add3A_956 = arith.addi %add3A_955, %scan3A_673 : i32
      %get3A_957 = arith.index_cast %add3A_956 : i32 to index
      %get3A_958 = arith.constant 160 : index
      %get3A_959 = tpu.vector_load %arg7[%get3A_957, %get3A_958] {strides = array<i32>} : memref<80x256xf32, #tpu.memory_space<vmem>>, vector<16xf32>,
      %max3A_960 = arith.maximumf %get3A_954, %get3A_959 : vector<16xf32>
      %add3A_961 = arith.constant 32 : i32
      %add3A_962 = arith.addi %add3A_961, %scan3A_673 : i32
      %get3A_963 = arith.index_cast %add3A_962 : i32 to index
      %get3A_964 = arith.constant 160 : index
      %get3A_965 = tpu.vector_load %arg7[%get3A_963, %get3A_964] {strides = array<i32>} : memref<80x256xf32, #tpu.memory_space<vmem>>, vector<16xf32>,
      %max3A_966 = arith.maximumf %max3A_960, %get3A_965 : vector<16xf32>
      %add3A_967 = arith.constant 48 : i32
      %add3A_968 = arith.addi %add3A_967, %scan3A_673 : i32
      %get3A_969 = arith.index_cast %add3A_968 : i32 to index
      %get3A_970 = arith.constant 160 : index
      %get3A_971 = tpu.vector_load %arg7[%get3A_969, %get3A_970] {strides = array<i32>} : memref<80x256xf32, #tpu.memory_space<vmem>>, vector<16xf32>,
      %max3A_972 = arith.maximumf %max3A_966, %get3A_971 : vector<16xf32>
      %get3A_973 = arith.index_cast %scan3A_673 : i32 to index
      %get3A_974 = arith.constant 160 : index
      %get3A_975 = tpu.vector_load %arg8[%get3A_973, %get3A_974] {strides = array<i32>} : memref<80x256xf32, #tpu.memory_space<vmem>>, vector<16xf32>,
      %max3A_976 = arith.maximumf %max3A_972, %get3A_975 : vector<16xf32>
      %swap3A_977 = arith.index_cast %scan3A_673 : i32 to index
      %swap3A_978 = arith.constant 160 : index
      %swap3A_979 = tpu.vector_load %arg8[%swap3A_977, %swap3A_978] {strides = array<i32>} : memref<80x256xf32, #tpu.memory_space<vmem>>, vector<16xf32>,
      tpu.vector_store %arg8[%swap3A_977, %swap3A_978], %max3A_976 {strides = array<i32>} : memref<80x256xf32, #tpu.memory_space<vmem>>, vector<16xf32>,
      %get3A_980 = arith.index_cast %scan3A_673 : i32 to index
      %get3A_981 = arith.constant 176 : index
      %get3A_982 = tpu.vector_load %arg7[%get3A_980, %get3A_981] {strides = array<i32>} : memref<80x256xf32, #tpu.memory_space<vmem>>, vector<16xf32>,
      %add3A_983 = arith.constant 16 : i32
      %add3A_984 = arith.addi %add3A_983, %scan3A_673 : i32
      %get3A_985 = arith.index_cast %add3A_984 : i32 to index
      %get3A_986 = arith.constant 176 : index
      %get3A_987 = tpu.vector_load %arg7[%get3A_985, %get3A_986] {strides = array<i32>} : memref<80x256xf32, #tpu.memory_space<vmem>>, vector<16xf32>,
      %max3A_988 = arith.maximumf %get3A_982, %get3A_987 : vector<16xf32>
      %add3A_989 = arith.constant 32 : i32
      %add3A_990 = arith.addi %add3A_989, %scan3A_673 : i32
      %get3A_991 = arith.index_cast %add3A_990 : i32 to index
      %get3A_992 = arith.constant 176 : index
      %get3A_993 = tpu.vector_load %arg7[%get3A_991, %get3A_992] {strides = array<i32>} : memref<80x256xf32, #tpu.memory_space<vmem>>, vector<16xf32>,
      %max3A_994 = arith.maximumf %max3A_988, %get3A_993 : vector<16xf32>
      %add3A_995 = arith.constant 48 : i32
      %add3A_996 = arith.addi %add3A_995, %scan3A_673 : i32
      %get3A_997 = arith.index_cast %add3A_996 : i32 to index
      %get3A_998 = arith.constant 176 : index
      %get3A_999 = tpu.vector_load %arg7[%get3A_997, %get3A_998] {strides = array<i32>} : memref<80x256xf32, #tpu.memory_space<vmem>>, vector<16xf32>,
      %max3A_1000 = arith.maximumf %max3A_994, %get3A_999 : vector<16xf32>
      %get3A_1001 = arith.index_cast %scan3A_673 : i32 to index
      %get3A_1002 = arith.constant 176 : index
      %get3A_1003 = tpu.vector_load %arg8[%get3A_1001, %get3A_1002] {strides = array<i32>} : memref<80x256xf32, #tpu.memory_space<vmem>>, vector<16xf32>,
      %max3A_1004 = arith.maximumf %max3A_1000, %get3A_1003 : vector<16xf32>
      %swap3A_1005 = arith.index_cast %scan3A_673 : i32 to index
      %swap3A_1006 = arith.constant 176 : index
      %swap3A_1007 = tpu.vector_load %arg8[%swap3A_1005, %swap3A_1006] {strides = array<i32>} : memref<80x256xf32, #tpu.memory_space<vmem>>, vector<16xf32>,
      tpu.vector_store %arg8[%swap3A_1005, %swap3A_1006], %max3A_1004 {strides = array<i32>} : memref<80x256xf32, #tpu.memory_space<vmem>>, vector<16xf32>,
      %get3A_1008 = arith.index_cast %scan3A_673 : i32 to index
      %get3A_1009 = arith.constant 192 : index
      %get3A_1010 = tpu.vector_load %arg7[%get3A_1008, %get3A_1009] {strides = array<i32>} : memref<80x256xf32, #tpu.memory_space<vmem>>, vector<16xf32>,
      %add3A_1011 = arith.constant 16 : i32
      %add3A_1012 = arith.addi %add3A_1011, %scan3A_673 : i32
      %get3A_1013 = arith.index_cast %add3A_1012 : i32 to index
      %get3A_1014 = arith.constant 192 : index
      %get3A_1015 = tpu.vector_load %arg7[%get3A_1013, %get3A_1014] {strides = array<i32>} : memref<80x256xf32, #tpu.memory_space<vmem>>, vector<16xf32>,
      %max3A_1016 = arith.maximumf %get3A_1010, %get3A_1015 : vector<16xf32>
      %add3A_1017 = arith.constant 32 : i32
      %add3A_1018 = arith.addi %add3A_1017, %scan3A_673 : i32
      %get3A_1019 = arith.index_cast %add3A_1018 : i32 to index
      %get3A_1020 = arith.constant 192 : index
      %get3A_1021 = tpu.vector_load %arg7[%get3A_1019, %get3A_1020] {strides = array<i32>} : memref<80x256xf32, #tpu.memory_space<vmem>>, vector<16xf32>,
      %max3A_1022 = arith.maximumf %max3A_1016, %get3A_1021 : vector<16xf32>
      %add3A_1023 = arith.constant 48 : i32
      %add3A_1024 = arith.addi %add3A_1023, %scan3A_673 : i32
      %get3A_1025 = arith.index_cast %add3A_1024 : i32 to index
      %get3A_1026 = arith.constant 192 : index
      %get3A_1027 = tpu.vector_load %arg7[%get3A_1025, %get3A_1026] {strides = array<i32>} : memref<80x256xf32, #tpu.memory_space<vmem>>, vector<16xf32>,
      %max3A_1028 = arith.maximumf %max3A_1022, %get3A_1027 : vector<16xf32>
      %get3A_1029 = arith.index_cast %scan3A_673 : i32 to index
      %get3A_1030 = arith.constant 192 : index
      %get3A_1031 = tpu.vector_load %arg8[%get3A_1029, %get3A_1030] {strides = array<i32>} : memref<80x256xf32, #tpu.memory_space<vmem>>, vector<16xf32>,
      %max3A_1032 = arith.maximumf %max3A_1028, %get3A_1031 : vector<16xf32>
      %swap3A_1033 = arith.index_cast %scan3A_673 : i32 to index
      %swap3A_1034 = arith.constant 192 : index
      %swap3A_1035 = tpu.vector_load %arg8[%swap3A_1033, %swap3A_1034] {strides = array<i32>} : memref<80x256xf32, #tpu.memory_space<vmem>>, vector<16xf32>,
      tpu.vector_store %arg8[%swap3A_1033, %swap3A_1034], %max3A_1032 {strides = array<i32>} : memref<80x256xf32, #tpu.memory_space<vmem>>, vector<16xf32>,
      %get3A_1036 = arith.index_cast %scan3A_673 : i32 to index
      %get3A_1037 = arith.constant 208 : index
      %get3A_1038 = tpu.vector_load %arg7[%get3A_1036, %get3A_1037] {strides = array<i32>} : memref<80x256xf32, #tpu.memory_space<vmem>>, vector<16xf32>,
      %add3A_1039 = arith.constant 16 : i32
      %add3A_1040 = arith.addi %add3A_1039, %scan3A_673 : i32
      %get3A_1041 = arith.index_cast %add3A_1040 : i32 to index
      %get3A_1042 = arith.constant 208 : index
      %get3A_1043 = tpu.vector_load %arg7[%get3A_1041, %get3A_1042] {strides = array<i32>} : memref<80x256xf32, #tpu.memory_space<vmem>>, vector<16xf32>,
      %max3A_1044 = arith.maximumf %get3A_1038, %get3A_1043 : vector<16xf32>
      %add3A_1045 = arith.constant 32 : i32
      %add3A_1046 = arith.addi %add3A_1045, %scan3A_673 : i32
      %get3A_1047 = arith.index_cast %add3A_1046 : i32 to index
      %get3A_1048 = arith.constant 208 : index
      %get3A_1049 = tpu.vector_load %arg7[%get3A_1047, %get3A_1048] {strides = array<i32>} : memref<80x256xf32, #tpu.memory_space<vmem>>, vector<16xf32>,
      %max3A_1050 = arith.maximumf %max3A_1044, %get3A_1049 : vector<16xf32>
      %add3A_1051 = arith.constant 48 : i32
      %add3A_1052 = arith.addi %add3A_1051, %scan3A_673 : i32
      %get3A_1053 = arith.index_cast %add3A_1052 : i32 to index
      %get3A_1054 = arith.constant 208 : index
      %get3A_1055 = tpu.vector_load %arg7[%get3A_1053, %get3A_1054] {strides = array<i32>} : memref<80x256xf32, #tpu.memory_space<vmem>>, vector<16xf32>,
      %max3A_1056 = arith.maximumf %max3A_1050, %get3A_1055 : vector<16xf32>
      %get3A_1057 = arith.index_cast %scan3A_673 : i32 to index
      %get3A_1058 = arith.constant 208 : index
      %get3A_1059 = tpu.vector_load %arg8[%get3A_1057, %get3A_1058] {strides = array<i32>} : memref<80x256xf32, #tpu.memory_space<vmem>>, vector<16xf32>,
      %max3A_1060 = arith.maximumf %max3A_1056, %get3A_1059 : vector<16xf32>
      %swap3A_1061 = arith.index_cast %scan3A_673 : i32 to index
      %swap3A_1062 = arith.constant 208 : index
      %swap3A_1063 = tpu.vector_load %arg8[%swap3A_1061, %swap3A_1062] {strides = array<i32>} : memref<80x256xf32, #tpu.memory_space<vmem>>, vector<16xf32>,
      tpu.vector_store %arg8[%swap3A_1061, %swap3A_1062], %max3A_1060 {strides = array<i32>} : memref<80x256xf32, #tpu.memory_space<vmem>>, vector<16xf32>,
      %get3A_1064 = arith.index_cast %scan3A_673 : i32 to index
      %get3A_1065 = arith.constant 224 : index
      %get3A_1066 = tpu.vector_load %arg7[%get3A_1064, %get3A_1065] {strides = array<i32>} : memref<80x256xf32, #tpu.memory_space<vmem>>, vector<16xf32>,
      %add3A_1067 = arith.constant 16 : i32
      %add3A_1068 = arith.addi %add3A_1067, %scan3A_673 : i32
      %get3A_1069 = arith.index_cast %add3A_1068 : i32 to index
      %get3A_1070 = arith.constant 224 : index
      %get3A_1071 = tpu.vector_load %arg7[%get3A_1069, %get3A_1070] {strides = array<i32>} : memref<80x256xf32, #tpu.memory_space<vmem>>, vector<16xf32>,
      %max3A_1072 = arith.maximumf %get3A_1066, %get3A_1071 : vector<16xf32>
      %add3A_1073 = arith.constant 32 : i32
      %add3A_1074 = arith.addi %add3A_1073, %scan3A_673 : i32
      %get3A_1075 = arith.index_cast %add3A_1074 : i32 to index
      %get3A_1076 = arith.constant 224 : index
      %get3A_1077 = tpu.vector_load %arg7[%get3A_1075, %get3A_1076] {strides = array<i32>} : memref<80x256xf32, #tpu.memory_space<vmem>>, vector<16xf32>,
      %max3A_1078 = arith.maximumf %max3A_1072, %get3A_1077 : vector<16xf32>
      %add3A_1079 = arith.constant 48 : i32
      %add3A_1080 = arith.addi %add3A_1079, %scan3A_673 : i32
      %get3A_1081 = arith.index_cast %add3A_1080 : i32 to index
      %get3A_1082 = arith.constant 224 : index
      %get3A_1083 = tpu.vector_load %arg7[%get3A_1081, %get3A_1082] {strides = array<i32>} : memref<80x256xf32, #tpu.memory_space<vmem>>, vector<16xf32>,
      %max3A_1084 = arith.maximumf %max3A_1078, %get3A_1083 : vector<16xf32>
      %get3A_1085 = arith.index_cast %scan3A_673 : i32 to index
      %get3A_1086 = arith.constant 224 : index
      %get3A_1087 = tpu.vector_load %arg8[%get3A_1085, %get3A_1086] {strides = array<i32>} : memref<80x256xf32, #tpu.memory_space<vmem>>, vector<16xf32>,
      %max3A_1088 = arith.maximumf %max3A_1084, %get3A_1087 : vector<16xf32>
      %swap3A_1089 = arith.index_cast %scan3A_673 : i32 to index
      %swap3A_1090 = arith.constant 224 : index
      %swap3A_1091 = tpu.vector_load %arg8[%swap3A_1089, %swap3A_1090] {strides = array<i32>} : memref<80x256xf32, #tpu.memory_space<vmem>>, vector<16xf32>,
      tpu.vector_store %arg8[%swap3A_1089, %swap3A_1090], %max3A_1088 {strides = array<i32>} : memref<80x256xf32, #tpu.memory_space<vmem>>, vector<16xf32>,
      %get3A_1092 = arith.index_cast %scan3A_673 : i32 to index
      %get3A_1093 = arith.constant 240 : index
      %get3A_1094 = tpu.vector_load %arg7[%get3A_1092, %get3A_1093] {strides = array<i32>} : memref<80x256xf32, #tpu.memory_space<vmem>>, vector<16xf32>,
      %add3A_1095 = arith.constant 16 : i32
      %add3A_1096 = arith.addi %add3A_1095, %scan3A_673 : i32
      %get3A_1097 = arith.index_cast %add3A_1096 : i32 to index
      %get3A_1098 = arith.constant 240 : index
      %get3A_1099 = tpu.vector_load %arg7[%get3A_1097, %get3A_1098] {strides = array<i32>} : memref<80x256xf32, #tpu.memory_space<vmem>>, vector<16xf32>,
      %max3A_1100 = arith.maximumf %get3A_1094, %get3A_1099 : vector<16xf32>
      %add3A_1101 = arith.constant 32 : i32
      %add3A_1102 = arith.addi %add3A_1101, %scan3A_673 : i32
      %get3A_1103 = arith.index_cast %add3A_1102 : i32 to index
      %get3A_1104 = arith.constant 240 : index
      %get3A_1105 = tpu.vector_load %arg7[%get3A_1103, %get3A_1104] {strides = array<i32>} : memref<80x256xf32, #tpu.memory_space<vmem>>, vector<16xf32>,
      %max3A_1106 = arith.maximumf %max3A_1100, %get3A_1105 : vector<16xf32>
      %add3A_1107 = arith.constant 48 : i32
      %add3A_1108 = arith.addi %add3A_1107, %scan3A_673 : i32
      %get3A_1109 = arith.index_cast %add3A_1108 : i32 to index
      %get3A_1110 = arith.constant 240 : index
      %get3A_1111 = tpu.vector_load %arg7[%get3A_1109, %get3A_1110] {strides = array<i32>} : memref<80x256xf32, #tpu.memory_space<vmem>>, vector<16xf32>,
      %max3A_1112 = arith.maximumf %max3A_1106, %get3A_1111 : vector<16xf32>
      %get3A_1113 = arith.index_cast %scan3A_673 : i32 to index
      %get3A_1114 = arith.constant 240 : index
      %get3A_1115 = tpu.vector_load %arg8[%get3A_1113, %get3A_1114] {strides = array<i32>} : memref<80x256xf32, #tpu.memory_space<vmem>>, vector<16xf32>,
      %max3A_1116 = arith.maximumf %max3A_1112, %get3A_1115 : vector<16xf32>
      %swap3A_1117 = arith.index_cast %scan3A_673 : i32 to index
      %swap3A_1118 = arith.constant 240 : index
      %swap3A_1119 = tpu.vector_load %arg8[%swap3A_1117, %swap3A_1118] {strides = array<i32>} : memref<80x256xf32, #tpu.memory_space<vmem>>, vector<16xf32>,
      tpu.vector_store %arg8[%swap3A_1117, %swap3A_1118], %max3A_1116 {strides = array<i32>} : memref<80x256xf32, #tpu.memory_space<vmem>>, vector<16xf32>,
    }
    %scan3A_670 = arith.constant 16 : i32
    %mul3A_671 = arith.constant 16 : i32
    %mul3A_672 = arith.muli %arg1, %mul3A_671 : i32
    "tpu.region"() ({
      %run_scoped3A = tpu.sem_alloc : memref<!tpu.dma_semaphore, #tpu.memory_space<semaphore_mem>>
      %dma_start3A_673 = arith.constant 0 : i32
      %dma_start3A_674 = arith.constant 0 : i32
      %dma_start3A_675 = tpu.memref_slice %arg8[%dma_start3A_673, %dma_start3A_674] : memref<80x256xf32, #tpu.memory_space<vmem>> -> memref<16x256xf32, #tpu.memory_space<vmem>>
      %dma_start3A_676 = arith.constant 0 : i32
      %dma_start3A_677 = tpu.memref_slice %arg5[%arg0, %mul3A_672, %dma_start3A_676] : memref<2x256x256xf32, #tpu.memory_space<hbm>> -> memref<1x16x256xf32, #tpu.memory_space<hbm>>
      %dma_start3A_678 = tpu.memref_squeeze %dma_start3A_677 : memref<1x16x256xf32, #tpu.memory_space<hbm>> -> memref<16x256xf32, #tpu.memory_space<hbm>>
      %dma_start3A_679 = arith.constant 0 : i32
      %dma_start3A_680 = tpu.memref_slice %arg5[%arg0, %mul3A_672, %dma_start3A_679] : memref<2x256x256xf32, #tpu.memory_space<hbm>> -> memref<1x16x256xf32, #tpu.memory_space<hbm>>
      %dma_start3A_681 = tpu.memref_squeeze %dma_start3A_680 : memref<1x16x256xf32, #tpu.memory_space<hbm>> -> memref<16x256xf32, #tpu.memory_space<hbm>>
      %dma_start3A_682 = arith.constant 0 : i32
      %dma_start3A_683 = arith.constant 0 : i32
      %dma_start3A_684 = tpu.memref_slice %arg8[%dma_start3A_682, %dma_start3A_683] : memref<80x256xf32, #tpu.memory_space<vmem>> -> memref<16x256xf32, #tpu.memory_space<vmem>>
      tpu.enqueue_dma source(%dma_start3A_684 : memref<16x256xf32, #tpu.memory_space<vmem>>) target(%dma_start3A_681 : memref<16x256xf32, #tpu.memory_space<hbm>>) target_semaphore(%run_scoped3A : memref<!tpu.dma_semaphore, #tpu.memory_space<semaphore_mem>>)
      %dma_wait3A_685 = arith.constant 0 : i32
      %dma_wait3A_686 = arith.constant 0 : i32
      %dma_wait3A_687 = tpu.memref_slice %arg8[%dma_wait3A_685, %dma_wait3A_686] : memref<80x256xf32, #tpu.memory_space<vmem>> -> memref<16x256xf32, #tpu.memory_space<vmem>>
      %dma_wait3A_688 = arith.constant 0 : i32
      %dma_wait3A_689 = tpu.memref_slice %arg5[%arg0, %mul3A_672, %dma_wait3A_688] : memref<2x256x256xf32, #tpu.memory_space<hbm>> -> memref<1x16x256xf32, #tpu.memory_space<hbm>>
      %dma_wait3A_690 = tpu.memref_squeeze %dma_wait3A_689 : memref<1x16x256xf32, #tpu.memory_space<hbm>> -> memref<16x256xf32, #tpu.memory_space<hbm>>
      %dma_wait3A_691 = arith.constant 0 : i32
      %dma_wait3A_692 = tpu.memref_slice %arg5[%arg0, %mul3A_672, %dma_wait3A_691] : memref<2x256x256xf32, #tpu.memory_space<hbm>> -> memref<1x16x256xf32, #tpu.memory_space<hbm>>
      %dma_wait3A_693 = tpu.memref_squeeze %dma_wait3A_692 : memref<1x16x256xf32, #tpu.memory_space<hbm>> -> memref<16x256xf32, #tpu.memory_space<hbm>>
      %dma_wait3A_694 = arith.constant 0 : i32
      %dma_wait3A_695 = arith.constant 0 : i32
      %dma_wait3A_696 = tpu.memref_slice %arg8[%dma_wait3A_694, %dma_wait3A_695] : memref<80x256xf32, #tpu.memory_space<vmem>> -> memref<16x256xf32, #tpu.memory_space<vmem>>
      tpu.wait_dma2 semaphore(%run_scoped3A : memref<!tpu.dma_semaphore, #tpu.memory_space<semaphore_mem>>) src(%dma_wait3A_696 : memref<16x256xf32, #tpu.memory_space<vmem>>) dst(%dma_wait3A_693 : memref<16x256xf32, #tpu.memory_space<hbm>>)
      tpu.yield
    }) : () -> ()
    return
  }
}

</mosaic_0001>

<sc_bundles>
// kernel: kernel.3.cloned.1.call-start
scs
__scs_entry_jumppad:
0x0: {  	(pc) =	sbr.rel $0x88, $3  }
0x1: {  	(tag) =	ssettag $0x0;
	lr =	simm.s32 $0x1  }
0x2: {  	[smem:$0x3F9F] =	sst lr;
	_ =	strace $0xD0000000  }
0x3: {  	_ = 	snop  }
0x4: {  	_ = 	snop  }
0x5: {  	_ = 	snop  }
0x6: {  	_ = 	snop  }
0x7: {  	_ = 	snop  }
__scs_overlays_trampoline_lowered:
0x8: {  	[smem:$0x3FAE] =	sst s0  }
0x9: {  	[smem:$0x3FAF] =	sst s1  }
0xa: {  	[smem:$0x3FB0] =	sst s2  }
0xb: {  	[smem:$0x3FB1] =	sst s3  }
0xc: {  	[smem:$0x3FB2] =	sst s4  }
0xd: {  	[smem:$0x3FB3] =	sst s5  }
0xe: {  	[smem:$0x3FB4] =	sst s6  }
0xf: {  	[smem:$0x3FB5] =	sst s7  }
0x10: {  	[smem:$0x3FB6] =	sst s8  }
0x11: {  	[smem:$0x3FB7] =	sst s9;
	s0 =	simm.s32 @!p0 $0x0  }
0x12: {  	s1 =	sld [smem:$0x3F9D];
	s0 =	simm.s32 @p0 $0x1  }
0x13: {  	[smem:$0x3FB8] =	sst s0;
	s0 =	simm.s32 @!p1 $0x0  }
0x14: {  	s2 =	sld [smem:$0x3F9C];
	s0 =	simm.s32 @p1 $0x1  }
0x15: {  	[smem:$0x3FB9] =	sst s0;
	s0 =	simm.s32 @!p2 $0x0  }
0x16: {  	s3 =	sld [smem:$0x3FDB];
	s0 =	simm.s32 @p2 $0x1  }
0x17: {  	s4 =	simm.s32 $0x1BF5;
	[smem:$0x3FBB] =	sst s0  }
0x18: {  	s0 =	sld [smem:$0x3F9E];
	_ =	swait.ge [sflag:s4], $0x0  }
0x19: {  	s7 =	sld [smem:$0x3F9F]  }
0x1a: {  	s8 =	sadd.s32 $0xFFFFE003, lr  }
0x1b: {  	s9 =	sadd.s32 $0xFFFFFEF7, lr;
	s5 =	simm.s32 $0xFFFFFFFF;
	p2 =	slt.u32 s8, $0xFFFFF086  }
0x1c: {  	p1 =	slt.u32 s9, $0xF7A;
	s5 =	simm.s32 @!p2 $0x0  }
0x1d: {  	s5 =	simm.s32 @p1 $0x1;
	p0 =	seq.s32 s7, s2  }
0x1e: {  	s7 =	smul.u32 @!p0 $0xF7A, s2;
	p2 =	seq.s32 @!p0 s5, $0x0  }
0x1f: {  	s9 =	smul.u32 $0xF7A, s1;
	s8 =	simm.s32 @!p0 $0x1BF5;
	p2 =	por !p2, p0  }
0x20: {  	[sflag:s8] =	ssyncset.s32 @!p0 $0xFFFFF086;
	s6 =	sadd.s32 @!p0 s3, s7;
	s7 =	simm.s32 @!p0 $0x108  }
0x21: {  	s3 =	sadd.s32 s3, s9;
	s6 =	sadd.s32 @!p0 $0x88, s6;
	s7 =	simm.s32 @p2 $0x1082  }
0x22: {  	[simem:s7], [sflag:s8] =	dma.local @!p0 [hbm:s6], $0xF7A  }
0x23: {  	s9 =	sor.u32 $0xD0000000, s2;
	s6 =	simm.s32 $0x108;
	_ =	swait.ge @!p0 [sflag:s8], $0x0  }
0x24: {  	s3 =	sadd.s32 $0x88, s3;
	s6 =	simm.s32 @!p1 $0x1082;
	[sflag:s4] =	ssyncset.s32 $0xFFFFF086  }
0x25: {  	[simem:s6], [sflag:s4] =	dma.local [hbm:s3], $0xF7A  }
0x26: {  	[smem:$0x3F9F] =	sst s1;
	(tag) =	ssettag s2;
	_ =	strace s9  }
0x27: {  	s1 =	sld [smem:$0x3FAF]  }
0x28: {  	s2 =	sld [smem:$0x3FB0]  }
0x29: {  	s4 =	sld [smem:$0x3FB2]  }
0x2a: {  	p0 =	seq.s32 s5, $0x0;
	s5 =	sld [smem:$0x3FB3]  }
0x2b: {  	s6 =	sld [smem:$0x3FB4]  }
0x2c: {  	s7 =	sld [smem:$0x3FB5]  }
0x2d: {  	s3 =	simm.s32 $0x108;
	s8 =	sld [smem:$0x3FB6]  }
0x2e: {  	s3 =	simm.s32 @!p0 $0x1082;
	s9 =	sld [smem:$0x3FB7]  }
0x2f: {  	lr =	sadd.s32 s0, s3;
	s0 =	sld [smem:$0x3FAE]  }
0x30: {  	s3 =	sld [smem:$0x3FB1]  }
0x31: {  	[smem:$0x3FBA] =	sst s10  }
0x32: {  	s10 =	sld [smem:$0x3FB8];
	_ =	sdelay $0x3  }
0x33: {  	p0 =	seq.s32 s10, $0x1;
	s10 =	sld [smem:$0x3FBA];
	_ =	sdelay $0x3  }
0x34: {  	[smem:$0x3FBA] =	sst s10  }
0x35: {  	s10 =	sld [smem:$0x3FB9];
	_ =	sdelay $0x3  }
0x36: {  	p1 =	seq.s32 s10, $0x1;
	s10 =	sld [smem:$0x3FBA];
	_ =	sdelay $0x3  }
0x37: {  	[smem:$0x3FBA] =	sst s10  }
0x38: {  	s10 =	sld [smem:$0x3FBB]  }
0x39: {  	_ = 	snop;
	(pc) =	sbr.ind lr, $3  }
0x3a: {  	_ = 	snop  }
0x3b: {  	_ = 	snop  }
0x3c: {  	p2 =	seq.s32 s10, $0x1;
	s10 =	sld [smem:$0x3FBA]  }
0x3d: {  	_ =	shalt  }
0x3e: {  	_ =	shalt  }
0x3f: {  	_ =	shalt  }
0x40: {  	_ =	shalt  }
0x41: {  	_ =	shalt  }
0x42: {  	_ =	shalt  }
0x43: {  	_ =	shalt  }
0x44: {  	_ =	shalt  }
0x45: {  	_ =	shalt  }
0x46: {  	_ =	shalt  }
0x47: {  	_ =	shalt  }
0x48: {  	_ =	shalt  }
0x49: {  	_ =	shalt  }
0x4a: {  	_ =	shalt  }
0x4b: {  	_ =	shalt  }
0x4c: {  	_ =	shalt  }
0x4d: {  	_ =	shalt  }
0x4e: {  	_ =	shalt  }
0x4f: {  	_ =	shalt  }
0x50: {  	_ =	shalt  }
0x51: {  	_ =	shalt  }
0x52: {  	_ =	shalt  }
0x53: {  	_ =	shalt  }
0x54: {  	_ =	shalt  }
0x55: {  	_ =	shalt  }
0x56: {  	_ =	shalt  }
0x57: {  	_ =	shalt  }
0x58: {  	_ =	shalt  }
0x59: {  	_ =	shalt  }
0x5a: {  	_ =	shalt  }
0x5b: {  	_ =	shalt  }
0x5c: {  	_ =	shalt  }
0x5d: {  	_ =	shalt  }
0x5e: {  	_ =	shalt  }
0x5f: {  	_ =	shalt  }
0x60: {  	_ =	shalt  }
0x61: {  	_ =	shalt  }
0x62: {  	_ =	shalt  }
0x63: {  	_ =	shalt  }
0x64: {  	_ =	shalt  }
0x65: {  	_ =	shalt  }
0x66: {  	_ =	shalt  }
0x67: {  	_ =	shalt  }
0x68: {  	_ =	shalt  }
0x69: {  	_ =	shalt  }
0x6a: {  	_ =	shalt  }
0x6b: {  	_ =	shalt  }
0x6c: {  	_ =	shalt  }
0x6d: {  	_ =	shalt  }
0x6e: {  	_ =	shalt  }
0x6f: {  	_ =	shalt  }
0x70: {  	_ =	shalt  }
0x71: {  	_ =	shalt  }
0x72: {  	_ =	shalt  }
0x73: {  	_ =	shalt  }
0x74: {  	_ =	shalt  }
0x75: {  	_ =	shalt  }
0x76: {  	_ =	shalt  }
0x77: {  	_ =	shalt  }
0x78: {  	_ =	shalt  }
0x79: {  	_ =	shalt  }
0x7a: {  	_ =	shalt  }
0x7b: {  	_ =	shalt  }
0x7c: {  	_ =	shalt  }
0x7d: {  	_ =	shalt  }
0x7e: {  	_ =	shalt  }
0x7f: {  	_ =	shalt  }
0x80: {  	_ =	shalt  }
0x81: {  	_ =	shalt  }
0x82: {  	_ =	shalt  }
0x83: {  	_ =	shalt  }
0x84: {  	_ =	shalt  }
0x85: {  	_ =	shalt  }
0x86: {  	_ =	shalt  }
0x87: {  	_ =	shalt  }
.Lfunc_end0:
.L_simem_size_0:
called_computation_lowered:
.L_overlay_start_0:
0x88: {  	s2 =	sld [smem:$0x3FD9]  }
0x89: {  	s3 =	sld [smem:$0x3FFE];
	_ =	sdelay $0x1  }
0x8a: {  	s1 =	srdreg.scid  }
0x8b: {  	s0 =	sand.u32 $0x1, s1  }
0x8c: {  	s17 =	sshll.u32 s0, $0xA;
	s2 =	sadd.s32 s3, s2  }
0x8d: {  	s2 =	sadd.s32 s2, s17  }
0x8e: {  	[smem:$0x3FC6] =	sst s2  }
0x8f: {  	_ = 	snop  }
0x90: {  	s2 =	sld [smem:$0x3FC9]  }
0x91: {  	s18 =	sld [smem:$0x3FC8];
	(tm) =	ssettm $0x1  }
0x92: {  	s4 =	sld [smem:$0x3FFB];
	_ =	sdelay $0x3  }
0x93: {  	_ =	strace s4  }
0x94: {  	s4 =	sld [smem:$0x3FFC];
	_ =	sdelay $0x3  }
0x95: {  	_ =	strace s4  }
0x96: {  	s4 =	sld [smem:$0x3FFD];
	_ =	sdelay $0x3  }
0x97: {  	_ =	strace s4  }
0x98: {  	_ =	strace $0x8FFFFFFF  }
0x99: {  	s19 =	sld [smem:$0x3FDB];
	_ =	sdelay $0x1  }
0x9a: {  	s5 =	simm.s32 $_scs_section_size  }
0x9b: {  	s6 =	simm.s32 $_size__tile_overlayer_lowered;
	s7 =	simm.s32 $_tile_overlayer_lowered  }
0x9c: {  	s22 =	simm.s32 $0x1BFF;
	s21 =	sshll.u32 s7, $0x1;
	s4 =	sadd.s32 s5, s19  }
0x9d: {  	s8 =	simm.s32 $0x0;
	s20 =	sshll.u32 s6, $0x1;
	s6 =	sadd.s32 s21, s4  }
0x9e: {  	[timem:s8], [sflag:s22] =	dma.local [hbm:s6], s20  }
0x9f: {  	_ =	swait.ge [sflag:s22], s20  }
0xa0: {  	s5 =	ssub.s32 $0x0, s20;
	[sflag:s22] =	ssyncset.done $0x0  }
0xa1: {  	[sflag:s22] =	ssyncadd.s32 s5;
	_ =	sdelay $0x1  }
0xa2: {  	s23 =	simm.s32 $0x1B8B  }
0xa3: {  	_ =	swait.ge [sflag:s23], $0x1  }
0xa4: {  	[sflag:s23] =	ssyncset.done $0x0  }
0xa5: {  	s25 =	simm.s32 $0x1B8E;
	s24 =	sld [smem:$0x3FFE];
	[sflag:s23] =	ssyncadd.s32 $0xFFFFFFFF  }
0xa6: {  	s26 =	simm.s32 $execute0_lowered;
	[smem:$0x3FD2] =	sst s25  }
0xa7: {  	s6 =	sshll.u32 s26, $0x1;
	_ =	strace $0x80000046;
	[dreg:$0x1] =	wrdreg $0xFFFFFFFF  }
0xa8: {  	s28 =	simm.s32 $_size_execute0_lowered;
	s4 =	sadd.s32 s4, s6;
	[dreg:$0x0] =	wrdreg $0x0  }
0xa9: {  	s6 =	sshll.u32 s28, $0x1;
	[dreg:$0x2] =	wrdreg s4  }
0xaa: {  	[dreg:$0x3] =	wrdreg s6  }
0xab: {  	[dreg:$0x4] =	wrdreg $0xC0  }
0xac: {  	_ =	task [dreg:s8], $0x5FFFF  }
0xad: {  	[dreg:$0x1] =	wrdreg $0xFFFFFFFF  }
0xae: {  	[dreg:$0x0] =	wrdreg $0x60  }
0xaf: {  	[dreg:$0x2] =	wrdreg s2  }
0xb0: {  	[dreg:$0x3] =	wrdreg s18  }
0xb1: {  	[dreg:$0x4] =	wrdreg s24  }
0xb2: {  	[dreg:$0x5] =	wrdreg $0x9  }
0xb3: {  	_ =	task.clear_ibuf [dreg:s8], $0x6FFFF;
	_ =	strace $0x90000046  }
0xb4: {  	s29 =	simm.s32 $0x9;
	_ =	strace $0x80000048  }
0xb5: {  	_ =	swait.ge [sflag:s29], $0x1  }
0xb6: {  	[sflag:s29] =	ssyncadd.s32 $0xFFFFFFFF  }
0xb7: {  	_ =	strace $0x90000048  }
0xb8: {  	_ =	sfence  }
0xb9: {  	s30 =	sld [smem:$0x0];
	_ =	sdelay $0x2  }
0xba: {  	s31 =	sshll.u32 s1, $0xD;
	s1 =	sshrl.u32 s1, $0x2  }
0xbb: {  	s3 =	sand.u32 $0x4000, s31;
	s1 =	sadd.s32 s1, s30  }
0xbc: {  	s0 =	sor.u32 s3, s0;
	s1 =	sshll.u32 s1, $0x11  }
0xbd: {  	s0 =	sor.u32 s1, s0  }
0xbe: {  	s0 =	sadd.s32 $0x8F2B, s0  }
0xbf: {  	[sflag:s0] =	ssyncadd.remote.s32 $0x1  }
0xc0: {  	_ =	sfence.sel $0xFFFF  }
0xc1: {  	[dreg:$0x0] =	wrdreg $0xFFFFFFFF;
	(pc) =	sbr.abs _section_cstart, $3  }
0xc2: {  	[dreg:$0x1] =	wrdreg $0xFFFFFFFF  }
0xc3: {  	_ =	task.clear_ibuf [dreg:s8], $0x2FFFF;
	_ =	strace $0x9FFFFFFF  }
0xc4: {  	(tm) =	ssettm $0x7FFFFFFF  }
0xc5: {  	_ =	shalt  }
tec
execute0_lowered:
.L_overlay_start_1:
0x0: {  	(tag) =	ssettag $0x1  }
0x1: {  	s1 =	rddreg [dreg:$0x0]  }
0x2: {  	s2 =	rddreg [dreg:$0x1];
	s3 =	srdreg.scid  }
0x3: {  	s0 =	rddreg [dreg:$0x2];
	s16 =	stileid.u32;
	s3 =	sand.u32 $0x1, s3  }
0x4: {  	s4 =	simm.s32 $0x0;
	s7 =	sshll.u32 s16, $0xC;
	s5 =	sshll.u32 s3, $0x10  }
0x5: {  	[smem:$0x7FF] =	sst s4;
	s6 =	sshll.u32 s16, $0x1;
	s5 =	sor.u32 s7, s5  }
0x6: {  	s8 =	sadd.s32 $0x800, s0;
	s9 =	sshrl.u32 s5, $0x3;
	s5 =	sor.u32 s3, s6  }
0x7: {  	s29 =	sshll.u32 s16, $0x10;
	s22 =	ssub.s32 $0x2, s3;
	s10 =	smul.u32 $0x50, s5  }
0x8: {  	_ =	strace $0x80000047;
	s11 =	sshrl.u32 s22, $0x1;
	s12 =	smul.u32 $0xA00, s5  }
0x9: {  	s3 =	sshll.u32 s3, $0x14;
	s0 =	sadd.s32 s9, s0;
	s13 =	smul.u32 $0xA, s5  }
0xa: {  	s9 =	ssub.s32 s22, s11;
	s7 =	sor.u32 s7, s3;
	s3 =	sor.u32 s29, s3  }
0xb: {  	s7 =	sshrl.u32 s7, $0x3;
	s3 =	sshrl.u32 s3, $0x3;
	s0 =	sadd.s32 $0x40800, s0  }
0xc: {  	s18 =	smax.u32 s9, $0x1;
	s14 =	sadd.s32 $0xA00, s10;
	[dreg:$0x12] =	wrdreg s0  }
0xd: {  	s12 =	sadd.s32 s1, s12;
	s24 =	sadd.s32 s2, s13;
	[dreg:$0x13] =	wrdreg s18  }
0xe: {  	s10 =	sadd.s32 $0x1400, s10;
	s3 =	sadd.s32 s8, s3;
	[dreg:$0x4] =	wrdreg s12  }
0xf: {  	s23 =	sshll.u32 s14, $0x5;
	[dreg:$0x5] =	wrdreg s24;
	s25 =	sshrl.u32 s14, $0x3  }
0x10: {  	s26 =	sshll.u32 s10, $0x5;
	s29 =	sadd.s32 $0x800, s3;
	[dreg:$0x10] =	wrdreg s3  }
0x11: {  	s10 =	sshrl.u32 s10, $0x3;
	s11 =	sadd.s32 s1, s23;
	[dreg:$0x1c] =	wrdreg s29  }
0x12: {  	s14 =	sadd.s32 s8, s7;
	s10 =	sadd.s32 s2, s10;
	[dreg:$0x6] =	wrdreg s11  }
0x13: {  	s7 =	sadd.s32 $0x2000, s14;
	[dreg:$0x9] =	wrdreg s10  }
0x14: {  	s30 =	sadd.s32 $0x4000, s14;
	[dreg:$0xa] =	wrdreg s7  }
0x15: {  	s31 =	sadd.s32 $0x6000, s14;
	[dreg:$0xb] =	wrdreg s30  }
0x16: {  	s12 =	sadd.s32 $0xA000, s14;
	[dreg:$0xc] =	wrdreg s31  }
0x17: {  	s16 =	sadd.s32 $0xC000, s14;
	[dreg:$0xe] =	wrdreg s12  }
0x18: {  	s28 =	simm.s32 $0x0;
	s17 =	sadd.s32 $0xE000, s14;
	[dreg:$0xf] =	wrdreg s16  }
0x19: {  	s6 =	simm.s32 $0x14;
	s19 =	sadd.s32 $0x10000, s14;
	[dreg:$0x11] =	wrdreg s17  }
0x1a: {  	p0 =	slt.u32 s5, $0x11;
	s20 =	sadd.s32 $0x12000, s14;
	[dreg:$0x14] =	wrdreg s19  }
0x1b: {  	s6 =	simm.s32 @!p0 $0x13;
	s21 =	sadd.s32 $0x14000, s14;
	[dreg:$0x15] =	wrdreg s20  }
0x1c: {  	s13 =	sadd.s32 $0xFFFFFFFF, s6;
	s22 =	sadd.s32 $0x16000, s14;
	[dreg:$0x16] =	wrdreg s21  }
0x1d: {  	s15 =	sadd.s32 $0xFFFFFFFE, s6;
	s23 =	sadd.s32 $0x18000, s14;
	[dreg:$0x17] =	wrdreg s22  }
0x1e: {  	v0 =	vlaneseq.u32;
	s18 =	simm.s32 $0x1;
	s24 =	sadd.s32 $0x1A000, s14;
	[dreg:$0x18] =	wrdreg s23  }
0x1f: {  	v2 =	vor.u32 $0x10, v0;
	s11 =	sadd.s32 s2, s25;
	[dreg:$0x19] =	wrdreg s24;
	s25 =	sadd.s32 $0x1C000, s14  }
0x20: {  	[tilespmem:$0x1FF80] =	vst v2;
	v2 =	vor.u32 $0x20, v0;
	s30 =	sadd.s32 $0x1000, s3;
	s31 =	sadd.s32 $0x1800, s3;
	s12 =	simm.s32 $0x5000  }
0x21: {  	[tilespmem:$0x1FF90] =	vst v2;
	v2 =	vor.u32 $0x30, v0;
	s16 =	simm.s32 $0x1F080;
	s10 =	simm.s32 $0xA000;
	[dreg:$0x7] =	wrdreg s11  }
0x22: {  	[tilespmem:$0x1FFA0] =	vst v2;
	v2 =	vor.u32 $0x40, v0;
	s17 =	simm.s32 $0x1F100;
	s19 =	simm.s32 $0x4;
	[dreg:$0x1a] =	wrdreg s25  }
0x23: {  	[tilespmem:$0x1FFB0] =	vst v2;
	v2 =	vor.u32 $0x50, v0;
	s20 =	simm.s32 $0xF000;
	s21 =	simm.s32 $0x2;
	[dreg:$0x1d] =	wrdreg s30  }
0x24: {  	v1 =	vimm.f32 $-Inf;
	v3 =	vadd.s32 $0x80000001, v0;
	[tilespmem:$0x1FFC0] =	vst v2;
	v2 =	vor.u32 $0x60, v0;
	s23 =	simm.s32 $0x5;
	s11 =	sadd.s32 s1, s26;
	[dreg:$0x1e] =	wrdreg s31  }
0x25: {  	v12 =	vor.u32 $0x410, v0;
	v13 =	vor.u32 $0x420, v0;
	[tilespmem:$0x1FFD0] =	vst v2;
	v2 =	vor.u32 $0x70, v0;
	s24 =	simm.s32 $0x3;
	s26 =	sadd.s32 $0x1E000, s14;
	[dreg:$0x8] =	wrdreg s11  }
0x26: {  	v14 =	vor.u32 $0x430, v0;
	v15 =	vor.u32 $0x440, v0;
	[tilespmem:$0x1FFE0] =	vst v2;
	v2 =	vor.u32 $0x400, v0;
	s25 =	simm.s32 $0x6;
	s11 =	sadd.s32 $0x8000, s14;
	[dreg:$0x1b] =	wrdreg s26  }
0x27: {  	v16 =	vor.u32 $0x450, v0;
	v17 =	vor.u32 $0x460, v0;
	v18 =	vor.u32 $0x470, v0;
	[tilespmem:$0x1FFF0] =	vst v2;
	s26 =	simm.s32 $0x7;
	[dreg:$0xd] =	wrdreg s11;
	s11 =	simm.s32 $0x1F000  }
.LBB2_1:
0x28: {  	s0 =	sand.u32 $0xF800, s4;
	s3 =	sand.u32 $0x380, s4  }
0x29: {  	s0 =	sor.u32 s3, s0  }
0x2a: {  	[tilespmem:s0+$0xF470] =	vst v1  }
0x2b: {  	[tilespmem:s0+$0xF000] =	vst v1  }
0x2c: {  	[tilespmem:s0+$0xF010] =	vst v1  }
0x2d: {  	[tilespmem:s0+$0xF020] =	vst v1  }
0x2e: {  	[tilespmem:s0+$0xF030] =	vst v1  }
0x2f: {  	[tilespmem:s0+$0xF040] =	vst v1  }
0x30: {  	[tilespmem:s0+$0xF050] =	vst v1  }
0x31: {  	[tilespmem:s0+$0xF060] =	vst v1  }
0x32: {  	[tilespmem:s0+$0xF070] =	vst v1  }
0x33: {  	[tilespmem:s0+$0xF400] =	vst v1  }
0x34: {  	[tilespmem:s0+$0xF410] =	vst v1  }
0x35: {  	[tilespmem:s0+$0xF420] =	vst v1  }
0x36: {  	[tilespmem:s0+$0xF430] =	vst v1  }
0x37: {  	s7 =	simm.s32 $0x100;
	s3 =	simm.s32 $0x80;
	[tilespmem:s0+$0xF440] =	vst v1  }
0x38: {  	s8 =	sand.u32 $0xF800, s7;
	s7 =	simm.s32 $0x200;
	s9 =	sand.u32 $0x380, s3;
	[tilespmem:s0+$0xF450] =	vst v1  }
.LBB2_2:
0x39: {  	p0 =	sne.s32 s7, $0xFF00;
	[tilespmem:s0+$0xF460] =	vst v1;
	s0 =	sor.u32 s9, s8  }
0x3a: {  	[tilespmem:s0+$0xF470] =	vst v1  }
0x3b: {  	[tilespmem:s0+$0xF000] =	vst v1  }
0x3c: {  	[tilespmem:s0+$0xF010] =	vst v1  }
0x3d: {  	[tilespmem:s0+$0xF020] =	vst v1  }
0x3e: {  	[tilespmem:s0+$0xF030] =	vst v1  }
0x3f: {  	[tilespmem:s0+$0xF040] =	vst v1  }
0x40: {  	[tilespmem:s0+$0xF050] =	vst v1  }
0x41: {  	[tilespmem:s0+$0xF060] =	vst v1  }
0x42: {  	[tilespmem:s0+$0xF070] =	vst v1  }
0x43: {  	[tilespmem:s0+$0xF400] =	vst v1  }
.Ltmp0:
0x44: {  	[tilespmem:s0+$0xF410] =	vst v1;
	(pc) =	sbr.rel @p0 .LBB2_2-.Ltmp0, $4  }
0x45: {  	[tilespmem:s0+$0xF420] =	vst v1  }
0x46: {  	[tilespmem:s0+$0xF430] =	vst v1  }
0x47: {  	s3 =	sadd.s32 $0x80, s3;
	[tilespmem:s0+$0xF440] =	vst v1  }
0x48: {  	s8 =	sand.u32 $0xF800, s7;
	s7 =	sadd.s32 $0x100, s7;
	s9 =	sand.u32 $0x380, s3;
	[tilespmem:s0+$0xF450] =	vst v1  }
0x49: {  	s3 =	sor.u32 s9, s8;
	[tilespmem:s0+$0xF460] =	vst v1  }
0x4a: {  	[tilespmem:s3+$0xF470] =	vst v1  }
0x4b: {  	[tilespmem:s3+$0xF000] =	vst v1  }
0x4c: {  	[tilespmem:s3+$0xF010] =	vst v1  }
0x4d: {  	[tilespmem:s3+$0xF020] =	vst v1  }
0x4e: {  	[tilespmem:s3+$0xF030] =	vst v1  }
0x4f: {  	[tilespmem:s3+$0xF040] =	vst v1  }
0x50: {  	[tilespmem:s3+$0xF050] =	vst v1  }
0x51: {  	[tilespmem:s3+$0xF060] =	vst v1  }
0x52: {  	[tilespmem:s3+$0xF070] =	vst v1  }
0x53: {  	[tilespmem:s3+$0xF400] =	vst v1  }
0x54: {  	[tilespmem:s3+$0xF410] =	vst v1  }
0x55: {  	[tilespmem:s3+$0xF420] =	vst v1  }
0x56: {  	[tilespmem:s3+$0xF430] =	vst v1  }
0x57: {  	[tilespmem:s3+$0xF440] =	vst v1  }
0x58: {  	[tilespmem:s3+$0xF450] =	vst v1  }
0x59: {  	v0 =	vimm.s32 $0xFFFFFFFF;
	[tilespmem:s3+$0xF460] =	vst v1  }
0x5a: {  	[tilespmem:$0x1F050] =	vst v0  }
0x5b: {  	[tilespmem:$0x1F060] =	vst v0  }
0x5c: {  	[tilespmem:$0x1F070] =	vst v0  }
0x5d: {  	[tilespmem:$0x1F0D0] =	vst v0  }
0x5e: {  	[tilespmem:$0x1F0E0] =	vst v0  }
0x5f: {  	[tilespmem:$0x1F0F0] =	vst v0  }
0x60: {  	[tilespmem:$0x1F150] =	vst v0  }
0x61: {  	[tilespmem:$0x1F160] =	vst v0  }
0x62: {  	s29 =	simm.s32 $0x0;
	s7 =	rddreg [dreg:$0x4];
	[tilespmem:$0x1F170] =	vst v0  }
0x63: {  	[tilespmem:s29], [sflag:$0x1] =	stream.linear.gather [hbm4b:s7+s29], $0x5000, $0x38;
	[tilespmem:$0x1F180] =	vst v63  }
0x64: {  	s8 =	rddreg [dreg:$0x5]  }
0x65: {  	[tilespmem:s11], [sflag:$0x4] =	stream.linear.gather [hbm4b:s8+s29], $0x50, $0x38;
	[tilespmem:$0x1F180] =	vst v63  }
0x66: {  	s9 =	rddreg [dreg:$0x6]  }
0x67: {  	[tilespmem:s12], [sflag:$0x2] =	stream.linear.gather [hbm4b:s9+s29], $0x5000, $0x38;
	[tilespmem:$0x1F180] =	vst v63  }
0x68: {  	s22 =	rddreg [dreg:$0x7]  }
0x69: {  	[tilespmem:s16], [sflag:$0x5] =	stream.linear.gather [hbm4b:s22+s29], $0x50, $0x38;
	[tilespmem:$0x1F180] =	vst v63  }
.Ltmp1:
0x6a: {  	_ = 	snop;
	(pc) =	sbr.rel .LBB2_4-.Ltmp1, $4  }
0x6b: {  	s30 =	rddreg [dreg:$0x8]  }
0x6c: {  	[tilespmem:s10], [sflag:$0x3] =	stream.linear.gather [hbm4b:s30+s29], $0x5000, $0x38;
	[tilespmem:$0x1F180] =	vst v63  }
0x6d: {  	s31 =	rddreg [dreg:$0x9]  }
0x6e: {  	[tilespmem:s17], [sflag:$0x6] =	stream.linear.gather [hbm4b:s31+s29], $0x50, $0x38;
	[tilespmem:$0x1F180] =	vst v63  }
.LBB2_42:
0x6f: {  	s0 =	sadd.s32 $0x5, s30  }
0x70: {  	p0 =	sge.u32 s0, s6  }
0x71: {  	s0 =	sshll.u32 @!p0 s0, $0x5  }
0x72: {  	s0 =	sor.u32 @!p0 s5, s0  }
0x73: {  	s3 =	smul.u32 @!p0 $0xA00, s0  }
0x74: {  	s7 =	simm.s32 @!p0 $0x0  }
0x75: {  	s8 =	simm.s32 @!p0 $0xA000;
	s0 =	smul.u32 @!p0 $0xA, s0;
	s3 =	sadd.s32 @!p0 s1, s3  }
0x76: {  	[tilespmem:s8], [sflag:$0x3] =	stream.linear.gather @!p0 [hbm4b:s3+s7], $0x5000, $0x38;
	[tilespmem:$0x1F180] =	vst v63  }
0x77: {  	s0 =	sadd.s32 @!p0 s2, s0;
	s3 =	simm.s32 @!p0 $0x1F100  }
0x78: {  	[tilespmem:s3], [sflag:$0x6] =	stream.linear.gather @!p0 [hbm4b:s0+s7], $0x50, $0x38;
	[tilespmem:$0x1F180] =	vst v63  }
.LBB2_43:
0x79: {  	s29 =	sadd.s32 $0x1, s29  }
0x7a: {  	p0 =	sne.s32 s29, $0x7  }
.Ltmp2:
0x7b: {  	_ = 	snop;
	(pc) =	sbr.rel @!p0 .LBB2_44-.Ltmp2, $1  }
0x7c: {  	_ =	sdelay $0x3  }
.LBB2_4:
0x7d: {  	s30 =	smul.u32 $0x3, s29;
	_ =	sdelay $0x1  }
0x7e: {  	p0 =	sge.u32 s30, s6  }
.Ltmp3:
0x7f: {  	_ = 	snop;
	(pc) =	sbr.rel @p0 .LBB2_17-.Ltmp3, $1  }
0x80: {  	_ =	sdelay $0x3  }
0x81: {  	_ =	swait.ge [sflag:s18], $0x5000  }
.Ltmp4:
0x82: {  	[sflag:s18] =	ssyncset.done $0x0;
	(pc) =	sbr.rel .LBB2_6-.Ltmp4, $4  }
0x83: {  	[sflag:s18] =	ssyncadd.s32 $0xFFFFB000  }
0x84: {  	_ =	swait.ge [sflag:s19], $0x50  }
0x85: {  	[sflag:s19] =	ssyncset.done $0x0  }
0x86: {  	s0 =	simm.s32 $0x0;
	[sflag:s19] =	ssyncadd.s32 $0xFFFFFFB0  }
.LBB2_10:
0x87: {  	v51 =	vmov v45  }
0x88: {  	v52 =	vmovc v46;
	v53 =	vmovc v47;
	v54 =	vmov v48;
	v55 =	vmov v49;
	v58 =	vmov v50  }
.LBB2_14:
0x89: {  	s7 =	sor.u32 s31, s10;
	v0 =	vld @p1 [tilespmem:s3+$0x460]  }
0x8a: {  	v2 =	vld [tilespmem:s7+$0x470]  }
0x8b: {  	v4 =	vld [tilespmem:s7+$0x0]  }
0x8c: {  	v62 =	vld [tilespmem:s7+$0x10]  }
0x8d: {  	v63 =	vld [tilespmem:s7+$0x20]  }
0x8e: {  	v5 =	vld [tilespmem:s7+$0x30]  }
0x8f: {  	v6 =	vld [tilespmem:s7+$0x40]  }
0x90: {  	v7 =	vld [tilespmem:s7+$0x50]  }
0x91: {  	v8 =	vld [tilespmem:s7+$0x60]  }
0x92: {  	v9 =	vld [tilespmem:s7+$0x70]  }
0x93: {  	v10 =	vld [tilespmem:s7+$0x400]  }
0x94: {  	v11 =	vld [tilespmem:s7+$0x410]  }
0x95: {  	v51 =	vmax.f32 @p1 v51, v56;
	v56 =	vld [tilespmem:s7+$0x420]  }
0x96: {  	v52 =	vmax.f32 @p1 v52, v57;
	v53 =	vmax.f32 @p1 v53, v59;
	v54 =	vmax.f32 @p1 v54, v60;
	v57 =	vld [tilespmem:s7+$0x430]  }
0x97: {  	v55 =	vmax.f32 @p1 v55, v61;
	v59 =	vpsel p1, v51, v45;
	v44 =	vmax.f32 v44, v2;
	v2 =	vld [tilespmem:s7+$0x440]  }
0x98: {  	v60 =	vpsel p1, v52, v46;
	v61 =	vpsel p1, v53, v47;
	v35 =	vmax.f32 v35, v4;
	v4 =	vld [tilespmem:s7+$0x450]  }
0x99: {  	v0 =	vmax.f32 @p1 v58, v0;
	v36 =	vmax.f32 v36, v62;
	v38 =	vmax.f32 v38, v5;
	v5 =	vld [tilespmem:s7+$0x460]  }
0x9a: {  	v37 =	vmax.f32 v37, v63;
	v39 =	vmax.f32 v39, v6;
	v40 =	vmax.f32 v40, v7  }
0x9b: {  	v41 =	vmax.f32 v41, v8;
	v42 =	vmax.f32 v42, v9;
	v43 =	vmax.f32 v43, v10  }
0x9c: {  	v62 =	vpsel p1, v54, v48;
	v63 =	vpsel p1, v55, v49;
	v0 =	vpsel p1, v0, v50  }
0x9d: {  	v45 =	vmax.f32 v59, v11;
	v46 =	vmax.f32 v60, v56;
	v47 =	vmax.f32 v61, v57  }
0x9e: {  	v48 =	vmax.f32 v62, v2;
	v49 =	vmax.f32 v63, v4;
	v50 =	vmax.f32 v0, v5  }
.LBB2_15:
0x9f: {  	_ =	sdelay $0x3  }
0xa0: {  	[tilespmem:v19+s20+$0x0] =	vst.idx.msk $0xffff, v35  }
0xa1: {  	[tilespmem:v20+s20+$0x0] =	vst.idx.msk $0xffff, v36  }
0xa2: {  	[tilespmem:v21+s20+$0x0] =	vst.idx.msk $0xffff, v37  }
0xa3: {  	[tilespmem:v22+s20+$0x0] =	vst.idx.msk $0xffff, v38  }
0xa4: {  	[tilespmem:v23+s20+$0x0] =	vst.idx.msk $0xffff, v39  }
0xa5: {  	[tilespmem:v24+s20+$0x0] =	vst.idx.msk $0xffff, v40  }
0xa6: {  	[tilespmem:v25+s20+$0x0] =	vst.idx.msk $0xffff, v41  }
0xa7: {  	[tilespmem:v26+s20+$0x0] =	vst.idx.msk $0xffff, v42  }
0xa8: {  	[tilespmem:v27+s20+$0x0] =	vst.idx.msk $0xffff, v43  }
0xa9: {  	[tilespmem:v28+s20+$0x0] =	vst.idx.msk $0xffff, v45  }
0xaa: {  	[tilespmem:v29+s20+$0x0] =	vst.idx.msk $0xffff, v46  }
.Ltmp5:
0xab: {  	[tilespmem:v30+s20+$0x0] =	vst.idx.msk $0xffff, v47;
	(pc) =	sbr.rel @!p0 .LBB2_16-.Ltmp5, $4  }
0xac: {  	[tilespmem:v31+s20+$0x0] =	vst.idx.msk $0xffff, v48  }
0xad: {  	[tilespmem:v32+s20+$0x0] =	vst.idx.msk $0xffff, v49  }
0xae: {  	[tilespmem:v33+s20+$0x0] =	vst.idx.msk $0xffff, v50  }
0xaf: {  	[tilespmem:v34+s20+$0x0] =	vst.idx.msk $0xffff, v44  }
.LBB2_6:
0xb0: {  	v19 =	vmov s0;
	_ =	sdelay $0x4  }
0xb1: {  	s3 =	smov.u32 s0;
	v19 =	vld.idx.msk [tilespmem:v19+s11+$0x0], $0xffff  }
.LBB2_7:
0xb2: {  	v20 =	vld [tilespmem:s0+$0x1F000];
	_ =	sdelay $0x4  }
0xb3: {  	vm0 =	veq.s32 v20, v19  }
0xb4: {  	v20 =	vnsel vm0, $0x80000000, v3  }
0xb5: {  	(xrf0) =	vmax.scan.msk.u32 $0xffff, v20;
	_ =	sdelay $0x5  }
0xb6: {  	v20, _, _ =	vpop (xrf0)  }
0xb7: {  	(v2sf) =	vpush v20, $0xF;
	_ =	sdelay $0xe  }
0xb8: {  	s8 =	spop (v2sf)  }
0xb9: {  	s31 =	sadd.s32 s8, s0  }
0xba: {  	s7 =	smov.u32 s0;
	s0 =	sadd.s32 $0x80000000, s31  }
0xbb: {  	p1 =	sgt.s32 s0, $0x4F  }
0xbc: {  	p2 =	seq.s32 @!p1 s8, $0x80000010  }
0xbd: {  	p1 =	por p1, !p2  }
.Ltmp6:
0xbe: {  	_ = 	snop;
	(pc) =	sbr.rel @!p1 .LBB2_7-.Ltmp6, $3  }
0xbf: {  	_ =	sdelay $0x1  }
0xc0: {  	p0 =	slt.s32 s0, $0x50  }
0xc1: {  	s0 =	simm.s32 @!p0 $0x50  }
0xc2: {  	vm0 =	vlt.s32 v19, $0xFF  }
0xc3: {  	v19 =	vnsel vm0, $0xFF, v19  }
0xc4: {  	v20 =	vshll.u32 v19, $0x8;
	v19 =	vshll.u32 v19, $0x7  }
0xc5: {  	v20 =	vand.u32 $0xFFFFF800, v20;
	v19 =	vand.u32 $0x380, v19  }
0xc6: {  	v0 =	vlaneseq.u32;
	v34 =	vor.u32 v19, v20  }
0xc7: {  	v19 =	vor.u32 v0, v34;
	v0 =	vld [tilespmem:$0x1FF80];
	_ =	sdelay $0x4  }
0xc8: {  	v20 =	vor.u32 v0, v34;
	v0 =	vld [tilespmem:$0x1FF90]  }
0xc9: {  	s9 =	sshll.u32 s3, $0x8;
	s10 =	sshll.u32 s3, $0x7  }
0xca: {  	s31 =	sand.u32 $0xFFFFF800, s9;
	s22 =	sand.u32 $0x380, s10  }
0xcb: {  	s22 =	sor.u32 s22, s31  }
0xcc: {  	v36 =	vld [tilespmem:s22+$0x0]  }
0xcd: {  	v21 =	vor.u32 v0, v34;
	v0 =	vld [tilespmem:$0x1FFA0]  }
0xce: {  	v38 =	vld [tilespmem:s22+$0x10]  }
0xcf: {  	v40 =	vld [tilespmem:s22+$0x20]  }
0xd0: {  	v42 =	vld [tilespmem:s22+$0x30]  }
0xd1: {  	v44 =	vld [tilespmem:s22+$0x40]  }
0xd2: {  	v22 =	vor.u32 v0, v34;
	v0 =	vld [tilespmem:$0x1FFB0]  }
0xd3: {  	v46 =	vld [tilespmem:s22+$0x50]  }
0xd4: {  	v48 =	vld [tilespmem:s22+$0x60]  }
0xd5: {  	v50 =	vld [tilespmem:s22+$0x70]  }
0xd6: {  	v52 =	vld [tilespmem:s22+$0x400]  }
0xd7: {  	v23 =	vor.u32 v0, v34;
	v0 =	vld [tilespmem:$0x1FFC0]  }
0xd8: {  	v54 =	vld [tilespmem:s22+$0x410]  }
0xd9: {  	v56 =	vld [tilespmem:s22+$0x420]  }
0xda: {  	v58 =	vld [tilespmem:s22+$0x430]  }
0xdb: {  	v60 =	vld [tilespmem:s22+$0x440]  }
0xdc: {  	v24 =	vor.u32 v0, v34;
	v0 =	vld [tilespmem:$0x1FFD0]  }
0xdd: {  	v62 =	vld [tilespmem:s22+$0x450];
	v28 =	vor.u32 v12, v34  }
0xde: {  	v2 =	vld [tilespmem:s22+$0x460];
	v29 =	vor.u32 v13, v34  }
0xdf: {  	v4 =	vld [tilespmem:s22+$0x470];
	v30 =	vor.u32 v14, v34  }
0xe0: {  	v31 =	vor.u32 v15, v34;
	v35 =	vld.idx.msk [tilespmem:v19+s20+$0x0], $0xffff  }
0xe1: {  	v25 =	vor.u32 v0, v34;
	v0 =	vld [tilespmem:$0x1FFE0]  }
0xe2: {  	v32 =	vor.u32 v16, v34;
	v53 =	vld.idx.msk [tilespmem:v28+s20+$0x0], $0xffff  }
0xe3: {  	v33 =	vor.u32 v17, v34;
	v55 =	vld.idx.msk [tilespmem:v29+s20+$0x0], $0xffff  }
0xe4: {  	v57 =	vld.idx.msk [tilespmem:v30+s20+$0x0], $0xffff  }
0xe5: {  	v59 =	vld.idx.msk [tilespmem:v31+s20+$0x0], $0xffff  }
0xe6: {  	v26 =	vor.u32 v0, v34;
	v0 =	vld [tilespmem:$0x1FFF0]  }
0xe7: {  	v61 =	vld.idx.msk [tilespmem:v32+s20+$0x0], $0xffff  }
0xe8: {  	v63 =	vld.idx.msk [tilespmem:v33+s20+$0x0], $0xffff  }
0xe9: {  	v37 =	vld.idx.msk [tilespmem:v20+s20+$0x0], $0xffff  }
0xea: {  	v39 =	vld.idx.msk [tilespmem:v21+s20+$0x0], $0xffff  }
0xeb: {  	v41 =	vld.idx.msk [tilespmem:v22+s20+$0x0], $0xffff;
	v27 =	vor.u32 v0, v34  }
0xec: {  	v43 =	vld.idx.msk [tilespmem:v23+s20+$0x0], $0xffff;
	v34 =	vor.u32 v18, v34  }
0xed: {  	v45 =	vld.idx.msk [tilespmem:v24+s20+$0x0], $0xffff  }
0xee: {  	v47 =	vld.idx.msk [tilespmem:v25+s20+$0x0], $0xffff  }
0xef: {  	v49 =	vld.idx.msk [tilespmem:v26+s20+$0x0], $0xffff  }
0xf0: {  	s31 =	sadd.s32 $0x1, s3;
	v51 =	vld.idx.msk [tilespmem:v27+s20+$0x0], $0xffff  }
0xf1: {  	p1 =	sge.s32 s31, s0;
	v35 =	vmax.f32 v35, v36;
	v0 =	vld.idx.msk [tilespmem:v34+s20+$0x0], $0xffff  }
.Ltmp7:
0xf2: {  	v36 =	vmax.f32 v37, v38;
	v37 =	vmax.f32 v39, v40;
	v38 =	vmax.f32 v41, v42;
	(pc) =	sbr.rel @p1 .LBB2_15-.Ltmp7, $4  }
0xf3: {  	v39 =	vmax.f32 v43, v44;
	v40 =	vmax.f32 v45, v46;
	v45 =	vmax.f32 v53, v54  }
0xf4: {  	v46 =	vmax.f32 v55, v56;
	v41 =	vmax.f32 v47, v48;
	v47 =	vmax.f32 v57, v58  }
0xf5: {  	v48 =	vmax.f32 v59, v60;
	v42 =	vmax.f32 v49, v50;
	v49 =	vmax.f32 v61, v62  }
0xf6: {  	v50 =	vmax.f32 v63, v2;
	v43 =	vmax.f32 v51, v52;
	v44 =	vmax.f32 v0, v4  }
0xf7: {  	s7 =	sadd.s32 s7, s8  }
0xf8: {  	s7 =	sadd.s32 $0x80000000, s7  }
0xf9: {  	p1 =	slt.s32 s7, $0x50  }
0xfa: {  	s3 =	sxor.u32 $0xFFFFFFFF, s3;
	s7 =	simm.s32 @!p1 $0x50  }
0xfb: {  	s3 =	sadd.s32 s7, s3  }
0xfc: {  	p2 =	sne.s32 s3, $0x1  }
.Ltmp8:
0xfd: {  	_ = 	snop;
	(pc) =	sbr.rel @!p2 .LBB2_10-.Ltmp8, $4  }
0xfe: {  	_ = 	snop  }
0xff: {  	s8 =	sadd.s32 $0x80, s10  }
0x100: {  	s31 =	sand.u32 $0x380, s8;
	s7 =	sadd.s32 $0x100, s9  }
0x101: {  	p1 =	por $0x0, $0x0;
	s10 =	sand.u32 $0xFFFFF800, s7;
	s9 =	sadd.s32 $0xFFFFFFFF, s3  }
0x102: {  	s3 =	sor.u32 s31, s10  }
0x103: {  	v0 =	vld [tilespmem:s3+$0x470]  }
0x104: {  	v2 =	vld [tilespmem:s3+$0x0]  }
0x105: {  	v4 =	vld [tilespmem:s3+$0x10]  }
0x106: {  	v51 =	vld [tilespmem:s3+$0x20]  }
0x107: {  	v52 =	vld [tilespmem:s3+$0x30]  }
0x108: {  	v53 =	vld [tilespmem:s3+$0x40]  }
0x109: {  	v54 =	vld [tilespmem:s3+$0x50]  }
0x10a: {  	v55 =	vld [tilespmem:s3+$0x60]  }
0x10b: {  	v58 =	vld [tilespmem:s3+$0x70]  }
0x10c: {  	v61 =	vld [tilespmem:s3+$0x400]  }
0x10d: {  	p2 =	sne.s32 s9, $0x1  }
.Ltmp9:
0x10e: {  	v56 =	vld [tilespmem:s3+$0x410];
	v44 =	vmax.f32 v44, v0;
	(pc) =	sbr.rel @!p2 .LBB2_12-.Ltmp9, $4  }
0x10f: {  	v57 =	vld [tilespmem:s3+$0x420];
	v35 =	vmax.f32 v35, v2;
	v36 =	vmax.f32 v36, v4;
	v37 =	vmax.f32 v37, v51  }
0x110: {  	v59 =	vld [tilespmem:s3+$0x430];
	v38 =	vmax.f32 v38, v52;
	v39 =	vmax.f32 v39, v53;
	v40 =	vmax.f32 v40, v54  }
0x111: {  	s7 =	sadd.s32 $0x100, s7;
	s8 =	sadd.s32 $0x80, s8;
	s9 =	sadd.s32 $0xFFFFFFFF, s9;
	v60 =	vld [tilespmem:s3+$0x440];
	v41 =	vmax.f32 v41, v55;
	v42 =	vmax.f32 v42, v58;
	v43 =	vmax.f32 v43, v61;
	v51 =	vmovc v45  }
0x112: {  	p1 =	por $0x1, $0x1;
	s10 =	sand.u32 $0xFFFFF800, s7;
	s31 =	sand.u32 $0x380, s8;
	v61 =	vld [tilespmem:s3+$0x450];
	v52 =	vmovc v46;
	v53 =	vmovc v47;
	v54 =	vmov v48;
	v55 =	vmov v49;
	v58 =	vmov v50  }
.LBB2_13:
0x113: {  	p2 =	sne.s32 s9, $0x1;
	v51 =	vmax.f32 v51, v56;
	v0 =	vld [tilespmem:s3+$0x460];
	s3 =	sor.u32 s31, s10  }
0x114: {  	v52 =	vmax.f32 v52, v57;
	v2 =	vld [tilespmem:s3+$0x470]  }
0x115: {  	v53 =	vmax.f32 v53, v59;
	v4 =	vld [tilespmem:s3+$0x0]  }
0x116: {  	v54 =	vmax.f32 v54, v60;
	v56 =	vld [tilespmem:s3+$0x10]  }
0x117: {  	v55 =	vmax.f32 v55, v61;
	v57 =	vld [tilespmem:s3+$0x20]  }
0x118: {  	v59 =	vld [tilespmem:s3+$0x30];
	v58 =	vmax.f32 v58, v0  }
0x119: {  	v0 =	vld [tilespmem:s3+$0x40];
	v44 =	vmax.f32 v44, v2  }
0x11a: {  	v35 =	vmax.f32 v35, v4;
	v2 =	vld [tilespmem:s3+$0x50]  }
0x11b: {  	v36 =	vmax.f32 v36, v56;
	v4 =	vld [tilespmem:s3+$0x60]  }
0x11c: {  	v37 =	vmax.f32 v37, v57;
	v60 =	vld [tilespmem:s3+$0x70]  }
0x11d: {  	v38 =	vmax.f32 v38, v59;
	v61 =	vld [tilespmem:s3+$0x400]  }
.Ltmp10:
0x11e: {  	v39 =	vmax.f32 v39, v0;
	v56 =	vld [tilespmem:s3+$0x410];
	(pc) =	sbr.rel @p2 .LBB2_13-.Ltmp10, $4  }
0x11f: {  	v40 =	vmax.f32 v40, v2;
	v57 =	vld [tilespmem:s3+$0x420]  }
0x120: {  	v41 =	vmax.f32 v41, v4;
	v59 =	vld [tilespmem:s3+$0x430]  }
0x121: {  	s8 =	sadd.s32 $0x80, s8;
	s7 =	sadd.s32 $0x100, s7;
	v42 =	vmax.f32 v42, v60;
	v60 =	vld [tilespmem:s3+$0x440]  }
0x122: {  	s9 =	sadd.s32 $0xFFFFFFFF, s9;
	s10 =	sand.u32 $0xFFFFF800, s7;
	s31 =	sand.u32 $0x380, s8;
	v43 =	vmax.f32 v43, v61;
	v61 =	vld [tilespmem:s3+$0x450]  }
.Ltmp11:
0x123: {  	_ = 	snop;
	(pc) =	sbr.rel .LBB2_14-.Ltmp11, $1  }
0x124: {  	_ =	sdelay $0x3  }
.LBB2_12:
.Ltmp12:
0x125: {  	(pc) =	sbr.rel .LBB2_14-.Ltmp12, $3  }
0x126: {  	_ =	sdelay $0x1  }
0x127: {  	v51 =	vmov v45  }
0x128: {  	v52 =	vmovc v46;
	v53 =	vmovc v47;
	v54 =	vmov v48;
	v55 =	vmov v49;
	v58 =	vmov v50  }
.LBB2_16:
0x129: {  	s0 =	sadd.s32 $0x3, s30  }
0x12a: {  	p0 =	sge.u32 s0, s6  }
0x12b: {  	s0 =	sshll.u32 @!p0 s0, $0x5  }
0x12c: {  	s0 =	sor.u32 @!p0 s5, s0  }
0x12d: {  	s3 =	smul.u32 @!p0 $0xA00, s0;
	_ =	sdelay $0x1  }
0x12e: {  	s7 =	simm.s32 @!p0 $0x0;
	s0 =	smul.u32 @!p0 $0xA, s0;
	s3 =	sadd.s32 @!p0 s1, s3  }
0x12f: {  	[tilespmem:s7], [sflag:$0x1] =	stream.linear.gather @!p0 [hbm4b:s3+s7], $0x5000, $0x38;
	[tilespmem:$0x1F180] =	vst v63  }
0x130: {  	s0 =	sadd.s32 @!p0 s2, s0;
	s3 =	simm.s32 @!p0 $0x1F000  }
0x131: {  	[tilespmem:s3], [sflag:$0x4] =	stream.linear.gather @!p0 [hbm4b:s0+s7], $0x50, $0x38;
	[tilespmem:$0x1F180] =	vst v63  }
.LBB2_17:
0x132: {  	p0 =	sge.u32 s30, s13  }
.Ltmp13:
0x133: {  	_ = 	snop;
	(pc) =	sbr.rel @p0 .LBB2_30-.Ltmp13, $1  }
0x134: {  	_ =	sdelay $0x3  }
0x135: {  	_ =	swait.ge [sflag:s21], $0x5000  }
.Ltmp14:
0x136: {  	[sflag:s21] =	ssyncset.done $0x0;
	(pc) =	sbr.rel .LBB2_19-.Ltmp14, $4  }
0x137: {  	[sflag:s21] =	ssyncadd.s32 $0xFFFFB000  }
0x138: {  	_ =	swait.ge [sflag:s23], $0x50  }
0x139: {  	[sflag:s23] =	ssyncset.done $0x0  }
0x13a: {  	s0 =	simm.s32 $0x0;
	[sflag:s23] =	ssyncadd.s32 $0xFFFFFFB0  }
.LBB2_23:
0x13b: {  	v51 =	vmov v45  }
0x13c: {  	v52 =	vmovc v46;
	v53 =	vmovc v47;
	v54 =	vmov v48;
	v55 =	vmov v49;
	v58 =	vmov v50  }
.LBB2_27:
0x13d: {  	s7 =	sor.u32 s31, s10;
	v0 =	vld @p1 [tilespmem:s3+$0x5460]  }
0x13e: {  	v2 =	vld [tilespmem:s7+$0x5470]  }
0x13f: {  	v4 =	vld [tilespmem:s7+$0x5000]  }
0x140: {  	v5 =	vld [tilespmem:s7+$0x5010]  }
0x141: {  	v6 =	vld [tilespmem:s7+$0x5020]  }
0x142: {  	v7 =	vld [tilespmem:s7+$0x5030]  }
0x143: {  	v8 =	vld [tilespmem:s7+$0x5040]  }
0x144: {  	v9 =	vld [tilespmem:s7+$0x5050]  }
0x145: {  	v10 =	vld [tilespmem:s7+$0x5060]  }
0x146: {  	v11 =	vld [tilespmem:s7+$0x5070]  }
0x147: {  	v62 =	vld [tilespmem:s7+$0x5400]  }
0x148: {  	v63 =	vld [tilespmem:s7+$0x5410]  }
0x149: {  	v51 =	vmax.f32 @p1 v51, v56;
	v56 =	vld [tilespmem:s7+$0x5420]  }
0x14a: {  	v52 =	vmax.f32 @p1 v52, v57;
	v53 =	vmax.f32 @p1 v53, v59;
	v54 =	vmax.f32 @p1 v54, v60;
	v57 =	vld [tilespmem:s7+$0x5430]  }
0x14b: {  	v55 =	vmax.f32 @p1 v55, v61;
	v59 =	vpsel p1, v52, v46;
	v44 =	vmax.f32 v44, v2;
	v2 =	vld [tilespmem:s7+$0x5440]  }
0x14c: {  	v60 =	vpsel p1, v53, v47;
	v61 =	vpsel p1, v54, v48;
	v35 =	vmax.f32 v35, v4;
	v4 =	vld [tilespmem:s7+$0x5450]  }
0x14d: {  	v0 =	vmax.f32 @p1 v58, v0;
	v58 =	vpsel p1, v51, v45;
	v36 =	vmax.f32 v36, v5;
	v5 =	vld [tilespmem:s7+$0x5460]  }
0x14e: {  	v37 =	vmax.f32 v37, v6;
	v38 =	vmax.f32 v38, v7;
	v39 =	vmax.f32 v39, v8  }
0x14f: {  	v40 =	vmax.f32 v40, v9;
	v41 =	vmax.f32 v41, v10;
	v42 =	vmax.f32 v42, v11  }
0x150: {  	v43 =	vmax.f32 v43, v62;
	v62 =	vpsel p1, v55, v49;
	v0 =	vpsel p1, v0, v50  }
0x151: {  	v45 =	vmax.f32 v58, v63;
	v46 =	vmax.f32 v59, v56;
	v47 =	vmax.f32 v60, v57  }
0x152: {  	v48 =	vmax.f32 v61, v2;
	v49 =	vmax.f32 v62, v4;
	v50 =	vmax.f32 v0, v5  }
.LBB2_28:
0x153: {  	_ =	sdelay $0x3  }
0x154: {  	[tilespmem:v19+s20+$0x0] =	vst.idx.msk $0xffff, v35  }
0x155: {  	[tilespmem:v20+s20+$0x0] =	vst.idx.msk $0xffff, v36  }
0x156: {  	[tilespmem:v21+s20+$0x0] =	vst.idx.msk $0xffff, v37  }
0x157: {  	[tilespmem:v22+s20+$0x0] =	vst.idx.msk $0xffff, v38  }
0x158: {  	[tilespmem:v23+s20+$0x0] =	vst.idx.msk $0xffff, v39  }
0x159: {  	[tilespmem:v24+s20+$0x0] =	vst.idx.msk $0xffff, v40  }
0x15a: {  	[tilespmem:v25+s20+$0x0] =	vst.idx.msk $0xffff, v41  }
0x15b: {  	[tilespmem:v26+s20+$0x0] =	vst.idx.msk $0xffff, v42  }
0x15c: {  	[tilespmem:v27+s20+$0x0] =	vst.idx.msk $0xffff, v43  }
0x15d: {  	[tilespmem:v28+s20+$0x0] =	vst.idx.msk $0xffff, v45  }
0x15e: {  	[tilespmem:v29+s20+$0x0] =	vst.idx.msk $0xffff, v46  }
.Ltmp15:
0x15f: {  	[tilespmem:v30+s20+$0x0] =	vst.idx.msk $0xffff, v47;
	(pc) =	sbr.rel @!p0 .LBB2_29-.Ltmp15, $4  }
0x160: {  	[tilespmem:v31+s20+$0x0] =	vst.idx.msk $0xffff, v48  }
0x161: {  	[tilespmem:v32+s20+$0x0] =	vst.idx.msk $0xffff, v49  }
0x162: {  	[tilespmem:v33+s20+$0x0] =	vst.idx.msk $0xffff, v50  }
0x163: {  	[tilespmem:v34+s20+$0x0] =	vst.idx.msk $0xffff, v44  }
.LBB2_19:
0x164: {  	v0 =	vmov s0;
	_ =	sdelay $0x4  }
0x165: {  	s3 =	smov.u32 s0;
	v19 =	vld.idx.msk [tilespmem:v0+s16+$0x0], $0xffff  }
.LBB2_20:
0x166: {  	v0 =	vld [tilespmem:s0+$0x1F080];
	_ =	sdelay $0x4  }
0x167: {  	vm0 =	veq.s32 v0, v19  }
0x168: {  	v0 =	vnsel vm0, $0x80000000, v3  }
0x169: {  	(xrf0) =	vmax.scan.msk.u32 $0xffff, v0;
	_ =	sdelay $0x5  }
0x16a: {  	v0, _, _ =	vpop (xrf0)  }
0x16b: {  	(v2sf) =	vpush v0, $0xF;
	_ =	sdelay $0xe  }
0x16c: {  	s8 =	spop (v2sf)  }
0x16d: {  	s31 =	sadd.s32 s8, s0  }
0x16e: {  	s7 =	smov.u32 s0;
	s0 =	sadd.s32 $0x80000000, s31  }
0x16f: {  	p1 =	sgt.s32 s0, $0x4F  }
0x170: {  	p2 =	seq.s32 @!p1 s8, $0x80000010  }
0x171: {  	p1 =	por p1, !p2  }
.Ltmp16:
0x172: {  	_ = 	snop;
	(pc) =	sbr.rel @!p1 .LBB2_20-.Ltmp16, $3  }
0x173: {  	_ =	sdelay $0x1  }
0x174: {  	p0 =	slt.s32 s0, $0x50  }
0x175: {  	s0 =	simm.s32 @!p0 $0x50  }
0x176: {  	v5 =	vld [tilespmem:$0x1FFA0]  }
0x177: {  	v7 =	vld [tilespmem:$0x1FFB0]  }
0x178: {  	v9 =	vld [tilespmem:$0x1FFC0]  }
0x179: {  	s9 =	sshll.u32 s3, $0x8;
	s10 =	sshll.u32 s3, $0x7;
	v11 =	vld [tilespmem:$0x1FFD0]  }
0x17a: {  	v26 =	vld [tilespmem:$0x1FFE0];
	s22 =	sand.u32 $0xFFFFF800, s9;
	s31 =	sand.u32 $0x380, s10  }
0x17b: {  	v27 =	vld [tilespmem:$0x1FFF0];
	s22 =	sor.u32 s31, s22  }
0x17c: {  	v4 =	vld [tilespmem:s22+$0x5000]  }
0x17d: {  	v6 =	vld [tilespmem:s22+$0x5010]  }
0x17e: {  	v8 =	vld [tilespmem:s22+$0x5020]  }
0x17f: {  	v10 =	vld [tilespmem:s22+$0x5030]  }
0x180: {  	v39 =	vld [tilespmem:s22+$0x5040]  }
0x181: {  	v41 =	vld [tilespmem:s22+$0x5050]  }
0x182: {  	vm0 =	vlt.s32 v19, $0xFF;
	v43 =	vld [tilespmem:s22+$0x5060]  }
0x183: {  	v0 =	vnsel vm0, $0xFF, v19;
	v45 =	vld [tilespmem:s22+$0x5070]  }
0x184: {  	v2 =	vshll.u32 v0, $0x8;
	v0 =	vshll.u32 v0, $0x7;
	v47 =	vld [tilespmem:s22+$0x5400]  }
0x185: {  	v2 =	vand.u32 $0xFFFFF800, v2;
	v0 =	vand.u32 $0x380, v0;
	v49 =	vld [tilespmem:s22+$0x5410]  }
0x186: {  	v51 =	vld [tilespmem:s22+$0x5420];
	v0 =	vor.u32 v0, v2;
	v2 =	vlaneseq.u32  }
0x187: {  	v19 =	vor.u32 v2, v0;
	v2 =	vld [tilespmem:$0x1FF80]  }
0x188: {  	v53 =	vld [tilespmem:s22+$0x5430];
	v22 =	vor.u32 v5, v0  }
0x189: {  	v55 =	vld [tilespmem:s22+$0x5440];
	v23 =	vor.u32 v7, v0  }
0x18a: {  	v56 =	vld [tilespmem:s22+$0x5450];
	v24 =	vor.u32 v9, v0  }
0x18b: {  	v58 =	vld [tilespmem:s22+$0x5460];
	v25 =	vor.u32 v11, v0  }
0x18c: {  	v26 =	vor.u32 v26, v0;
	v20 =	vor.u32 v2, v0;
	v2 =	vld [tilespmem:$0x1FF90]  }
0x18d: {  	v27 =	vor.u32 v27, v0;
	v62 =	vld.idx.msk [tilespmem:v22+s20+$0x0], $0xffff  }
0x18e: {  	v28 =	vor.u32 v12, v0;
	v63 =	vld.idx.msk [tilespmem:v23+s20+$0x0], $0xffff  }
0x18f: {  	v29 =	vor.u32 v13, v0;
	v40 =	vld.idx.msk [tilespmem:v24+s20+$0x0], $0xffff  }
0x190: {  	v30 =	vor.u32 v14, v0;
	v42 =	vld.idx.msk [tilespmem:v25+s20+$0x0], $0xffff  }
0x191: {  	v31 =	vor.u32 v15, v0;
	v44 =	vld.idx.msk [tilespmem:v26+s20+$0x0], $0xffff  }
0x192: {  	v33 =	vor.u32 v17, v0;
	v46 =	vld.idx.msk [tilespmem:v27+s20+$0x0], $0xffff  }
0x193: {  	v48 =	vld.idx.msk [tilespmem:v28+s20+$0x0], $0xffff  }
0x194: {  	v34 =	vor.u32 v18, v0;
	v50 =	vld.idx.msk [tilespmem:v29+s20+$0x0], $0xffff  }
0x195: {  	v52 =	vld.idx.msk [tilespmem:v30+s20+$0x0], $0xffff  }
0x196: {  	v32 =	vor.u32 v16, v0;
	v54 =	vld.idx.msk [tilespmem:v31+s20+$0x0], $0xffff  }
0x197: {  	v57 =	vld.idx.msk [tilespmem:v33+s20+$0x0], $0xffff;
	v21 =	vor.u32 v2, v0  }
0x198: {  	v2 =	vld.idx.msk [tilespmem:v19+s20+$0x0], $0xffff  }
0x199: {  	v59 =	vld.idx.msk [tilespmem:v34+s20+$0x0], $0xffff  }
0x19a: {  	v5 =	vld.idx.msk [tilespmem:v20+s20+$0x0], $0xffff  }
0x19b: {  	v0 =	vld.idx.msk [tilespmem:v32+s20+$0x0], $0xffff  }
0x19c: {  	s31 =	sadd.s32 $0x1, s3;
	v61 =	vld.idx.msk [tilespmem:v21+s20+$0x0], $0xffff  }
0x19d: {  	p1 =	sge.s32 s31, s0;
	v35 =	vmax.f32 v2, v4;
	v2 =	vld [tilespmem:s22+$0x5470]  }
.Ltmp17:
0x19e: {  	v38 =	vmax.f32 v62, v10;
	v39 =	vmax.f32 v63, v39;
	v40 =	vmax.f32 v40, v41;
	(pc) =	sbr.rel @p1 .LBB2_28-.Ltmp17, $4  }
0x19f: {  	v41 =	vmax.f32 v42, v43;
	v42 =	vmax.f32 v44, v45;
	v43 =	vmax.f32 v46, v47  }
0x1a0: {  	v45 =	vmax.f32 v48, v49;
	v46 =	vmax.f32 v50, v51;
	v47 =	vmax.f32 v52, v53  }
0x1a1: {  	v48 =	vmax.f32 v54, v55;
	v50 =	vmax.f32 v57, v58;
	v36 =	vmax.f32 v5, v6  }
0x1a2: {  	v49 =	vmax.f32 v0, v56;
	v37 =	vmax.f32 v61, v8;
	v44 =	vmax.f32 v59, v2  }
0x1a3: {  	s7 =	sadd.s32 s7, s8  }
0x1a4: {  	s7 =	sadd.s32 $0x80000000, s7  }
0x1a5: {  	p1 =	slt.s32 s7, $0x50  }
0x1a6: {  	s3 =	sxor.u32 $0xFFFFFFFF, s3;
	s7 =	simm.s32 @!p1 $0x50  }
0x1a7: {  	s3 =	sadd.s32 s7, s3  }
0x1a8: {  	p2 =	sne.s32 s3, $0x1  }
.Ltmp18:
0x1a9: {  	_ = 	snop;
	(pc) =	sbr.rel @!p2 .LBB2_23-.Ltmp18, $4  }
0x1aa: {  	_ = 	snop  }
0x1ab: {  	s8 =	sadd.s32 $0x80, s10  }
0x1ac: {  	s31 =	sand.u32 $0x380, s8;
	s7 =	sadd.s32 $0x100, s9  }
0x1ad: {  	p1 =	por $0x0, $0x0;
	s10 =	sand.u32 $0xFFFFF800, s7;
	s9 =	sadd.s32 $0xFFFFFFFF, s3  }
0x1ae: {  	s3 =	sor.u32 s31, s10  }
0x1af: {  	v0 =	vld [tilespmem:s3+$0x5470]  }
0x1b0: {  	v2 =	vld [tilespmem:s3+$0x5000]  }
0x1b1: {  	v4 =	vld [tilespmem:s3+$0x5010]  }
0x1b2: {  	v5 =	vld [tilespmem:s3+$0x5020]  }
0x1b3: {  	v6 =	vld [tilespmem:s3+$0x5030]  }
0x1b4: {  	v7 =	vld [tilespmem:s3+$0x5040]  }
0x1b5: {  	v8 =	vld [tilespmem:s3+$0x5050]  }
0x1b6: {  	v9 =	vld [tilespmem:s3+$0x5060]  }
0x1b7: {  	v10 =	vld [tilespmem:s3+$0x5070]  }
0x1b8: {  	p2 =	sne.s32 s9, $0x1;
	v11 =	vld [tilespmem:s3+$0x5400]  }
.Ltmp19:
0x1b9: {  	v56 =	vld [tilespmem:s3+$0x5410];
	(pc) =	sbr.rel @!p2 .LBB2_25-.Ltmp19, $4  }
0x1ba: {  	v51 =	vmovc v45;
	v52 =	vmov v46;
	v53 =	vmov v47;
	v57 =	vld [tilespmem:s3+$0x5420];
	v44 =	vmax.f32 v44, v0  }
0x1bb: {  	v54 =	vmovc v48;
	v59 =	vld [tilespmem:s3+$0x5430];
	v35 =	vmax.f32 v35, v2;
	v36 =	vmax.f32 v36, v4;
	v37 =	vmax.f32 v37, v5  }
0x1bc: {  	s7 =	sadd.s32 $0x100, s7;
	s8 =	sadd.s32 $0x80, s8;
	s9 =	sadd.s32 $0xFFFFFFFF, s9;
	v55 =	vmovc v49;
	v60 =	vld [tilespmem:s3+$0x5440];
	v38 =	vmax.f32 v38, v6;
	v39 =	vmax.f32 v39, v7;
	v40 =	vmax.f32 v40, v8  }
0x1bd: {  	p1 =	por $0x1, $0x1;
	v58 =	vmovc v50;
	s10 =	sand.u32 $0xFFFFF800, s7;
	s31 =	sand.u32 $0x380, s8;
	v61 =	vld [tilespmem:s3+$0x5450];
	v41 =	vmax.f32 v41, v9;
	v42 =	vmax.f32 v42, v10;
	v43 =	vmax.f32 v43, v11  }
.LBB2_26:
0x1be: {  	p2 =	sne.s32 s9, $0x1;
	v51 =	vmax.f32 v51, v56;
	v0 =	vld [tilespmem:s3+$0x5460];
	s3 =	sor.u32 s31, s10  }
0x1bf: {  	v52 =	vmax.f32 v52, v57;
	v2 =	vld [tilespmem:s3+$0x5470]  }
0x1c0: {  	v53 =	vmax.f32 v53, v59;
	v4 =	vld [tilespmem:s3+$0x5000]  }
0x1c1: {  	v54 =	vmax.f32 v54, v60;
	v5 =	vld [tilespmem:s3+$0x5010]  }
0x1c2: {  	v55 =	vmax.f32 v55, v61;
	v6 =	vld [tilespmem:s3+$0x5020]  }
0x1c3: {  	v7 =	vld [tilespmem:s3+$0x5030];
	v58 =	vmax.f32 v58, v0  }
0x1c4: {  	v0 =	vld [tilespmem:s3+$0x5040];
	v44 =	vmax.f32 v44, v2  }
0x1c5: {  	v35 =	vmax.f32 v35, v4;
	v2 =	vld [tilespmem:s3+$0x5050]  }
0x1c6: {  	v36 =	vmax.f32 v36, v5;
	v4 =	vld [tilespmem:s3+$0x5060]  }
0x1c7: {  	v37 =	vmax.f32 v37, v6;
	v5 =	vld [tilespmem:s3+$0x5070]  }
0x1c8: {  	v38 =	vmax.f32 v38, v7;
	v6 =	vld [tilespmem:s3+$0x5400]  }
.Ltmp20:
0x1c9: {  	v39 =	vmax.f32 v39, v0;
	v56 =	vld [tilespmem:s3+$0x5410];
	(pc) =	sbr.rel @p2 .LBB2_26-.Ltmp20, $4  }
0x1ca: {  	v40 =	vmax.f32 v40, v2;
	v57 =	vld [tilespmem:s3+$0x5420]  }
0x1cb: {  	v41 =	vmax.f32 v41, v4;
	v59 =	vld [tilespmem:s3+$0x5430]  }
0x1cc: {  	s8 =	sadd.s32 $0x80, s8;
	s7 =	sadd.s32 $0x100, s7;
	v42 =	vmax.f32 v42, v5;
	v60 =	vld [tilespmem:s3+$0x5440]  }
0x1cd: {  	s9 =	sadd.s32 $0xFFFFFFFF, s9;
	s10 =	sand.u32 $0xFFFFF800, s7;
	s31 =	sand.u32 $0x380, s8;
	v43 =	vmax.f32 v43, v6;
	v61 =	vld [tilespmem:s3+$0x5450]  }
.Ltmp21:
0x1ce: {  	_ = 	snop;
	(pc) =	sbr.rel .LBB2_27-.Ltmp21, $1  }
0x1cf: {  	_ =	sdelay $0x3  }
.LBB2_25:
.Ltmp22:
0x1d0: {  	(pc) =	sbr.rel .LBB2_27-.Ltmp22, $3  }
0x1d1: {  	_ =	sdelay $0x1  }
0x1d2: {  	v51 =	vmov v45  }
0x1d3: {  	v52 =	vmovc v46;
	v53 =	vmovc v47;
	v54 =	vmov v48;
	v55 =	vmov v49;
	v58 =	vmov v50  }
.LBB2_29:
0x1d4: {  	s0 =	sadd.s32 $0x4, s30  }
0x1d5: {  	p0 =	sge.u32 s0, s6  }
0x1d6: {  	s0 =	sshll.u32 @!p0 s0, $0x5  }
0x1d7: {  	s0 =	sor.u32 @!p0 s5, s0  }
0x1d8: {  	s3 =	smul.u32 @!p0 $0xA00, s0  }
0x1d9: {  	s7 =	simm.s32 @!p0 $0x0  }
0x1da: {  	s8 =	simm.s32 @!p0 $0x5000;
	s0 =	smul.u32 @!p0 $0xA, s0;
	s3 =	sadd.s32 @!p0 s1, s3  }
0x1db: {  	[tilespmem:s8], [sflag:$0x2] =	stream.linear.gather @!p0 [hbm4b:s3+s7], $0x5000, $0x38;
	[tilespmem:$0x1F180] =	vst v63  }
0x1dc: {  	s0 =	sadd.s32 @!p0 s2, s0;
	s3 =	simm.s32 @!p0 $0x1F080  }
0x1dd: {  	[tilespmem:s3], [sflag:$0x5] =	stream.linear.gather @!p0 [hbm4b:s0+s7], $0x50, $0x38;
	[tilespmem:$0x1F180] =	vst v63  }
.LBB2_30:
0x1de: {  	p0 =	sge.u32 s30, s15  }
.Ltmp23:
0x1df: {  	_ = 	snop;
	(pc) =	sbr.rel @p0 .LBB2_43-.Ltmp23, $1  }
0x1e0: {  	_ =	sdelay $0x3  }
0x1e1: {  	_ =	swait.ge [sflag:s24], $0x5000  }
.Ltmp24:
0x1e2: {  	[sflag:s24] =	ssyncset.done $0x0;
	(pc) =	sbr.rel .LBB2_32-.Ltmp24, $4  }
0x1e3: {  	[sflag:s24] =	ssyncadd.s32 $0xFFFFB000  }
0x1e4: {  	_ =	swait.ge [sflag:s25], $0x50  }
0x1e5: {  	[sflag:s25] =	ssyncset.done $0x0  }
0x1e6: {  	s0 =	simm.s32 $0x0;
	[sflag:s25] =	ssyncadd.s32 $0xFFFFFFB0  }
.LBB2_36:
0x1e7: {  	v51 =	vmov v45  }
0x1e8: {  	v52 =	vmovc v46;
	v53 =	vmovc v47;
	v54 =	vmov v48;
	v55 =	vmov v49;
	v58 =	vmov v50  }
.LBB2_40:
0x1e9: {  	s7 =	sor.u32 s31, s10;
	v0 =	vld @p1 [tilespmem:s3+$0xA460]  }
0x1ea: {  	v2 =	vld [tilespmem:s7+$0xA470]  }
0x1eb: {  	v4 =	vld [tilespmem:s7+$0xA000]  }
0x1ec: {  	v5 =	vld [tilespmem:s7+$0xA010]  }
0x1ed: {  	v6 =	vld [tilespmem:s7+$0xA020]  }
0x1ee: {  	v7 =	vld [tilespmem:s7+$0xA030]  }
0x1ef: {  	v8 =	vld [tilespmem:s7+$0xA040]  }
0x1f0: {  	v9 =	vld [tilespmem:s7+$0xA050]  }
0x1f1: {  	v10 =	vld [tilespmem:s7+$0xA060]  }
0x1f2: {  	v11 =	vld [tilespmem:s7+$0xA070]  }
0x1f3: {  	v62 =	vld [tilespmem:s7+$0xA400]  }
0x1f4: {  	v63 =	vld [tilespmem:s7+$0xA410]  }
0x1f5: {  	v51 =	vmax.f32 @p1 v51, v56;
	v56 =	vld [tilespmem:s7+$0xA420]  }
0x1f6: {  	v52 =	vmax.f32 @p1 v52, v57;
	v53 =	vmax.f32 @p1 v53, v59;
	v54 =	vmax.f32 @p1 v54, v60;
	v57 =	vld [tilespmem:s7+$0xA430]  }
0x1f7: {  	v55 =	vmax.f32 @p1 v55, v61;
	v59 =	vpsel p1, v52, v46;
	v44 =	vmax.f32 v44, v2;
	v2 =	vld [tilespmem:s7+$0xA440]  }
0x1f8: {  	v60 =	vpsel p1, v53, v47;
	v61 =	vpsel p1, v54, v48;
	v35 =	vmax.f32 v35, v4;
	v4 =	vld [tilespmem:s7+$0xA450]  }
0x1f9: {  	v0 =	vmax.f32 @p1 v58, v0;
	v58 =	vpsel p1, v51, v45;
	v36 =	vmax.f32 v36, v5;
	v5 =	vld [tilespmem:s7+$0xA460]  }
0x1fa: {  	v37 =	vmax.f32 v37, v6;
	v38 =	vmax.f32 v38, v7;
	v39 =	vmax.f32 v39, v8  }
0x1fb: {  	v40 =	vmax.f32 v40, v9;
	v41 =	vmax.f32 v41, v10;
	v42 =	vmax.f32 v42, v11  }
0x1fc: {  	v43 =	vmax.f32 v43, v62;
	v62 =	vpsel p1, v55, v49;
	v0 =	vpsel p1, v0, v50  }
0x1fd: {  	v45 =	vmax.f32 v58, v63;
	v46 =	vmax.f32 v59, v56;
	v47 =	vmax.f32 v60, v57  }
0x1fe: {  	v48 =	vmax.f32 v61, v2;
	v49 =	vmax.f32 v62, v4;
	v50 =	vmax.f32 v0, v5  }
.LBB2_41:
0x1ff: {  	_ =	sdelay $0x3  }
0x200: {  	[tilespmem:v19+s20+$0x0] =	vst.idx.msk $0xffff, v35  }
0x201: {  	[tilespmem:v20+s20+$0x0] =	vst.idx.msk $0xffff, v36  }
0x202: {  	[tilespmem:v21+s20+$0x0] =	vst.idx.msk $0xffff, v37  }
0x203: {  	[tilespmem:v22+s20+$0x0] =	vst.idx.msk $0xffff, v38  }
0x204: {  	[tilespmem:v23+s20+$0x0] =	vst.idx.msk $0xffff, v39  }
0x205: {  	[tilespmem:v24+s20+$0x0] =	vst.idx.msk $0xffff, v40  }
0x206: {  	[tilespmem:v25+s20+$0x0] =	vst.idx.msk $0xffff, v41  }
0x207: {  	[tilespmem:v26+s20+$0x0] =	vst.idx.msk $0xffff, v42  }
0x208: {  	[tilespmem:v27+s20+$0x0] =	vst.idx.msk $0xffff, v43  }
0x209: {  	[tilespmem:v28+s20+$0x0] =	vst.idx.msk $0xffff, v45  }
0x20a: {  	[tilespmem:v29+s20+$0x0] =	vst.idx.msk $0xffff, v46  }
.Ltmp25:
0x20b: {  	[tilespmem:v30+s20+$0x0] =	vst.idx.msk $0xffff, v47;
	(pc) =	sbr.rel @!p0 .LBB2_42-.Ltmp25, $4  }
0x20c: {  	[tilespmem:v31+s20+$0x0] =	vst.idx.msk $0xffff, v48  }
0x20d: {  	[tilespmem:v32+s20+$0x0] =	vst.idx.msk $0xffff, v49  }
0x20e: {  	[tilespmem:v33+s20+$0x0] =	vst.idx.msk $0xffff, v50  }
0x20f: {  	[tilespmem:v34+s20+$0x0] =	vst.idx.msk $0xffff, v44  }
.LBB2_32:
0x210: {  	v0 =	vmov s0;
	_ =	sdelay $0x4  }
0x211: {  	s3 =	smov.u32 s0;
	v19 =	vld.idx.msk [tilespmem:v0+s17+$0x0], $0xffff  }
.LBB2_33:
0x212: {  	v0 =	vld [tilespmem:s0+$0x1F100];
	_ =	sdelay $0x4  }
0x213: {  	vm0 =	veq.s32 v0, v19  }
0x214: {  	v0 =	vnsel vm0, $0x80000000, v3  }
0x215: {  	(xrf0) =	vmax.scan.msk.u32 $0xffff, v0;
	_ =	sdelay $0x5  }
0x216: {  	v0, _, _ =	vpop (xrf0)  }
0x217: {  	(v2sf) =	vpush v0, $0xF;
	_ =	sdelay $0xe  }
0x218: {  	s8 =	spop (v2sf)  }
0x219: {  	s31 =	sadd.s32 s8, s0  }
0x21a: {  	s7 =	smov.u32 s0;
	s0 =	sadd.s32 $0x80000000, s31  }
0x21b: {  	p1 =	sgt.s32 s0, $0x4F  }
0x21c: {  	p2 =	seq.s32 @!p1 s8, $0x80000010  }
0x21d: {  	p1 =	por p1, !p2  }
.Ltmp26:
0x21e: {  	_ = 	snop;
	(pc) =	sbr.rel @!p1 .LBB2_33-.Ltmp26, $3  }
0x21f: {  	_ =	sdelay $0x1  }
0x220: {  	p0 =	slt.s32 s0, $0x50  }
0x221: {  	s0 =	simm.s32 @!p0 $0x50  }
0x222: {  	v5 =	vld [tilespmem:$0x1FFA0]  }
0x223: {  	v7 =	vld [tilespmem:$0x1FFB0]  }
0x224: {  	v9 =	vld [tilespmem:$0x1FFC0]  }
0x225: {  	s9 =	sshll.u32 s3, $0x8;
	s10 =	sshll.u32 s3, $0x7;
	v11 =	vld [tilespmem:$0x1FFD0]  }
0x226: {  	v26 =	vld [tilespmem:$0x1FFE0];
	s22 =	sand.u32 $0xFFFFF800, s9;
	s31 =	sand.u32 $0x380, s10  }
0x227: {  	v27 =	vld [tilespmem:$0x1FFF0];
	s22 =	sor.u32 s31, s22  }
0x228: {  	v4 =	vld [tilespmem:s22+$0xA000]  }
0x229: {  	v6 =	vld [tilespmem:s22+$0xA010]  }
0x22a: {  	v8 =	vld [tilespmem:s22+$0xA020]  }
0x22b: {  	v10 =	vld [tilespmem:s22+$0xA030]  }
0x22c: {  	v39 =	vld [tilespmem:s22+$0xA040]  }
0x22d: {  	v41 =	vld [tilespmem:s22+$0xA050]  }
0x22e: {  	vm0 =	vlt.s32 v19, $0xFF;
	v43 =	vld [tilespmem:s22+$0xA060]  }
0x22f: {  	v0 =	vnsel vm0, $0xFF, v19;
	v45 =	vld [tilespmem:s22+$0xA070]  }
0x230: {  	v2 =	vshll.u32 v0, $0x8;
	v0 =	vshll.u32 v0, $0x7;
	v47 =	vld [tilespmem:s22+$0xA400]  }
0x231: {  	v2 =	vand.u32 $0xFFFFF800, v2;
	v0 =	vand.u32 $0x380, v0;
	v49 =	vld [tilespmem:s22+$0xA410]  }
0x232: {  	v51 =	vld [tilespmem:s22+$0xA420];
	v0 =	vor.u32 v0, v2;
	v2 =	vlaneseq.u32  }
0x233: {  	v19 =	vor.u32 v2, v0;
	v2 =	vld [tilespmem:$0x1FF80]  }
0x234: {  	v53 =	vld [tilespmem:s22+$0xA430];
	v22 =	vor.u32 v5, v0  }
0x235: {  	v55 =	vld [tilespmem:s22+$0xA440];
	v23 =	vor.u32 v7, v0  }
0x236: {  	v56 =	vld [tilespmem:s22+$0xA450];
	v24 =	vor.u32 v9, v0  }
0x237: {  	v58 =	vld [tilespmem:s22+$0xA460];
	v25 =	vor.u32 v11, v0  }
0x238: {  	v26 =	vor.u32 v26, v0;
	v20 =	vor.u32 v2, v0;
	v2 =	vld [tilespmem:$0x1FF90]  }
0x239: {  	v27 =	vor.u32 v27, v0;
	v62 =	vld.idx.msk [tilespmem:v22+s20+$0x0], $0xffff  }
0x23a: {  	v28 =	vor.u32 v12, v0;
	v63 =	vld.idx.msk [tilespmem:v23+s20+$0x0], $0xffff  }
0x23b: {  	v29 =	vor.u32 v13, v0;
	v40 =	vld.idx.msk [tilespmem:v24+s20+$0x0], $0xffff  }
0x23c: {  	v30 =	vor.u32 v14, v0;
	v42 =	vld.idx.msk [tilespmem:v25+s20+$0x0], $0xffff  }
0x23d: {  	v31 =	vor.u32 v15, v0;
	v44 =	vld.idx.msk [tilespmem:v26+s20+$0x0], $0xffff  }
0x23e: {  	v33 =	vor.u32 v17, v0;
	v46 =	vld.idx.msk [tilespmem:v27+s20+$0x0], $0xffff  }
0x23f: {  	v48 =	vld.idx.msk [tilespmem:v28+s20+$0x0], $0xffff  }
0x240: {  	v34 =	vor.u32 v18, v0;
	v50 =	vld.idx.msk [tilespmem:v29+s20+$0x0], $0xffff  }
0x241: {  	v52 =	vld.idx.msk [tilespmem:v30+s20+$0x0], $0xffff  }
0x242: {  	v32 =	vor.u32 v16, v0;
	v54 =	vld.idx.msk [tilespmem:v31+s20+$0x0], $0xffff  }
0x243: {  	v57 =	vld.idx.msk [tilespmem:v33+s20+$0x0], $0xffff;
	v21 =	vor.u32 v2, v0  }
0x244: {  	v2 =	vld.idx.msk [tilespmem:v19+s20+$0x0], $0xffff  }
0x245: {  	v59 =	vld.idx.msk [tilespmem:v34+s20+$0x0], $0xffff  }
0x246: {  	v5 =	vld.idx.msk [tilespmem:v20+s20+$0x0], $0xffff  }
0x247: {  	v0 =	vld.idx.msk [tilespmem:v32+s20+$0x0], $0xffff  }
0x248: {  	s31 =	sadd.s32 $0x1, s3;
	v61 =	vld.idx.msk [tilespmem:v21+s20+$0x0], $0xffff  }
0x249: {  	p1 =	sge.s32 s31, s0;
	v35 =	vmax.f32 v2, v4;
	v2 =	vld [tilespmem:s22+$0xA470]  }
.Ltmp27:
0x24a: {  	v38 =	vmax.f32 v62, v10;
	v39 =	vmax.f32 v63, v39;
	v40 =	vmax.f32 v40, v41;
	(pc) =	sbr.rel @p1 .LBB2_41-.Ltmp27, $4  }
0x24b: {  	v41 =	vmax.f32 v42, v43;
	v42 =	vmax.f32 v44, v45;
	v43 =	vmax.f32 v46, v47  }
0x24c: {  	v45 =	vmax.f32 v48, v49;
	v46 =	vmax.f32 v50, v51;
	v47 =	vmax.f32 v52, v53  }
0x24d: {  	v48 =	vmax.f32 v54, v55;
	v50 =	vmax.f32 v57, v58;
	v36 =	vmax.f32 v5, v6  }
0x24e: {  	v49 =	vmax.f32 v0, v56;
	v37 =	vmax.f32 v61, v8;
	v44 =	vmax.f32 v59, v2  }
0x24f: {  	s7 =	sadd.s32 s7, s8  }
0x250: {  	s7 =	sadd.s32 $0x80000000, s7  }
0x251: {  	p1 =	slt.s32 s7, $0x50  }
0x252: {  	s3 =	sxor.u32 $0xFFFFFFFF, s3;
	s7 =	simm.s32 @!p1 $0x50  }
0x253: {  	s3 =	sadd.s32 s7, s3  }
0x254: {  	p2 =	sne.s32 s3, $0x1  }
.Ltmp28:
0x255: {  	_ = 	snop;
	(pc) =	sbr.rel @!p2 .LBB2_36-.Ltmp28, $4  }
0x256: {  	_ = 	snop  }
0x257: {  	s8 =	sadd.s32 $0x80, s10  }
0x258: {  	s31 =	sand.u32 $0x380, s8;
	s7 =	sadd.s32 $0x100, s9  }
0x259: {  	p1 =	por $0x0, $0x0;
	s10 =	sand.u32 $0xFFFFF800, s7;
	s9 =	sadd.s32 $0xFFFFFFFF, s3  }
0x25a: {  	s3 =	sor.u32 s31, s10  }
0x25b: {  	v0 =	vld [tilespmem:s3+$0xA470]  }
0x25c: {  	v2 =	vld [tilespmem:s3+$0xA000]  }
0x25d: {  	v4 =	vld [tilespmem:s3+$0xA010]  }
0x25e: {  	v5 =	vld [tilespmem:s3+$0xA020]  }
0x25f: {  	v6 =	vld [tilespmem:s3+$0xA030]  }
0x260: {  	v7 =	vld [tilespmem:s3+$0xA040]  }
0x261: {  	v8 =	vld [tilespmem:s3+$0xA050]  }
0x262: {  	v9 =	vld [tilespmem:s3+$0xA060]  }
0x263: {  	v10 =	vld [tilespmem:s3+$0xA070]  }
0x264: {  	p2 =	sne.s32 s9, $0x1;
	v11 =	vld [tilespmem:s3+$0xA400]  }
.Ltmp29:
0x265: {  	v56 =	vld [tilespmem:s3+$0xA410];
	(pc) =	sbr.rel @!p2 .LBB2_38-.Ltmp29, $4  }
0x266: {  	v51 =	vmovc v45;
	v52 =	vmov v46;
	v53 =	vmov v47;
	v57 =	vld [tilespmem:s3+$0xA420];
	v44 =	vmax.f32 v44, v0  }
0x267: {  	v54 =	vmovc v48;
	v59 =	vld [tilespmem:s3+$0xA430];
	v35 =	vmax.f32 v35, v2;
	v36 =	vmax.f32 v36, v4;
	v37 =	vmax.f32 v37, v5  }
0x268: {  	s7 =	sadd.s32 $0x100, s7;
	s8 =	sadd.s32 $0x80, s8;
	s9 =	sadd.s32 $0xFFFFFFFF, s9;
	v55 =	vmovc v49;
	v60 =	vld [tilespmem:s3+$0xA440];
	v38 =	vmax.f32 v38, v6;
	v39 =	vmax.f32 v39, v7;
	v40 =	vmax.f32 v40, v8  }
0x269: {  	p1 =	por $0x1, $0x1;
	v58 =	vmovc v50;
	s10 =	sand.u32 $0xFFFFF800, s7;
	s31 =	sand.u32 $0x380, s8;
	v61 =	vld [tilespmem:s3+$0xA450];
	v41 =	vmax.f32 v41, v9;
	v42 =	vmax.f32 v42, v10;
	v43 =	vmax.f32 v43, v11  }
.LBB2_39:
0x26a: {  	p2 =	sne.s32 s9, $0x1;
	v51 =	vmax.f32 v51, v56;
	v0 =	vld [tilespmem:s3+$0xA460];
	s3 =	sor.u32 s31, s10  }
0x26b: {  	v52 =	vmax.f32 v52, v57;
	v2 =	vld [tilespmem:s3+$0xA470]  }
0x26c: {  	v53 =	vmax.f32 v53, v59;
	v4 =	vld [tilespmem:s3+$0xA000]  }
0x26d: {  	v54 =	vmax.f32 v54, v60;
	v5 =	vld [tilespmem:s3+$0xA010]  }
0x26e: {  	v55 =	vmax.f32 v55, v61;
	v6 =	vld [tilespmem:s3+$0xA020]  }
0x26f: {  	v7 =	vld [tilespmem:s3+$0xA030];
	v58 =	vmax.f32 v58, v0  }
0x270: {  	v0 =	vld [tilespmem:s3+$0xA040];
	v44 =	vmax.f32 v44, v2  }
0x271: {  	v35 =	vmax.f32 v35, v4;
	v2 =	vld [tilespmem:s3+$0xA050]  }
0x272: {  	v36 =	vmax.f32 v36, v5;
	v4 =	vld [tilespmem:s3+$0xA060]  }
0x273: {  	v37 =	vmax.f32 v37, v6;
	v5 =	vld [tilespmem:s3+$0xA070]  }
0x274: {  	v38 =	vmax.f32 v38, v7;
	v6 =	vld [tilespmem:s3+$0xA400]  }
.Ltmp30:
0x275: {  	v39 =	vmax.f32 v39, v0;
	v56 =	vld [tilespmem:s3+$0xA410];
	(pc) =	sbr.rel @p2 .LBB2_39-.Ltmp30, $4  }
0x276: {  	v40 =	vmax.f32 v40, v2;
	v57 =	vld [tilespmem:s3+$0xA420]  }
0x277: {  	v41 =	vmax.f32 v41, v4;
	v59 =	vld [tilespmem:s3+$0xA430]  }
0x278: {  	s8 =	sadd.s32 $0x80, s8;
	s7 =	sadd.s32 $0x100, s7;
	v42 =	vmax.f32 v42, v5;
	v60 =	vld [tilespmem:s3+$0xA440]  }
0x279: {  	s9 =	sadd.s32 $0xFFFFFFFF, s9;
	s10 =	sand.u32 $0xFFFFF800, s7;
	s31 =	sand.u32 $0x380, s8;
	v43 =	vmax.f32 v43, v6;
	v61 =	vld [tilespmem:s3+$0xA450]  }
.Ltmp31:
0x27a: {  	_ = 	snop;
	(pc) =	sbr.rel .LBB2_40-.Ltmp31, $1  }
0x27b: {  	_ =	sdelay $0x3  }
.LBB2_38:
.Ltmp32:
0x27c: {  	(pc) =	sbr.rel .LBB2_40-.Ltmp32, $3  }
0x27d: {  	_ =	sdelay $0x1  }
0x27e: {  	v51 =	vmov v45  }
0x27f: {  	v52 =	vmovc v46;
	v53 =	vmovc v47;
	v54 =	vmov v48;
	v55 =	vmov v49;
	v58 =	vmov v50  }
.LBB2_44:
0x280: {  	s0 =	simm.s32 $0x0  }
0x281: {  	[hbm4b:s14+s0] =	stream.linear.scatter [tilespmem:s20], [sflag:$0x1], $0x1000, $0x38;
	[tilespmem:$0x1F180] =	vst v63  }
0x282: {  	s3 =	rddreg [dreg:$0xa];
	s7 =	simm.s32 $0x10000  }
0x283: {  	[hbm4b:s3+s0] =	stream.linear.scatter [tilespmem:s7], [sflag:$0x1], $0x1000, $0x38;
	[tilespmem:$0x1F180] =	vst v63  }
0x284: {  	s8 =	rddreg [dreg:$0xb];
	s9 =	simm.s32 $0x11000  }
0x285: {  	[hbm4b:s8+s0] =	stream.linear.scatter [tilespmem:s9], [sflag:$0x1], $0x1000, $0x38;
	[tilespmem:$0x1F180] =	vst v63  }
0x286: {  	s10 =	rddreg [dreg:$0xc];
	s22 =	simm.s32 $0x12000  }
0x287: {  	[hbm4b:s10+s0] =	stream.linear.scatter [tilespmem:s22], [sflag:$0x1], $0x1000, $0x38;
	[tilespmem:$0x1F180] =	vst v63  }
0x288: {  	s8 =	rddreg [dreg:$0xd];
	s9 =	simm.s32 $0x13000  }
0x289: {  	[hbm4b:s8+s0] =	stream.linear.scatter [tilespmem:s9], [sflag:$0x1], $0x1000, $0x38;
	[tilespmem:$0x1F180] =	vst v63  }
0x28a: {  	s10 =	rddreg [dreg:$0xe];
	s22 =	simm.s32 $0x14000  }
0x28b: {  	[hbm4b:s10+s0] =	stream.linear.scatter [tilespmem:s22], [sflag:$0x1], $0x1000, $0x38;
	[tilespmem:$0x1F180] =	vst v63  }
0x28c: {  	s8 =	rddreg [dreg:$0xf];
	s9 =	simm.s32 $0x15000  }
0x28d: {  	[hbm4b:s8+s0] =	stream.linear.scatter [tilespmem:s9], [sflag:$0x1], $0x1000, $0x38;
	[tilespmem:$0x1F180] =	vst v63  }
0x28e: {  	s10 =	rddreg [dreg:$0x11];
	s22 =	simm.s32 $0x16000  }
0x28f: {  	[hbm4b:s10+s0] =	stream.linear.scatter [tilespmem:s22], [sflag:$0x1], $0x1000, $0x38;
	[tilespmem:$0x1F180] =	vst v63  }
0x290: {  	s8 =	rddreg [dreg:$0x14];
	s9 =	simm.s32 $0x17000  }
0x291: {  	[hbm4b:s8+s0] =	stream.linear.scatter [tilespmem:s9], [sflag:$0x1], $0x1000, $0x38;
	[tilespmem:$0x1F180] =	vst v63  }
0x292: {  	s10 =	rddreg [dreg:$0x15];
	s22 =	simm.s32 $0x18000  }
0x293: {  	[hbm4b:s10+s0] =	stream.linear.scatter [tilespmem:s22], [sflag:$0x1], $0x1000, $0x38;
	[tilespmem:$0x1F180] =	vst v63  }
0x294: {  	s8 =	rddreg [dreg:$0x16];
	s9 =	simm.s32 $0x19000  }
0x295: {  	[hbm4b:s8+s0] =	stream.linear.scatter [tilespmem:s9], [sflag:$0x1], $0x1000, $0x38;
	[tilespmem:$0x1F180] =	vst v63  }
0x296: {  	s10 =	rddreg [dreg:$0x17];
	s22 =	simm.s32 $0x1A000  }
0x297: {  	[hbm4b:s10+s0] =	stream.linear.scatter [tilespmem:s22], [sflag:$0x1], $0x1000, $0x38;
	[tilespmem:$0x1F180] =	vst v63  }
0x298: {  	s8 =	rddreg [dreg:$0x18];
	s9 =	simm.s32 $0x1B000  }
0x299: {  	[hbm4b:s8+s0] =	stream.linear.scatter [tilespmem:s9], [sflag:$0x1], $0x1000, $0x38;
	[tilespmem:$0x1F180] =	vst v63  }
0x29a: {  	s10 =	rddreg [dreg:$0x19];
	s22 =	simm.s32 $0x1C000  }
0x29b: {  	[hbm4b:s10+s0] =	stream.linear.scatter [tilespmem:s22], [sflag:$0x1], $0x1000, $0x38;
	[tilespmem:$0x1F180] =	vst v63  }
0x29c: {  	s8 =	rddreg [dreg:$0x1a];
	s9 =	simm.s32 $0x1D000  }
0x29d: {  	[hbm4b:s8+s0] =	stream.linear.scatter [tilespmem:s9], [sflag:$0x1], $0x1000, $0x38;
	[tilespmem:$0x1F180] =	vst v63  }
0x29e: {  	s10 =	rddreg [dreg:$0x1b];
	s22 =	simm.s32 $0x1E000  }
0x29f: {  	[hbm4b:s10+s0] =	stream.linear.scatter [tilespmem:s22], [sflag:$0x1], $0x1000, $0x38;
	[tilespmem:$0x1F180] =	vst v63  }
0x2a0: {  	_ =	swait.ge [sflag:s18], $0x1000  }
0x2a1: {  	[sflag:s18] =	ssyncset.done $0x0  }
0x2a2: {  	[sflag:s18] =	ssyncadd.s32 $0xFFFFF000  }
0x2a3: {  	_ =	swait.ge [sflag:s18], $0x1000  }
0x2a4: {  	[sflag:s18] =	ssyncset.done $0x0  }
0x2a5: {  	[sflag:s18] =	ssyncadd.s32 $0xFFFFF000  }
0x2a6: {  	_ =	swait.ge [sflag:s18], $0x1000  }
0x2a7: {  	[sflag:s18] =	ssyncset.done $0x0  }
0x2a8: {  	[sflag:s18] =	ssyncadd.s32 $0xFFFFF000  }
0x2a9: {  	_ =	swait.ge [sflag:s18], $0x1000  }
0x2aa: {  	[sflag:s18] =	ssyncset.done $0x0  }
0x2ab: {  	[sflag:s18] =	ssyncadd.s32 $0xFFFFF000  }
0x2ac: {  	_ =	swait.ge [sflag:s18], $0x1000  }
0x2ad: {  	[sflag:s18] =	ssyncset.done $0x0  }
0x2ae: {  	[sflag:s18] =	ssyncadd.s32 $0xFFFFF000  }
0x2af: {  	_ =	swait.ge [sflag:s18], $0x1000  }
0x2b0: {  	[sflag:s18] =	ssyncset.done $0x0  }
0x2b1: {  	[sflag:s18] =	ssyncadd.s32 $0xFFFFF000  }
0x2b2: {  	_ =	swait.ge [sflag:s18], $0x1000  }
0x2b3: {  	[sflag:s18] =	ssyncset.done $0x0  }
0x2b4: {  	[sflag:s18] =	ssyncadd.s32 $0xFFFFF000  }
0x2b5: {  	_ =	swait.ge [sflag:s18], $0x1000  }
0x2b6: {  	[sflag:s18] =	ssyncset.done $0x0  }
0x2b7: {  	[sflag:s18] =	ssyncadd.s32 $0xFFFFF000  }
0x2b8: {  	_ =	swait.ge [sflag:s18], $0x1000  }
0x2b9: {  	[sflag:s18] =	ssyncset.done $0x0  }
0x2ba: {  	[sflag:s18] =	ssyncadd.s32 $0xFFFFF000  }
0x2bb: {  	_ =	swait.ge [sflag:s18], $0x1000  }
0x2bc: {  	[sflag:s18] =	ssyncset.done $0x0  }
0x2bd: {  	[sflag:s18] =	ssyncadd.s32 $0xFFFFF000  }
0x2be: {  	_ =	swait.ge [sflag:s18], $0x1000  }
0x2bf: {  	[sflag:s18] =	ssyncset.done $0x0  }
0x2c0: {  	[sflag:s18] =	ssyncadd.s32 $0xFFFFF000  }
0x2c1: {  	_ =	swait.ge [sflag:s18], $0x1000  }
0x2c2: {  	[sflag:s18] =	ssyncset.done $0x0  }
0x2c3: {  	[sflag:s18] =	ssyncadd.s32 $0xFFFFF000  }
0x2c4: {  	_ =	swait.ge [sflag:s18], $0x1000  }
0x2c5: {  	[sflag:s18] =	ssyncset.done $0x0  }
0x2c6: {  	[sflag:s18] =	ssyncadd.s32 $0xFFFFF000  }
0x2c7: {  	_ =	swait.ge [sflag:s18], $0x1000  }
0x2c8: {  	[sflag:s18] =	ssyncset.done $0x0  }
0x2c9: {  	[sflag:s18] =	ssyncadd.s32 $0xFFFFF000  }
0x2ca: {  	_ =	swait.ge [sflag:s18], $0x1000  }
0x2cb: {  	[sflag:s18] =	ssyncset.done $0x0  }
0x2cc: {  	[sflag:s18] =	ssyncadd.s32 $0xFFFFF000  }
0x2cd: {  	_ =	swait.ge [sflag:s18], $0x1000  }
0x2ce: {  	[sflag:s18] =	ssyncset.done $0x0  }
0x2cf: {  	[sflag:s18] =	ssyncadd.s32 $0xFFFFF000  }
0x2d0: {  	[bflag:$0x0] =	sbarrier.arrive $0xFFFF  }
0x2d1: {  	s8 =	rddreg [dreg:$0x10]  }
0x2d2: {  	[tilespmem:s0], [sflag:$0x2] =	stream.linear.gather [hbm4b:s8+s0], $0x4000, $0x38;
	[tilespmem:$0x1F180] =	vst v63  }
0x2d3: {  	s9 =	rddreg [dreg:$0x1c]  }
0x2d4: {  	[tilespmem:s12], [sflag:$0x3] =	stream.linear.gather [hbm4b:s9+s0], $0x4000, $0x38;
	[tilespmem:$0x1F180] =	vst v63  }
0x2d5: {  	_ =	swait.ge [sflag:s21], $0x4000  }
0x2d6: {  	s10 =	sand.u32 $0x800, s0;
	s22 =	sand.u32 $0x380, s0;
	[sflag:s21] =	ssyncset.done $0x0  }
0x2d7: {  	s29 =	sor.u32 s22, s10;
	[sflag:s21] =	ssyncadd.s32 $0xFFFFC000  }
0x2d8: {  	v0 =	vld [tilespmem:s29+$0x2030]  }
0x2d9: {  	v2 =	vld [tilespmem:s29+$0x3040]  }
0x2da: {  	v4 =	vld [tilespmem:s29+$0x1030]  }
0x2db: {  	v5 =	vld [tilespmem:s29+$0x2020]  }
0x2dc: {  	v6 =	vld [tilespmem:s29+$0x1020]  }
0x2dd: {  	v7 =	vld [tilespmem:s29+$0x1040]  }
0x2de: {  	v8 =	vld [tilespmem:s29+$0x1010]  }
0x2df: {  	v9 =	vld [tilespmem:s29+$0x2040]  }
0x2e0: {  	v10 =	vld [tilespmem:s29+$0x2010]  }
0x2e1: {  	v11 =	vld [tilespmem:s29+$0x40]  }
0x2e2: {  	v19 =	vld [tilespmem:s29+$0x10]  }
0x2e3: {  	v20 =	vld [tilespmem:s29+$0x30]  }
0x2e4: {  	v21 =	vld [tilespmem:s29+$0x20]  }
0x2e5: {  	v22 =	vld [tilespmem:s29+$0x1070]  }
0x2e6: {  	v23 =	vld [tilespmem:s29+$0x1050]  }
0x2e7: {  	v24 =	vld [tilespmem:s29+$0x1060]  }
0x2e8: {  	v25 =	vld [tilespmem:s29+$0x60]  }
0x2e9: {  	v26 =	vld [tilespmem:s29+$0x2060]  }
0x2ea: {  	v27 =	vld [tilespmem:s29+$0x50]  }
0x2eb: {  	v28 =	vld [tilespmem:s29+$0x2050]  }
0x2ec: {  	v29 =	vld [tilespmem:s29+$0x3050]  }
0x2ed: {  	v30 =	vld [tilespmem:s29+$0x3060]  }
0x2ee: {  	v31 =	vld [tilespmem:s29+$0x70]  }
0x2ef: {  	v32 =	vld [tilespmem:s29+$0x2070]  }
0x2f0: {  	v33 =	vld [tilespmem:s29+$0x3070]  }
0x2f1: {  	v34 =	vld [tilespmem:s29+$0x3020]  }
0x2f2: {  	v35 =	vld [tilespmem:s29+$0x3010]  }
0x2f3: {  	v58 =	vld [tilespmem:s29+$0x3030];
	v22 =	vmax.f32 v31, v22  }
0x2f4: {  	v59 =	vld [tilespmem:s29+$0x1000];
	v6 =	vmax.f32 v21, v6;
	v22 =	vmax.f32 v22, v32  }
0x2f5: {  	v60 =	vmax.f32 v25, v24;
	v5 =	vmax.f32 v6, v5;
	v21 =	vmax.f32 v22, v33;
	v22 =	vld [tilespmem:s29+$0x0]  }
0x2f6: {  	v4 =	vmax.f32 v20, v4;
	v6 =	vmax.f32 v60, v26;
	v5 =	vmax.f32 v5, v34;
	[tilespmem:s29+$0xA070] =	vst v21;
	v21 =	vld [tilespmem:s29+$0x2000]  }
0x2f7: {  	v62 =	vld [tilespmem:s29+$0x3000];
	v23 =	vmax.f32 v27, v23;
	v0 =	vmax.f32 v4, v0;
	v6 =	vmax.f32 v6, v30;
	[tilespmem:s29+$0xA020] =	vst v5  }
0x2f8: {  	v61 =	vmax.f32 v23, v28;
	v0 =	vmax.f32 v0, v58;
	v5 =	vmax.f32 v11, v7;
	[tilespmem:s29+$0xA060] =	vst v6  }
0x2f9: {  	v63 =	vmax.f32 v19, v8;
	v7 =	vmax.f32 v61, v29;
	[tilespmem:s29+$0xA030] =	vst v0;
	v5 =	vmax.f32 v5, v9  }
0x2fa: {  	v4 =	vmax.f32 v63, v10;
	[tilespmem:s29+$0xA050] =	vst v7;
	v2 =	vmax.f32 v5, v2;
	v5 =	vmax.f32 v22, v59  }
0x2fb: {  	s0 =	sand.u32 $0xFFFFF800, s0;
	[tilespmem:s29+$0xA040] =	vst v2;
	v2 =	vmax.f32 v4, v35;
	v4 =	vmax.f32 v5, v21  }
0x2fc: {  	s0 =	sadd.s32 $0x0, s0;
	[tilespmem:s29+$0xA010] =	vst v2;
	v0 =	vmax.f32 v4, v62  }
0x2fd: {  	s3 =	sor.u32 $0x1400, s0;
	[tilespmem:s29+$0xA000] =	vst v0;
	v0 =	vld [tilespmem:s29+$0x400]  }
0x2fe: {  	s7 =	sor.u32 $0x2400, s0;
	v2 =	vld [tilespmem:s3+$0x0]  }
0x2ff: {  	s8 =	sor.u32 $0x3400, s0;
	v4 =	vld [tilespmem:s7+$0x0]  }
0x300: {  	v5 =	vld [tilespmem:s8+$0x0];
	_ =	sdelay $0x2  }
0x301: {  	v0 =	vmax.f32 v0, v2  }
0x302: {  	v19 =	vld [tilespmem:s29+$0x430];
	v0 =	vmax.f32 v0, v4  }
0x303: {  	v20 =	vld [tilespmem:s29+$0x420];
	v0 =	vmax.f32 v0, v5  }
0x304: {  	v21 =	vld [tilespmem:s29+$0x410];
	[tilespmem:s29+$0xA400] =	vst v0  }
0x305: {  	s31 =	simm.s32 $0x80;
	s0 =	simm.s32 $0x100;
	v22 =	vld [tilespmem:s3+$0x10]  }
0x306: {  	s10 =	sand.u32 $0x380, s31;
	s9 =	sand.u32 $0x800, s0;
	v23 =	vld [tilespmem:s7+$0x10]  }
0x307: {  	s30 =	sor.u32 s10, s9;
	s9 =	simm.s32 $0x200;
	v24 =	vld [tilespmem:s8+$0x10]  }
.LBB2_45:
0x308: {  	p0 =	sne.s32 s9, $0xF00;
	v0 =	vld [tilespmem:s30+$0x2030];
	s10 =	smov.u32 s9;
	s9 =	sadd.s32 $0x100, s9  }
0x309: {  	v2 =	vld [tilespmem:s30+$0x3040]  }
0x30a: {  	v4 =	vld [tilespmem:s30+$0x1030];
	v5 =	vmax.f32 v21, v22  }
0x30b: {  	v6 =	vld [tilespmem:s30+$0x2020];
	v5 =	vmax.f32 v5, v23  }
0x30c: {  	v7 =	vld [tilespmem:s30+$0x1020];
	v5 =	vmax.f32 v5, v24  }
0x30d: {  	v8 =	vld [tilespmem:s30+$0x1040];
	[tilespmem:s29+$0xA410] =	vst v5  }
0x30e: {  	v5 =	vld [tilespmem:s7+$0x20]  }
0x30f: {  	v9 =	vld [tilespmem:s3+$0x20]  }
0x310: {  	v10 =	vld [tilespmem:s30+$0x1010]  }
0x311: {  	v11 =	vld [tilespmem:s8+$0x20]  }
0x312: {  	v21 =	vld [tilespmem:s30+$0x2040]  }
0x313: {  	v22 =	vld [tilespmem:s30+$0x2010]  }
0x314: {  	v23 =	vld [tilespmem:s30+$0x40];
	v9 =	vmax.f32 v20, v9  }
0x315: {  	v20 =	vld [tilespmem:s30+$0x10];
	v5 =	vmax.f32 v9, v5  }
0x316: {  	v9 =	vld [tilespmem:s30+$0x30];
	v5 =	vmax.f32 v5, v11  }
0x317: {  	v11 =	vld [tilespmem:s30+$0x20];
	[tilespmem:s29+$0xA420] =	vst v5  }
0x318: {  	v5 =	vld [tilespmem:s8+$0x30]  }
0x319: {  	v24 =	vld [tilespmem:s3+$0x30]  }
0x31a: {  	v8 =	vmax.f32 v23, v8;
	v10 =	vmax.f32 v20, v10;
	v20 =	vld [tilespmem:s7+$0x30]  }
0x31b: {  	v8 =	vmax.f32 v8, v21;
	v10 =	vmax.f32 v10, v22;
	v4 =	vmax.f32 v9, v4;
	v9 =	vld [tilespmem:s29+$0x450]  }
0x31c: {  	v2 =	vmax.f32 v8, v2;
	v0 =	vmax.f32 v4, v0;
	v4 =	vld [tilespmem:s29+$0x440]  }
0x31d: {  	v8 =	vld [tilespmem:s30+$0x1070]  }
0x31e: {  	v7 =	vmax.f32 v11, v7;
	v11 =	vld [tilespmem:s30+$0x1050];
	v19 =	vmax.f32 v19, v24  }
0x31f: {  	v6 =	vmax.f32 v7, v6;
	v7 =	vld [tilespmem:s30+$0x1060];
	v19 =	vmax.f32 v19, v20  }
0x320: {  	v20 =	vld [tilespmem:s30+$0x60];
	v5 =	vmax.f32 v19, v5  }
0x321: {  	v19 =	vld [tilespmem:s30+$0x2060];
	[tilespmem:s29+$0xA430] =	vst v5  }
0x322: {  	v5 =	vld [tilespmem:s8+$0x40]  }
0x323: {  	v21 =	vld [tilespmem:s7+$0x40]  }
0x324: {  	v22 =	vld [tilespmem:s3+$0x40]  }
0x325: {  	v23 =	vld [tilespmem:s30+$0x50];
	v7 =	vmax.f32 v20, v7  }
0x326: {  	v20 =	vld [tilespmem:s30+$0x2050];
	v7 =	vmax.f32 v7, v19  }
0x327: {  	v19 =	vld [tilespmem:s30+$0x3050]  }
0x328: {  	v24 =	vld [tilespmem:s30+$0x3060]  }
0x329: {  	v25 =	vld [tilespmem:s30+$0x70];
	v4 =	vmax.f32 v4, v22  }
0x32a: {  	v11 =	vmax.f32 v23, v11;
	v22 =	vld [tilespmem:s30+$0x2070];
	v4 =	vmax.f32 v4, v21  }
0x32b: {  	v11 =	vmax.f32 v11, v20;
	v20 =	vld [tilespmem:s30+$0x3070];
	v4 =	vmax.f32 v4, v5  }
0x32c: {  	v5 =	vld [tilespmem:s30+$0x3020];
	v11 =	vmax.f32 v11, v19;
	[tilespmem:s29+$0xA440] =	vst v4  }
0x32d: {  	v4 =	vmax.f32 v7, v24;
	v7 =	vld [tilespmem:s3+$0x50]  }
0x32e: {  	v8 =	vmax.f32 v25, v8;
	v19 =	vld [tilespmem:s7+$0x50]  }
0x32f: {  	v8 =	vmax.f32 v8, v22;
	v21 =	vld [tilespmem:s8+$0x50]  }
0x330: {  	v8 =	vmax.f32 v8, v20;
	_ =	sdelay $0x1  }
0x331: {  	v7 =	vmax.f32 v9, v7  }
0x332: {  	v5 =	vmax.f32 v6, v5;
	v6 =	vmax.f32 v7, v19  }
0x333: {  	v6 =	vmax.f32 v6, v21;
	v7 =	vld [tilespmem:s29+$0x460]  }
0x334: {  	v9 =	vld [tilespmem:s30+$0x3010];
	[tilespmem:s29+$0xA450] =	vst v6  }
0x335: {  	v6 =	vld [tilespmem:s3+$0x60]  }
0x336: {  	v19 =	vld [tilespmem:s7+$0x60]  }
0x337: {  	v20 =	vld [tilespmem:s8+$0x60];
	_ =	sdelay $0x1  }
0x338: {  	v9 =	vmax.f32 v10, v9  }
0x339: {  	v6 =	vmax.f32 v7, v6  }
0x33a: {  	v6 =	vmax.f32 v6, v19  }
0x33b: {  	v6 =	vmax.f32 v6, v20;
	v7 =	vld [tilespmem:s29+$0x470]  }
0x33c: {  	v10 =	vld [tilespmem:s30+$0x3030];
	[tilespmem:s29+$0xA460] =	vst v6  }
0x33d: {  	v6 =	vld [tilespmem:s3+$0x70]  }
0x33e: {  	v19 =	vld [tilespmem:s7+$0x70]  }
0x33f: {  	v20 =	vld [tilespmem:s8+$0x70]  }
0x340: {  	v21 =	vld [tilespmem:s30+$0x1000]  }
0x341: {  	v22 =	vld [tilespmem:s30+$0x0];
	[tilespmem:s30+$0xA070] =	vst v8  }
0x342: {  	v8 =	vld [tilespmem:s30+$0x2000];
	[tilespmem:s30+$0xA020] =	vst v5;
	v5 =	vmax.f32 v7, v6  }
0x343: {  	v6 =	vld [tilespmem:s30+$0x3000];
	[tilespmem:s30+$0xA060] =	vst v4;
	v4 =	vmax.f32 v5, v19  }
0x344: {  	[tilespmem:s30+$0xA050] =	vst v11;
	v4 =	vmax.f32 v4, v20  }
0x345: {  	[tilespmem:s29+$0xA470] =	vst v4;
	s29 =	smov.u32 s30  }
0x346: {  	v0 =	vmax.f32 v0, v10;
	v4 =	vmax.f32 v22, v21;
	[tilespmem:s29+$0xA040] =	vst v2  }
0x347: {  	s3 =	sand.u32 $0xFFFFF800, s0;
	s0 =	smov.u32 s10;
	v2 =	vmax.f32 v4, v8;
	[tilespmem:s29+$0xA030] =	vst v0  }
0x348: {  	s8 =	sadd.s32 s3, s31;
	v0 =	vmax.f32 v2, v6;
	[tilespmem:s29+$0xA010] =	vst v9  }
0x349: {  	s3 =	sor.u32 $0x1400, s8;
	[tilespmem:s29+$0xA000] =	vst v0;
	v0 =	vld [tilespmem:s29+$0x400]  }
0x34a: {  	s7 =	sor.u32 $0x2400, s8;
	v2 =	vld [tilespmem:s3+$0x0]  }
0x34b: {  	s8 =	sor.u32 $0x3400, s8;
	v4 =	vld [tilespmem:s7+$0x0]  }
0x34c: {  	v5 =	vld [tilespmem:s8+$0x0];
	_ =	sdelay $0x2  }
0x34d: {  	v0 =	vmax.f32 v0, v2  }
0x34e: {  	v0 =	vmax.f32 v0, v4;
	v19 =	vld [tilespmem:s29+$0x430]  }
.Ltmp33:
0x34f: {  	v0 =	vmax.f32 v0, v5;
	v20 =	vld [tilespmem:s29+$0x420];
	(pc) =	sbr.rel @p0 .LBB2_45-.Ltmp33, $4  }
0x350: {  	[tilespmem:s29+$0xA400] =	vst v0;
	v21 =	vld [tilespmem:s29+$0x410]  }
0x351: {  	s31 =	sadd.s32 $0x80, s31;
	v22 =	vld [tilespmem:s3+$0x10]  }
0x352: {  	s10 =	sand.u32 $0x800, s0;
	s22 =	sand.u32 $0x380, s31;
	v23 =	vld [tilespmem:s7+$0x10]  }
0x353: {  	s30 =	sor.u32 s22, s10;
	v24 =	vld [tilespmem:s8+$0x10]  }
0x354: {  	v0 =	vld [tilespmem:s30+$0x2030]  }
0x355: {  	v2 =	vld [tilespmem:s30+$0x3040]  }
0x356: {  	v4 =	vld [tilespmem:s30+$0x1030]  }
0x357: {  	v6 =	vld [tilespmem:s30+$0x2020];
	v5 =	vmax.f32 v21, v22  }
0x358: {  	v7 =	vld [tilespmem:s30+$0x1020];
	v5 =	vmax.f32 v5, v23  }
0x359: {  	v8 =	vld [tilespmem:s30+$0x1040];
	v5 =	vmax.f32 v5, v24  }
0x35a: {  	v26 =	vld [tilespmem:s29+$0x450];
	[tilespmem:s29+$0xA410] =	vst v5  }
0x35b: {  	v5 =	vld [tilespmem:s7+$0x20]  }
0x35c: {  	v9 =	vld [tilespmem:s3+$0x20]  }
0x35d: {  	v10 =	vld [tilespmem:s30+$0x1010]  }
0x35e: {  	v11 =	vld [tilespmem:s8+$0x20]  }
0x35f: {  	v21 =	vld [tilespmem:s30+$0x2040]  }
0x360: {  	v22 =	vld [tilespmem:s30+$0x2010]  }
0x361: {  	v23 =	vld [tilespmem:s30+$0x40];
	v9 =	vmax.f32 v20, v9  }
0x362: {  	v63 =	vld [tilespmem:s30+$0x30];
	v5 =	vmax.f32 v9, v5  }
0x363: {  	v42 =	vld [tilespmem:s30+$0x20];
	v5 =	vmax.f32 v5, v11  }
0x364: {  	v20 =	vld [tilespmem:s30+$0x10];
	[tilespmem:s29+$0xA420] =	vst v5  }
0x365: {  	v24 =	vld [tilespmem:s3+$0x30]  }
0x366: {  	v25 =	vld [tilespmem:s7+$0x30]  }
0x367: {  	v5 =	vld [tilespmem:s8+$0x30]  }
0x368: {  	v27 =	vld [tilespmem:s29+$0x440]  }
0x369: {  	v28 =	vld [tilespmem:s30+$0x1070]  }
0x36a: {  	v29 =	vld [tilespmem:s30+$0x1050];
	v19 =	vmax.f32 v19, v24  }
0x36b: {  	v24 =	vld [tilespmem:s30+$0x1060];
	v19 =	vmax.f32 v19, v25  }
0x36c: {  	v25 =	vld [tilespmem:s30+$0x60];
	v5 =	vmax.f32 v19, v5  }
0x36d: {  	v19 =	vld [tilespmem:s30+$0x2060];
	[tilespmem:s29+$0xA430] =	vst v5  }
0x36e: {  	v5 =	vld [tilespmem:s8+$0x40]  }
0x36f: {  	v30 =	vld [tilespmem:s7+$0x40]  }
0x370: {  	v31 =	vld [tilespmem:s3+$0x40]  }
0x371: {  	v32 =	vld [tilespmem:s30+$0x50]  }
0x372: {  	v33 =	vld [tilespmem:s30+$0x2050]  }
0x373: {  	v34 =	vld [tilespmem:s30+$0x3050]  }
0x374: {  	v35 =	vld [tilespmem:s30+$0x3060]  }
0x375: {  	v36 =	vld [tilespmem:s30+$0x70];
	v27 =	vmax.f32 v27, v31  }
0x376: {  	v31 =	vld [tilespmem:s30+$0x2070];
	v27 =	vmax.f32 v27, v30  }
0x377: {  	v30 =	vld [tilespmem:s30+$0x3070];
	v5 =	vmax.f32 v27, v5  }
0x378: {  	v27 =	vld [tilespmem:s30+$0x3020];
	[tilespmem:s29+$0xA440] =	vst v5  }
0x379: {  	v5 =	vld [tilespmem:s3+$0x50]  }
0x37a: {  	v37 =	vld [tilespmem:s7+$0x50]  }
0x37b: {  	v38 =	vld [tilespmem:s8+$0x50];
	_ =	sdelay $0x2  }
0x37c: {  	v5 =	vmax.f32 v26, v5  }
0x37d: {  	v5 =	vmax.f32 v5, v37  }
0x37e: {  	v43 =	vld [tilespmem:s30+$0x3010];
	v5 =	vmax.f32 v5, v38  }
0x37f: {  	v26 =	vld [tilespmem:s29+$0x460];
	[tilespmem:s29+$0xA450] =	vst v5  }
0x380: {  	v5 =	vld [tilespmem:s3+$0x60]  }
0x381: {  	v44 =	vld [tilespmem:s7+$0x60]  }
0x382: {  	v39 =	vld [tilespmem:s8+$0x60];
	_ =	sdelay $0x2  }
0x383: {  	v5 =	vmax.f32 v26, v5  }
0x384: {  	v5 =	vmax.f32 v5, v44  }
0x385: {  	v45 =	vld [tilespmem:s30+$0x3030];
	v5 =	vmax.f32 v5, v39  }
0x386: {  	v26 =	vld [tilespmem:s29+$0x470];
	[tilespmem:s29+$0xA460] =	vst v5  }
0x387: {  	v5 =	vld [tilespmem:s3+$0x70]  }
0x388: {  	v7 =	vmax.f32 v42, v7;
	v28 =	vmax.f32 v36, v28;
	v46 =	vld [tilespmem:s7+$0x70]  }
0x389: {  	v8 =	vmax.f32 v23, v8;
	v4 =	vmax.f32 v63, v4;
	v28 =	vmax.f32 v28, v31;
	v47 =	vld [tilespmem:s8+$0x70]  }
0x38a: {  	v6 =	vmax.f32 v7, v6;
	v49 =	vmax.f32 v25, v24;
	v48 =	vmax.f32 v28, v30;
	v31 =	vld [tilespmem:s30+$0x1000]  }
0x38b: {  	v52 =	vmax.f32 v8, v21;
	v7 =	vmax.f32 v49, v19;
	v6 =	vmax.f32 v6, v27;
	v28 =	vld [tilespmem:s30+$0x0];
	[tilespmem:s30+$0xA070] =	vst v48  }
0x38c: {  	v0 =	vmax.f32 v4, v0;
	v19 =	vmax.f32 v32, v29;
	v7 =	vmax.f32 v7, v35;
	v50 =	vld [tilespmem:s30+$0x2000];
	[tilespmem:s30+$0xA020] =	vst v6  }
0x38d: {  	v2 =	vmax.f32 v52, v2;
	v51 =	vmax.f32 v19, v33;
	v19 =	vld [tilespmem:s30+$0x3000];
	[tilespmem:s30+$0xA060] =	vst v7;
	v5 =	vmax.f32 v26, v5  }
0x38e: {  	v0 =	vmax.f32 v0, v45;
	[tilespmem:s30+$0xA040] =	vst v2;
	v5 =	vmax.f32 v5, v46  }
0x38f: {  	v53 =	vmax.f32 v20, v10;
	[tilespmem:s30+$0xA030] =	vst v0;
	v5 =	vmax.f32 v5, v47  }
0x390: {  	v4 =	vmax.f32 v53, v22;
	v6 =	vmax.f32 v51, v34;
	[tilespmem:s29+$0xA470] =	vst v5;
	v5 =	vmax.f32 v28, v31  }
0x391: {  	s0 =	sand.u32 $0xFFFFF800, s0;
	v2 =	vmax.f32 v4, v43;
	[tilespmem:s30+$0xA050] =	vst v6;
	v4 =	vmax.f32 v5, v50  }
0x392: {  	s0 =	sadd.s32 s0, s31;
	[tilespmem:s30+$0xA010] =	vst v2;
	v0 =	vmax.f32 v4, v19  }
0x393: {  	s9 =	sor.u32 $0x1400, s0;
	[tilespmem:s30+$0xA000] =	vst v0;
	v0 =	vld [tilespmem:s30+$0x400]  }
0x394: {  	s10 =	sor.u32 $0x2400, s0;
	v2 =	vld [tilespmem:s9+$0x0]  }
0x395: {  	s0 =	sor.u32 $0x3400, s0;
	v4 =	vld [tilespmem:s10+$0x0]  }
0x396: {  	v5 =	vld [tilespmem:s0+$0x0];
	_ =	sdelay $0x2  }
0x397: {  	v0 =	vmax.f32 v0, v2  }
0x398: {  	v0 =	vmax.f32 v0, v4  }
0x399: {  	v0 =	vmax.f32 v0, v5  }
0x39a: {  	[tilespmem:s30+$0xA400] =	vst v0;
	v0 =	vld [tilespmem:s30+$0x410]  }
0x39b: {  	v5 =	vld [tilespmem:s9+$0x10]  }
0x39c: {  	v54 =	vld [tilespmem:s10+$0x10]  }
0x39d: {  	v55 =	vld [tilespmem:s0+$0x10];
	_ =	sdelay $0x2  }
0x39e: {  	v0 =	vmax.f32 v0, v5  }
0x39f: {  	v0 =	vmax.f32 v0, v54  }
0x3a0: {  	v0 =	vmax.f32 v0, v55  }
0x3a1: {  	v4 =	vld [tilespmem:s30+$0x420];
	[tilespmem:s30+$0xA410] =	vst v0  }
0x3a2: {  	v0 =	vld [tilespmem:s9+$0x20]  }
0x3a3: {  	v5 =	vld [tilespmem:s10+$0x20]  }
0x3a4: {  	v56 =	vld [tilespmem:s0+$0x20];
	_ =	sdelay $0x2  }
0x3a5: {  	v0 =	vmax.f32 v4, v0  }
0x3a6: {  	v0 =	vmax.f32 v0, v5  }
0x3a7: {  	v0 =	vmax.f32 v0, v56  }
0x3a8: {  	v2 =	vld [tilespmem:s30+$0x430];
	[tilespmem:s30+$0xA420] =	vst v0  }
0x3a9: {  	v0 =	vld [tilespmem:s9+$0x30]  }
0x3aa: {  	v4 =	vld [tilespmem:s10+$0x30]  }
0x3ab: {  	v5 =	vld [tilespmem:s0+$0x30];
	_ =	sdelay $0x2  }
0x3ac: {  	v0 =	vmax.f32 v2, v0  }
0x3ad: {  	v0 =	vmax.f32 v0, v4  }
0x3ae: {  	v0 =	vmax.f32 v0, v5  }
0x3af: {  	v4 =	vld [tilespmem:s30+$0x440];
	[tilespmem:s30+$0xA430] =	vst v0  }
0x3b0: {  	v0 =	vld [tilespmem:s9+$0x40]  }
0x3b1: {  	v5 =	vld [tilespmem:s10+$0x40]  }
0x3b2: {  	v57 =	vld [tilespmem:s0+$0x40];
	_ =	sdelay $0x2  }
0x3b3: {  	v0 =	vmax.f32 v4, v0  }
0x3b4: {  	v0 =	vmax.f32 v0, v5  }
0x3b5: {  	v0 =	vmax.f32 v0, v57  }
0x3b6: {  	v2 =	vld [tilespmem:s30+$0x450];
	[tilespmem:s30+$0xA440] =	vst v0  }
0x3b7: {  	v0 =	vld [tilespmem:s9+$0x50]  }
0x3b8: {  	v4 =	vld [tilespmem:s10+$0x50]  }
0x3b9: {  	v5 =	vld [tilespmem:s0+$0x50];
	_ =	sdelay $0x2  }
0x3ba: {  	v0 =	vmax.f32 v2, v0  }
0x3bb: {  	v0 =	vmax.f32 v0, v4  }
0x3bc: {  	v0 =	vmax.f32 v0, v5  }
0x3bd: {  	v2 =	vld [tilespmem:s30+$0x460];
	[tilespmem:s30+$0xA450] =	vst v0  }
0x3be: {  	v0 =	vld [tilespmem:s9+$0x60]  }
0x3bf: {  	v4 =	vld [tilespmem:s10+$0x60]  }
0x3c0: {  	v5 =	vld [tilespmem:s0+$0x60];
	_ =	sdelay $0x2  }
0x3c1: {  	v0 =	vmax.f32 v2, v0  }
0x3c2: {  	v0 =	vmax.f32 v0, v4  }
0x3c3: {  	v0 =	vmax.f32 v0, v5  }
0x3c4: {  	v2 =	vld [tilespmem:s30+$0x470];
	[tilespmem:s30+$0xA460] =	vst v0  }
0x3c5: {  	v0 =	vld [tilespmem:s9+$0x70]  }
0x3c6: {  	v4 =	vld [tilespmem:s10+$0x70]  }
0x3c7: {  	v5 =	vld [tilespmem:s0+$0x70];
	_ =	sdelay $0x2  }
0x3c8: {  	v0 =	vmax.f32 v2, v0  }
0x3c9: {  	v0 =	vmax.f32 v0, v4  }
0x3ca: {  	v0 =	vmax.f32 v0, v5  }
0x3cb: {  	s22 =	simm.s32 $0x0;
	s8 =	rddreg [dreg:$0x1d];
	[tilespmem:s30+$0xA470] =	vst v0  }
0x3cc: {  	[tilespmem:s22], [sflag:$0x2] =	stream.linear.gather [hbm4b:s8+s22], $0x4000, $0x38;
	[tilespmem:$0x1F180] =	vst v63  }
0x3cd: {  	_ =	swait.ge [sflag:s24], $0x4000  }
0x3ce: {  	s9 =	sand.u32 $0x800, s22;
	s10 =	sand.u32 $0x380, s22;
	[sflag:s24] =	ssyncset.done $0x0  }
0x3cf: {  	s29 =	sor.u32 s10, s9;
	[sflag:s24] =	ssyncadd.s32 $0xFFFFC000  }
0x3d0: {  	v0 =	vld [tilespmem:s29+$0x8070]  }
0x3d1: {  	v2 =	vld [tilespmem:s29+$0x6050]  }
0x3d2: {  	v4 =	vld [tilespmem:s29+$0x5050]  }
0x3d3: {  	v5 =	vld [tilespmem:s29+$0x6000]  }
0x3d4: {  	v58 =	vld [tilespmem:s29+$0x7000]  }
0x3d5: {  	v59 =	vld [tilespmem:s29+$0x8000]  }
0x3d6: {  	v60 =	vld [tilespmem:s29+$0x5020]  }
0x3d7: {  	v61 =	vld [tilespmem:s29+$0x6020]  }
0x3d8: {  	v62 =	vld [tilespmem:s29+$0x7020]  }
0x3d9: {  	v63 =	vld [tilespmem:s29+$0x7030]  }
0x3da: {  	v21 =	vld [tilespmem:s29+$0x6030]  }
0x3db: {  	v22 =	vld [tilespmem:s29+$0x5030]  }
0x3dc: {  	v23 =	vld [tilespmem:s29+$0x8030]  }
0x3dd: {  	v24 =	vld [tilespmem:s29+$0x6040]  }
0x3de: {  	v25 =	vld [tilespmem:s29+$0x5040]  }
0x3df: {  	v26 =	vld [tilespmem:s29+$0xA030]  }
0x3e0: {  	v27 =	vld [tilespmem:s29+$0x8050]  }
0x3e1: {  	v28 =	vld [tilespmem:s29+$0x7060]  }
0x3e2: {  	v29 =	vld [tilespmem:s29+$0x6060]  }
0x3e3: {  	v30 =	vld [tilespmem:s29+$0x5060]  }
0x3e4: {  	v31 =	vld [tilespmem:s29+$0x7050]  }
0x3e5: {  	v45 =	vld [tilespmem:s29+$0x7040]  }
0x3e6: {  	v46 =	vld [tilespmem:s29+$0x8060]  }
0x3e7: {  	v47 =	vld [tilespmem:s29+$0x8040]  }
0x3e8: {  	v48 =	vld [tilespmem:s29+$0x7070]  }
0x3e9: {  	v19 =	vld [tilespmem:s29+$0x6010]  }
0x3ea: {  	v20 =	vld [tilespmem:s29+$0x5010]  }
0x3eb: {  	v49 =	vld [tilespmem:s29+$0x6070]  }
0x3ec: {  	v50 =	vld [tilespmem:s29+$0x7010]  }
0x3ed: {  	v51 =	vld [tilespmem:s29+$0x5000]  }
0x3ee: {  	v52 =	vld [tilespmem:s29+$0x8010]  }
0x3ef: {  	v40 =	vld [tilespmem:s29+$0x5070]  }
0x3f0: {  	v41 =	vld [tilespmem:s29+$0xA000]  }
0x3f1: {  	v42 =	vld [tilespmem:s29+$0xA010]  }
0x3f2: {  	v53 =	vld [tilespmem:s29+$0x8020]  }
0x3f3: {  	v54 =	vld [tilespmem:s29+$0xA020];
	v5 =	vmax.f32 v51, v5  }
0x3f4: {  	v19 =	vmax.f32 v20, v19;
	v57 =	vmax.f32 v22, v21;
	v22 =	vld [tilespmem:s29+$0x5430];
	v5 =	vmax.f32 v5, v58  }
0x3f5: {  	v21 =	vld [tilespmem:s29+$0xA450];
	v20 =	vmax.f32 v19, v50;
	v5 =	vmax.f32 v5, v59  }
0x3f6: {  	v58 =	vld [tilespmem:s29+$0xA040];
	v56 =	vmax.f32 v20, v52;
	v5 =	vmax.f32 v5, v41  }
0x3f7: {  	v19 =	vld [tilespmem:s29+$0x5450];
	[tilespmem:s29+$0xA000] =	vst v5;
	v5 =	vmax.f32 v56, v42  }
0x3f8: {  	v55 =	vmax.f32 v60, v61;
	v59 =	vmax.f32 v25, v24;
	[tilespmem:s29+$0xA010] =	vst v5;
	v5 =	vld [tilespmem:s29+$0xA050]  }
0x3f9: {  	v2 =	vmax.f32 v4, v2;
	v7 =	vmax.f32 v55, v62;
	v62 =	vld [tilespmem:s29+$0xA060];
	v61 =	vmax.f32 v59, v45  }
0x3fa: {  	v9 =	vmax.f32 v57, v63;
	v63 =	vld [tilespmem:s29+$0xA070];
	v2 =	vmax.f32 v2, v31;
	v4 =	vmax.f32 v61, v47  }
0x3fb: {  	v20 =	vld [tilespmem:s29+$0x5440];
	v7 =	vmax.f32 v7, v53;
	v9 =	vmax.f32 v9, v23;
	v4 =	vmax.f32 v4, v58  }
0x3fc: {  	v2 =	vmax.f32 v2, v27;
	v24 =	vld [tilespmem:s29+$0x5400];
	v6 =	vmax.f32 v7, v54;
	[tilespmem:s29+$0xA040] =	vst v4;
	v4 =	vmax.f32 v30, v29  }
0x3fd: {  	v23 =	vld [tilespmem:s29+$0xA440];
	[tilespmem:s29+$0xA020] =	vst v6;
	v4 =	vmax.f32 v4, v28;
	v2 =	vmax.f32 v2, v5;
	v5 =	vmax.f32 v40, v49  }
0x3fe: {  	v25 =	vld [tilespmem:s29+$0xA430];
	v60 =	vmax.f32 v9, v26;
	[tilespmem:s29+$0xA050] =	vst v2;
	v2 =	vmax.f32 v4, v46;
	v4 =	vmax.f32 v5, v48  }
0x3ff: {  	s0 =	sand.u32 $0xFFFFF800, s22;
	v26 =	vld [tilespmem:s29+$0x5420];
	[tilespmem:s29+$0xA030] =	vst v60;
	v2 =	vmax.f32 v2, v62;
	v0 =	vmax.f32 v4, v0  }
0x400: {  	s22 =	sadd.s32 $0x0, s0;
	v30 =	vld [tilespmem:s29+$0x5410];
	[tilespmem:s29+$0xA060] =	vst v2;
	v0 =	vmax.f32 v0, v63  }
0x401: {  	s0 =	sor.u32 $0x1400, s22;
	v28 =	vld [tilespmem:s29+$0xA400];
	[tilespmem:s29+$0xA070] =	vst v0  }
0x402: {  	s30 =	sor.u32 $0x2400, s22;
	v27 =	vld [tilespmem:s0+$0x5000]  }
0x403: {  	s31 =	sor.u32 $0x3400, s22;
	v29 =	vld [tilespmem:s30+$0x5000]  }
0x404: {  	s3 =	simm.s32 $0x80;
	s10 =	simm.s32 $0x100;
	v31 =	vld [tilespmem:s31+$0x5000]  }
.LBB2_47:
0x405: {  	s8 =	sand.u32 $0x800, s10  }
0x406: {  	s22 =	sand.u32 $0x380, s3;
	v0 =	vld [tilespmem:s29+$0xA420];
	s9 =	smov.u32 s10;
	s7 =	sadd.s32 $0x100, s10  }
0x407: {  	p0 =	sne.s32 s10, $0xF00;
	s8 =	sor.u32 s22, s8;
	v2 =	vmax.f32 v24, v27;
	v4 =	vld [tilespmem:s29+$0xA410]  }
0x408: {  	v27 =	vld [tilespmem:s8+$0x8070];
	v2 =	vmax.f32 v2, v29  }
0x409: {  	v5 =	vld [tilespmem:s8+$0x6050];
	v2 =	vmax.f32 v2, v31  }
0x40a: {  	v6 =	vld [tilespmem:s8+$0x5050];
	v2 =	vmax.f32 v2, v28  }
0x40b: {  	v28 =	vld [tilespmem:s8+$0x6000];
	[tilespmem:s29+$0xA400] =	vst v2  }
0x40c: {  	v2 =	vld [tilespmem:s0+$0x5010]  }
0x40d: {  	v7 =	vld [tilespmem:s30+$0x5010]  }
0x40e: {  	v8 =	vld [tilespmem:s31+$0x5010]  }
0x40f: {  	v29 =	vld [tilespmem:s8+$0x7000]  }
0x410: {  	v5 =	vmax.f32 v6, v5;
	v24 =	vld [tilespmem:s8+$0x8000]  }
0x411: {  	v6 =	vld [tilespmem:s8+$0x5020];
	v2 =	vmax.f32 v30, v2  }
0x412: {  	v9 =	vld [tilespmem:s8+$0x6020];
	v2 =	vmax.f32 v2, v7  }
0x413: {  	v7 =	vld [tilespmem:s8+$0x7020];
	v2 =	vmax.f32 v2, v8  }
0x414: {  	v8 =	vld [tilespmem:s8+$0x7030];
	v2 =	vmax.f32 v2, v4  }
0x415: {  	v4 =	vld [tilespmem:s8+$0x6030];
	[tilespmem:s29+$0xA410] =	vst v2  }
0x416: {  	v2 =	vld [tilespmem:s0+$0x5020]  }
0x417: {  	v6 =	vmax.f32 v6, v9;
	v9 =	vld [tilespmem:s8+$0x5030]  }
0x418: {  	v6 =	vmax.f32 v6, v7;
	v7 =	vld [tilespmem:s30+$0x5020]  }
0x419: {  	v10 =	vld [tilespmem:s31+$0x5020]  }
0x41a: {  	v11 =	vld [tilespmem:s8+$0x8030]  }
0x41b: {  	v30 =	vld [tilespmem:s8+$0xA060];
	v2 =	vmax.f32 v26, v2  }
0x41c: {  	v26 =	vld [tilespmem:s8+$0x6040]  }
0x41d: {  	v4 =	vmax.f32 v9, v4;
	v9 =	vld [tilespmem:s8+$0x5040];
	v2 =	vmax.f32 v2, v7  }
0x41e: {  	v4 =	vmax.f32 v4, v8;
	v7 =	vld [tilespmem:s8+$0xA030];
	v2 =	vmax.f32 v2, v10  }
0x41f: {  	v4 =	vmax.f32 v4, v11;
	v8 =	vld [tilespmem:s8+$0x8050];
	v0 =	vmax.f32 v2, v0  }
0x420: {  	v2 =	vld [tilespmem:s8+$0x7060];
	[tilespmem:s29+$0xA420] =	vst v0  }
0x421: {  	v0 =	vld [tilespmem:s0+$0x5030]  }
0x422: {  	v9 =	vmax.f32 v9, v26;
	v10 =	vld [tilespmem:s30+$0x5030]  }
0x423: {  	v26 =	vmax.f32 v4, v7;
	v4 =	vld [tilespmem:s31+$0x5030]  }
0x424: {  	v7 =	vld [tilespmem:s8+$0x6060]  }
0x425: {  	v11 =	vld [tilespmem:s8+$0x5060]  }
0x426: {  	v31 =	vld [tilespmem:s8+$0x7050];
	v0 =	vmax.f32 v22, v0  }
0x427: {  	v22 =	vld [tilespmem:s8+$0x7040];
	v0 =	vmax.f32 v0, v10  }
0x428: {  	v10 =	vld [tilespmem:s8+$0x8060];
	v0 =	vmax.f32 v0, v4  }
0x429: {  	v4 =	vld [tilespmem:s8+$0x8040];
	v0 =	vmax.f32 v0, v25  }
0x42a: {  	v25 =	vld [tilespmem:s8+$0xA040];
	[tilespmem:s29+$0xA430] =	vst v0  }
0x42b: {  	v0 =	vmax.f32 v5, v31;
	v5 =	vmax.f32 v11, v7;
	v7 =	vld [tilespmem:s0+$0x5040]  }
0x42c: {  	v9 =	vmax.f32 v9, v22;
	v2 =	vmax.f32 v5, v2;
	v5 =	vld [tilespmem:s30+$0x5040]  }
0x42d: {  	v2 =	vmax.f32 v2, v10;
	v10 =	vld [tilespmem:s31+$0x5040]  }
0x42e: {  	v0 =	vmax.f32 v0, v8;
	v4 =	vmax.f32 v9, v4;
	v8 =	vld [tilespmem:s8+$0x7070]  }
0x42f: {  	v9 =	vld [tilespmem:s8+$0x6010];
	v4 =	vmax.f32 v4, v25  }
0x430: {  	v11 =	vld [tilespmem:s8+$0x5010];
	v7 =	vmax.f32 v20, v7  }
0x431: {  	v2 =	vmax.f32 v2, v30;
	v20 =	vld [tilespmem:s8+$0x6070];
	v5 =	vmax.f32 v7, v5  }
0x432: {  	v7 =	vld [tilespmem:s8+$0x7010];
	v5 =	vmax.f32 v5, v10  }
0x433: {  	v10 =	vld [tilespmem:s8+$0x8010];
	v5 =	vmax.f32 v5, v23  }
0x434: {  	v22 =	vld [tilespmem:s8+$0x5070];
	[tilespmem:s29+$0xA440] =	vst v5  }
0x435: {  	v5 =	vmax.f32 v11, v9;
	v9 =	vld [tilespmem:s0+$0x5050]  }
0x436: {  	v11 =	vld [tilespmem:s30+$0x5050]  }
0x437: {  	v5 =	vmax.f32 v5, v7;
	v7 =	vld [tilespmem:s31+$0x5050]  }
0x438: {  	v23 =	vld [tilespmem:s8+$0x5000];
	v5 =	vmax.f32 v5, v10  }
0x439: {  	v10 =	vld [tilespmem:s8+$0x8020]  }
0x43a: {  	v20 =	vmax.f32 v22, v20;
	v9 =	vmax.f32 v19, v9  }
0x43b: {  	v8 =	vmax.f32 v20, v8;
	v9 =	vmax.f32 v9, v11  }
0x43c: {  	v8 =	vmax.f32 v8, v27;
	v7 =	vmax.f32 v9, v7  }
0x43d: {  	v9 =	vmax.f32 v23, v28;
	v7 =	vmax.f32 v7, v21;
	v11 =	vld [tilespmem:s29+$0x5460]  }
0x43e: {  	v9 =	vmax.f32 v9, v29;
	v6 =	vmax.f32 v6, v10;
	[tilespmem:s29+$0xA450] =	vst v7;
	v7 =	vld [tilespmem:s29+$0xA460]  }
0x43f: {  	v10 =	vld [tilespmem:s8+$0xA050]  }
0x440: {  	v19 =	vld [tilespmem:s0+$0x5060]  }
0x441: {  	v20 =	vld [tilespmem:s30+$0x5060]  }
0x442: {  	v21 =	vld [tilespmem:s31+$0x5060]  }
0x443: {  	v22 =	vld [tilespmem:s8+$0xA000];
	_ =	sdelay $0x1  }
0x444: {  	v0 =	vmax.f32 v0, v10;
	v10 =	vmax.f32 v11, v19;
	v11 =	vld [tilespmem:s29+$0x5470]  }
0x445: {  	v19 =	vld [tilespmem:s8+$0x5450];
	v10 =	vmax.f32 v10, v20  }
0x446: {  	v9 =	vmax.f32 v9, v24;
	v20 =	vld [tilespmem:s8+$0x5440];
	v10 =	vmax.f32 v10, v21  }
0x447: {  	v9 =	vmax.f32 v9, v22;
	v21 =	vld [tilespmem:s8+$0xA010];
	v7 =	vmax.f32 v10, v7  }
0x448: {  	v10 =	vld [tilespmem:s8+$0xA020];
	[tilespmem:s29+$0xA460] =	vst v7  }
0x449: {  	v7 =	vld [tilespmem:s0+$0x5070]  }
0x44a: {  	v23 =	vld [tilespmem:s30+$0x5070]  }
0x44b: {  	v24 =	vld [tilespmem:s31+$0x5070]  }
0x44c: {  	[tilespmem:s8+$0xA000] =	vst v9;
	v5 =	vmax.f32 v5, v21;
	v9 =	vld [tilespmem:s29+$0xA470]  }
0x44d: {  	[tilespmem:s8+$0xA010] =	vst v5;
	v5 =	vmax.f32 v6, v10;
	v22 =	vld [tilespmem:s8+$0x5430]  }
0x44e: {  	[tilespmem:s8+$0xA020] =	vst v5;
	v5 =	vld [tilespmem:s8+$0xA070];
	v6 =	vmax.f32 v11, v7  }
0x44f: {  	[tilespmem:s8+$0xA030] =	vst v26;
	v26 =	vld [tilespmem:s8+$0x5420];
	v6 =	vmax.f32 v6, v23  }
0x450: {  	[tilespmem:s8+$0xA040] =	vst v4;
	v30 =	vld [tilespmem:s8+$0x5410];
	v4 =	vmax.f32 v6, v24  }
0x451: {  	[tilespmem:s8+$0xA050] =	vst v0;
	v24 =	vld [tilespmem:s8+$0x5400];
	v0 =	vmax.f32 v4, v9  }
0x452: {  	s0 =	sand.u32 $0xFFFFF800, s9;
	[tilespmem:s8+$0xA060] =	vst v2;
	v21 =	vld [tilespmem:s8+$0xA450]  }
0x453: {  	s9 =	sadd.s32 s0, s3;
	v2 =	vmax.f32 v8, v5;
	v23 =	vld [tilespmem:s8+$0xA440];
	[tilespmem:s29+$0xA470] =	vst v0;
	s29 =	smov.u32 s8  }
.Ltmp34:
0x454: {  	s0 =	sor.u32 $0x1400, s9;
	[tilespmem:s29+$0xA070] =	vst v2;
	v25 =	vld [tilespmem:s29+$0xA430];
	(pc) =	sbr.rel @p0 .LBB2_47-.Ltmp34, $4  }
0x455: {  	s30 =	sor.u32 $0x2400, s9;
	v27 =	vld [tilespmem:s0+$0x5000]  }
0x456: {  	s31 =	sor.u32 $0x3400, s9;
	v29 =	vld [tilespmem:s30+$0x5000]  }
0x457: {  	v31 =	vld [tilespmem:s31+$0x5000]  }
0x458: {  	s10 =	smov.u32 s7;
	s3 =	sadd.s32 $0x80, s3;
	v28 =	vld [tilespmem:s29+$0xA400]  }
0x459: {  	_ = 	snop  }
0x45a: {  	v0 =	vmax.f32 v24, v27  }
0x45b: {  	v0 =	vmax.f32 v0, v29  }
0x45c: {  	v0 =	vmax.f32 v0, v31  }
0x45d: {  	v0 =	vmax.f32 v0, v28  }
0x45e: {  	[tilespmem:s29+$0xA400] =	vst v0  }
0x45f: {  	v0 =	vld [tilespmem:s0+$0x5010]  }
0x460: {  	v5 =	vld [tilespmem:s30+$0x5010]  }
0x461: {  	v6 =	vld [tilespmem:s31+$0x5010]  }
0x462: {  	v4 =	vld [tilespmem:s29+$0xA410];
	_ =	sdelay $0x1  }
0x463: {  	v0 =	vmax.f32 v30, v0  }
0x464: {  	v0 =	vmax.f32 v0, v5  }
0x465: {  	v0 =	vmax.f32 v0, v6  }
0x466: {  	v0 =	vmax.f32 v0, v4  }
0x467: {  	[tilespmem:s29+$0xA410] =	vst v0  }
0x468: {  	v0 =	vld [tilespmem:s0+$0x5020]  }
0x469: {  	v4 =	vld [tilespmem:s30+$0x5020]  }
0x46a: {  	v5 =	vld [tilespmem:s31+$0x5020]  }
0x46b: {  	v2 =	vld [tilespmem:s29+$0xA420];
	_ =	sdelay $0x1  }
0x46c: {  	v0 =	vmax.f32 v26, v0  }
0x46d: {  	v0 =	vmax.f32 v0, v4  }
0x46e: {  	v0 =	vmax.f32 v0, v5  }
0x46f: {  	v0 =	vmax.f32 v0, v2  }
0x470: {  	[tilespmem:s29+$0xA420] =	vst v0  }
0x471: {  	v0 =	vld [tilespmem:s0+$0x5030]  }
0x472: {  	v2 =	vld [tilespmem:s30+$0x5030]  }
0x473: {  	v4 =	vld [tilespmem:s31+$0x5030];
	_ =	sdelay $0x2  }
0x474: {  	v0 =	vmax.f32 v22, v0  }
0x475: {  	v0 =	vmax.f32 v0, v2  }
0x476: {  	v0 =	vmax.f32 v0, v4  }
0x477: {  	v0 =	vmax.f32 v0, v25  }
0x478: {  	[tilespmem:s29+$0xA430] =	vst v0  }
0x479: {  	v0 =	vld [tilespmem:s0+$0x5040]  }
0x47a: {  	v2 =	vld [tilespmem:s30+$0x5040]  }
0x47b: {  	v4 =	vld [tilespmem:s31+$0x5040];
	_ =	sdelay $0x2  }
0x47c: {  	v0 =	vmax.f32 v20, v0  }
0x47d: {  	v0 =	vmax.f32 v0, v2  }
0x47e: {  	v0 =	vmax.f32 v0, v4  }
0x47f: {  	v0 =	vmax.f32 v0, v23  }
0x480: {  	[tilespmem:s29+$0xA440] =	vst v0  }
0x481: {  	v0 =	vld [tilespmem:s0+$0x5050]  }
0x482: {  	v2 =	vld [tilespmem:s30+$0x5050]  }
0x483: {  	v4 =	vld [tilespmem:s31+$0x5050];
	_ =	sdelay $0x2  }
0x484: {  	v0 =	vmax.f32 v19, v0  }
0x485: {  	v0 =	vmax.f32 v0, v2  }
0x486: {  	v0 =	vmax.f32 v0, v4  }
0x487: {  	v0 =	vmax.f32 v0, v21  }
0x488: {  	v2 =	vld [tilespmem:s29+$0x5460];
	[tilespmem:s29+$0xA450] =	vst v0  }
0x489: {  	v0 =	vld [tilespmem:s0+$0x5060]  }
0x48a: {  	v4 =	vld [tilespmem:s30+$0x5060]  }
0x48b: {  	v5 =	vld [tilespmem:s31+$0x5060]  }
0x48c: {  	v50 =	vld [tilespmem:s29+$0xA460];
	_ =	sdelay $0x1  }
0x48d: {  	v0 =	vmax.f32 v2, v0  }
0x48e: {  	v0 =	vmax.f32 v0, v4  }
0x48f: {  	v0 =	vmax.f32 v0, v5  }
0x490: {  	v0 =	vmax.f32 v0, v50  }
0x491: {  	v2 =	vld [tilespmem:s29+$0x5470];
	[tilespmem:s29+$0xA460] =	vst v0  }
0x492: {  	v0 =	vld [tilespmem:s0+$0x5070]  }
0x493: {  	v4 =	vld [tilespmem:s30+$0x5070]  }
0x494: {  	v5 =	vld [tilespmem:s31+$0x5070]  }
0x495: {  	v51 =	vld [tilespmem:s29+$0xA470];
	_ =	sdelay $0x1  }
0x496: {  	v0 =	vmax.f32 v2, v0  }
0x497: {  	v0 =	vmax.f32 v0, v4  }
0x498: {  	v0 =	vmax.f32 v0, v5  }
0x499: {  	v0 =	vmax.f32 v0, v51  }
0x49a: {  	s9 =	simm.s32 $0x0;
	s3 =	rddreg [dreg:$0x1e];
	[tilespmem:s29+$0xA470] =	vst v0  }
0x49b: {  	[tilespmem:s12], [sflag:$0x3] =	stream.linear.gather [hbm4b:s3+s9], $0x4000, $0x38;
	[tilespmem:$0x1F180] =	vst v63  }
0x49c: {  	_ =	swait.ge [sflag:s21], $0x4000  }
0x49d: {  	s10 =	sand.u32 $0x800, s9;
	s7 =	sand.u32 $0x380, s9;
	[sflag:s21] =	ssyncset.done $0x0  }
0x49e: {  	s29 =	sor.u32 s7, s10;
	[sflag:s21] =	ssyncadd.s32 $0xFFFFC000  }
0x49f: {  	v0 =	vld [tilespmem:s29+$0x3070]  }
0x4a0: {  	v2 =	vld [tilespmem:s29+$0x1050]  }
0x4a1: {  	v4 =	vld [tilespmem:s29+$0x50]  }
0x4a2: {  	v5 =	vld [tilespmem:s29+$0x1000]  }
0x4a3: {  	v52 =	vld [tilespmem:s29+$0x2000]  }
0x4a4: {  	v7 =	vld [tilespmem:s29+$0x3000]  }
0x4a5: {  	v8 =	vld [tilespmem:s29+$0x20]  }
0x4a6: {  	v9 =	vld [tilespmem:s29+$0x1020]  }
0x4a7: {  	v10 =	vld [tilespmem:s29+$0x2020]  }
0x4a8: {  	v11 =	vld [tilespmem:s29+$0x2030]  }
0x4a9: {  	v21 =	vld [tilespmem:s29+$0x1030]  }
0x4aa: {  	v22 =	vld [tilespmem:s29+$0x30]  }
0x4ab: {  	v23 =	vld [tilespmem:s29+$0x3030]  }
0x4ac: {  	v24 =	vld [tilespmem:s29+$0x1040]  }
0x4ad: {  	v25 =	vld [tilespmem:s29+$0x40]  }
0x4ae: {  	v26 =	vld [tilespmem:s29+$0xA030]  }
0x4af: {  	v27 =	vld [tilespmem:s29+$0x3050]  }
0x4b0: {  	v28 =	vld [tilespmem:s29+$0x2060]  }
0x4b1: {  	v29 =	vld [tilespmem:s29+$0x1060]  }
0x4b2: {  	v30 =	vld [tilespmem:s29+$0x60]  }
0x4b3: {  	v31 =	vld [tilespmem:s29+$0x2050]  }
0x4b4: {  	v32 =	vld [tilespmem:s29+$0x2040]  }
0x4b5: {  	v33 =	vld [tilespmem:s29+$0x3060]  }
0x4b6: {  	v34 =	vld [tilespmem:s29+$0x3040]  }
0x4b7: {  	v35 =	vld [tilespmem:s29+$0x2070]  }
0x4b8: {  	v19 =	vld [tilespmem:s29+$0x1010]  }
0x4b9: {  	v20 =	vld [tilespmem:s29+$0x10]  }
0x4ba: {  	v36 =	vld [tilespmem:s29+$0x1070]  }
0x4bb: {  	v37 =	vld [tilespmem:s29+$0x2010]  }
0x4bc: {  	v38 =	vld [tilespmem:s29+$0x0]  }
0x4bd: {  	v39 =	vld [tilespmem:s29+$0x3010]  }
0x4be: {  	v40 =	vld [tilespmem:s29+$0x70]  }
0x4bf: {  	v41 =	vld [tilespmem:s29+$0xA000]  }
0x4c0: {  	v42 =	vld [tilespmem:s29+$0xA010]  }
0x4c1: {  	v53 =	vld [tilespmem:s29+$0x3020]  }
0x4c2: {  	v54 =	vld [tilespmem:s29+$0xA020];
	v5 =	vmax.f32 v38, v5  }
0x4c3: {  	v58 =	vld [tilespmem:s29+$0xA040];
	v19 =	vmax.f32 v20, v19;
	v5 =	vmax.f32 v5, v52  }
0x4c4: {  	v62 =	vld [tilespmem:s29+$0xA060];
	v20 =	vmax.f32 v19, v37;
	v5 =	vmax.f32 v5, v7  }
0x4c5: {  	v63 =	vld [tilespmem:s29+$0xA070];
	v56 =	vmax.f32 v20, v39;
	v5 =	vmax.f32 v5, v41  }
0x4c6: {  	v57 =	vmax.f32 v22, v21;
	v22 =	vld [tilespmem:s29+$0x430];
	[tilespmem:s29+$0xA000] =	vst v5;
	v5 =	vmax.f32 v56, v42  }
0x4c7: {  	v55 =	vmax.f32 v8, v9;
	v59 =	vmax.f32 v25, v24;
	[tilespmem:s29+$0xA010] =	vst v5;
	v5 =	vld [tilespmem:s29+$0xA050]  }
0x4c8: {  	v2 =	vmax.f32 v4, v2;
	v24 =	vld [tilespmem:s29+$0x400];
	v9 =	vmax.f32 v57, v11;
	v61 =	vmax.f32 v59, v32  }
0x4c9: {  	v21 =	vld [tilespmem:s29+$0xA450];
	v2 =	vmax.f32 v2, v31;
	v7 =	vmax.f32 v55, v10;
	v4 =	vmax.f32 v61, v34  }
0x4ca: {  	v25 =	vld [tilespmem:s29+$0xA430];
	v9 =	vmax.f32 v9, v23;
	v2 =	vmax.f32 v2, v27;
	v4 =	vmax.f32 v4, v58  }
0x4cb: {  	v19 =	vld [tilespmem:s29+$0x450];
	v7 =	vmax.f32 v7, v53;
	v60 =	vmax.f32 v9, v26;
	[tilespmem:s29+$0xA040] =	vst v4;
	v4 =	vmax.f32 v30, v29  }
0x4cc: {  	v20 =	vld [tilespmem:s29+$0x440];
	[tilespmem:s29+$0xA030] =	vst v60;
	v4 =	vmax.f32 v4, v28;
	v2 =	vmax.f32 v2, v5;
	v5 =	vmax.f32 v40, v36  }
0x4cd: {  	v23 =	vld [tilespmem:s29+$0xA440];
	v6 =	vmax.f32 v7, v54;
	[tilespmem:s29+$0xA050] =	vst v2;
	v2 =	vmax.f32 v4, v33;
	v4 =	vmax.f32 v5, v35  }
0x4ce: {  	s0 =	sand.u32 $0xFFFFF800, s9;
	v26 =	vld [tilespmem:s29+$0x420];
	[tilespmem:s29+$0xA020] =	vst v6;
	v2 =	vmax.f32 v2, v62;
	v0 =	vmax.f32 v4, v0  }
0x4cf: {  	s22 =	sadd.s32 $0x0, s0;
	v30 =	vld [tilespmem:s29+$0x410];
	[tilespmem:s29+$0xA060] =	vst v2;
	v0 =	vmax.f32 v0, v63  }
0x4d0: {  	s0 =	sor.u32 $0x1400, s22;
	v28 =	vld [tilespmem:s29+$0xA400];
	[tilespmem:s29+$0xA070] =	vst v0  }
0x4d1: {  	s30 =	sor.u32 $0x2400, s22;
	v27 =	vld [tilespmem:s0+$0x0]  }
0x4d2: {  	s31 =	sor.u32 $0x3400, s22;
	v29 =	vld [tilespmem:s30+$0x0]  }
0x4d3: {  	s10 =	simm.s32 $0x100;
	s3 =	simm.s32 $0x80;
	v31 =	vld [tilespmem:s31+$0x0]  }
.LBB2_49:
0x4d4: {  	s8 =	sand.u32 $0x800, s10  }
0x4d5: {  	s22 =	sand.u32 $0x380, s3;
	v0 =	vld [tilespmem:s29+$0xA420];
	s9 =	smov.u32 s10;
	s7 =	sadd.s32 $0x100, s10  }
0x4d6: {  	p0 =	sne.s32 s10, $0xF00;
	s8 =	sor.u32 s22, s8;
	v2 =	vmax.f32 v24, v27;
	v4 =	vld [tilespmem:s29+$0xA410]  }
0x4d7: {  	v27 =	vld [tilespmem:s8+$0x3070];
	v2 =	vmax.f32 v2, v29  }
0x4d8: {  	v5 =	vld [tilespmem:s8+$0x1050];
	v2 =	vmax.f32 v2, v31  }
0x4d9: {  	v6 =	vld [tilespmem:s8+$0x50];
	v2 =	vmax.f32 v2, v28  }
0x4da: {  	v28 =	vld [tilespmem:s8+$0x1000];
	[tilespmem:s29+$0xA400] =	vst v2  }
0x4db: {  	v2 =	vld [tilespmem:s0+$0x10]  }
0x4dc: {  	v7 =	vld [tilespmem:s30+$0x10]  }
0x4dd: {  	v8 =	vld [tilespmem:s31+$0x10]  }
0x4de: {  	v29 =	vld [tilespmem:s8+$0x2000]  }
0x4df: {  	v5 =	vmax.f32 v6, v5;
	v24 =	vld [tilespmem:s8+$0x3000]  }
0x4e0: {  	v6 =	vld [tilespmem:s8+$0x20];
	v2 =	vmax.f32 v30, v2  }
0x4e1: {  	v9 =	vld [tilespmem:s8+$0x1020];
	v2 =	vmax.f32 v2, v7  }
0x4e2: {  	v7 =	vld [tilespmem:s8+$0x2020];
	v2 =	vmax.f32 v2, v8  }
0x4e3: {  	v8 =	vld [tilespmem:s8+$0x2030];
	v2 =	vmax.f32 v2, v4  }
0x4e4: {  	v4 =	vld [tilespmem:s8+$0x1030];
	[tilespmem:s29+$0xA410] =	vst v2  }
0x4e5: {  	v2 =	vld [tilespmem:s0+$0x20]  }
0x4e6: {  	v6 =	vmax.f32 v6, v9;
	v9 =	vld [tilespmem:s8+$0x30]  }
0x4e7: {  	v6 =	vmax.f32 v6, v7;
	v7 =	vld [tilespmem:s30+$0x20]  }
0x4e8: {  	v10 =	vld [tilespmem:s31+$0x20]  }
0x4e9: {  	v11 =	vld [tilespmem:s8+$0x3030]  }
0x4ea: {  	v30 =	vld [tilespmem:s8+$0xA060];
	v2 =	vmax.f32 v26, v2  }
0x4eb: {  	v26 =	vld [tilespmem:s8+$0x1040]  }
0x4ec: {  	v4 =	vmax.f32 v9, v4;
	v9 =	vld [tilespmem:s8+$0x40];
	v2 =	vmax.f32 v2, v7  }
0x4ed: {  	v4 =	vmax.f32 v4, v8;
	v7 =	vld [tilespmem:s8+$0xA030];
	v2 =	vmax.f32 v2, v10  }
0x4ee: {  	v4 =	vmax.f32 v4, v11;
	v8 =	vld [tilespmem:s8+$0x3050];
	v0 =	vmax.f32 v2, v0  }
0x4ef: {  	v2 =	vld [tilespmem:s8+$0x2060];
	[tilespmem:s29+$0xA420] =	vst v0  }
0x4f0: {  	v0 =	vld [tilespmem:s0+$0x30]  }
0x4f1: {  	v9 =	vmax.f32 v9, v26;
	v10 =	vld [tilespmem:s30+$0x30]  }
0x4f2: {  	v26 =	vmax.f32 v4, v7;
	v4 =	vld [tilespmem:s31+$0x30]  }
0x4f3: {  	v7 =	vld [tilespmem:s8+$0x1060]  }
0x4f4: {  	v11 =	vld [tilespmem:s8+$0x60]  }
0x4f5: {  	v31 =	vld [tilespmem:s8+$0x2050];
	v0 =	vmax.f32 v22, v0  }
0x4f6: {  	v22 =	vld [tilespmem:s8+$0x2040];
	v0 =	vmax.f32 v0, v10  }
0x4f7: {  	v10 =	vld [tilespmem:s8+$0x3060];
	v0 =	vmax.f32 v0, v4  }
0x4f8: {  	v4 =	vld [tilespmem:s8+$0x3040];
	v0 =	vmax.f32 v0, v25  }
0x4f9: {  	v25 =	vld [tilespmem:s8+$0xA040];
	[tilespmem:s29+$0xA430] =	vst v0  }
0x4fa: {  	v0 =	vmax.f32 v5, v31;
	v5 =	vmax.f32 v11, v7;
	v7 =	vld [tilespmem:s0+$0x40]  }
0x4fb: {  	v9 =	vmax.f32 v9, v22;
	v2 =	vmax.f32 v5, v2;
	v5 =	vld [tilespmem:s30+$0x40]  }
0x4fc: {  	v2 =	vmax.f32 v2, v10;
	v10 =	vld [tilespmem:s31+$0x40]  }
0x4fd: {  	v0 =	vmax.f32 v0, v8;
	v4 =	vmax.f32 v9, v4;
	v8 =	vld [tilespmem:s8+$0x2070]  }
0x4fe: {  	v9 =	vld [tilespmem:s8+$0x1010];
	v4 =	vmax.f32 v4, v25  }
0x4ff: {  	v11 =	vld [tilespmem:s8+$0x10];
	v7 =	vmax.f32 v20, v7  }
0x500: {  	v2 =	vmax.f32 v2, v30;
	v20 =	vld [tilespmem:s8+$0x1070];
	v5 =	vmax.f32 v7, v5  }
0x501: {  	v7 =	vld [tilespmem:s8+$0x2010];
	v5 =	vmax.f32 v5, v10  }
0x502: {  	v10 =	vld [tilespmem:s8+$0x3010];
	v5 =	vmax.f32 v5, v23  }
0x503: {  	v22 =	vld [tilespmem:s8+$0x70];
	[tilespmem:s29+$0xA440] =	vst v5  }
0x504: {  	v5 =	vmax.f32 v11, v9;
	v9 =	vld [tilespmem:s0+$0x50]  }
0x505: {  	v11 =	vld [tilespmem:s30+$0x50]  }
0x506: {  	v5 =	vmax.f32 v5, v7;
	v7 =	vld [tilespmem:s31+$0x50]  }
0x507: {  	v23 =	vld [tilespmem:s8+$0x0];
	v5 =	vmax.f32 v5, v10  }
0x508: {  	v10 =	vld [tilespmem:s8+$0x3020]  }
0x509: {  	v20 =	vmax.f32 v22, v20;
	v9 =	vmax.f32 v19, v9  }
0x50a: {  	v8 =	vmax.f32 v20, v8;
	v9 =	vmax.f32 v9, v11  }
0x50b: {  	v8 =	vmax.f32 v8, v27;
	v7 =	vmax.f32 v9, v7  }
0x50c: {  	v9 =	vmax.f32 v23, v28;
	v7 =	vmax.f32 v7, v21;
	v11 =	vld [tilespmem:s29+$0x460]  }
0x50d: {  	v9 =	vmax.f32 v9, v29;
	v6 =	vmax.f32 v6, v10;
	[tilespmem:s29+$0xA450] =	vst v7;
	v7 =	vld [tilespmem:s29+$0xA460]  }
0x50e: {  	v10 =	vld [tilespmem:s8+$0xA050]  }
0x50f: {  	v19 =	vld [tilespmem:s0+$0x60]  }
0x510: {  	v20 =	vld [tilespmem:s30+$0x60]  }
0x511: {  	v21 =	vld [tilespmem:s31+$0x60]  }
0x512: {  	v22 =	vld [tilespmem:s8+$0xA000];
	_ =	sdelay $0x1  }
0x513: {  	v0 =	vmax.f32 v0, v10;
	v10 =	vmax.f32 v11, v19;
	v11 =	vld [tilespmem:s29+$0x470]  }
0x514: {  	v19 =	vld [tilespmem:s8+$0x450];
	v10 =	vmax.f32 v10, v20  }
0x515: {  	v9 =	vmax.f32 v9, v24;
	v20 =	vld [tilespmem:s8+$0x440];
	v10 =	vmax.f32 v10, v21  }
0x516: {  	v9 =	vmax.f32 v9, v22;
	v21 =	vld [tilespmem:s8+$0xA010];
	v7 =	vmax.f32 v10, v7  }
0x517: {  	v10 =	vld [tilespmem:s8+$0xA020];
	[tilespmem:s29+$0xA460] =	vst v7  }
0x518: {  	v7 =	vld [tilespmem:s0+$0x70]  }
0x519: {  	v23 =	vld [tilespmem:s30+$0x70]  }
0x51a: {  	v24 =	vld [tilespmem:s31+$0x70]  }
0x51b: {  	[tilespmem:s8+$0xA000] =	vst v9;
	v5 =	vmax.f32 v5, v21;
	v9 =	vld [tilespmem:s29+$0xA470]  }
0x51c: {  	[tilespmem:s8+$0xA010] =	vst v5;
	v5 =	vmax.f32 v6, v10;
	v22 =	vld [tilespmem:s8+$0x430]  }
0x51d: {  	[tilespmem:s8+$0xA020] =	vst v5;
	v5 =	vld [tilespmem:s8+$0xA070];
	v6 =	vmax.f32 v11, v7  }
0x51e: {  	[tilespmem:s8+$0xA030] =	vst v26;
	v26 =	vld [tilespmem:s8+$0x420];
	v6 =	vmax.f32 v6, v23  }
0x51f: {  	[tilespmem:s8+$0xA040] =	vst v4;
	v30 =	vld [tilespmem:s8+$0x410];
	v4 =	vmax.f32 v6, v24  }
0x520: {  	[tilespmem:s8+$0xA050] =	vst v0;
	v24 =	vld [tilespmem:s8+$0x400];
	v0 =	vmax.f32 v4, v9  }
0x521: {  	s0 =	sand.u32 $0xFFFFF800, s9;
	[tilespmem:s8+$0xA060] =	vst v2;
	v21 =	vld [tilespmem:s8+$0xA450]  }
0x522: {  	s9 =	sadd.s32 s0, s3;
	v2 =	vmax.f32 v8, v5;
	v23 =	vld [tilespmem:s8+$0xA440];
	[tilespmem:s29+$0xA470] =	vst v0;
	s29 =	smov.u32 s8  }
.Ltmp35:
0x523: {  	s0 =	sor.u32 $0x1400, s9;
	[tilespmem:s29+$0xA070] =	vst v2;
	v25 =	vld [tilespmem:s29+$0xA430];
	(pc) =	sbr.rel @p0 .LBB2_49-.Ltmp35, $4  }
0x524: {  	s30 =	sor.u32 $0x2400, s9;
	v27 =	vld [tilespmem:s0+$0x0]  }
0x525: {  	s31 =	sor.u32 $0x3400, s9;
	v29 =	vld [tilespmem:s30+$0x0]  }
0x526: {  	v31 =	vld [tilespmem:s31+$0x0]  }
0x527: {  	s10 =	smov.u32 s7;
	s3 =	sadd.s32 $0x80, s3;
	v28 =	vld [tilespmem:s29+$0xA400]  }
0x528: {  	_ = 	snop  }
0x529: {  	v0 =	vmax.f32 v24, v27  }
0x52a: {  	v0 =	vmax.f32 v0, v29  }
0x52b: {  	v0 =	vmax.f32 v0, v31  }
0x52c: {  	v0 =	vmax.f32 v0, v28  }
0x52d: {  	[tilespmem:s29+$0xA400] =	vst v0  }
0x52e: {  	v0 =	vld [tilespmem:s0+$0x10]  }
0x52f: {  	v5 =	vld [tilespmem:s30+$0x10]  }
0x530: {  	v6 =	vld [tilespmem:s31+$0x10]  }
0x531: {  	v4 =	vld [tilespmem:s29+$0xA410];
	_ =	sdelay $0x1  }
0x532: {  	v0 =	vmax.f32 v30, v0  }
0x533: {  	v0 =	vmax.f32 v0, v5  }
0x534: {  	v0 =	vmax.f32 v0, v6  }
0x535: {  	v0 =	vmax.f32 v0, v4  }
0x536: {  	[tilespmem:s29+$0xA410] =	vst v0  }
0x537: {  	v0 =	vld [tilespmem:s0+$0x20]  }
0x538: {  	v4 =	vld [tilespmem:s30+$0x20]  }
0x539: {  	v5 =	vld [tilespmem:s31+$0x20]  }
0x53a: {  	v2 =	vld [tilespmem:s29+$0xA420];
	_ =	sdelay $0x1  }
0x53b: {  	v0 =	vmax.f32 v26, v0  }
0x53c: {  	v0 =	vmax.f32 v0, v4  }
0x53d: {  	v0 =	vmax.f32 v0, v5  }
0x53e: {  	v0 =	vmax.f32 v0, v2  }
0x53f: {  	[tilespmem:s29+$0xA420] =	vst v0  }
0x540: {  	v0 =	vld [tilespmem:s0+$0x30]  }
0x541: {  	v2 =	vld [tilespmem:s30+$0x30]  }
0x542: {  	v4 =	vld [tilespmem:s31+$0x30];
	_ =	sdelay $0x2  }
0x543: {  	v0 =	vmax.f32 v22, v0  }
0x544: {  	v0 =	vmax.f32 v0, v2  }
0x545: {  	v0 =	vmax.f32 v0, v4  }
0x546: {  	v0 =	vmax.f32 v0, v25  }
0x547: {  	[tilespmem:s29+$0xA430] =	vst v0  }
0x548: {  	v0 =	vld [tilespmem:s0+$0x40]  }
0x549: {  	v2 =	vld [tilespmem:s30+$0x40]  }
0x54a: {  	v4 =	vld [tilespmem:s31+$0x40];
	_ =	sdelay $0x2  }
0x54b: {  	v0 =	vmax.f32 v20, v0  }
0x54c: {  	v0 =	vmax.f32 v0, v2  }
0x54d: {  	v0 =	vmax.f32 v0, v4  }
0x54e: {  	v0 =	vmax.f32 v0, v23  }
0x54f: {  	[tilespmem:s29+$0xA440] =	vst v0  }
0x550: {  	v0 =	vld [tilespmem:s0+$0x50]  }
0x551: {  	v2 =	vld [tilespmem:s30+$0x50]  }
0x552: {  	v4 =	vld [tilespmem:s31+$0x50];
	_ =	sdelay $0x2  }
0x553: {  	v0 =	vmax.f32 v19, v0  }
0x554: {  	v0 =	vmax.f32 v0, v2  }
0x555: {  	v0 =	vmax.f32 v0, v4  }
0x556: {  	v0 =	vmax.f32 v0, v21  }
0x557: {  	v2 =	vld [tilespmem:s29+$0x460];
	[tilespmem:s29+$0xA450] =	vst v0  }
0x558: {  	v0 =	vld [tilespmem:s0+$0x60]  }
0x559: {  	v4 =	vld [tilespmem:s30+$0x60]  }
0x55a: {  	v5 =	vld [tilespmem:s31+$0x60]  }
0x55b: {  	v50 =	vld [tilespmem:s29+$0xA460];
	_ =	sdelay $0x1  }
0x55c: {  	v0 =	vmax.f32 v2, v0  }
0x55d: {  	v0 =	vmax.f32 v0, v4  }
0x55e: {  	v0 =	vmax.f32 v0, v5  }
0x55f: {  	v0 =	vmax.f32 v0, v50  }
0x560: {  	v2 =	vld [tilespmem:s29+$0x470];
	[tilespmem:s29+$0xA460] =	vst v0  }
0x561: {  	v0 =	vld [tilespmem:s0+$0x70]  }
0x562: {  	v4 =	vld [tilespmem:s30+$0x70]  }
0x563: {  	v5 =	vld [tilespmem:s31+$0x70]  }
0x564: {  	v51 =	vld [tilespmem:s29+$0xA470];
	_ =	sdelay $0x1  }
0x565: {  	v0 =	vmax.f32 v2, v0  }
0x566: {  	v0 =	vmax.f32 v0, v4  }
0x567: {  	v0 =	vmax.f32 v0, v5  }
0x568: {  	v0 =	vmax.f32 v0, v51  }
0x569: {  	[tilespmem:s29+$0xA470] =	vst v0  }
0x56a: {  	s10 =	simm.s32 $0x0;
	_ =	swait.ge [sflag:s24], $0x4000  }
0x56b: {  	s3 =	sand.u32 $0x800, s10;
	s7 =	sand.u32 $0x380, s10;
	[sflag:s24] =	ssyncset.done $0x0  }
0x56c: {  	s29 =	sor.u32 s7, s3;
	[sflag:s24] =	ssyncadd.s32 $0xFFFFC000  }
0x56d: {  	v0 =	vld [tilespmem:s29+$0x8070]  }
0x56e: {  	v2 =	vld [tilespmem:s29+$0x6050]  }
0x56f: {  	v4 =	vld [tilespmem:s29+$0x5050]  }
0x570: {  	v5 =	vld [tilespmem:s29+$0x6000]  }
0x571: {  	v52 =	vld [tilespmem:s29+$0x7000]  }
0x572: {  	v7 =	vld [tilespmem:s29+$0x8000]  }
0x573: {  	v8 =	vld [tilespmem:s29+$0x5020]  }
0x574: {  	v9 =	vld [tilespmem:s29+$0x6020]  }
0x575: {  	v10 =	vld [tilespmem:s29+$0x7020]  }
0x576: {  	v11 =	vld [tilespmem:s29+$0x7030]  }
0x577: {  	v21 =	vld [tilespmem:s29+$0x6030]  }
0x578: {  	v22 =	vld [tilespmem:s29+$0x5030]  }
0x579: {  	v23 =	vld [tilespmem:s29+$0x8030]  }
0x57a: {  	v24 =	vld [tilespmem:s29+$0x6040]  }
0x57b: {  	v25 =	vld [tilespmem:s29+$0x5040]  }
0x57c: {  	v26 =	vld [tilespmem:s29+$0xA030]  }
0x57d: {  	v27 =	vld [tilespmem:s29+$0x8050]  }
0x57e: {  	v28 =	vld [tilespmem:s29+$0x7060]  }
0x57f: {  	v29 =	vld [tilespmem:s29+$0x6060]  }
0x580: {  	v30 =	vld [tilespmem:s29+$0x5060]  }
0x581: {  	v31 =	vld [tilespmem:s29+$0x7050]  }
0x582: {  	v32 =	vld [tilespmem:s29+$0x7040]  }
0x583: {  	v33 =	vld [tilespmem:s29+$0x8060]  }
0x584: {  	v34 =	vld [tilespmem:s29+$0x8040]  }
0x585: {  	v35 =	vld [tilespmem:s29+$0x7070]  }
0x586: {  	v19 =	vld [tilespmem:s29+$0x6010]  }
0x587: {  	v20 =	vld [tilespmem:s29+$0x5010]  }
0x588: {  	v36 =	vld [tilespmem:s29+$0x6070]  }
0x589: {  	v37 =	vld [tilespmem:s29+$0x7010]  }
0x58a: {  	v38 =	vld [tilespmem:s29+$0x5000]  }
0x58b: {  	v39 =	vld [tilespmem:s29+$0x8010]  }
0x58c: {  	v40 =	vld [tilespmem:s29+$0x5070]  }
0x58d: {  	v41 =	vld [tilespmem:s29+$0xA000]  }
0x58e: {  	v42 =	vld [tilespmem:s29+$0xA010]  }
0x58f: {  	v53 =	vld [tilespmem:s29+$0x8020]  }
0x590: {  	v54 =	vld [tilespmem:s29+$0xA020];
	v5 =	vmax.f32 v38, v5  }
0x591: {  	v58 =	vld [tilespmem:s29+$0xA040];
	v19 =	vmax.f32 v20, v19;
	v5 =	vmax.f32 v5, v52  }
0x592: {  	v62 =	vld [tilespmem:s29+$0xA060];
	v20 =	vmax.f32 v19, v37;
	v5 =	vmax.f32 v5, v7  }
0x593: {  	v63 =	vld [tilespmem:s29+$0xA070];
	v56 =	vmax.f32 v20, v39;
	v5 =	vmax.f32 v5, v41  }
0x594: {  	v57 =	vmax.f32 v22, v21;
	v22 =	vld [tilespmem:s29+$0x5430];
	[tilespmem:s29+$0xA000] =	vst v5;
	v5 =	vmax.f32 v56, v42  }
0x595: {  	v55 =	vmax.f32 v8, v9;
	v59 =	vmax.f32 v25, v24;
	[tilespmem:s29+$0xA010] =	vst v5;
	v5 =	vld [tilespmem:s29+$0xA050]  }
0x596: {  	v2 =	vmax.f32 v4, v2;
	v24 =	vld [tilespmem:s29+$0x5400];
	v9 =	vmax.f32 v57, v11;
	v61 =	vmax.f32 v59, v32  }
0x597: {  	v21 =	vld [tilespmem:s29+$0xA450];
	v2 =	vmax.f32 v2, v31;
	v7 =	vmax.f32 v55, v10;
	v4 =	vmax.f32 v61, v34  }
0x598: {  	v25 =	vld [tilespmem:s29+$0xA430];
	v9 =	vmax.f32 v9, v23;
	v2 =	vmax.f32 v2, v27;
	v4 =	vmax.f32 v4, v58  }
0x599: {  	v19 =	vld [tilespmem:s29+$0x5450];
	v7 =	vmax.f32 v7, v53;
	v60 =	vmax.f32 v9, v26;
	[tilespmem:s29+$0xA040] =	vst v4;
	v4 =	vmax.f32 v30, v29  }
0x59a: {  	v20 =	vld [tilespmem:s29+$0x5440];
	[tilespmem:s29+$0xA030] =	vst v60;
	v4 =	vmax.f32 v4, v28;
	v2 =	vmax.f32 v2, v5;
	v5 =	vmax.f32 v40, v36  }
0x59b: {  	v23 =	vld [tilespmem:s29+$0xA440];
	v6 =	vmax.f32 v7, v54;
	[tilespmem:s29+$0xA050] =	vst v2;
	v2 =	vmax.f32 v4, v33;
	v4 =	vmax.f32 v5, v35  }
0x59c: {  	s0 =	sand.u32 $0xFFFFF800, s10;
	v26 =	vld [tilespmem:s29+$0x5420];
	[tilespmem:s29+$0xA020] =	vst v6;
	v2 =	vmax.f32 v2, v62;
	v0 =	vmax.f32 v4, v0  }
0x59d: {  	s22 =	sadd.s32 $0x0, s0;
	v30 =	vld [tilespmem:s29+$0x5410];
	[tilespmem:s29+$0xA060] =	vst v2;
	v0 =	vmax.f32 v0, v63  }
0x59e: {  	s0 =	sor.u32 $0x1400, s22;
	v28 =	vld [tilespmem:s29+$0xA400];
	[tilespmem:s29+$0xA070] =	vst v0  }
0x59f: {  	s30 =	sor.u32 $0x2400, s22;
	v27 =	vld [tilespmem:s0+$0x5000]  }
0x5a0: {  	s31 =	sor.u32 $0x3400, s22;
	v29 =	vld [tilespmem:s30+$0x5000]  }
0x5a1: {  	s10 =	simm.s32 $0x100;
	s3 =	simm.s32 $0x80;
	v31 =	vld [tilespmem:s31+$0x5000]  }
.LBB2_51:
0x5a2: {  	s8 =	sand.u32 $0x800, s10  }
0x5a3: {  	s22 =	sand.u32 $0x380, s3;
	v0 =	vld [tilespmem:s29+$0xA420];
	s9 =	smov.u32 s10;
	s7 =	sadd.s32 $0x100, s10  }
0x5a4: {  	p0 =	sne.s32 s10, $0xF00;
	s8 =	sor.u32 s22, s8;
	v2 =	vmax.f32 v24, v27;
	v4 =	vld [tilespmem:s29+$0xA410]  }
0x5a5: {  	v27 =	vld [tilespmem:s8+$0x8070];
	v2 =	vmax.f32 v2, v29  }
0x5a6: {  	v5 =	vld [tilespmem:s8+$0x6050];
	v2 =	vmax.f32 v2, v31  }
0x5a7: {  	v6 =	vld [tilespmem:s8+$0x5050];
	v2 =	vmax.f32 v2, v28  }
0x5a8: {  	v28 =	vld [tilespmem:s8+$0x6000];
	[tilespmem:s29+$0xA400] =	vst v2  }
0x5a9: {  	v2 =	vld [tilespmem:s0+$0x5010]  }
0x5aa: {  	v7 =	vld [tilespmem:s30+$0x5010]  }
0x5ab: {  	v8 =	vld [tilespmem:s31+$0x5010]  }
0x5ac: {  	v29 =	vld [tilespmem:s8+$0x7000]  }
0x5ad: {  	v5 =	vmax.f32 v6, v5;
	v24 =	vld [tilespmem:s8+$0x8000]  }
0x5ae: {  	v6 =	vld [tilespmem:s8+$0x5020];
	v2 =	vmax.f32 v30, v2  }
0x5af: {  	v9 =	vld [tilespmem:s8+$0x6020];
	v2 =	vmax.f32 v2, v7  }
0x5b0: {  	v7 =	vld [tilespmem:s8+$0x7020];
	v2 =	vmax.f32 v2, v8  }
0x5b1: {  	v8 =	vld [tilespmem:s8+$0x7030];
	v2 =	vmax.f32 v2, v4  }
0x5b2: {  	v4 =	vld [tilespmem:s8+$0x6030];
	[tilespmem:s29+$0xA410] =	vst v2  }
0x5b3: {  	v2 =	vld [tilespmem:s0+$0x5020]  }
0x5b4: {  	v6 =	vmax.f32 v6, v9;
	v9 =	vld [tilespmem:s8+$0x5030]  }
0x5b5: {  	v6 =	vmax.f32 v6, v7;
	v7 =	vld [tilespmem:s30+$0x5020]  }
0x5b6: {  	v10 =	vld [tilespmem:s31+$0x5020]  }
0x5b7: {  	v11 =	vld [tilespmem:s8+$0x8030]  }
0x5b8: {  	v30 =	vld [tilespmem:s8+$0xA060];
	v2 =	vmax.f32 v26, v2  }
0x5b9: {  	v26 =	vld [tilespmem:s8+$0x6040]  }
0x5ba: {  	v4 =	vmax.f32 v9, v4;
	v9 =	vld [tilespmem:s8+$0x5040];
	v2 =	vmax.f32 v2, v7  }
0x5bb: {  	v4 =	vmax.f32 v4, v8;
	v7 =	vld [tilespmem:s8+$0xA030];
	v2 =	vmax.f32 v2, v10  }
0x5bc: {  	v4 =	vmax.f32 v4, v11;
	v8 =	vld [tilespmem:s8+$0x8050];
	v0 =	vmax.f32 v2, v0  }
0x5bd: {  	v2 =	vld [tilespmem:s8+$0x7060];
	[tilespmem:s29+$0xA420] =	vst v0  }
0x5be: {  	v0 =	vld [tilespmem:s0+$0x5030]  }
0x5bf: {  	v9 =	vmax.f32 v9, v26;
	v10 =	vld [tilespmem:s30+$0x5030]  }
0x5c0: {  	v26 =	vmax.f32 v4, v7;
	v4 =	vld [tilespmem:s31+$0x5030]  }
0x5c1: {  	v7 =	vld [tilespmem:s8+$0x6060]  }
0x5c2: {  	v11 =	vld [tilespmem:s8+$0x5060]  }
0x5c3: {  	v31 =	vld [tilespmem:s8+$0x7050];
	v0 =	vmax.f32 v22, v0  }
0x5c4: {  	v22 =	vld [tilespmem:s8+$0x7040];
	v0 =	vmax.f32 v0, v10  }
0x5c5: {  	v10 =	vld [tilespmem:s8+$0x8060];
	v0 =	vmax.f32 v0, v4  }
0x5c6: {  	v4 =	vld [tilespmem:s8+$0x8040];
	v0 =	vmax.f32 v0, v25  }
0x5c7: {  	v25 =	vld [tilespmem:s8+$0xA040];
	[tilespmem:s29+$0xA430] =	vst v0  }
0x5c8: {  	v0 =	vmax.f32 v5, v31;
	v5 =	vmax.f32 v11, v7;
	v7 =	vld [tilespmem:s0+$0x5040]  }
0x5c9: {  	v9 =	vmax.f32 v9, v22;
	v2 =	vmax.f32 v5, v2;
	v5 =	vld [tilespmem:s30+$0x5040]  }
0x5ca: {  	v2 =	vmax.f32 v2, v10;
	v10 =	vld [tilespmem:s31+$0x5040]  }
0x5cb: {  	v0 =	vmax.f32 v0, v8;
	v4 =	vmax.f32 v9, v4;
	v8 =	vld [tilespmem:s8+$0x7070]  }
0x5cc: {  	v9 =	vld [tilespmem:s8+$0x6010];
	v4 =	vmax.f32 v4, v25  }
0x5cd: {  	v11 =	vld [tilespmem:s8+$0x5010];
	v7 =	vmax.f32 v20, v7  }
0x5ce: {  	v2 =	vmax.f32 v2, v30;
	v20 =	vld [tilespmem:s8+$0x6070];
	v5 =	vmax.f32 v7, v5  }
0x5cf: {  	v7 =	vld [tilespmem:s8+$0x7010];
	v5 =	vmax.f32 v5, v10  }
0x5d0: {  	v10 =	vld [tilespmem:s8+$0x8010];
	v5 =	vmax.f32 v5, v23  }
0x5d1: {  	v22 =	vld [tilespmem:s8+$0x5070];
	[tilespmem:s29+$0xA440] =	vst v5  }
0x5d2: {  	v5 =	vmax.f32 v11, v9;
	v9 =	vld [tilespmem:s0+$0x5050]  }
0x5d3: {  	v11 =	vld [tilespmem:s30+$0x5050]  }
0x5d4: {  	v5 =	vmax.f32 v5, v7;
	v7 =	vld [tilespmem:s31+$0x5050]  }
0x5d5: {  	v23 =	vld [tilespmem:s8+$0x5000];
	v5 =	vmax.f32 v5, v10  }
0x5d6: {  	v10 =	vld [tilespmem:s8+$0x8020]  }
0x5d7: {  	v20 =	vmax.f32 v22, v20;
	v9 =	vmax.f32 v19, v9  }
0x5d8: {  	v8 =	vmax.f32 v20, v8;
	v9 =	vmax.f32 v9, v11  }
0x5d9: {  	v8 =	vmax.f32 v8, v27;
	v7 =	vmax.f32 v9, v7  }
0x5da: {  	v9 =	vmax.f32 v23, v28;
	v7 =	vmax.f32 v7, v21;
	v11 =	vld [tilespmem:s29+$0x5460]  }
0x5db: {  	v9 =	vmax.f32 v9, v29;
	v6 =	vmax.f32 v6, v10;
	[tilespmem:s29+$0xA450] =	vst v7;
	v7 =	vld [tilespmem:s29+$0xA460]  }
0x5dc: {  	v10 =	vld [tilespmem:s8+$0xA050]  }
0x5dd: {  	v19 =	vld [tilespmem:s0+$0x5060]  }
0x5de: {  	v20 =	vld [tilespmem:s30+$0x5060]  }
0x5df: {  	v21 =	vld [tilespmem:s31+$0x5060]  }
0x5e0: {  	v22 =	vld [tilespmem:s8+$0xA000];
	_ =	sdelay $0x1  }
0x5e1: {  	v0 =	vmax.f32 v0, v10;
	v10 =	vmax.f32 v11, v19;
	v11 =	vld [tilespmem:s29+$0x5470]  }
0x5e2: {  	v19 =	vld [tilespmem:s8+$0x5450];
	v10 =	vmax.f32 v10, v20  }
0x5e3: {  	v9 =	vmax.f32 v9, v24;
	v20 =	vld [tilespmem:s8+$0x5440];
	v10 =	vmax.f32 v10, v21  }
0x5e4: {  	v9 =	vmax.f32 v9, v22;
	v21 =	vld [tilespmem:s8+$0xA010];
	v7 =	vmax.f32 v10, v7  }
0x5e5: {  	v10 =	vld [tilespmem:s8+$0xA020];
	[tilespmem:s29+$0xA460] =	vst v7  }
0x5e6: {  	v7 =	vld [tilespmem:s0+$0x5070]  }
0x5e7: {  	v23 =	vld [tilespmem:s30+$0x5070]  }
0x5e8: {  	v24 =	vld [tilespmem:s31+$0x5070]  }
0x5e9: {  	[tilespmem:s8+$0xA000] =	vst v9;
	v5 =	vmax.f32 v5, v21;
	v9 =	vld [tilespmem:s29+$0xA470]  }
0x5ea: {  	[tilespmem:s8+$0xA010] =	vst v5;
	v5 =	vmax.f32 v6, v10;
	v22 =	vld [tilespmem:s8+$0x5430]  }
0x5eb: {  	[tilespmem:s8+$0xA020] =	vst v5;
	v5 =	vld [tilespmem:s8+$0xA070];
	v6 =	vmax.f32 v11, v7  }
0x5ec: {  	[tilespmem:s8+$0xA030] =	vst v26;
	v26 =	vld [tilespmem:s8+$0x5420];
	v6 =	vmax.f32 v6, v23  }
0x5ed: {  	[tilespmem:s8+$0xA040] =	vst v4;
	v30 =	vld [tilespmem:s8+$0x5410];
	v4 =	vmax.f32 v6, v24  }
0x5ee: {  	[tilespmem:s8+$0xA050] =	vst v0;
	v24 =	vld [tilespmem:s8+$0x5400];
	v0 =	vmax.f32 v4, v9  }
0x5ef: {  	s0 =	sand.u32 $0xFFFFF800, s9;
	[tilespmem:s8+$0xA060] =	vst v2;
	v21 =	vld [tilespmem:s8+$0xA450]  }
0x5f0: {  	s9 =	sadd.s32 s0, s3;
	v2 =	vmax.f32 v8, v5;
	v23 =	vld [tilespmem:s8+$0xA440];
	[tilespmem:s29+$0xA470] =	vst v0;
	s29 =	smov.u32 s8  }
.Ltmp36:
0x5f1: {  	s0 =	sor.u32 $0x1400, s9;
	[tilespmem:s29+$0xA070] =	vst v2;
	v25 =	vld [tilespmem:s29+$0xA430];
	(pc) =	sbr.rel @p0 .LBB2_51-.Ltmp36, $4  }
0x5f2: {  	s30 =	sor.u32 $0x2400, s9;
	v27 =	vld [tilespmem:s0+$0x5000]  }
0x5f3: {  	s31 =	sor.u32 $0x3400, s9;
	v29 =	vld [tilespmem:s30+$0x5000]  }
0x5f4: {  	v31 =	vld [tilespmem:s31+$0x5000]  }
0x5f5: {  	s10 =	smov.u32 s7;
	s3 =	sadd.s32 $0x80, s3;
	v28 =	vld [tilespmem:s29+$0xA400]  }
0x5f6: {  	_ = 	snop  }
0x5f7: {  	v0 =	vmax.f32 v24, v27  }
0x5f8: {  	v0 =	vmax.f32 v0, v29  }
0x5f9: {  	v0 =	vmax.f32 v0, v31  }
0x5fa: {  	v0 =	vmax.f32 v0, v28  }
0x5fb: {  	[tilespmem:s29+$0xA400] =	vst v0  }
0x5fc: {  	v0 =	vld [tilespmem:s0+$0x5010]  }
0x5fd: {  	v5 =	vld [tilespmem:s30+$0x5010]  }
0x5fe: {  	v6 =	vld [tilespmem:s31+$0x5010]  }
0x5ff: {  	v4 =	vld [tilespmem:s29+$0xA410];
	_ =	sdelay $0x1  }
0x600: {  	v0 =	vmax.f32 v30, v0  }
0x601: {  	v0 =	vmax.f32 v0, v5  }
0x602: {  	v0 =	vmax.f32 v0, v6  }
0x603: {  	v0 =	vmax.f32 v0, v4  }
0x604: {  	[tilespmem:s29+$0xA410] =	vst v0  }
0x605: {  	v0 =	vld [tilespmem:s0+$0x5020]  }
0x606: {  	v4 =	vld [tilespmem:s30+$0x5020]  }
0x607: {  	v5 =	vld [tilespmem:s31+$0x5020]  }
0x608: {  	v2 =	vld [tilespmem:s29+$0xA420];
	_ =	sdelay $0x1  }
0x609: {  	v0 =	vmax.f32 v26, v0  }
0x60a: {  	v0 =	vmax.f32 v0, v4  }
0x60b: {  	v0 =	vmax.f32 v0, v5  }
0x60c: {  	v0 =	vmax.f32 v0, v2  }
0x60d: {  	[tilespmem:s29+$0xA420] =	vst v0  }
0x60e: {  	v0 =	vld [tilespmem:s0+$0x5030]  }
0x60f: {  	v2 =	vld [tilespmem:s30+$0x5030]  }
0x610: {  	v4 =	vld [tilespmem:s31+$0x5030];
	_ =	sdelay $0x2  }
0x611: {  	v0 =	vmax.f32 v22, v0  }
0x612: {  	v0 =	vmax.f32 v0, v2  }
0x613: {  	v0 =	vmax.f32 v0, v4  }
0x614: {  	v0 =	vmax.f32 v0, v25  }
0x615: {  	[tilespmem:s29+$0xA430] =	vst v0  }
0x616: {  	v0 =	vld [tilespmem:s0+$0x5040]  }
0x617: {  	v2 =	vld [tilespmem:s30+$0x5040]  }
0x618: {  	v4 =	vld [tilespmem:s31+$0x5040];
	_ =	sdelay $0x2  }
0x619: {  	v0 =	vmax.f32 v20, v0  }
0x61a: {  	v0 =	vmax.f32 v0, v2  }
0x61b: {  	v0 =	vmax.f32 v0, v4  }
0x61c: {  	v0 =	vmax.f32 v0, v23  }
0x61d: {  	[tilespmem:s29+$0xA440] =	vst v0  }
0x61e: {  	v0 =	vld [tilespmem:s0+$0x5050]  }
0x61f: {  	v2 =	vld [tilespmem:s30+$0x5050]  }
0x620: {  	v4 =	vld [tilespmem:s31+$0x5050];
	_ =	sdelay $0x2  }
0x621: {  	v0 =	vmax.f32 v19, v0  }
0x622: {  	v0 =	vmax.f32 v0, v2  }
0x623: {  	v0 =	vmax.f32 v0, v4  }
0x624: {  	v0 =	vmax.f32 v0, v21  }
0x625: {  	v2 =	vld [tilespmem:s29+$0x5460];
	[tilespmem:s29+$0xA450] =	vst v0  }
0x626: {  	v0 =	vld [tilespmem:s0+$0x5060]  }
0x627: {  	v4 =	vld [tilespmem:s30+$0x5060]  }
0x628: {  	v5 =	vld [tilespmem:s31+$0x5060]  }
0x629: {  	v62 =	vld [tilespmem:s29+$0xA460];
	_ =	sdelay $0x1  }
0x62a: {  	v0 =	vmax.f32 v2, v0  }
0x62b: {  	v0 =	vmax.f32 v0, v4  }
0x62c: {  	v0 =	vmax.f32 v0, v5  }
0x62d: {  	v0 =	vmax.f32 v0, v62  }
0x62e: {  	v2 =	vld [tilespmem:s29+$0x5470];
	[tilespmem:s29+$0xA460] =	vst v0  }
0x62f: {  	v0 =	vld [tilespmem:s0+$0x5070]  }
0x630: {  	v4 =	vld [tilespmem:s30+$0x5070]  }
0x631: {  	v5 =	vld [tilespmem:s31+$0x5070]  }
0x632: {  	v63 =	vld [tilespmem:s29+$0xA470];
	_ =	sdelay $0x1  }
0x633: {  	v0 =	vmax.f32 v2, v0  }
0x634: {  	v0 =	vmax.f32 v0, v4  }
0x635: {  	v0 =	vmax.f32 v0, v5  }
0x636: {  	v0 =	vmax.f32 v0, v63  }
0x637: {  	s10 =	simm.s32 $0xA000;
	s30 =	rddreg [dreg:$0x12];
	[tilespmem:s29+$0xA470] =	vst v0  }
0x638: {  	[hbm4b:s30+s4] =	stream.linear.scatter [tilespmem:s10], [sflag:$0x7], $0x1000, $0x38;
	[tilespmem:$0x1F180] =	vst v63  }
0x639: {  	_ =	swait.ge [sflag:s26], $0x1000  }
0x63a: {  	s28 =	sadd.s32 $0x1, s28;
	s31 =	rddreg [dreg:$0x13]  }
0x63b: {  	p0 =	sne.s32 s28, s31  }
.Ltmp37:
0x63c: {  	_ = 	snop;
	(pc) =	sbr.rel @p0 .LBB2_1-.Ltmp37, $3  }
0x63d: {  	_ =	sdelay $0x1  }
0x63e: {  	[sflag:s26] =	ssyncset.done $0x0  }
0x63f: {  	[sflag:s26] =	ssyncadd.s32 $0xFFFFF000  }
0x640: {  	_ =	sfence.sel $0x180000  }
0x641: {  	[bflag:$0x0] =	sbarrier.arrive $0xFFFF  }
0x642: {  	_ =	strace $0x90000047  }
0x643: {  	s0 =	stileid.u32;
	[bflag:$0x2] =	sbarrier.arrive $0xFFFF  }
0x644: {  	p0 =	sne.s32 s0, $0x0;
	s0 =	rddreg [dreg:$0x3]  }
0x645: {  	s0 =	sadd.s32 @!p0 $0x100000, s0  }
0x646: {  	[sflag:s0] =	ssyncadd.tile.s32 @!p0 $0x1;
	_ =	shalt  }
.Lfunc_end2:
_tile_overlayer_lowered:
.L_overlay_start_2:
0x647: {  	(tag) =	ssettag $0x2  }
0x648: {  	s0 =	rddreg [dreg:$0x0];
	s2 =	stileid.u32  }
0x649: {  	s1 =	rddreg [dreg:$0x1];
	p0 =	sne.s32 s2, $0x0  }
0x64a: {  	s3 =	rddreg [dreg:$0x2];
	[bflag:$0x3] =	sbarrier.arrive $0xFFFF;
	s2 =	simm.s32 @!p0 $0x1C07  }
0x64b: {  	[timem:s3], [sflag:s2] =	dma.local @!p0 [hbm:s0], s1  }
0x64c: {  	s0 =	simm.s32 @!p0 $0x7  }
0x64d: {  	_ =	swait.ge @!p0 [sflag:s0], s1  }
0x64e: {  	s1 =	ssub.s32 @!p0 $0x0, s1;
	[sflag:s0] =	ssyncset.done @!p0 $0x0  }
0x64f: {  	[sflag:s0] =	ssyncadd.s32 @!p0 s1  }
0x650: {  	[bflag:$0x3] =	sbarrier.arrive $0xFFFF  }
0x651: {  	_ =	shalt  }

</sc_bundles>
